<compile_context>
chip_gen: v7x
topology: tpu7x:2x2x1
jax: 0.10.2.dev20260603
libtpu: 0.0.44.dev20260713+nightly
codegen_flags: <defaults>
</compile_context>

<pallas_src>
import functools

import jax
import jax.numpy as jnp
from jax import lax
from jax.experimental import pallas as pl
from jax.experimental.pallas import tpu as pltpu
from jax.experimental.pallas import tpu_sc as plsc

N_NODES = 10000
K_SAMPLE = 32
D_FEAT = 128
HIDDEN = 32
OUT_U = 16
N_HEADS = 4

CHUNK = 128
N_CHUNKS = (N_NODES * K_SAMPLE) // CHUNK

PACK = 4
ROWS_PER_NODE = K_SAMPLE // PACK


def _precompute_body(x_ref, w1_ref, b1_ref, y_ref, c_ref):
    x = x_ref[...]
    y_ref[...] = jnp.dot(x, w1_ref[0:D_FEAT, :],
                         preferred_element_type=jnp.float32)
    c_ref[...] = jnp.dot(x, w1_ref[D_FEAT:2 * D_FEAT, :],
                         preferred_element_type=jnp.float32) + b1_ref[...]


def _precompute(x, W1, b1):
    return pl.pallas_call(
        _precompute_body,
        out_shape=(
            jax.ShapeDtypeStruct((N_NODES, HIDDEN), jnp.float32),
            jax.ShapeDtypeStruct((N_NODES, HIDDEN), jnp.float32),
        ),
    )(x, W1, b1)


def _sc_gather(y, idx2d):
    n_chunks = idx2d.shape[0]
    info = plsc.get_sparse_core_info()
    nc, ns = info.num_cores, info.num_subcores
    nw = nc * ns
    iters = -(-n_chunks // nw)

    mesh = plsc.VectorSubcoreMesh(core_axis_name="c", subcore_axis_name="s")

    @functools.partial(
        pl.kernel,
        mesh=mesh,
        compiler_params=pltpu.CompilerParams(use_tc_tiling_on_sc=False),
        out_type=jax.ShapeDtypeStruct((n_chunks, CHUNK, HIDDEN),
                                      jnp.float32),
        scratch_types=[
            pltpu.VMEM((4, CHUNK), jnp.int32),
            pltpu.VMEM((4, CHUNK, HIDDEN), jnp.float32),
            pltpu.SemaphoreType.DMA,
            pltpu.SemaphoreType.DMA,
            pltpu.SemaphoreType.DMA,
            pltpu.SemaphoreType.DMA,
        ],
    )
    def k(y_hbm, idx_hbm, out_hbm, idx_v, rows_v, s0, s1, s2, s3):
        wid = lax.axis_index("s") * nc + lax.axis_index("c")
        sems = (s0, s1, s2, s3)

        def body(i, _):
            cs = [(4 * i + b) * nw + wid for b in range(4)]
            for b in range(4):
                @pl.when(cs[b] < n_chunks)
                def _(b=b):
                    pltpu.sync_copy(idx_hbm.at[cs[b]], idx_v.at[b])
                    pltpu.async_copy(y_hbm.at[idx_v.at[b]], rows_v.at[b],
                                     sems[b])

            for b in range(4):
                @pl.when(cs[b] < n_chunks)
                def _(b=b):
                    pltpu.make_async_copy(y_hbm.at[idx_v.at[b]],
                                          rows_v.at[b], sems[b]).wait()
                    pltpu.sync_copy(rows_v.at[b], out_hbm.at[cs[b]])

            return ()

        lax.fori_loop(0, -(-iters // 4), body, ())

    return k(y, idx2d)


def _dense_body(g_ref, c_ref, w2bd_ref, b2bd_ref, wabd_ref, babd_ref,
                sseg_ref, out_ref, *, blk):
    B, K, H, U = blk, K_SAMPLE, N_HEADS, OUT_U
    R = B * ROWS_PER_NODE
    f32 = jnp.float32

    g = g_ref[...]
    c = c_ref[...]
    c_rep = jnp.concatenate([c, c, c, c], axis=1)
    c_rep = jnp.broadcast_to(c_rep[:, None, :],
                             (B, ROWS_PER_NODE, PACK * HIDDEN)
                             ).reshape(R, PACK * HIDDEN)
    h = jnp.maximum(g + c_rep, 0.0)

    t2 = jnp.maximum(
        jnp.dot(h, w2bd_ref[...], preferred_element_type=f32)
        + b2bd_ref[...], 0.0)
    att2 = jnp.maximum(
        jnp.dot(t2, wabd_ref[...], preferred_element_type=f32)
        + babd_ref[...], 0.0)

    m = jnp.max(att2, axis=1, keepdims=True)
    e = jnp.exp(att2 - m)
    li = lax.broadcasted_iota(jnp.int32, (PACK * N_HEADS, PACK * N_HEADS), 0)
    lj = lax.broadcasted_iota(jnp.int32, (PACK * N_HEADS, PACK * N_HEADS), 1)
    s4 = (li // N_HEADS == lj // N_HEADS).astype(f32)
    p2 = e / jnp.dot(e, s4, preferred_element_type=f32)

    p3 = p2.reshape(B, ROWS_PER_NODE, PACK * N_HEADS)
    GL = 2 * PACK * N_HEADS
    el = lax.broadcasted_iota(jnp.int32, (GL, 2 * PACK * OUT_U), 0)
    ec = lax.broadcasted_iota(jnp.int32, (GL, 2 * PACK * OUT_U), 1)
    half = ec // (PACK * OUT_U)
    rloc = (ec % (PACK * OUT_U)) // OUT_U
    fl = lax.broadcasted_iota(jnp.int32, (2 * PACK * OUT_U, 2 * OUT_U), 0)
    fc = lax.broadcasted_iota(jnp.int32, (2 * PACK * OUT_U, 2 * OUT_U), 1)
    fold = ((fl % OUT_U == fc % OUT_U)
            & (fl // (PACK * OUT_U) == fc // OUT_U)).astype(f32)
    ri = lax.broadcasted_iota(jnp.int32, (R, 1), 0) % PACK
    t2d = jnp.concatenate([t2, t2], axis=1)
    outs = []
    for m in range(H // 2):
        pa = p3[:, 4 * m:4 * m + 2, :]
        pb = p3[:, 4 * m + 2:4 * m + 4, :]
        pha = jnp.broadcast_to(pa[:, :, None, :],
                               (B, 2, PACK, PACK * N_HEADS)
                               ).reshape(R, PACK * N_HEADS)
        phb = jnp.broadcast_to(pb[:, :, None, :],
                               (B, 2, PACK, PACK * N_HEADS)
                               ).reshape(R, PACK * N_HEADS)
        php = jnp.concatenate([pha, phb], axis=1)
        pw = jnp.zeros((R, 2 * PACK * OUT_U), dtype=f32)
        for j in range(PACK):
            ej = ((el == 16 * half + PACK * j + rloc)
                  ).astype(f32)
            cand = jnp.dot(php, ej, preferred_element_type=f32)
            pw = pw + jnp.where(ri == j, cand, 0.0)
        term = pw * t2d
        tmp = jnp.dot(term, fold, preferred_element_type=f32)
        outs.append(jnp.dot(sseg_ref[...], tmp,
                            preferred_element_type=f32))
    out_ref[...] = jnp.concatenate(outs, axis=1)


def _dense(g2, c, W2bd, b2bd, Wabd, babd, sseg, blk, n_nodes):
    grid = n_nodes // blk
    rows = blk * ROWS_PER_NODE
    return pl.pallas_call(
        functools.partial(_dense_body, blk=blk),
        grid=(grid,),
        in_specs=[
            pl.BlockSpec((rows, PACK * HIDDEN), lambda i: (i, 0)),
            pl.BlockSpec((blk, HIDDEN), lambda i: (i, 0)),
            pl.BlockSpec((PACK * HIDDEN, PACK * OUT_U), lambda i: (0, 0)),
            pl.BlockSpec((1, PACK * OUT_U), lambda i: (0, 0)),
            pl.BlockSpec((PACK * OUT_U, PACK * N_HEADS), lambda i: (0, 0)),
            pl.BlockSpec((1, PACK * N_HEADS), lambda i: (0, 0)),
            pl.BlockSpec((blk, blk * ROWS_PER_NODE), lambda i: (0, 0)),
        ],
        out_specs=pl.BlockSpec((blk, N_HEADS * OUT_U), lambda i: (i, 0)),
        out_shape=jax.ShapeDtypeStruct((n_nodes, N_HEADS * OUT_U),
                                       jnp.float32),
    )(g2, c, W2bd, b2bd, Wabd, babd, sseg)


def _block_diag4(w):
    r, c = w.shape
    out = jnp.zeros((PACK * r, PACK * c), dtype=w.dtype)
    for j in range(PACK):
        out = out.at[j * r:(j + 1) * r, j * c:(j + 1) * c].set(w)
    return out


N_STAGES = 5


def kernel(x, neighbor_idx, W1, b1, W2, b2, Wa, ba):
    y, c = _precompute(x, W1, b1.reshape(1, HIDDEN))
    idx2d = neighbor_idx.astype(jnp.int32).reshape(N_CHUNKS, CHUNK)
    W2bd = _block_diag4(W2)
    b2bd = jnp.tile(b2, PACK).reshape(1, PACK * OUT_U)
    Wabd = _block_diag4(Wa)
    babd = jnp.tile(ba, PACK).reshape(1, PACK * N_HEADS)
    npn = N_NODES // N_STAGES
    cpn = N_CHUNKS // N_STAGES
    blk = 200
    ii = jnp.arange(blk)[:, None]
    jj = jnp.arange(blk * ROWS_PER_NODE)[None, :]
    sseg = (jj // ROWS_PER_NODE == ii).astype(jnp.float32)
    outs = []
    for s in range(N_STAGES):
        g = _sc_gather(y, idx2d[s * cpn:(s + 1) * cpn])
        g2 = g.reshape(npn * K_SAMPLE // PACK, PACK * HIDDEN)
        outs.append(_dense(g2, c[s * npn:(s + 1) * npn],
                           W2bd, b2bd, Wabd, babd, sseg, blk=blk,
                           n_nodes=npn))
    return jnp.concatenate(outs, axis=0)

# --- scband reference (transcript-rebuilt; emitter-appended) ---
"""Pipeline reference for scband-sampling-aggregator-17824114279119 (READ-ONLY COPY).

The authoritative reference and input builder live on the scoring server;
editing this copy changes nothing except your own understanding.
"""

import jax, jax.numpy as jnp
import numpy as np

N_NODES = 10000
K_SAMPLE = 32
D_FEAT = 128
HIDDEN = 32
OUT_U = 16
N_HEADS = 4


def setup_inputs(seed: int = 0) -> dict:
    key = jax.random.key(seed)
    ks = jax.random.split(key, 8)
    x = jax.random.normal(ks[0], (N_NODES, D_FEAT), dtype=jnp.float32)
    neighbor_idx = jax.random.randint(ks[1], (N_NODES, K_SAMPLE), 0, N_NODES, dtype=jnp.int64 if jax.config.jax_enable_x64 else jnp.int32)
    # dense MLP params: Linear(2*D_FEAT -> HIDDEN), ReLU, Linear(HIDDEN -> OUT_U), ReLU
    W1 = jax.random.normal(ks[2], (2 * D_FEAT, HIDDEN), dtype=jnp.float32) * 0.05
    b1 = jnp.zeros((HIDDEN,), dtype=jnp.float32)
    W2 = jax.random.normal(ks[3], (HIDDEN, OUT_U), dtype=jnp.float32) * 0.1
    b2 = jnp.zeros((OUT_U,), dtype=jnp.float32)
    # attention heads: Linear(OUT_U -> N_HEADS), ReLU (attend_over_dense=True)
    Wa = jax.random.normal(ks[4], (OUT_U, N_HEADS), dtype=jnp.float32) * 0.1
    ba = jnp.zeros((N_HEADS,), dtype=jnp.float32)
    return {"x": x, "neighbor_idx": neighbor_idx, "W1": W1, "b1": b1, "W2": W2, "b2": b2, "Wa": Wa, "ba": ba}


def reference(x, neighbor_idx, W1, b1, W2, b2, Wa, ba):
    N, K = neighbor_idx.shape
    d = x.shape[1]
    H = Wa.shape[1]
    out_u = W2.shape[1]
    # embedder == identity: x already holds node embeddings.
    # gather per-(node, sampled-neighbor) pairs: neigh_tensors = tensors[[neigh, node], :] then reshape to [K, 2d]
    emb_n = jnp.take(x, neighbor_idx, axis=0)                      # [N, K, d] gather
    emb_c = jnp.broadcast_to(x[:, None, :], (N, K, d))             # center node repeated per neighbor
    neigh_tensors = jnp.concatenate([emb_n, emb_c], axis=-1)       # [N, K, 2d]
    # peek_dense is None (peeking_units=0) so no peek concat
    h = jax.nn.relu(neigh_tensors @ W1 + b1)                       # [N, K, HIDDEN]
    t = jax.nn.relu(h @ W2 + b2)                                   # [N, K, OUT_U]
    # attention heads (attend_over_dense=True => input is t)
    att = jax.nn.relu(t @ Wa + ba)                                 # [N, K, H]
    # attention_max = Softmax(dim=1) over heads for a [K, H] tensor
    att_prb = jax.nn.softmax(att, axis=-1)                         # [N, K, H]
    # faithful raw reshape: [K, H] -> (H, K, 1) per node
    att_rep = att_prb.reshape(N, H, K, 1)
    t_rep = jnp.broadcast_to(t[:, None, :, :], (N, H, K, out_u))   # tensors.repeat(heads,1,1)
    t_att = att_rep * t_rep                                        # [N, H, K, OUT_U]
    t_tsp = jnp.transpose(t_att, (0, 2, 1, 3))                     # transpose(0,1) per node -> [N, K, H, OUT_U]
    agg_in = t_tsp.reshape(N, K, H * out_u)                        # attention_concat
    node_out = jnp.sum(agg_in, axis=1)                             # combine_sum over neighbors (dim=0 per node)
    return node_out                                                # [N, H*OUT_U] (include_node=False)

if __name__ == "__main__":
    import jax
    _d = setup_inputs()
    print(jax.jit(kernel)(*tuple(_d.values())))

</pallas_src>

<mosaic_0001>
#map = affine_map<(d0, d1) -> (0, 0)>
#map1 = affine_map<(d0, d1) -> (0, 0, 0)>
module attributes {stable_mosaic.version = 14 : i64} {
  func.func @k(%arg0: i32, %arg1: i32, %arg2: memref<10000x32xf32, #tpu.memory_space<hbm>>, %arg3: memref<500x128xi32, #tpu.memory_space<hbm>>, %arg4: memref<500x128x32xf32, #tpu.memory_space<hbm>>, %arg5: memref<4x128xi32, #tpu.memory_space<vmem>>, %arg6: memref<4x128x32xf32, #tpu.memory_space<vmem>>, %arg7: memref<!tpu.dma_semaphore, #tpu.memory_space<semaphore_mem>>, %arg8: memref<!tpu.dma_semaphore, #tpu.memory_space<semaphore_mem>>, %arg9: memref<!tpu.dma_semaphore, #tpu.memory_space<semaphore_mem>>, %arg10: memref<!tpu.dma_semaphore, #tpu.memory_space<semaphore_mem>>) attributes {dimension_semantics = [#tpu.dimension_semantics<core_parallel>, #tpu.dimension_semantics<subcore_parallel>], iteration_bounds = array<i64: 2, 16>, scalar_prefetch = 0 : i64, scratch_operands = 6 : i64, tpu.core_type = #tpu.core_type<sc_vector_subcore>, window_params = [{transform_indices = #map}, {transform_indices = #map}, {transform_indices = #map1}]} {
    %mul3A = arith.constant 2 : i32
    %mul3A_0 = arith.muli %arg1, %mul3A : i32
    %add3A = arith.addi %mul3A_0, %arg0 : i32
    %scan3A = arith.constant 0 : i32
    %scan3A_1 = arith.constant 4 : i32
    %scan3A_2 = arith.addi %scan3A, %scan3A_1 : i32
    %scan3A_3 = arith.constant 1 : i32
    scf.for %scan3A_5 = %scan3A to %scan3A_2 step %scan3A_3  : i32 {
      %mul3A_6 = arith.constant 4 : i32
      %mul3A_7 = arith.muli %mul3A_6, %scan3A_5 : i32
      %add3A_8 = arith.constant 0 : i32
      %add3A_9 = arith.addi %mul3A_7, %add3A_8 : i32
      %mul3A_10 = arith.constant 32 : i32
      %mul3A_11 = arith.muli %add3A_9, %mul3A_10 : i32
      %add3A_12 = arith.addi %mul3A_11, %add3A : i32
      %mul3A_13 = arith.constant 4 : i32
      %mul3A_14 = arith.muli %mul3A_13, %scan3A_5 : i32
      %add3A_15 = arith.constant 1 : i32
      %add3A_16 = arith.addi %mul3A_14, %add3A_15 : i32
      %mul3A_17 = arith.constant 32 : i32
      %mul3A_18 = arith.muli %add3A_16, %mul3A_17 : i32
      %add3A_19 = arith.addi %mul3A_18, %add3A : i32
      %mul3A_20 = arith.constant 4 : i32
      %mul3A_21 = arith.muli %mul3A_20, %scan3A_5 : i32
      %add3A_22 = arith.constant 2 : i32
      %add3A_23 = arith.addi %mul3A_21, %add3A_22 : i32
      %mul3A_24 = arith.constant 32 : i32
      %mul3A_25 = arith.muli %add3A_23, %mul3A_24 : i32
      %add3A_26 = arith.addi %mul3A_25, %add3A : i32
      %mul3A_27 = arith.constant 4 : i32
      %mul3A_28 = arith.muli %mul3A_27, %scan3A_5 : i32
      %add3A_29 = arith.constant 3 : i32
      %add3A_30 = arith.addi %mul3A_28, %add3A_29 : i32
      %mul3A_31 = arith.constant 32 : i32
      %mul3A_32 = arith.muli %add3A_30, %mul3A_31 : i32
      %add3A_33 = arith.addi %mul3A_32, %add3A : i32
      %lt3A = arith.constant 500 : i32
      %lt3A_34 = arith.cmpi slt, %add3A_12, %lt3A : i32
      %convert_element_type3A = arith.extui %lt3A_34 : i1 to i32
      %cond3A = arith.constant 0 : i32
      %cond3A_35 = arith.cmpi ne, %convert_element_type3A, %cond3A : i32
      scf.if %cond3A_35 {
        %run_scoped3A = arith.constant 0 : i32
        "tpu.region"() ({
          %run_scoped3A_82 = tpu.sem_alloc : memref<!tpu.dma_semaphore, #tpu.memory_space<semaphore_mem>>
          %dma_start3A_83 = arith.constant 0 : i32
          %dma_start3A_84 = tpu.memref_slice %arg5[%run_scoped3A, %dma_start3A_83] : memref<4x128xi32, #tpu.memory_space<vmem>> -> memref<1x128xi32, #tpu.memory_space<vmem>>
          %dma_start3A_85 = tpu.memref_squeeze %dma_start3A_84 : memref<1x128xi32, #tpu.memory_space<vmem>> -> memref<128xi32, #tpu.memory_space<vmem>>
          %dma_start3A_86 = arith.constant 0 : i32
          %dma_start3A_87 = tpu.memref_slice %arg3[%add3A_12, %dma_start3A_86] : memref<500x128xi32, #tpu.memory_space<hbm>> -> memref<1x128xi32, #tpu.memory_space<hbm>>
          %dma_start3A_88 = tpu.memref_squeeze %dma_start3A_87 : memref<1x128xi32, #tpu.memory_space<hbm>> -> memref<128xi32, #tpu.memory_space<hbm>>
          %dma_start3A_89 = arith.constant 0 : i32
          %dma_start3A_90 = tpu.memref_slice %arg5[%run_scoped3A, %dma_start3A_89] : memref<4x128xi32, #tpu.memory_space<vmem>> -> memref<1x128xi32, #tpu.memory_space<vmem>>
          %dma_start3A_91 = tpu.memref_squeeze %dma_start3A_90 : memref<1x128xi32, #tpu.memory_space<vmem>> -> memref<128xi32, #tpu.memory_space<vmem>>
          %dma_start3A_92 = arith.constant 0 : i32
          %dma_start3A_93 = tpu.memref_slice %arg3[%add3A_12, %dma_start3A_92] : memref<500x128xi32, #tpu.memory_space<hbm>> -> memref<1x128xi32, #tpu.memory_space<hbm>>
          %dma_start3A_94 = tpu.memref_squeeze %dma_start3A_93 : memref<1x128xi32, #tpu.memory_space<hbm>> -> memref<128xi32, #tpu.memory_space<hbm>>
          tpu.enqueue_dma source(%dma_start3A_94 : memref<128xi32, #tpu.memory_space<hbm>>) target(%dma_start3A_91 : memref<128xi32, #tpu.memory_space<vmem>>) target_semaphore(%run_scoped3A_82 : memref<!tpu.dma_semaphore, #tpu.memory_space<semaphore_mem>>)
          %dma_wait3A = arith.constant 0 : i32
          %dma_wait3A_95 = tpu.memref_slice %arg5[%run_scoped3A, %dma_wait3A] : memref<4x128xi32, #tpu.memory_space<vmem>> -> memref<1x128xi32, #tpu.memory_space<vmem>>
          %dma_wait3A_96 = tpu.memref_squeeze %dma_wait3A_95 : memref<1x128xi32, #tpu.memory_space<vmem>> -> memref<128xi32, #tpu.memory_space<vmem>>
          %dma_wait3A_97 = arith.constant 0 : i32
          %dma_wait3A_98 = tpu.memref_slice %arg3[%add3A_12, %dma_wait3A_97] : memref<500x128xi32, #tpu.memory_space<hbm>> -> memref<1x128xi32, #tpu.memory_space<hbm>>
          %dma_wait3A_99 = tpu.memref_squeeze %dma_wait3A_98 : memref<1x128xi32, #tpu.memory_space<hbm>> -> memref<128xi32, #tpu.memory_space<hbm>>
          %dma_wait3A_100 = arith.constant 0 : i32
          %dma_wait3A_101 = tpu.memref_slice %arg5[%run_scoped3A, %dma_wait3A_100] : memref<4x128xi32, #tpu.memory_space<vmem>> -> memref<1x128xi32, #tpu.memory_space<vmem>>
          %dma_wait3A_102 = tpu.memref_squeeze %dma_wait3A_101 : memref<1x128xi32, #tpu.memory_space<vmem>> -> memref<128xi32, #tpu.memory_space<vmem>>
          %dma_wait3A_103 = arith.constant 0 : i32
          %dma_wait3A_104 = tpu.memref_slice %arg3[%add3A_12, %dma_wait3A_103] : memref<500x128xi32, #tpu.memory_space<hbm>> -> memref<1x128xi32, #tpu.memory_space<hbm>>
          %dma_wait3A_105 = tpu.memref_squeeze %dma_wait3A_104 : memref<1x128xi32, #tpu.memory_space<hbm>> -> memref<128xi32, #tpu.memory_space<hbm>>
          tpu.wait_dma2 semaphore(%run_scoped3A_82 : memref<!tpu.dma_semaphore, #tpu.memory_space<semaphore_mem>>) src(%dma_wait3A_105 : memref<128xi32, #tpu.memory_space<hbm>>) dst(%dma_wait3A_102 : memref<128xi32, #tpu.memory_space<vmem>>)
          tpu.yield
        }) : () -> ()
        %dma_start3A = arith.constant 0 : i32
        %dma_start3A_71 = arith.constant 0 : i32
        %dma_start3A_72 = arith.constant 0 : i32
        %dma_start3A_73 = arith.constant 0 : i32
        %dma_start3A_74 = tpu.memref_slice %arg6[%dma_start3A_71, %dma_start3A_72, %dma_start3A_73] : memref<4x128x32xf32, #tpu.memory_space<vmem>> -> memref<1x128x32xf32, #tpu.memory_space<vmem>>
        %dma_start3A_75 = tpu.memref_squeeze %dma_start3A_74 : memref<1x128x32xf32, #tpu.memory_space<vmem>> -> memref<128x32xf32, #tpu.memory_space<vmem>>
        %dma_start3A_76 = arith.constant 0 : i32
        %dma_start3A_77 = tpu.memref_slice %arg5[%dma_start3A, %dma_start3A_76] : memref<4x128xi32, #tpu.memory_space<vmem>> -> memref<1x128xi32, #tpu.memory_space<vmem>>
        %dma_start3A_78 = tpu.memref_squeeze %dma_start3A_77 : memref<1x128xi32, #tpu.memory_space<vmem>> -> memref<128xi32, #tpu.memory_space<vmem>>
        %dma_start3A_79 = arith.constant 0 : i32
        %dma_start3A_80 = arith.constant 0 : i32
        %dma_start3A_81 = tpu.memref_slice %arg2[%dma_start3A_79, %dma_start3A_80] : memref<10000x32xf32, #tpu.memory_space<hbm>> -> memref<10000x32xf32, #tpu.memory_space<hbm>>
        tpu.enqueue_indirect_dma source(%dma_start3A_81 : memref<10000x32xf32, #tpu.memory_space<hbm>>) target(%dma_start3A_75 : memref<128x32xf32, #tpu.memory_space<vmem>>) offsets(%dma_start3A_78 : memref<128xi32, #tpu.memory_space<vmem>>) semaphore(%arg7 : memref<!tpu.dma_semaphore, #tpu.memory_space<semaphore_mem>>)
      } else {
      }
      %lt3A_36 = arith.constant 500 : i32
      %lt3A_37 = arith.cmpi slt, %add3A_19, %lt3A_36 : i32
      %convert_element_type3A_38 = arith.extui %lt3A_37 : i1 to i32
      %cond3A_39 = arith.constant 0 : i32
      %cond3A_40 = arith.cmpi ne, %convert_element_type3A_38, %cond3A_39 : i32
      scf.if %cond3A_40 {
        %run_scoped3A = arith.constant 1 : i32
        "tpu.region"() ({
          %run_scoped3A_82 = tpu.sem_alloc : memref<!tpu.dma_semaphore, #tpu.memory_space<semaphore_mem>>
          %dma_start3A_83 = arith.constant 0 : i32
          %dma_start3A_84 = tpu.memref_slice %arg5[%run_scoped3A, %dma_start3A_83] : memref<4x128xi32, #tpu.memory_space<vmem>> -> memref<1x128xi32, #tpu.memory_space<vmem>>
          %dma_start3A_85 = tpu.memref_squeeze %dma_start3A_84 : memref<1x128xi32, #tpu.memory_space<vmem>> -> memref<128xi32, #tpu.memory_space<vmem>>
          %dma_start3A_86 = arith.constant 0 : i32
          %dma_start3A_87 = tpu.memref_slice %arg3[%add3A_19, %dma_start3A_86] : memref<500x128xi32, #tpu.memory_space<hbm>> -> memref<1x128xi32, #tpu.memory_space<hbm>>
          %dma_start3A_88 = tpu.memref_squeeze %dma_start3A_87 : memref<1x128xi32, #tpu.memory_space<hbm>> -> memref<128xi32, #tpu.memory_space<hbm>>
          %dma_start3A_89 = arith.constant 0 : i32
          %dma_start3A_90 = tpu.memref_slice %arg5[%run_scoped3A, %dma_start3A_89] : memref<4x128xi32, #tpu.memory_space<vmem>> -> memref<1x128xi32, #tpu.memory_space<vmem>>
          %dma_start3A_91 = tpu.memref_squeeze %dma_start3A_90 : memref<1x128xi32, #tpu.memory_space<vmem>> -> memref<128xi32, #tpu.memory_space<vmem>>
          %dma_start3A_92 = arith.constant 0 : i32
          %dma_start3A_93 = tpu.memref_slice %arg3[%add3A_19, %dma_start3A_92] : memref<500x128xi32, #tpu.memory_space<hbm>> -> memref<1x128xi32, #tpu.memory_space<hbm>>
          %dma_start3A_94 = tpu.memref_squeeze %dma_start3A_93 : memref<1x128xi32, #tpu.memory_space<hbm>> -> memref<128xi32, #tpu.memory_space<hbm>>
          tpu.enqueue_dma source(%dma_start3A_94 : memref<128xi32, #tpu.memory_space<hbm>>) target(%dma_start3A_91 : memref<128xi32, #tpu.memory_space<vmem>>) target_semaphore(%run_scoped3A_82 : memref<!tpu.dma_semaphore, #tpu.memory_space<semaphore_mem>>)
          %dma_wait3A = arith.constant 0 : i32
          %dma_wait3A_95 = tpu.memref_slice %arg5[%run_scoped3A, %dma_wait3A] : memref<4x128xi32, #tpu.memory_space<vmem>> -> memref<1x128xi32, #tpu.memory_space<vmem>>
          %dma_wait3A_96 = tpu.memref_squeeze %dma_wait3A_95 : memref<1x128xi32, #tpu.memory_space<vmem>> -> memref<128xi32, #tpu.memory_space<vmem>>
          %dma_wait3A_97 = arith.constant 0 : i32
          %dma_wait3A_98 = tpu.memref_slice %arg3[%add3A_19, %dma_wait3A_97] : memref<500x128xi32, #tpu.memory_space<hbm>> -> memref<1x128xi32, #tpu.memory_space<hbm>>
          %dma_wait3A_99 = tpu.memref_squeeze %dma_wait3A_98 : memref<1x128xi32, #tpu.memory_space<hbm>> -> memref<128xi32, #tpu.memory_space<hbm>>
          %dma_wait3A_100 = arith.constant 0 : i32
          %dma_wait3A_101 = tpu.memref_slice %arg5[%run_scoped3A, %dma_wait3A_100] : memref<4x128xi32, #tpu.memory_space<vmem>> -> memref<1x128xi32, #tpu.memory_space<vmem>>
          %dma_wait3A_102 = tpu.memref_squeeze %dma_wait3A_101 : memref<1x128xi32, #tpu.memory_space<vmem>> -> memref<128xi32, #tpu.memory_space<vmem>>
          %dma_wait3A_103 = arith.constant 0 : i32
          %dma_wait3A_104 = tpu.memref_slice %arg3[%add3A_19, %dma_wait3A_103] : memref<500x128xi32, #tpu.memory_space<hbm>> -> memref<1x128xi32, #tpu.memory_space<hbm>>
          %dma_wait3A_105 = tpu.memref_squeeze %dma_wait3A_104 : memref<1x128xi32, #tpu.memory_space<hbm>> -> memref<128xi32, #tpu.memory_space<hbm>>
          tpu.wait_dma2 semaphore(%run_scoped3A_82 : memref<!tpu.dma_semaphore, #tpu.memory_space<semaphore_mem>>) src(%dma_wait3A_105 : memref<128xi32, #tpu.memory_space<hbm>>) dst(%dma_wait3A_102 : memref<128xi32, #tpu.memory_space<vmem>>)
          tpu.yield
        }) : () -> ()
        %dma_start3A = arith.constant 1 : i32
        %dma_start3A_71 = arith.constant 1 : i32
        %dma_start3A_72 = arith.constant 0 : i32
        %dma_start3A_73 = arith.constant 0 : i32
        %dma_start3A_74 = tpu.memref_slice %arg6[%dma_start3A_71, %dma_start3A_72, %dma_start3A_73] : memref<4x128x32xf32, #tpu.memory_space<vmem>> -> memref<1x128x32xf32, #tpu.memory_space<vmem>>
        %dma_start3A_75 = tpu.memref_squeeze %dma_start3A_74 : memref<1x128x32xf32, #tpu.memory_space<vmem>> -> memref<128x32xf32, #tpu.memory_space<vmem>>
        %dma_start3A_76 = arith.constant 0 : i32
        %dma_start3A_77 = tpu.memref_slice %arg5[%dma_start3A, %dma_start3A_76] : memref<4x128xi32, #tpu.memory_space<vmem>> -> memref<1x128xi32, #tpu.memory_space<vmem>>
        %dma_start3A_78 = tpu.memref_squeeze %dma_start3A_77 : memref<1x128xi32, #tpu.memory_space<vmem>> -> memref<128xi32, #tpu.memory_space<vmem>>
        %dma_start3A_79 = arith.constant 0 : i32
        %dma_start3A_80 = arith.constant 0 : i32
        %dma_start3A_81 = tpu.memref_slice %arg2[%dma_start3A_79, %dma_start3A_80] : memref<10000x32xf32, #tpu.memory_space<hbm>> -> memref<10000x32xf32, #tpu.memory_space<hbm>>
        tpu.enqueue_indirect_dma source(%dma_start3A_81 : memref<10000x32xf32, #tpu.memory_space<hbm>>) target(%dma_start3A_75 : memref<128x32xf32, #tpu.memory_space<vmem>>) offsets(%dma_start3A_78 : memref<128xi32, #tpu.memory_space<vmem>>) semaphore(%arg8 : memref<!tpu.dma_semaphore, #tpu.memory_space<semaphore_mem>>)
      } else {
      }
      %lt3A_41 = arith.constant 500 : i32
      %lt3A_42 = arith.cmpi slt, %add3A_26, %lt3A_41 : i32
      %convert_element_type3A_43 = arith.extui %lt3A_42 : i1 to i32
      %cond3A_44 = arith.constant 0 : i32
      %cond3A_45 = arith.cmpi ne, %convert_element_type3A_43, %cond3A_44 : i32
      scf.if %cond3A_45 {
        %run_scoped3A = arith.constant 2 : i32
        "tpu.region"() ({
          %run_scoped3A_82 = tpu.sem_alloc : memref<!tpu.dma_semaphore, #tpu.memory_space<semaphore_mem>>
          %dma_start3A_83 = arith.constant 0 : i32
          %dma_start3A_84 = tpu.memref_slice %arg5[%run_scoped3A, %dma_start3A_83] : memref<4x128xi32, #tpu.memory_space<vmem>> -> memref<1x128xi32, #tpu.memory_space<vmem>>
          %dma_start3A_85 = tpu.memref_squeeze %dma_start3A_84 : memref<1x128xi32, #tpu.memory_space<vmem>> -> memref<128xi32, #tpu.memory_space<vmem>>
          %dma_start3A_86 = arith.constant 0 : i32
          %dma_start3A_87 = tpu.memref_slice %arg3[%add3A_26, %dma_start3A_86] : memref<500x128xi32, #tpu.memory_space<hbm>> -> memref<1x128xi32, #tpu.memory_space<hbm>>
          %dma_start3A_88 = tpu.memref_squeeze %dma_start3A_87 : memref<1x128xi32, #tpu.memory_space<hbm>> -> memref<128xi32, #tpu.memory_space<hbm>>
          %dma_start3A_89 = arith.constant 0 : i32
          %dma_start3A_90 = tpu.memref_slice %arg5[%run_scoped3A, %dma_start3A_89] : memref<4x128xi32, #tpu.memory_space<vmem>> -> memref<1x128xi32, #tpu.memory_space<vmem>>
          %dma_start3A_91 = tpu.memref_squeeze %dma_start3A_90 : memref<1x128xi32, #tpu.memory_space<vmem>> -> memref<128xi32, #tpu.memory_space<vmem>>
          %dma_start3A_92 = arith.constant 0 : i32
          %dma_start3A_93 = tpu.memref_slice %arg3[%add3A_26, %dma_start3A_92] : memref<500x128xi32, #tpu.memory_space<hbm>> -> memref<1x128xi32, #tpu.memory_space<hbm>>
          %dma_start3A_94 = tpu.memref_squeeze %dma_start3A_93 : memref<1x128xi32, #tpu.memory_space<hbm>> -> memref<128xi32, #tpu.memory_space<hbm>>
          tpu.enqueue_dma source(%dma_start3A_94 : memref<128xi32, #tpu.memory_space<hbm>>) target(%dma_start3A_91 : memref<128xi32, #tpu.memory_space<vmem>>) target_semaphore(%run_scoped3A_82 : memref<!tpu.dma_semaphore, #tpu.memory_space<semaphore_mem>>)
          %dma_wait3A = arith.constant 0 : i32
          %dma_wait3A_95 = tpu.memref_slice %arg5[%run_scoped3A, %dma_wait3A] : memref<4x128xi32, #tpu.memory_space<vmem>> -> memref<1x128xi32, #tpu.memory_space<vmem>>
          %dma_wait3A_96 = tpu.memref_squeeze %dma_wait3A_95 : memref<1x128xi32, #tpu.memory_space<vmem>> -> memref<128xi32, #tpu.memory_space<vmem>>
          %dma_wait3A_97 = arith.constant 0 : i32
          %dma_wait3A_98 = tpu.memref_slice %arg3[%add3A_26, %dma_wait3A_97] : memref<500x128xi32, #tpu.memory_space<hbm>> -> memref<1x128xi32, #tpu.memory_space<hbm>>
          %dma_wait3A_99 = tpu.memref_squeeze %dma_wait3A_98 : memref<1x128xi32, #tpu.memory_space<hbm>> -> memref<128xi32, #tpu.memory_space<hbm>>
          %dma_wait3A_100 = arith.constant 0 : i32
          %dma_wait3A_101 = tpu.memref_slice %arg5[%run_scoped3A, %dma_wait3A_100] : memref<4x128xi32, #tpu.memory_space<vmem>> -> memref<1x128xi32, #tpu.memory_space<vmem>>
          %dma_wait3A_102 = tpu.memref_squeeze %dma_wait3A_101 : memref<1x128xi32, #tpu.memory_space<vmem>> -> memref<128xi32, #tpu.memory_space<vmem>>
          %dma_wait3A_103 = arith.constant 0 : i32
          %dma_wait3A_104 = tpu.memref_slice %arg3[%add3A_26, %dma_wait3A_103] : memref<500x128xi32, #tpu.memory_space<hbm>> -> memref<1x128xi32, #tpu.memory_space<hbm>>
          %dma_wait3A_105 = tpu.memref_squeeze %dma_wait3A_104 : memref<1x128xi32, #tpu.memory_space<hbm>> -> memref<128xi32, #tpu.memory_space<hbm>>
          tpu.wait_dma2 semaphore(%run_scoped3A_82 : memref<!tpu.dma_semaphore, #tpu.memory_space<semaphore_mem>>) src(%dma_wait3A_105 : memref<128xi32, #tpu.memory_space<hbm>>) dst(%dma_wait3A_102 : memref<128xi32, #tpu.memory_space<vmem>>)
          tpu.yield
        }) : () -> ()
        %dma_start3A = arith.constant 2 : i32
        %dma_start3A_71 = arith.constant 2 : i32
        %dma_start3A_72 = arith.constant 0 : i32
        %dma_start3A_73 = arith.constant 0 : i32
        %dma_start3A_74 = tpu.memref_slice %arg6[%dma_start3A_71, %dma_start3A_72, %dma_start3A_73] : memref<4x128x32xf32, #tpu.memory_space<vmem>> -> memref<1x128x32xf32, #tpu.memory_space<vmem>>
        %dma_start3A_75 = tpu.memref_squeeze %dma_start3A_74 : memref<1x128x32xf32, #tpu.memory_space<vmem>> -> memref<128x32xf32, #tpu.memory_space<vmem>>
        %dma_start3A_76 = arith.constant 0 : i32
        %dma_start3A_77 = tpu.memref_slice %arg5[%dma_start3A, %dma_start3A_76] : memref<4x128xi32, #tpu.memory_space<vmem>> -> memref<1x128xi32, #tpu.memory_space<vmem>>
        %dma_start3A_78 = tpu.memref_squeeze %dma_start3A_77 : memref<1x128xi32, #tpu.memory_space<vmem>> -> memref<128xi32, #tpu.memory_space<vmem>>
        %dma_start3A_79 = arith.constant 0 : i32
        %dma_start3A_80 = arith.constant 0 : i32
        %dma_start3A_81 = tpu.memref_slice %arg2[%dma_start3A_79, %dma_start3A_80] : memref<10000x32xf32, #tpu.memory_space<hbm>> -> memref<10000x32xf32, #tpu.memory_space<hbm>>
        tpu.enqueue_indirect_dma source(%dma_start3A_81 : memref<10000x32xf32, #tpu.memory_space<hbm>>) target(%dma_start3A_75 : memref<128x32xf32, #tpu.memory_space<vmem>>) offsets(%dma_start3A_78 : memref<128xi32, #tpu.memory_space<vmem>>) semaphore(%arg9 : memref<!tpu.dma_semaphore, #tpu.memory_space<semaphore_mem>>)
      } else {
      }
      %lt3A_46 = arith.constant 500 : i32
      %lt3A_47 = arith.cmpi slt, %add3A_33, %lt3A_46 : i32
      %convert_element_type3A_48 = arith.extui %lt3A_47 : i1 to i32
      %cond3A_49 = arith.constant 0 : i32
      %cond3A_50 = arith.cmpi ne, %convert_element_type3A_48, %cond3A_49 : i32
      scf.if %cond3A_50 {
        %run_scoped3A = arith.constant 3 : i32
        "tpu.region"() ({
          %run_scoped3A_82 = tpu.sem_alloc : memref<!tpu.dma_semaphore, #tpu.memory_space<semaphore_mem>>
          %dma_start3A_83 = arith.constant 0 : i32
          %dma_start3A_84 = tpu.memref_slice %arg5[%run_scoped3A, %dma_start3A_83] : memref<4x128xi32, #tpu.memory_space<vmem>> -> memref<1x128xi32, #tpu.memory_space<vmem>>
          %dma_start3A_85 = tpu.memref_squeeze %dma_start3A_84 : memref<1x128xi32, #tpu.memory_space<vmem>> -> memref<128xi32, #tpu.memory_space<vmem>>
          %dma_start3A_86 = arith.constant 0 : i32
          %dma_start3A_87 = tpu.memref_slice %arg3[%add3A_33, %dma_start3A_86] : memref<500x128xi32, #tpu.memory_space<hbm>> -> memref<1x128xi32, #tpu.memory_space<hbm>>
          %dma_start3A_88 = tpu.memref_squeeze %dma_start3A_87 : memref<1x128xi32, #tpu.memory_space<hbm>> -> memref<128xi32, #tpu.memory_space<hbm>>
          %dma_start3A_89 = arith.constant 0 : i32
          %dma_start3A_90 = tpu.memref_slice %arg5[%run_scoped3A, %dma_start3A_89] : memref<4x128xi32, #tpu.memory_space<vmem>> -> memref<1x128xi32, #tpu.memory_space<vmem>>
          %dma_start3A_91 = tpu.memref_squeeze %dma_start3A_90 : memref<1x128xi32, #tpu.memory_space<vmem>> -> memref<128xi32, #tpu.memory_space<vmem>>
          %dma_start3A_92 = arith.constant 0 : i32
          %dma_start3A_93 = tpu.memref_slice %arg3[%add3A_33, %dma_start3A_92] : memref<500x128xi32, #tpu.memory_space<hbm>> -> memref<1x128xi32, #tpu.memory_space<hbm>>
          %dma_start3A_94 = tpu.memref_squeeze %dma_start3A_93 : memref<1x128xi32, #tpu.memory_space<hbm>> -> memref<128xi32, #tpu.memory_space<hbm>>
          tpu.enqueue_dma source(%dma_start3A_94 : memref<128xi32, #tpu.memory_space<hbm>>) target(%dma_start3A_91 : memref<128xi32, #tpu.memory_space<vmem>>) target_semaphore(%run_scoped3A_82 : memref<!tpu.dma_semaphore, #tpu.memory_space<semaphore_mem>>)
          %dma_wait3A = arith.constant 0 : i32
          %dma_wait3A_95 = tpu.memref_slice %arg5[%run_scoped3A, %dma_wait3A] : memref<4x128xi32, #tpu.memory_space<vmem>> -> memref<1x128xi32, #tpu.memory_space<vmem>>
          %dma_wait3A_96 = tpu.memref_squeeze %dma_wait3A_95 : memref<1x128xi32, #tpu.memory_space<vmem>> -> memref<128xi32, #tpu.memory_space<vmem>>
          %dma_wait3A_97 = arith.constant 0 : i32
          %dma_wait3A_98 = tpu.memref_slice %arg3[%add3A_33, %dma_wait3A_97] : memref<500x128xi32, #tpu.memory_space<hbm>> -> memref<1x128xi32, #tpu.memory_space<hbm>>
          %dma_wait3A_99 = tpu.memref_squeeze %dma_wait3A_98 : memref<1x128xi32, #tpu.memory_space<hbm>> -> memref<128xi32, #tpu.memory_space<hbm>>
          %dma_wait3A_100 = arith.constant 0 : i32
          %dma_wait3A_101 = tpu.memref_slice %arg5[%run_scoped3A, %dma_wait3A_100] : memref<4x128xi32, #tpu.memory_space<vmem>> -> memref<1x128xi32, #tpu.memory_space<vmem>>
          %dma_wait3A_102 = tpu.memref_squeeze %dma_wait3A_101 : memref<1x128xi32, #tpu.memory_space<vmem>> -> memref<128xi32, #tpu.memory_space<vmem>>
          %dma_wait3A_103 = arith.constant 0 : i32
          %dma_wait3A_104 = tpu.memref_slice %arg3[%add3A_33, %dma_wait3A_103] : memref<500x128xi32, #tpu.memory_space<hbm>> -> memref<1x128xi32, #tpu.memory_space<hbm>>
          %dma_wait3A_105 = tpu.memref_squeeze %dma_wait3A_104 : memref<1x128xi32, #tpu.memory_space<hbm>> -> memref<128xi32, #tpu.memory_space<hbm>>
          tpu.wait_dma2 semaphore(%run_scoped3A_82 : memref<!tpu.dma_semaphore, #tpu.memory_space<semaphore_mem>>) src(%dma_wait3A_105 : memref<128xi32, #tpu.memory_space<hbm>>) dst(%dma_wait3A_102 : memref<128xi32, #tpu.memory_space<vmem>>)
          tpu.yield
        }) : () -> ()
        %dma_start3A = arith.constant 3 : i32
        %dma_start3A_71 = arith.constant 3 : i32
        %dma_start3A_72 = arith.constant 0 : i32
        %dma_start3A_73 = arith.constant 0 : i32
        %dma_start3A_74 = tpu.memref_slice %arg6[%dma_start3A_71, %dma_start3A_72, %dma_start3A_73] : memref<4x128x32xf32, #tpu.memory_space<vmem>> -> memref<1x128x32xf32, #tpu.memory_space<vmem>>
        %dma_start3A_75 = tpu.memref_squeeze %dma_start3A_74 : memref<1x128x32xf32, #tpu.memory_space<vmem>> -> memref<128x32xf32, #tpu.memory_space<vmem>>
        %dma_start3A_76 = arith.constant 0 : i32
        %dma_start3A_77 = tpu.memref_slice %arg5[%dma_start3A, %dma_start3A_76] : memref<4x128xi32, #tpu.memory_space<vmem>> -> memref<1x128xi32, #tpu.memory_space<vmem>>
        %dma_start3A_78 = tpu.memref_squeeze %dma_start3A_77 : memref<1x128xi32, #tpu.memory_space<vmem>> -> memref<128xi32, #tpu.memory_space<vmem>>
        %dma_start3A_79 = arith.constant 0 : i32
        %dma_start3A_80 = arith.constant 0 : i32
        %dma_start3A_81 = tpu.memref_slice %arg2[%dma_start3A_79, %dma_start3A_80] : memref<10000x32xf32, #tpu.memory_space<hbm>> -> memref<10000x32xf32, #tpu.memory_space<hbm>>
        tpu.enqueue_indirect_dma source(%dma_start3A_81 : memref<10000x32xf32, #tpu.memory_space<hbm>>) target(%dma_start3A_75 : memref<128x32xf32, #tpu.memory_space<vmem>>) offsets(%dma_start3A_78 : memref<128xi32, #tpu.memory_space<vmem>>) semaphore(%arg10 : memref<!tpu.dma_semaphore, #tpu.memory_space<semaphore_mem>>)
      } else {
      }
      %lt3A_51 = arith.constant 500 : i32
      %lt3A_52 = arith.cmpi slt, %add3A_12, %lt3A_51 : i32
      %convert_element_type3A_53 = arith.extui %lt3A_52 : i1 to i32
      %cond3A_54 = arith.constant 0 : i32
      %cond3A_55 = arith.cmpi ne, %convert_element_type3A_53, %cond3A_54 : i32
      scf.if %cond3A_55 {
        %dma_wait3A = arith.constant 0 : i32
        %dma_wait3A_71 = arith.constant 0 : i32
        %dma_wait3A_72 = arith.constant 0 : i32
        %dma_wait3A_73 = arith.constant 0 : i32
        %dma_wait3A_74 = tpu.memref_slice %arg6[%dma_wait3A_71, %dma_wait3A_72, %dma_wait3A_73] : memref<4x128x32xf32, #tpu.memory_space<vmem>> -> memref<1x128x32xf32, #tpu.memory_space<vmem>>
        %dma_wait3A_75 = tpu.memref_squeeze %dma_wait3A_74 : memref<1x128x32xf32, #tpu.memory_space<vmem>> -> memref<128x32xf32, #tpu.memory_space<vmem>>
        %dma_wait3A_76 = arith.constant 0 : i32
        %dma_wait3A_77 = tpu.memref_slice %arg5[%dma_wait3A, %dma_wait3A_76] : memref<4x128xi32, #tpu.memory_space<vmem>> -> memref<1x128xi32, #tpu.memory_space<vmem>>
        %dma_wait3A_78 = tpu.memref_squeeze %dma_wait3A_77 : memref<1x128xi32, #tpu.memory_space<vmem>> -> memref<128xi32, #tpu.memory_space<vmem>>
        %dma_wait3A_79 = arith.constant 0 : i32
        %dma_wait3A_80 = arith.constant 0 : i32
        %dma_wait3A_81 = tpu.memref_slice %arg2[%dma_wait3A_79, %dma_wait3A_80] : memref<10000x32xf32, #tpu.memory_space<hbm>> -> memref<10000x32xf32, #tpu.memory_space<hbm>>
        tpu.wait_indirect_dma semaphore(%arg7 : memref<!tpu.dma_semaphore, #tpu.memory_space<semaphore_mem>>) src(%dma_wait3A_81 : memref<10000x32xf32, #tpu.memory_space<hbm>>) dst(%dma_wait3A_75 : memref<128x32xf32, #tpu.memory_space<vmem>>)
        %run_scoped3A = arith.constant 0 : i32
        "tpu.region"() ({
          %run_scoped3A_82 = tpu.sem_alloc : memref<!tpu.dma_semaphore, #tpu.memory_space<semaphore_mem>>
          %dma_start3A = arith.constant 0 : i32
          %dma_start3A_83 = arith.constant 0 : i32
          %dma_start3A_84 = tpu.memref_slice %arg6[%run_scoped3A, %dma_start3A, %dma_start3A_83] : memref<4x128x32xf32, #tpu.memory_space<vmem>> -> memref<1x128x32xf32, #tpu.memory_space<vmem>>
          %dma_start3A_85 = tpu.memref_squeeze %dma_start3A_84 : memref<1x128x32xf32, #tpu.memory_space<vmem>> -> memref<128x32xf32, #tpu.memory_space<vmem>>
          %dma_start3A_86 = arith.constant 0 : i32
          %dma_start3A_87 = arith.constant 0 : i32
          %dma_start3A_88 = tpu.memref_slice %arg4[%add3A_12, %dma_start3A_86, %dma_start3A_87] : memref<500x128x32xf32, #tpu.memory_space<hbm>> -> memref<1x128x32xf32, #tpu.memory_space<hbm>>
          %dma_start3A_89 = tpu.memref_squeeze %dma_start3A_88 : memref<1x128x32xf32, #tpu.memory_space<hbm>> -> memref<128x32xf32, #tpu.memory_space<hbm>>
          %dma_start3A_90 = arith.constant 0 : i32
          %dma_start3A_91 = arith.constant 0 : i32
          %dma_start3A_92 = tpu.memref_slice %arg4[%add3A_12, %dma_start3A_90, %dma_start3A_91] : memref<500x128x32xf32, #tpu.memory_space<hbm>> -> memref<1x128x32xf32, #tpu.memory_space<hbm>>
          %dma_start3A_93 = tpu.memref_squeeze %dma_start3A_92 : memref<1x128x32xf32, #tpu.memory_space<hbm>> -> memref<128x32xf32, #tpu.memory_space<hbm>>
          %dma_start3A_94 = arith.constant 0 : i32
          %dma_start3A_95 = arith.constant 0 : i32
          %dma_start3A_96 = tpu.memref_slice %arg6[%run_scoped3A, %dma_start3A_94, %dma_start3A_95] : memref<4x128x32xf32, #tpu.memory_space<vmem>> -> memref<1x128x32xf32, #tpu.memory_space<vmem>>
          %dma_start3A_97 = tpu.memref_squeeze %dma_start3A_96 : memref<1x128x32xf32, #tpu.memory_space<vmem>> -> memref<128x32xf32, #tpu.memory_space<vmem>>
          tpu.enqueue_dma source(%dma_start3A_97 : memref<128x32xf32, #tpu.memory_space<vmem>>) target(%dma_start3A_93 : memref<128x32xf32, #tpu.memory_space<hbm>>) target_semaphore(%run_scoped3A_82 : memref<!tpu.dma_semaphore, #tpu.memory_space<semaphore_mem>>)
          %dma_wait3A_98 = arith.constant 0 : i32
          %dma_wait3A_99 = arith.constant 0 : i32
          %dma_wait3A_100 = tpu.memref_slice %arg6[%run_scoped3A, %dma_wait3A_98, %dma_wait3A_99] : memref<4x128x32xf32, #tpu.memory_space<vmem>> -> memref<1x128x32xf32, #tpu.memory_space<vmem>>
          %dma_wait3A_101 = tpu.memref_squeeze %dma_wait3A_100 : memref<1x128x32xf32, #tpu.memory_space<vmem>> -> memref<128x32xf32, #tpu.memory_space<vmem>>
          %dma_wait3A_102 = arith.constant 0 : i32
          %dma_wait3A_103 = arith.constant 0 : i32
          %dma_wait3A_104 = tpu.memref_slice %arg4[%add3A_12, %dma_wait3A_102, %dma_wait3A_103] : memref<500x128x32xf32, #tpu.memory_space<hbm>> -> memref<1x128x32xf32, #tpu.memory_space<hbm>>
          %dma_wait3A_105 = tpu.memref_squeeze %dma_wait3A_104 : memref<1x128x32xf32, #tpu.memory_space<hbm>> -> memref<128x32xf32, #tpu.memory_space<hbm>>
          %dma_wait3A_106 = arith.constant 0 : i32
          %dma_wait3A_107 = arith.constant 0 : i32
          %dma_wait3A_108 = tpu.memref_slice %arg4[%add3A_12, %dma_wait3A_106, %dma_wait3A_107] : memref<500x128x32xf32, #tpu.memory_space<hbm>> -> memref<1x128x32xf32, #tpu.memory_space<hbm>>
          %dma_wait3A_109 = tpu.memref_squeeze %dma_wait3A_108 : memref<1x128x32xf32, #tpu.memory_space<hbm>> -> memref<128x32xf32, #tpu.memory_space<hbm>>
          %dma_wait3A_110 = arith.constant 0 : i32
          %dma_wait3A_111 = arith.constant 0 : i32
          %dma_wait3A_112 = tpu.memref_slice %arg6[%run_scoped3A, %dma_wait3A_110, %dma_wait3A_111] : memref<4x128x32xf32, #tpu.memory_space<vmem>> -> memref<1x128x32xf32, #tpu.memory_space<vmem>>
          %dma_wait3A_113 = tpu.memref_squeeze %dma_wait3A_112 : memref<1x128x32xf32, #tpu.memory_space<vmem>> -> memref<128x32xf32, #tpu.memory_space<vmem>>
          tpu.wait_dma2 semaphore(%run_scoped3A_82 : memref<!tpu.dma_semaphore, #tpu.memory_space<semaphore_mem>>) src(%dma_wait3A_113 : memref<128x32xf32, #tpu.memory_space<vmem>>) dst(%dma_wait3A_109 : memref<128x32xf32, #tpu.memory_space<hbm>>)
          tpu.yield
        }) : () -> ()
      } else {
      }
      %lt3A_56 = arith.constant 500 : i32
      %lt3A_57 = arith.cmpi slt, %add3A_19, %lt3A_56 : i32
      %convert_element_type3A_58 = arith.extui %lt3A_57 : i1 to i32
      %cond3A_59 = arith.constant 0 : i32
      %cond3A_60 = arith.cmpi ne, %convert_element_type3A_58, %cond3A_59 : i32
      scf.if %cond3A_60 {
        %dma_wait3A = arith.constant 1 : i32
        %dma_wait3A_71 = arith.constant 1 : i32
        %dma_wait3A_72 = arith.constant 0 : i32
        %dma_wait3A_73 = arith.constant 0 : i32
        %dma_wait3A_74 = tpu.memref_slice %arg6[%dma_wait3A_71, %dma_wait3A_72, %dma_wait3A_73] : memref<4x128x32xf32, #tpu.memory_space<vmem>> -> memref<1x128x32xf32, #tpu.memory_space<vmem>>
        %dma_wait3A_75 = tpu.memref_squeeze %dma_wait3A_74 : memref<1x128x32xf32, #tpu.memory_space<vmem>> -> memref<128x32xf32, #tpu.memory_space<vmem>>
        %dma_wait3A_76 = arith.constant 0 : i32
        %dma_wait3A_77 = tpu.memref_slice %arg5[%dma_wait3A, %dma_wait3A_76] : memref<4x128xi32, #tpu.memory_space<vmem>> -> memref<1x128xi32, #tpu.memory_space<vmem>>
        %dma_wait3A_78 = tpu.memref_squeeze %dma_wait3A_77 : memref<1x128xi32, #tpu.memory_space<vmem>> -> memref<128xi32, #tpu.memory_space<vmem>>
        %dma_wait3A_79 = arith.constant 0 : i32
        %dma_wait3A_80 = arith.constant 0 : i32
        %dma_wait3A_81 = tpu.memref_slice %arg2[%dma_wait3A_79, %dma_wait3A_80] : memref<10000x32xf32, #tpu.memory_space<hbm>> -> memref<10000x32xf32, #tpu.memory_space<hbm>>
        tpu.wait_indirect_dma semaphore(%arg8 : memref<!tpu.dma_semaphore, #tpu.memory_space<semaphore_mem>>) src(%dma_wait3A_81 : memref<10000x32xf32, #tpu.memory_space<hbm>>) dst(%dma_wait3A_75 : memref<128x32xf32, #tpu.memory_space<vmem>>)
        %run_scoped3A = arith.constant 1 : i32
        "tpu.region"() ({
          %run_scoped3A_82 = tpu.sem_alloc : memref<!tpu.dma_semaphore, #tpu.memory_space<semaphore_mem>>
          %dma_start3A = arith.constant 0 : i32
          %dma_start3A_83 = arith.constant 0 : i32
          %dma_start3A_84 = tpu.memref_slice %arg6[%run_scoped3A, %dma_start3A, %dma_start3A_83] : memref<4x128x32xf32, #tpu.memory_space<vmem>> -> memref<1x128x32xf32, #tpu.memory_space<vmem>>
          %dma_start3A_85 = tpu.memref_squeeze %dma_start3A_84 : memref<1x128x32xf32, #tpu.memory_space<vmem>> -> memref<128x32xf32, #tpu.memory_space<vmem>>
          %dma_start3A_86 = arith.constant 0 : i32
          %dma_start3A_87 = arith.constant 0 : i32
          %dma_start3A_88 = tpu.memref_slice %arg4[%add3A_19, %dma_start3A_86, %dma_start3A_87] : memref<500x128x32xf32, #tpu.memory_space<hbm>> -> memref<1x128x32xf32, #tpu.memory_space<hbm>>
          %dma_start3A_89 = tpu.memref_squeeze %dma_start3A_88 : memref<1x128x32xf32, #tpu.memory_space<hbm>> -> memref<128x32xf32, #tpu.memory_space<hbm>>
          %dma_start3A_90 = arith.constant 0 : i32
          %dma_start3A_91 = arith.constant 0 : i32
          %dma_start3A_92 = tpu.memref_slice %arg4[%add3A_19, %dma_start3A_90, %dma_start3A_91] : memref<500x128x32xf32, #tpu.memory_space<hbm>> -> memref<1x128x32xf32, #tpu.memory_space<hbm>>
          %dma_start3A_93 = tpu.memref_squeeze %dma_start3A_92 : memref<1x128x32xf32, #tpu.memory_space<hbm>> -> memref<128x32xf32, #tpu.memory_space<hbm>>
          %dma_start3A_94 = arith.constant 0 : i32
          %dma_start3A_95 = arith.constant 0 : i32
          %dma_start3A_96 = tpu.memref_slice %arg6[%run_scoped3A, %dma_start3A_94, %dma_start3A_95] : memref<4x128x32xf32, #tpu.memory_space<vmem>> -> memref<1x128x32xf32, #tpu.memory_space<vmem>>
          %dma_start3A_97 = tpu.memref_squeeze %dma_start3A_96 : memref<1x128x32xf32, #tpu.memory_space<vmem>> -> memref<128x32xf32, #tpu.memory_space<vmem>>
          tpu.enqueue_dma source(%dma_start3A_97 : memref<128x32xf32, #tpu.memory_space<vmem>>) target(%dma_start3A_93 : memref<128x32xf32, #tpu.memory_space<hbm>>) target_semaphore(%run_scoped3A_82 : memref<!tpu.dma_semaphore, #tpu.memory_space<semaphore_mem>>)
          %dma_wait3A_98 = arith.constant 0 : i32
          %dma_wait3A_99 = arith.constant 0 : i32
          %dma_wait3A_100 = tpu.memref_slice %arg6[%run_scoped3A, %dma_wait3A_98, %dma_wait3A_99] : memref<4x128x32xf32, #tpu.memory_space<vmem>> -> memref<1x128x32xf32, #tpu.memory_space<vmem>>
          %dma_wait3A_101 = tpu.memref_squeeze %dma_wait3A_100 : memref<1x128x32xf32, #tpu.memory_space<vmem>> -> memref<128x32xf32, #tpu.memory_space<vmem>>
          %dma_wait3A_102 = arith.constant 0 : i32
          %dma_wait3A_103 = arith.constant 0 : i32
          %dma_wait3A_104 = tpu.memref_slice %arg4[%add3A_19, %dma_wait3A_102, %dma_wait3A_103] : memref<500x128x32xf32, #tpu.memory_space<hbm>> -> memref<1x128x32xf32, #tpu.memory_space<hbm>>
          %dma_wait3A_105 = tpu.memref_squeeze %dma_wait3A_104 : memref<1x128x32xf32, #tpu.memory_space<hbm>> -> memref<128x32xf32, #tpu.memory_space<hbm>>
          %dma_wait3A_106 = arith.constant 0 : i32
          %dma_wait3A_107 = arith.constant 0 : i32
          %dma_wait3A_108 = tpu.memref_slice %arg4[%add3A_19, %dma_wait3A_106, %dma_wait3A_107] : memref<500x128x32xf32, #tpu.memory_space<hbm>> -> memref<1x128x32xf32, #tpu.memory_space<hbm>>
          %dma_wait3A_109 = tpu.memref_squeeze %dma_wait3A_108 : memref<1x128x32xf32, #tpu.memory_space<hbm>> -> memref<128x32xf32, #tpu.memory_space<hbm>>
          %dma_wait3A_110 = arith.constant 0 : i32
          %dma_wait3A_111 = arith.constant 0 : i32
          %dma_wait3A_112 = tpu.memref_slice %arg6[%run_scoped3A, %dma_wait3A_110, %dma_wait3A_111] : memref<4x128x32xf32, #tpu.memory_space<vmem>> -> memref<1x128x32xf32, #tpu.memory_space<vmem>>
          %dma_wait3A_113 = tpu.memref_squeeze %dma_wait3A_112 : memref<1x128x32xf32, #tpu.memory_space<vmem>> -> memref<128x32xf32, #tpu.memory_space<vmem>>
          tpu.wait_dma2 semaphore(%run_scoped3A_82 : memref<!tpu.dma_semaphore, #tpu.memory_space<semaphore_mem>>) src(%dma_wait3A_113 : memref<128x32xf32, #tpu.memory_space<vmem>>) dst(%dma_wait3A_109 : memref<128x32xf32, #tpu.memory_space<hbm>>)
          tpu.yield
        }) : () -> ()
      } else {
      }
      %lt3A_61 = arith.constant 500 : i32
      %lt3A_62 = arith.cmpi slt, %add3A_26, %lt3A_61 : i32
      %convert_element_type3A_63 = arith.extui %lt3A_62 : i1 to i32
      %cond3A_64 = arith.constant 0 : i32
      %cond3A_65 = arith.cmpi ne, %convert_element_type3A_63, %cond3A_64 : i32
      scf.if %cond3A_65 {
        %dma_wait3A = arith.constant 2 : i32
        %dma_wait3A_71 = arith.constant 2 : i32
        %dma_wait3A_72 = arith.constant 0 : i32
        %dma_wait3A_73 = arith.constant 0 : i32
        %dma_wait3A_74 = tpu.memref_slice %arg6[%dma_wait3A_71, %dma_wait3A_72, %dma_wait3A_73] : memref<4x128x32xf32, #tpu.memory_space<vmem>> -> memref<1x128x32xf32, #tpu.memory_space<vmem>>
        %dma_wait3A_75 = tpu.memref_squeeze %dma_wait3A_74 : memref<1x128x32xf32, #tpu.memory_space<vmem>> -> memref<128x32xf32, #tpu.memory_space<vmem>>
        %dma_wait3A_76 = arith.constant 0 : i32
        %dma_wait3A_77 = tpu.memref_slice %arg5[%dma_wait3A, %dma_wait3A_76] : memref<4x128xi32, #tpu.memory_space<vmem>> -> memref<1x128xi32, #tpu.memory_space<vmem>>
        %dma_wait3A_78 = tpu.memref_squeeze %dma_wait3A_77 : memref<1x128xi32, #tpu.memory_space<vmem>> -> memref<128xi32, #tpu.memory_space<vmem>>
        %dma_wait3A_79 = arith.constant 0 : i32
        %dma_wait3A_80 = arith.constant 0 : i32
        %dma_wait3A_81 = tpu.memref_slice %arg2[%dma_wait3A_79, %dma_wait3A_80] : memref<10000x32xf32, #tpu.memory_space<hbm>> -> memref<10000x32xf32, #tpu.memory_space<hbm>>
        tpu.wait_indirect_dma semaphore(%arg9 : memref<!tpu.dma_semaphore, #tpu.memory_space<semaphore_mem>>) src(%dma_wait3A_81 : memref<10000x32xf32, #tpu.memory_space<hbm>>) dst(%dma_wait3A_75 : memref<128x32xf32, #tpu.memory_space<vmem>>)
        %run_scoped3A = arith.constant 2 : i32
        "tpu.region"() ({
          %run_scoped3A_82 = tpu.sem_alloc : memref<!tpu.dma_semaphore, #tpu.memory_space<semaphore_mem>>
          %dma_start3A = arith.constant 0 : i32
          %dma_start3A_83 = arith.constant 0 : i32
          %dma_start3A_84 = tpu.memref_slice %arg6[%run_scoped3A, %dma_start3A, %dma_start3A_83] : memref<4x128x32xf32, #tpu.memory_space<vmem>> -> memref<1x128x32xf32, #tpu.memory_space<vmem>>
          %dma_start3A_85 = tpu.memref_squeeze %dma_start3A_84 : memref<1x128x32xf32, #tpu.memory_space<vmem>> -> memref<128x32xf32, #tpu.memory_space<vmem>>
          %dma_start3A_86 = arith.constant 0 : i32
          %dma_start3A_87 = arith.constant 0 : i32
          %dma_start3A_88 = tpu.memref_slice %arg4[%add3A_26, %dma_start3A_86, %dma_start3A_87] : memref<500x128x32xf32, #tpu.memory_space<hbm>> -> memref<1x128x32xf32, #tpu.memory_space<hbm>>
          %dma_start3A_89 = tpu.memref_squeeze %dma_start3A_88 : memref<1x128x32xf32, #tpu.memory_space<hbm>> -> memref<128x32xf32, #tpu.memory_space<hbm>>
          %dma_start3A_90 = arith.constant 0 : i32
          %dma_start3A_91 = arith.constant 0 : i32
          %dma_start3A_92 = tpu.memref_slice %arg4[%add3A_26, %dma_start3A_90, %dma_start3A_91] : memref<500x128x32xf32, #tpu.memory_space<hbm>> -> memref<1x128x32xf32, #tpu.memory_space<hbm>>
          %dma_start3A_93 = tpu.memref_squeeze %dma_start3A_92 : memref<1x128x32xf32, #tpu.memory_space<hbm>> -> memref<128x32xf32, #tpu.memory_space<hbm>>
          %dma_start3A_94 = arith.constant 0 : i32
          %dma_start3A_95 = arith.constant 0 : i32
          %dma_start3A_96 = tpu.memref_slice %arg6[%run_scoped3A, %dma_start3A_94, %dma_start3A_95] : memref<4x128x32xf32, #tpu.memory_space<vmem>> -> memref<1x128x32xf32, #tpu.memory_space<vmem>>
          %dma_start3A_97 = tpu.memref_squeeze %dma_start3A_96 : memref<1x128x32xf32, #tpu.memory_space<vmem>> -> memref<128x32xf32, #tpu.memory_space<vmem>>
          tpu.enqueue_dma source(%dma_start3A_97 : memref<128x32xf32, #tpu.memory_space<vmem>>) target(%dma_start3A_93 : memref<128x32xf32, #tpu.memory_space<hbm>>) target_semaphore(%run_scoped3A_82 : memref<!tpu.dma_semaphore, #tpu.memory_space<semaphore_mem>>)
          %dma_wait3A_98 = arith.constant 0 : i32
          %dma_wait3A_99 = arith.constant 0 : i32
          %dma_wait3A_100 = tpu.memref_slice %arg6[%run_scoped3A, %dma_wait3A_98, %dma_wait3A_99] : memref<4x128x32xf32, #tpu.memory_space<vmem>> -> memref<1x128x32xf32, #tpu.memory_space<vmem>>
          %dma_wait3A_101 = tpu.memref_squeeze %dma_wait3A_100 : memref<1x128x32xf32, #tpu.memory_space<vmem>> -> memref<128x32xf32, #tpu.memory_space<vmem>>
          %dma_wait3A_102 = arith.constant 0 : i32
          %dma_wait3A_103 = arith.constant 0 : i32
          %dma_wait3A_104 = tpu.memref_slice %arg4[%add3A_26, %dma_wait3A_102, %dma_wait3A_103] : memref<500x128x32xf32, #tpu.memory_space<hbm>> -> memref<1x128x32xf32, #tpu.memory_space<hbm>>
          %dma_wait3A_105 = tpu.memref_squeeze %dma_wait3A_104 : memref<1x128x32xf32, #tpu.memory_space<hbm>> -> memref<128x32xf32, #tpu.memory_space<hbm>>
          %dma_wait3A_106 = arith.constant 0 : i32
          %dma_wait3A_107 = arith.constant 0 : i32
          %dma_wait3A_108 = tpu.memref_slice %arg4[%add3A_26, %dma_wait3A_106, %dma_wait3A_107] : memref<500x128x32xf32, #tpu.memory_space<hbm>> -> memref<1x128x32xf32, #tpu.memory_space<hbm>>
          %dma_wait3A_109 = tpu.memref_squeeze %dma_wait3A_108 : memref<1x128x32xf32, #tpu.memory_space<hbm>> -> memref<128x32xf32, #tpu.memory_space<hbm>>
          %dma_wait3A_110 = arith.constant 0 : i32
          %dma_wait3A_111 = arith.constant 0 : i32
          %dma_wait3A_112 = tpu.memref_slice %arg6[%run_scoped3A, %dma_wait3A_110, %dma_wait3A_111] : memref<4x128x32xf32, #tpu.memory_space<vmem>> -> memref<1x128x32xf32, #tpu.memory_space<vmem>>
          %dma_wait3A_113 = tpu.memref_squeeze %dma_wait3A_112 : memref<1x128x32xf32, #tpu.memory_space<vmem>> -> memref<128x32xf32, #tpu.memory_space<vmem>>
          tpu.wait_dma2 semaphore(%run_scoped3A_82 : memref<!tpu.dma_semaphore, #tpu.memory_space<semaphore_mem>>) src(%dma_wait3A_113 : memref<128x32xf32, #tpu.memory_space<vmem>>) dst(%dma_wait3A_109 : memref<128x32xf32, #tpu.memory_space<hbm>>)
          tpu.yield
        }) : () -> ()
      } else {
      }
      %lt3A_66 = arith.constant 500 : i32
      %lt3A_67 = arith.cmpi slt, %add3A_33, %lt3A_66 : i32
      %convert_element_type3A_68 = arith.extui %lt3A_67 : i1 to i32
      %cond3A_69 = arith.constant 0 : i32
      %cond3A_70 = arith.cmpi ne, %convert_element_type3A_68, %cond3A_69 : i32
      scf.if %cond3A_70 {
        %dma_wait3A = arith.constant 3 : i32
        %dma_wait3A_71 = arith.constant 3 : i32
        %dma_wait3A_72 = arith.constant 0 : i32
        %dma_wait3A_73 = arith.constant 0 : i32
        %dma_wait3A_74 = tpu.memref_slice %arg6[%dma_wait3A_71, %dma_wait3A_72, %dma_wait3A_73] : memref<4x128x32xf32, #tpu.memory_space<vmem>> -> memref<1x128x32xf32, #tpu.memory_space<vmem>>
        %dma_wait3A_75 = tpu.memref_squeeze %dma_wait3A_74 : memref<1x128x32xf32, #tpu.memory_space<vmem>> -> memref<128x32xf32, #tpu.memory_space<vmem>>
        %dma_wait3A_76 = arith.constant 0 : i32
        %dma_wait3A_77 = tpu.memref_slice %arg5[%dma_wait3A, %dma_wait3A_76] : memref<4x128xi32, #tpu.memory_space<vmem>> -> memref<1x128xi32, #tpu.memory_space<vmem>>
        %dma_wait3A_78 = tpu.memref_squeeze %dma_wait3A_77 : memref<1x128xi32, #tpu.memory_space<vmem>> -> memref<128xi32, #tpu.memory_space<vmem>>
        %dma_wait3A_79 = arith.constant 0 : i32
        %dma_wait3A_80 = arith.constant 0 : i32
        %dma_wait3A_81 = tpu.memref_slice %arg2[%dma_wait3A_79, %dma_wait3A_80] : memref<10000x32xf32, #tpu.memory_space<hbm>> -> memref<10000x32xf32, #tpu.memory_space<hbm>>
        tpu.wait_indirect_dma semaphore(%arg10 : memref<!tpu.dma_semaphore, #tpu.memory_space<semaphore_mem>>) src(%dma_wait3A_81 : memref<10000x32xf32, #tpu.memory_space<hbm>>) dst(%dma_wait3A_75 : memref<128x32xf32, #tpu.memory_space<vmem>>)
        %run_scoped3A = arith.constant 3 : i32
        "tpu.region"() ({
          %run_scoped3A_82 = tpu.sem_alloc : memref<!tpu.dma_semaphore, #tpu.memory_space<semaphore_mem>>
          %dma_start3A = arith.constant 0 : i32
          %dma_start3A_83 = arith.constant 0 : i32
          %dma_start3A_84 = tpu.memref_slice %arg6[%run_scoped3A, %dma_start3A, %dma_start3A_83] : memref<4x128x32xf32, #tpu.memory_space<vmem>> -> memref<1x128x32xf32, #tpu.memory_space<vmem>>
          %dma_start3A_85 = tpu.memref_squeeze %dma_start3A_84 : memref<1x128x32xf32, #tpu.memory_space<vmem>> -> memref<128x32xf32, #tpu.memory_space<vmem>>
          %dma_start3A_86 = arith.constant 0 : i32
          %dma_start3A_87 = arith.constant 0 : i32
          %dma_start3A_88 = tpu.memref_slice %arg4[%add3A_33, %dma_start3A_86, %dma_start3A_87] : memref<500x128x32xf32, #tpu.memory_space<hbm>> -> memref<1x128x32xf32, #tpu.memory_space<hbm>>
          %dma_start3A_89 = tpu.memref_squeeze %dma_start3A_88 : memref<1x128x32xf32, #tpu.memory_space<hbm>> -> memref<128x32xf32, #tpu.memory_space<hbm>>
          %dma_start3A_90 = arith.constant 0 : i32
          %dma_start3A_91 = arith.constant 0 : i32
          %dma_start3A_92 = tpu.memref_slice %arg4[%add3A_33, %dma_start3A_90, %dma_start3A_91] : memref<500x128x32xf32, #tpu.memory_space<hbm>> -> memref<1x128x32xf32, #tpu.memory_space<hbm>>
          %dma_start3A_93 = tpu.memref_squeeze %dma_start3A_92 : memref<1x128x32xf32, #tpu.memory_space<hbm>> -> memref<128x32xf32, #tpu.memory_space<hbm>>
          %dma_start3A_94 = arith.constant 0 : i32
          %dma_start3A_95 = arith.constant 0 : i32
          %dma_start3A_96 = tpu.memref_slice %arg6[%run_scoped3A, %dma_start3A_94, %dma_start3A_95] : memref<4x128x32xf32, #tpu.memory_space<vmem>> -> memref<1x128x32xf32, #tpu.memory_space<vmem>>
          %dma_start3A_97 = tpu.memref_squeeze %dma_start3A_96 : memref<1x128x32xf32, #tpu.memory_space<vmem>> -> memref<128x32xf32, #tpu.memory_space<vmem>>
          tpu.enqueue_dma source(%dma_start3A_97 : memref<128x32xf32, #tpu.memory_space<vmem>>) target(%dma_start3A_93 : memref<128x32xf32, #tpu.memory_space<hbm>>) target_semaphore(%run_scoped3A_82 : memref<!tpu.dma_semaphore, #tpu.memory_space<semaphore_mem>>)
          %dma_wait3A_98 = arith.constant 0 : i32
          %dma_wait3A_99 = arith.constant 0 : i32
          %dma_wait3A_100 = tpu.memref_slice %arg6[%run_scoped3A, %dma_wait3A_98, %dma_wait3A_99] : memref<4x128x32xf32, #tpu.memory_space<vmem>> -> memref<1x128x32xf32, #tpu.memory_space<vmem>>
          %dma_wait3A_101 = tpu.memref_squeeze %dma_wait3A_100 : memref<1x128x32xf32, #tpu.memory_space<vmem>> -> memref<128x32xf32, #tpu.memory_space<vmem>>
          %dma_wait3A_102 = arith.constant 0 : i32
          %dma_wait3A_103 = arith.constant 0 : i32
          %dma_wait3A_104 = tpu.memref_slice %arg4[%add3A_33, %dma_wait3A_102, %dma_wait3A_103] : memref<500x128x32xf32, #tpu.memory_space<hbm>> -> memref<1x128x32xf32, #tpu.memory_space<hbm>>
          %dma_wait3A_105 = tpu.memref_squeeze %dma_wait3A_104 : memref<1x128x32xf32, #tpu.memory_space<hbm>> -> memref<128x32xf32, #tpu.memory_space<hbm>>
          %dma_wait3A_106 = arith.constant 0 : i32
          %dma_wait3A_107 = arith.constant 0 : i32
          %dma_wait3A_108 = tpu.memref_slice %arg4[%add3A_33, %dma_wait3A_106, %dma_wait3A_107] : memref<500x128x32xf32, #tpu.memory_space<hbm>> -> memref<1x128x32xf32, #tpu.memory_space<hbm>>
          %dma_wait3A_109 = tpu.memref_squeeze %dma_wait3A_108 : memref<1x128x32xf32, #tpu.memory_space<hbm>> -> memref<128x32xf32, #tpu.memory_space<hbm>>
          %dma_wait3A_110 = arith.constant 0 : i32
          %dma_wait3A_111 = arith.constant 0 : i32
          %dma_wait3A_112 = tpu.memref_slice %arg6[%run_scoped3A, %dma_wait3A_110, %dma_wait3A_111] : memref<4x128x32xf32, #tpu.memory_space<vmem>> -> memref<1x128x32xf32, #tpu.memory_space<vmem>>
          %dma_wait3A_113 = tpu.memref_squeeze %dma_wait3A_112 : memref<1x128x32xf32, #tpu.memory_space<vmem>> -> memref<128x32xf32, #tpu.memory_space<vmem>>
          tpu.wait_dma2 semaphore(%run_scoped3A_82 : memref<!tpu.dma_semaphore, #tpu.memory_space<semaphore_mem>>) src(%dma_wait3A_113 : memref<128x32xf32, #tpu.memory_space<vmem>>) dst(%dma_wait3A_109 : memref<128x32xf32, #tpu.memory_space<hbm>>)
          tpu.yield
        }) : () -> ()
      } else {
      }
    }
    %scan3A_4 = arith.constant 4 : i32
    return
  }
}

#map = affine_map<(d0, d1) -> (0, 0)>
#map1 = affine_map<(d0, d1) -> (0, 0, 0)>
module attributes {stable_mosaic.version = 14 : i64} {
  func.func @k(%arg0: i32, %arg1: i32, %arg2: memref<10000x32xf32, #tpu.memory_space<hbm>>, %arg3: memref<500x128xi32, #tpu.memory_space<hbm>>, %arg4: memref<500x128x32xf32, #tpu.memory_space<hbm>>, %arg5: memref<4x128xi32, #tpu.memory_space<vmem>>, %arg6: memref<4x128x32xf32, #tpu.memory_space<vmem>>, %arg7: memref<!tpu.dma_semaphore, #tpu.memory_space<semaphore_mem>>, %arg8: memref<!tpu.dma_semaphore, #tpu.memory_space<semaphore_mem>>, %arg9: memref<!tpu.dma_semaphore, #tpu.memory_space<semaphore_mem>>, %arg10: memref<!tpu.dma_semaphore, #tpu.memory_space<semaphore_mem>>) attributes {dimension_semantics = [#tpu.dimension_semantics<core_parallel>, #tpu.dimension_semantics<subcore_parallel>], iteration_bounds = array<i64: 2, 16>, scalar_prefetch = 0 : i64, scratch_operands = 6 : i64, tpu.core_type = #tpu.core_type<sc_vector_subcore>, window_params = [{transform_indices = #map}, {transform_indices = #map}, {transform_indices = #map1}]} {
    %mul3A = arith.constant 2 : i32
    %mul3A_0 = arith.muli %arg1, %mul3A : i32
    %add3A = arith.addi %mul3A_0, %arg0 : i32
    %scan3A = arith.constant 0 : i32
    %scan3A_1 = arith.constant 4 : i32
    %scan3A_2 = arith.addi %scan3A, %scan3A_1 : i32
    %scan3A_3 = arith.constant 1 : i32
    scf.for %scan3A_5 = %scan3A to %scan3A_2 step %scan3A_3  : i32 {
      %mul3A_6 = arith.constant 4 : i32
      %mul3A_7 = arith.muli %mul3A_6, %scan3A_5 : i32
      %add3A_8 = arith.constant 0 : i32
      %add3A_9 = arith.addi %mul3A_7, %add3A_8 : i32
      %mul3A_10 = arith.constant 32 : i32
      %mul3A_11 = arith.muli %add3A_9, %mul3A_10 : i32
      %add3A_12 = arith.addi %mul3A_11, %add3A : i32
      %mul3A_13 = arith.constant 4 : i32
      %mul3A_14 = arith.muli %mul3A_13, %scan3A_5 : i32
      %add3A_15 = arith.constant 1 : i32
      %add3A_16 = arith.addi %mul3A_14, %add3A_15 : i32
      %mul3A_17 = arith.constant 32 : i32
      %mul3A_18 = arith.muli %add3A_16, %mul3A_17 : i32
      %add3A_19 = arith.addi %mul3A_18, %add3A : i32
      %mul3A_20 = arith.constant 4 : i32
      %mul3A_21 = arith.muli %mul3A_20, %scan3A_5 : i32
      %add3A_22 = arith.constant 2 : i32
      %add3A_23 = arith.addi %mul3A_21, %add3A_22 : i32
      %mul3A_24 = arith.constant 32 : i32
      %mul3A_25 = arith.muli %add3A_23, %mul3A_24 : i32
      %add3A_26 = arith.addi %mul3A_25, %add3A : i32
      %mul3A_27 = arith.constant 4 : i32
      %mul3A_28 = arith.muli %mul3A_27, %scan3A_5 : i32
      %add3A_29 = arith.constant 3 : i32
      %add3A_30 = arith.addi %mul3A_28, %add3A_29 : i32
      %mul3A_31 = arith.constant 32 : i32
      %mul3A_32 = arith.muli %add3A_30, %mul3A_31 : i32
      %add3A_33 = arith.addi %mul3A_32, %add3A : i32
      %lt3A = arith.constant 500 : i32
      %lt3A_34 = arith.cmpi slt, %add3A_12, %lt3A : i32
      %convert_element_type3A = arith.extui %lt3A_34 : i1 to i32
      %cond3A = arith.constant 0 : i32
      %cond3A_35 = arith.cmpi ne, %convert_element_type3A, %cond3A : i32
      scf.if %cond3A_35 {
        %run_scoped3A = arith.constant 0 : i32
        "tpu.region"() ({
          %run_scoped3A_82 = tpu.sem_alloc : memref<!tpu.dma_semaphore, #tpu.memory_space<semaphore_mem>>
          %dma_start3A_83 = arith.constant 0 : i32
          %dma_start3A_84 = tpu.memref_slice %arg5[%run_scoped3A, %dma_start3A_83] : memref<4x128xi32, #tpu.memory_space<vmem>> -> memref<1x128xi32, #tpu.memory_space<vmem>>
          %dma_start3A_85 = tpu.memref_squeeze %dma_start3A_84 : memref<1x128xi32, #tpu.memory_space<vmem>> -> memref<128xi32, #tpu.memory_space<vmem>>
          %dma_start3A_86 = arith.constant 0 : i32
          %dma_start3A_87 = tpu.memref_slice %arg3[%add3A_12, %dma_start3A_86] : memref<500x128xi32, #tpu.memory_space<hbm>> -> memref<1x128xi32, #tpu.memory_space<hbm>>
          %dma_start3A_88 = tpu.memref_squeeze %dma_start3A_87 : memref<1x128xi32, #tpu.memory_space<hbm>> -> memref<128xi32, #tpu.memory_space<hbm>>
          %dma_start3A_89 = arith.constant 0 : i32
          %dma_start3A_90 = tpu.memref_slice %arg5[%run_scoped3A, %dma_start3A_89] : memref<4x128xi32, #tpu.memory_space<vmem>> -> memref<1x128xi32, #tpu.memory_space<vmem>>
          %dma_start3A_91 = tpu.memref_squeeze %dma_start3A_90 : memref<1x128xi32, #tpu.memory_space<vmem>> -> memref<128xi32, #tpu.memory_space<vmem>>
          %dma_start3A_92 = arith.constant 0 : i32
          %dma_start3A_93 = tpu.memref_slice %arg3[%add3A_12, %dma_start3A_92] : memref<500x128xi32, #tpu.memory_space<hbm>> -> memref<1x128xi32, #tpu.memory_space<hbm>>
          %dma_start3A_94 = tpu.memref_squeeze %dma_start3A_93 : memref<1x128xi32, #tpu.memory_space<hbm>> -> memref<128xi32, #tpu.memory_space<hbm>>
          tpu.enqueue_dma source(%dma_start3A_94 : memref<128xi32, #tpu.memory_space<hbm>>) target(%dma_start3A_91 : memref<128xi32, #tpu.memory_space<vmem>>) target_semaphore(%run_scoped3A_82 : memref<!tpu.dma_semaphore, #tpu.memory_space<semaphore_mem>>)
          %dma_wait3A = arith.constant 0 : i32
          %dma_wait3A_95 = tpu.memref_slice %arg5[%run_scoped3A, %dma_wait3A] : memref<4x128xi32, #tpu.memory_space<vmem>> -> memref<1x128xi32, #tpu.memory_space<vmem>>
          %dma_wait3A_96 = tpu.memref_squeeze %dma_wait3A_95 : memref<1x128xi32, #tpu.memory_space<vmem>> -> memref<128xi32, #tpu.memory_space<vmem>>
          %dma_wait3A_97 = arith.constant 0 : i32
          %dma_wait3A_98 = tpu.memref_slice %arg3[%add3A_12, %dma_wait3A_97] : memref<500x128xi32, #tpu.memory_space<hbm>> -> memref<1x128xi32, #tpu.memory_space<hbm>>
          %dma_wait3A_99 = tpu.memref_squeeze %dma_wait3A_98 : memref<1x128xi32, #tpu.memory_space<hbm>> -> memref<128xi32, #tpu.memory_space<hbm>>
          %dma_wait3A_100 = arith.constant 0 : i32
          %dma_wait3A_101 = tpu.memref_slice %arg5[%run_scoped3A, %dma_wait3A_100] : memref<4x128xi32, #tpu.memory_space<vmem>> -> memref<1x128xi32, #tpu.memory_space<vmem>>
          %dma_wait3A_102 = tpu.memref_squeeze %dma_wait3A_101 : memref<1x128xi32, #tpu.memory_space<vmem>> -> memref<128xi32, #tpu.memory_space<vmem>>
          %dma_wait3A_103 = arith.constant 0 : i32
          %dma_wait3A_104 = tpu.memref_slice %arg3[%add3A_12, %dma_wait3A_103] : memref<500x128xi32, #tpu.memory_space<hbm>> -> memref<1x128xi32, #tpu.memory_space<hbm>>
          %dma_wait3A_105 = tpu.memref_squeeze %dma_wait3A_104 : memref<1x128xi32, #tpu.memory_space<hbm>> -> memref<128xi32, #tpu.memory_space<hbm>>
          tpu.wait_dma2 semaphore(%run_scoped3A_82 : memref<!tpu.dma_semaphore, #tpu.memory_space<semaphore_mem>>) src(%dma_wait3A_105 : memref<128xi32, #tpu.memory_space<hbm>>) dst(%dma_wait3A_102 : memref<128xi32, #tpu.memory_space<vmem>>)
          tpu.yield
        }) : () -> ()
        %dma_start3A = arith.constant 0 : i32
        %dma_start3A_71 = arith.constant 0 : i32
        %dma_start3A_72 = arith.constant 0 : i32
        %dma_start3A_73 = arith.constant 0 : i32
        %dma_start3A_74 = tpu.memref_slice %arg6[%dma_start3A_71, %dma_start3A_72, %dma_start3A_73] : memref<4x128x32xf32, #tpu.memory_space<vmem>> -> memref<1x128x32xf32, #tpu.memory_space<vmem>>
        %dma_start3A_75 = tpu.memref_squeeze %dma_start3A_74 : memref<1x128x32xf32, #tpu.memory_space<vmem>> -> memref<128x32xf32, #tpu.memory_space<vmem>>
        %dma_start3A_76 = arith.constant 0 : i32
        %dma_start3A_77 = tpu.memref_slice %arg5[%dma_start3A, %dma_start3A_76] : memref<4x128xi32, #tpu.memory_space<vmem>> -> memref<1x128xi32, #tpu.memory_space<vmem>>
        %dma_start3A_78 = tpu.memref_squeeze %dma_start3A_77 : memref<1x128xi32, #tpu.memory_space<vmem>> -> memref<128xi32, #tpu.memory_space<vmem>>
        %dma_start3A_79 = arith.constant 0 : i32
        %dma_start3A_80 = arith.constant 0 : i32
        %dma_start3A_81 = tpu.memref_slice %arg2[%dma_start3A_79, %dma_start3A_80] : memref<10000x32xf32, #tpu.memory_space<hbm>> -> memref<10000x32xf32, #tpu.memory_space<hbm>>
        tpu.enqueue_indirect_dma source(%dma_start3A_81 : memref<10000x32xf32, #tpu.memory_space<hbm>>) target(%dma_start3A_75 : memref<128x32xf32, #tpu.memory_space<vmem>>) offsets(%dma_start3A_78 : memref<128xi32, #tpu.memory_space<vmem>>) semaphore(%arg7 : memref<!tpu.dma_semaphore, #tpu.memory_space<semaphore_mem>>)
      } else {
      }
      %lt3A_36 = arith.constant 500 : i32
      %lt3A_37 = arith.cmpi slt, %add3A_19, %lt3A_36 : i32
      %convert_element_type3A_38 = arith.extui %lt3A_37 : i1 to i32
      %cond3A_39 = arith.constant 0 : i32
      %cond3A_40 = arith.cmpi ne, %convert_element_type3A_38, %cond3A_39 : i32
      scf.if %cond3A_40 {
        %run_scoped3A = arith.constant 1 : i32
        "tpu.region"() ({
          %run_scoped3A_82 = tpu.sem_alloc : memref<!tpu.dma_semaphore, #tpu.memory_space<semaphore_mem>>
          %dma_start3A_83 = arith.constant 0 : i32
          %dma_start3A_84 = tpu.memref_slice %arg5[%run_scoped3A, %dma_start3A_83] : memref<4x128xi32, #tpu.memory_space<vmem>> -> memref<1x128xi32, #tpu.memory_space<vmem>>
          %dma_start3A_85 = tpu.memref_squeeze %dma_start3A_84 : memref<1x128xi32, #tpu.memory_space<vmem>> -> memref<128xi32, #tpu.memory_space<vmem>>
          %dma_start3A_86 = arith.constant 0 : i32
          %dma_start3A_87 = tpu.memref_slice %arg3[%add3A_19, %dma_start3A_86] : memref<500x128xi32, #tpu.memory_space<hbm>> -> memref<1x128xi32, #tpu.memory_space<hbm>>
          %dma_start3A_88 = tpu.memref_squeeze %dma_start3A_87 : memref<1x128xi32, #tpu.memory_space<hbm>> -> memref<128xi32, #tpu.memory_space<hbm>>
          %dma_start3A_89 = arith.constant 0 : i32
          %dma_start3A_90 = tpu.memref_slice %arg5[%run_scoped3A, %dma_start3A_89] : memref<4x128xi32, #tpu.memory_space<vmem>> -> memref<1x128xi32, #tpu.memory_space<vmem>>
          %dma_start3A_91 = tpu.memref_squeeze %dma_start3A_90 : memref<1x128xi32, #tpu.memory_space<vmem>> -> memref<128xi32, #tpu.memory_space<vmem>>
          %dma_start3A_92 = arith.constant 0 : i32
          %dma_start3A_93 = tpu.memref_slice %arg3[%add3A_19, %dma_start3A_92] : memref<500x128xi32, #tpu.memory_space<hbm>> -> memref<1x128xi32, #tpu.memory_space<hbm>>
          %dma_start3A_94 = tpu.memref_squeeze %dma_start3A_93 : memref<1x128xi32, #tpu.memory_space<hbm>> -> memref<128xi32, #tpu.memory_space<hbm>>
          tpu.enqueue_dma source(%dma_start3A_94 : memref<128xi32, #tpu.memory_space<hbm>>) target(%dma_start3A_91 : memref<128xi32, #tpu.memory_space<vmem>>) target_semaphore(%run_scoped3A_82 : memref<!tpu.dma_semaphore, #tpu.memory_space<semaphore_mem>>)
          %dma_wait3A = arith.constant 0 : i32
          %dma_wait3A_95 = tpu.memref_slice %arg5[%run_scoped3A, %dma_wait3A] : memref<4x128xi32, #tpu.memory_space<vmem>> -> memref<1x128xi32, #tpu.memory_space<vmem>>
          %dma_wait3A_96 = tpu.memref_squeeze %dma_wait3A_95 : memref<1x128xi32, #tpu.memory_space<vmem>> -> memref<128xi32, #tpu.memory_space<vmem>>
          %dma_wait3A_97 = arith.constant 0 : i32
          %dma_wait3A_98 = tpu.memref_slice %arg3[%add3A_19, %dma_wait3A_97] : memref<500x128xi32, #tpu.memory_space<hbm>> -> memref<1x128xi32, #tpu.memory_space<hbm>>
          %dma_wait3A_99 = tpu.memref_squeeze %dma_wait3A_98 : memref<1x128xi32, #tpu.memory_space<hbm>> -> memref<128xi32, #tpu.memory_space<hbm>>
          %dma_wait3A_100 = arith.constant 0 : i32
          %dma_wait3A_101 = tpu.memref_slice %arg5[%run_scoped3A, %dma_wait3A_100] : memref<4x128xi32, #tpu.memory_space<vmem>> -> memref<1x128xi32, #tpu.memory_space<vmem>>
          %dma_wait3A_102 = tpu.memref_squeeze %dma_wait3A_101 : memref<1x128xi32, #tpu.memory_space<vmem>> -> memref<128xi32, #tpu.memory_space<vmem>>
          %dma_wait3A_103 = arith.constant 0 : i32
          %dma_wait3A_104 = tpu.memref_slice %arg3[%add3A_19, %dma_wait3A_103] : memref<500x128xi32, #tpu.memory_space<hbm>> -> memref<1x128xi32, #tpu.memory_space<hbm>>
          %dma_wait3A_105 = tpu.memref_squeeze %dma_wait3A_104 : memref<1x128xi32, #tpu.memory_space<hbm>> -> memref<128xi32, #tpu.memory_space<hbm>>
          tpu.wait_dma2 semaphore(%run_scoped3A_82 : memref<!tpu.dma_semaphore, #tpu.memory_space<semaphore_mem>>) src(%dma_wait3A_105 : memref<128xi32, #tpu.memory_space<hbm>>) dst(%dma_wait3A_102 : memref<128xi32, #tpu.memory_space<vmem>>)
          tpu.yield
        }) : () -> ()
        %dma_start3A = arith.constant 1 : i32
        %dma_start3A_71 = arith.constant 1 : i32
        %dma_start3A_72 = arith.constant 0 : i32
        %dma_start3A_73 = arith.constant 0 : i32
        %dma_start3A_74 = tpu.memref_slice %arg6[%dma_start3A_71, %dma_start3A_72, %dma_start3A_73] : memref<4x128x32xf32, #tpu.memory_space<vmem>> -> memref<1x128x32xf32, #tpu.memory_space<vmem>>
        %dma_start3A_75 = tpu.memref_squeeze %dma_start3A_74 : memref<1x128x32xf32, #tpu.memory_space<vmem>> -> memref<128x32xf32, #tpu.memory_space<vmem>>
        %dma_start3A_76 = arith.constant 0 : i32
        %dma_start3A_77 = tpu.memref_slice %arg5[%dma_start3A, %dma_start3A_76] : memref<4x128xi32, #tpu.memory_space<vmem>> -> memref<1x128xi32, #tpu.memory_space<vmem>>
        %dma_start3A_78 = tpu.memref_squeeze %dma_start3A_77 : memref<1x128xi32, #tpu.memory_space<vmem>> -> memref<128xi32, #tpu.memory_space<vmem>>
        %dma_start3A_79 = arith.constant 0 : i32
        %dma_start3A_80 = arith.constant 0 : i32
        %dma_start3A_81 = tpu.memref_slice %arg2[%dma_start3A_79, %dma_start3A_80] : memref<10000x32xf32, #tpu.memory_space<hbm>> -> memref<10000x32xf32, #tpu.memory_space<hbm>>
        tpu.enqueue_indirect_dma source(%dma_start3A_81 : memref<10000x32xf32, #tpu.memory_space<hbm>>) target(%dma_start3A_75 : memref<128x32xf32, #tpu.memory_space<vmem>>) offsets(%dma_start3A_78 : memref<128xi32, #tpu.memory_space<vmem>>) semaphore(%arg8 : memref<!tpu.dma_semaphore, #tpu.memory_space<semaphore_mem>>)
      } else {
      }
      %lt3A_41 = arith.constant 500 : i32
      %lt3A_42 = arith.cmpi slt, %add3A_26, %lt3A_41 : i32
      %convert_element_type3A_43 = arith.extui %lt3A_42 : i1 to i32
      %cond3A_44 = arith.constant 0 : i32
      %cond3A_45 = arith.cmpi ne, %convert_element_type3A_43, %cond3A_44 : i32
      scf.if %cond3A_45 {
        %run_scoped3A = arith.constant 2 : i32
        "tpu.region"() ({
          %run_scoped3A_82 = tpu.sem_alloc : memref<!tpu.dma_semaphore, #tpu.memory_space<semaphore_mem>>
          %dma_start3A_83 = arith.constant 0 : i32
          %dma_start3A_84 = tpu.memref_slice %arg5[%run_scoped3A, %dma_start3A_83] : memref<4x128xi32, #tpu.memory_space<vmem>> -> memref<1x128xi32, #tpu.memory_space<vmem>>
          %dma_start3A_85 = tpu.memref_squeeze %dma_start3A_84 : memref<1x128xi32, #tpu.memory_space<vmem>> -> memref<128xi32, #tpu.memory_space<vmem>>
          %dma_start3A_86 = arith.constant 0 : i32
          %dma_start3A_87 = tpu.memref_slice %arg3[%add3A_26, %dma_start3A_86] : memref<500x128xi32, #tpu.memory_space<hbm>> -> memref<1x128xi32, #tpu.memory_space<hbm>>
          %dma_start3A_88 = tpu.memref_squeeze %dma_start3A_87 : memref<1x128xi32, #tpu.memory_space<hbm>> -> memref<128xi32, #tpu.memory_space<hbm>>
          %dma_start3A_89 = arith.constant 0 : i32
          %dma_start3A_90 = tpu.memref_slice %arg5[%run_scoped3A, %dma_start3A_89] : memref<4x128xi32, #tpu.memory_space<vmem>> -> memref<1x128xi32, #tpu.memory_space<vmem>>
          %dma_start3A_91 = tpu.memref_squeeze %dma_start3A_90 : memref<1x128xi32, #tpu.memory_space<vmem>> -> memref<128xi32, #tpu.memory_space<vmem>>
          %dma_start3A_92 = arith.constant 0 : i32
          %dma_start3A_93 = tpu.memref_slice %arg3[%add3A_26, %dma_start3A_92] : memref<500x128xi32, #tpu.memory_space<hbm>> -> memref<1x128xi32, #tpu.memory_space<hbm>>
          %dma_start3A_94 = tpu.memref_squeeze %dma_start3A_93 : memref<1x128xi32, #tpu.memory_space<hbm>> -> memref<128xi32, #tpu.memory_space<hbm>>
          tpu.enqueue_dma source(%dma_start3A_94 : memref<128xi32, #tpu.memory_space<hbm>>) target(%dma_start3A_91 : memref<128xi32, #tpu.memory_space<vmem>>) target_semaphore(%run_scoped3A_82 : memref<!tpu.dma_semaphore, #tpu.memory_space<semaphore_mem>>)
          %dma_wait3A = arith.constant 0 : i32
          %dma_wait3A_95 = tpu.memref_slice %arg5[%run_scoped3A, %dma_wait3A] : memref<4x128xi32, #tpu.memory_space<vmem>> -> memref<1x128xi32, #tpu.memory_space<vmem>>
          %dma_wait3A_96 = tpu.memref_squeeze %dma_wait3A_95 : memref<1x128xi32, #tpu.memory_space<vmem>> -> memref<128xi32, #tpu.memory_space<vmem>>
          %dma_wait3A_97 = arith.constant 0 : i32
          %dma_wait3A_98 = tpu.memref_slice %arg3[%add3A_26, %dma_wait3A_97] : memref<500x128xi32, #tpu.memory_space<hbm>> -> memref<1x128xi32, #tpu.memory_space<hbm>>
          %dma_wait3A_99 = tpu.memref_squeeze %dma_wait3A_98 : memref<1x128xi32, #tpu.memory_space<hbm>> -> memref<128xi32, #tpu.memory_space<hbm>>
          %dma_wait3A_100 = arith.constant 0 : i32
          %dma_wait3A_101 = tpu.memref_slice %arg5[%run_scoped3A, %dma_wait3A_100] : memref<4x128xi32, #tpu.memory_space<vmem>> -> memref<1x128xi32, #tpu.memory_space<vmem>>
          %dma_wait3A_102 = tpu.memref_squeeze %dma_wait3A_101 : memref<1x128xi32, #tpu.memory_space<vmem>> -> memref<128xi32, #tpu.memory_space<vmem>>
          %dma_wait3A_103 = arith.constant 0 : i32
          %dma_wait3A_104 = tpu.memref_slice %arg3[%add3A_26, %dma_wait3A_103] : memref<500x128xi32, #tpu.memory_space<hbm>> -> memref<1x128xi32, #tpu.memory_space<hbm>>
          %dma_wait3A_105 = tpu.memref_squeeze %dma_wait3A_104 : memref<1x128xi32, #tpu.memory_space<hbm>> -> memref<128xi32, #tpu.memory_space<hbm>>
          tpu.wait_dma2 semaphore(%run_scoped3A_82 : memref<!tpu.dma_semaphore, #tpu.memory_space<semaphore_mem>>) src(%dma_wait3A_105 : memref<128xi32, #tpu.memory_space<hbm>>) dst(%dma_wait3A_102 : memref<128xi32, #tpu.memory_space<vmem>>)
          tpu.yield
        }) : () -> ()
        %dma_start3A = arith.constant 2 : i32
        %dma_start3A_71 = arith.constant 2 : i32
        %dma_start3A_72 = arith.constant 0 : i32
        %dma_start3A_73 = arith.constant 0 : i32
        %dma_start3A_74 = tpu.memref_slice %arg6[%dma_start3A_71, %dma_start3A_72, %dma_start3A_73] : memref<4x128x32xf32, #tpu.memory_space<vmem>> -> memref<1x128x32xf32, #tpu.memory_space<vmem>>
        %dma_start3A_75 = tpu.memref_squeeze %dma_start3A_74 : memref<1x128x32xf32, #tpu.memory_space<vmem>> -> memref<128x32xf32, #tpu.memory_space<vmem>>
        %dma_start3A_76 = arith.constant 0 : i32
        %dma_start3A_77 = tpu.memref_slice %arg5[%dma_start3A, %dma_start3A_76] : memref<4x128xi32, #tpu.memory_space<vmem>> -> memref<1x128xi32, #tpu.memory_space<vmem>>
        %dma_start3A_78 = tpu.memref_squeeze %dma_start3A_77 : memref<1x128xi32, #tpu.memory_space<vmem>> -> memref<128xi32, #tpu.memory_space<vmem>>
        %dma_start3A_79 = arith.constant 0 : i32
        %dma_start3A_80 = arith.constant 0 : i32
        %dma_start3A_81 = tpu.memref_slice %arg2[%dma_start3A_79, %dma_start3A_80] : memref<10000x32xf32, #tpu.memory_space<hbm>> -> memref<10000x32xf32, #tpu.memory_space<hbm>>
        tpu.enqueue_indirect_dma source(%dma_start3A_81 : memref<10000x32xf32, #tpu.memory_space<hbm>>) target(%dma_start3A_75 : memref<128x32xf32, #tpu.memory_space<vmem>>) offsets(%dma_start3A_78 : memref<128xi32, #tpu.memory_space<vmem>>) semaphore(%arg9 : memref<!tpu.dma_semaphore, #tpu.memory_space<semaphore_mem>>)
      } else {
      }
      %lt3A_46 = arith.constant 500 : i32
      %lt3A_47 = arith.cmpi slt, %add3A_33, %lt3A_46 : i32
      %convert_element_type3A_48 = arith.extui %lt3A_47 : i1 to i32
      %cond3A_49 = arith.constant 0 : i32
      %cond3A_50 = arith.cmpi ne, %convert_element_type3A_48, %cond3A_49 : i32
      scf.if %cond3A_50 {
        %run_scoped3A = arith.constant 3 : i32
        "tpu.region"() ({
          %run_scoped3A_82 = tpu.sem_alloc : memref<!tpu.dma_semaphore, #tpu.memory_space<semaphore_mem>>
          %dma_start3A_83 = arith.constant 0 : i32
          %dma_start3A_84 = tpu.memref_slice %arg5[%run_scoped3A, %dma_start3A_83] : memref<4x128xi32, #tpu.memory_space<vmem>> -> memref<1x128xi32, #tpu.memory_space<vmem>>
          %dma_start3A_85 = tpu.memref_squeeze %dma_start3A_84 : memref<1x128xi32, #tpu.memory_space<vmem>> -> memref<128xi32, #tpu.memory_space<vmem>>
          %dma_start3A_86 = arith.constant 0 : i32
          %dma_start3A_87 = tpu.memref_slice %arg3[%add3A_33, %dma_start3A_86] : memref<500x128xi32, #tpu.memory_space<hbm>> -> memref<1x128xi32, #tpu.memory_space<hbm>>
          %dma_start3A_88 = tpu.memref_squeeze %dma_start3A_87 : memref<1x128xi32, #tpu.memory_space<hbm>> -> memref<128xi32, #tpu.memory_space<hbm>>
          %dma_start3A_89 = arith.constant 0 : i32
          %dma_start3A_90 = tpu.memref_slice %arg5[%run_scoped3A, %dma_start3A_89] : memref<4x128xi32, #tpu.memory_space<vmem>> -> memref<1x128xi32, #tpu.memory_space<vmem>>
          %dma_start3A_91 = tpu.memref_squeeze %dma_start3A_90 : memref<1x128xi32, #tpu.memory_space<vmem>> -> memref<128xi32, #tpu.memory_space<vmem>>
          %dma_start3A_92 = arith.constant 0 : i32
          %dma_start3A_93 = tpu.memref_slice %arg3[%add3A_33, %dma_start3A_92] : memref<500x128xi32, #tpu.memory_space<hbm>> -> memref<1x128xi32, #tpu.memory_space<hbm>>
          %dma_start3A_94 = tpu.memref_squeeze %dma_start3A_93 : memref<1x128xi32, #tpu.memory_space<hbm>> -> memref<128xi32, #tpu.memory_space<hbm>>
          tpu.enqueue_dma source(%dma_start3A_94 : memref<128xi32, #tpu.memory_space<hbm>>) target(%dma_start3A_91 : memref<128xi32, #tpu.memory_space<vmem>>) target_semaphore(%run_scoped3A_82 : memref<!tpu.dma_semaphore, #tpu.memory_space<semaphore_mem>>)
          %dma_wait3A = arith.constant 0 : i32
          %dma_wait3A_95 = tpu.memref_slice %arg5[%run_scoped3A, %dma_wait3A] : memref<4x128xi32, #tpu.memory_space<vmem>> -> memref<1x128xi32, #tpu.memory_space<vmem>>
          %dma_wait3A_96 = tpu.memref_squeeze %dma_wait3A_95 : memref<1x128xi32, #tpu.memory_space<vmem>> -> memref<128xi32, #tpu.memory_space<vmem>>
          %dma_wait3A_97 = arith.constant 0 : i32
          %dma_wait3A_98 = tpu.memref_slice %arg3[%add3A_33, %dma_wait3A_97] : memref<500x128xi32, #tpu.memory_space<hbm>> -> memref<1x128xi32, #tpu.memory_space<hbm>>
          %dma_wait3A_99 = tpu.memref_squeeze %dma_wait3A_98 : memref<1x128xi32, #tpu.memory_space<hbm>> -> memref<128xi32, #tpu.memory_space<hbm>>
          %dma_wait3A_100 = arith.constant 0 : i32
          %dma_wait3A_101 = tpu.memref_slice %arg5[%run_scoped3A, %dma_wait3A_100] : memref<4x128xi32, #tpu.memory_space<vmem>> -> memref<1x128xi32, #tpu.memory_space<vmem>>
          %dma_wait3A_102 = tpu.memref_squeeze %dma_wait3A_101 : memref<1x128xi32, #tpu.memory_space<vmem>> -> memref<128xi32, #tpu.memory_space<vmem>>
          %dma_wait3A_103 = arith.constant 0 : i32
          %dma_wait3A_104 = tpu.memref_slice %arg3[%add3A_33, %dma_wait3A_103] : memref<500x128xi32, #tpu.memory_space<hbm>> -> memref<1x128xi32, #tpu.memory_space<hbm>>
          %dma_wait3A_105 = tpu.memref_squeeze %dma_wait3A_104 : memref<1x128xi32, #tpu.memory_space<hbm>> -> memref<128xi32, #tpu.memory_space<hbm>>
          tpu.wait_dma2 semaphore(%run_scoped3A_82 : memref<!tpu.dma_semaphore, #tpu.memory_space<semaphore_mem>>) src(%dma_wait3A_105 : memref<128xi32, #tpu.memory_space<hbm>>) dst(%dma_wait3A_102 : memref<128xi32, #tpu.memory_space<vmem>>)
          tpu.yield
        }) : () -> ()
        %dma_start3A = arith.constant 3 : i32
        %dma_start3A_71 = arith.constant 3 : i32
        %dma_start3A_72 = arith.constant 0 : i32
        %dma_start3A_73 = arith.constant 0 : i32
        %dma_start3A_74 = tpu.memref_slice %arg6[%dma_start3A_71, %dma_start3A_72, %dma_start3A_73] : memref<4x128x32xf32, #tpu.memory_space<vmem>> -> memref<1x128x32xf32, #tpu.memory_space<vmem>>
        %dma_start3A_75 = tpu.memref_squeeze %dma_start3A_74 : memref<1x128x32xf32, #tpu.memory_space<vmem>> -> memref<128x32xf32, #tpu.memory_space<vmem>>
        %dma_start3A_76 = arith.constant 0 : i32
        %dma_start3A_77 = tpu.memref_slice %arg5[%dma_start3A, %dma_start3A_76] : memref<4x128xi32, #tpu.memory_space<vmem>> -> memref<1x128xi32, #tpu.memory_space<vmem>>
        %dma_start3A_78 = tpu.memref_squeeze %dma_start3A_77 : memref<1x128xi32, #tpu.memory_space<vmem>> -> memref<128xi32, #tpu.memory_space<vmem>>
        %dma_start3A_79 = arith.constant 0 : i32
        %dma_start3A_80 = arith.constant 0 : i32
        %dma_start3A_81 = tpu.memref_slice %arg2[%dma_start3A_79, %dma_start3A_80] : memref<10000x32xf32, #tpu.memory_space<hbm>> -> memref<10000x32xf32, #tpu.memory_space<hbm>>
        tpu.enqueue_indirect_dma source(%dma_start3A_81 : memref<10000x32xf32, #tpu.memory_space<hbm>>) target(%dma_start3A_75 : memref<128x32xf32, #tpu.memory_space<vmem>>) offsets(%dma_start3A_78 : memref<128xi32, #tpu.memory_space<vmem>>) semaphore(%arg10 : memref<!tpu.dma_semaphore, #tpu.memory_space<semaphore_mem>>)
      } else {
      }
      %lt3A_51 = arith.constant 500 : i32
      %lt3A_52 = arith.cmpi slt, %add3A_12, %lt3A_51 : i32
      %convert_element_type3A_53 = arith.extui %lt3A_52 : i1 to i32
      %cond3A_54 = arith.constant 0 : i32
      %cond3A_55 = arith.cmpi ne, %convert_element_type3A_53, %cond3A_54 : i32
      scf.if %cond3A_55 {
        %dma_wait3A = arith.constant 0 : i32
        %dma_wait3A_71 = arith.constant 0 : i32
        %dma_wait3A_72 = arith.constant 0 : i32
        %dma_wait3A_73 = arith.constant 0 : i32
        %dma_wait3A_74 = tpu.memref_slice %arg6[%dma_wait3A_71, %dma_wait3A_72, %dma_wait3A_73] : memref<4x128x32xf32, #tpu.memory_space<vmem>> -> memref<1x128x32xf32, #tpu.memory_space<vmem>>
        %dma_wait3A_75 = tpu.memref_squeeze %dma_wait3A_74 : memref<1x128x32xf32, #tpu.memory_space<vmem>> -> memref<128x32xf32, #tpu.memory_space<vmem>>
        %dma_wait3A_76 = arith.constant 0 : i32
        %dma_wait3A_77 = tpu.memref_slice %arg5[%dma_wait3A, %dma_wait3A_76] : memref<4x128xi32, #tpu.memory_space<vmem>> -> memref<1x128xi32, #tpu.memory_space<vmem>>
        %dma_wait3A_78 = tpu.memref_squeeze %dma_wait3A_77 : memref<1x128xi32, #tpu.memory_space<vmem>> -> memref<128xi32, #tpu.memory_space<vmem>>
        %dma_wait3A_79 = arith.constant 0 : i32
        %dma_wait3A_80 = arith.constant 0 : i32
        %dma_wait3A_81 = tpu.memref_slice %arg2[%dma_wait3A_79, %dma_wait3A_80] : memref<10000x32xf32, #tpu.memory_space<hbm>> -> memref<10000x32xf32, #tpu.memory_space<hbm>>
        tpu.wait_indirect_dma semaphore(%arg7 : memref<!tpu.dma_semaphore, #tpu.memory_space<semaphore_mem>>) src(%dma_wait3A_81 : memref<10000x32xf32, #tpu.memory_space<hbm>>) dst(%dma_wait3A_75 : memref<128x32xf32, #tpu.memory_space<vmem>>)
        %run_scoped3A = arith.constant 0 : i32
        "tpu.region"() ({
          %run_scoped3A_82 = tpu.sem_alloc : memref<!tpu.dma_semaphore, #tpu.memory_space<semaphore_mem>>
          %dma_start3A = arith.constant 0 : i32
          %dma_start3A_83 = arith.constant 0 : i32
          %dma_start3A_84 = tpu.memref_slice %arg6[%run_scoped3A, %dma_start3A, %dma_start3A_83] : memref<4x128x32xf32, #tpu.memory_space<vmem>> -> memref<1x128x32xf32, #tpu.memory_space<vmem>>
          %dma_start3A_85 = tpu.memref_squeeze %dma_start3A_84 : memref<1x128x32xf32, #tpu.memory_space<vmem>> -> memref<128x32xf32, #tpu.memory_space<vmem>>
          %dma_start3A_86 = arith.constant 0 : i32
          %dma_start3A_87 = arith.constant 0 : i32
          %dma_start3A_88 = tpu.memref_slice %arg4[%add3A_12, %dma_start3A_86, %dma_start3A_87] : memref<500x128x32xf32, #tpu.memory_space<hbm>> -> memref<1x128x32xf32, #tpu.memory_space<hbm>>
          %dma_start3A_89 = tpu.memref_squeeze %dma_start3A_88 : memref<1x128x32xf32, #tpu.memory_space<hbm>> -> memref<128x32xf32, #tpu.memory_space<hbm>>
          %dma_start3A_90 = arith.constant 0 : i32
          %dma_start3A_91 = arith.constant 0 : i32
          %dma_start3A_92 = tpu.memref_slice %arg4[%add3A_12, %dma_start3A_90, %dma_start3A_91] : memref<500x128x32xf32, #tpu.memory_space<hbm>> -> memref<1x128x32xf32, #tpu.memory_space<hbm>>
          %dma_start3A_93 = tpu.memref_squeeze %dma_start3A_92 : memref<1x128x32xf32, #tpu.memory_space<hbm>> -> memref<128x32xf32, #tpu.memory_space<hbm>>
          %dma_start3A_94 = arith.constant 0 : i32
          %dma_start3A_95 = arith.constant 0 : i32
          %dma_start3A_96 = tpu.memref_slice %arg6[%run_scoped3A, %dma_start3A_94, %dma_start3A_95] : memref<4x128x32xf32, #tpu.memory_space<vmem>> -> memref<1x128x32xf32, #tpu.memory_space<vmem>>
          %dma_start3A_97 = tpu.memref_squeeze %dma_start3A_96 : memref<1x128x32xf32, #tpu.memory_space<vmem>> -> memref<128x32xf32, #tpu.memory_space<vmem>>
          tpu.enqueue_dma source(%dma_start3A_97 : memref<128x32xf32, #tpu.memory_space<vmem>>) target(%dma_start3A_93 : memref<128x32xf32, #tpu.memory_space<hbm>>) target_semaphore(%run_scoped3A_82 : memref<!tpu.dma_semaphore, #tpu.memory_space<semaphore_mem>>)
          %dma_wait3A_98 = arith.constant 0 : i32
          %dma_wait3A_99 = arith.constant 0 : i32
          %dma_wait3A_100 = tpu.memref_slice %arg6[%run_scoped3A, %dma_wait3A_98, %dma_wait3A_99] : memref<4x128x32xf32, #tpu.memory_space<vmem>> -> memref<1x128x32xf32, #tpu.memory_space<vmem>>
          %dma_wait3A_101 = tpu.memref_squeeze %dma_wait3A_100 : memref<1x128x32xf32, #tpu.memory_space<vmem>> -> memref<128x32xf32, #tpu.memory_space<vmem>>
          %dma_wait3A_102 = arith.constant 0 : i32
          %dma_wait3A_103 = arith.constant 0 : i32
          %dma_wait3A_104 = tpu.memref_slice %arg4[%add3A_12, %dma_wait3A_102, %dma_wait3A_103] : memref<500x128x32xf32, #tpu.memory_space<hbm>> -> memref<1x128x32xf32, #tpu.memory_space<hbm>>
          %dma_wait3A_105 = tpu.memref_squeeze %dma_wait3A_104 : memref<1x128x32xf32, #tpu.memory_space<hbm>> -> memref<128x32xf32, #tpu.memory_space<hbm>>
          %dma_wait3A_106 = arith.constant 0 : i32
          %dma_wait3A_107 = arith.constant 0 : i32
          %dma_wait3A_108 = tpu.memref_slice %arg4[%add3A_12, %dma_wait3A_106, %dma_wait3A_107] : memref<500x128x32xf32, #tpu.memory_space<hbm>> -> memref<1x128x32xf32, #tpu.memory_space<hbm>>
          %dma_wait3A_109 = tpu.memref_squeeze %dma_wait3A_108 : memref<1x128x32xf32, #tpu.memory_space<hbm>> -> memref<128x32xf32, #tpu.memory_space<hbm>>
          %dma_wait3A_110 = arith.constant 0 : i32
          %dma_wait3A_111 = arith.constant 0 : i32
          %dma_wait3A_112 = tpu.memref_slice %arg6[%run_scoped3A, %dma_wait3A_110, %dma_wait3A_111] : memref<4x128x32xf32, #tpu.memory_space<vmem>> -> memref<1x128x32xf32, #tpu.memory_space<vmem>>
          %dma_wait3A_113 = tpu.memref_squeeze %dma_wait3A_112 : memref<1x128x32xf32, #tpu.memory_space<vmem>> -> memref<128x32xf32, #tpu.memory_space<vmem>>
          tpu.wait_dma2 semaphore(%run_scoped3A_82 : memref<!tpu.dma_semaphore, #tpu.memory_space<semaphore_mem>>) src(%dma_wait3A_113 : memref<128x32xf32, #tpu.memory_space<vmem>>) dst(%dma_wait3A_109 : memref<128x32xf32, #tpu.memory_space<hbm>>)
          tpu.yield
        }) : () -> ()
      } else {
      }
      %lt3A_56 = arith.constant 500 : i32
      %lt3A_57 = arith.cmpi slt, %add3A_19, %lt3A_56 : i32
      %convert_element_type3A_58 = arith.extui %lt3A_57 : i1 to i32
      %cond3A_59 = arith.constant 0 : i32
      %cond3A_60 = arith.cmpi ne, %convert_element_type3A_58, %cond3A_59 : i32
      scf.if %cond3A_60 {
        %dma_wait3A = arith.constant 1 : i32
        %dma_wait3A_71 = arith.constant 1 : i32
        %dma_wait3A_72 = arith.constant 0 : i32
        %dma_wait3A_73 = arith.constant 0 : i32
        %dma_wait3A_74 = tpu.memref_slice %arg6[%dma_wait3A_71, %dma_wait3A_72, %dma_wait3A_73] : memref<4x128x32xf32, #tpu.memory_space<vmem>> -> memref<1x128x32xf32, #tpu.memory_space<vmem>>
        %dma_wait3A_75 = tpu.memref_squeeze %dma_wait3A_74 : memref<1x128x32xf32, #tpu.memory_space<vmem>> -> memref<128x32xf32, #tpu.memory_space<vmem>>
        %dma_wait3A_76 = arith.constant 0 : i32
        %dma_wait3A_77 = tpu.memref_slice %arg5[%dma_wait3A, %dma_wait3A_76] : memref<4x128xi32, #tpu.memory_space<vmem>> -> memref<1x128xi32, #tpu.memory_space<vmem>>
        %dma_wait3A_78 = tpu.memref_squeeze %dma_wait3A_77 : memref<1x128xi32, #tpu.memory_space<vmem>> -> memref<128xi32, #tpu.memory_space<vmem>>
        %dma_wait3A_79 = arith.constant 0 : i32
        %dma_wait3A_80 = arith.constant 0 : i32
        %dma_wait3A_81 = tpu.memref_slice %arg2[%dma_wait3A_79, %dma_wait3A_80] : memref<10000x32xf32, #tpu.memory_space<hbm>> -> memref<10000x32xf32, #tpu.memory_space<hbm>>
        tpu.wait_indirect_dma semaphore(%arg8 : memref<!tpu.dma_semaphore, #tpu.memory_space<semaphore_mem>>) src(%dma_wait3A_81 : memref<10000x32xf32, #tpu.memory_space<hbm>>) dst(%dma_wait3A_75 : memref<128x32xf32, #tpu.memory_space<vmem>>)
        %run_scoped3A = arith.constant 1 : i32
        "tpu.region"() ({
          %run_scoped3A_82 = tpu.sem_alloc : memref<!tpu.dma_semaphore, #tpu.memory_space<semaphore_mem>>
          %dma_start3A = arith.constant 0 : i32
          %dma_start3A_83 = arith.constant 0 : i32
          %dma_start3A_84 = tpu.memref_slice %arg6[%run_scoped3A, %dma_start3A, %dma_start3A_83] : memref<4x128x32xf32, #tpu.memory_space<vmem>> -> memref<1x128x32xf32, #tpu.memory_space<vmem>>
          %dma_start3A_85 = tpu.memref_squeeze %dma_start3A_84 : memref<1x128x32xf32, #tpu.memory_space<vmem>> -> memref<128x32xf32, #tpu.memory_space<vmem>>
          %dma_start3A_86 = arith.constant 0 : i32
          %dma_start3A_87 = arith.constant 0 : i32
          %dma_start3A_88 = tpu.memref_slice %arg4[%add3A_19, %dma_start3A_86, %dma_start3A_87] : memref<500x128x32xf32, #tpu.memory_space<hbm>> -> memref<1x128x32xf32, #tpu.memory_space<hbm>>
          %dma_start3A_89 = tpu.memref_squeeze %dma_start3A_88 : memref<1x128x32xf32, #tpu.memory_space<hbm>> -> memref<128x32xf32, #tpu.memory_space<hbm>>
          %dma_start3A_90 = arith.constant 0 : i32
          %dma_start3A_91 = arith.constant 0 : i32
          %dma_start3A_92 = tpu.memref_slice %arg4[%add3A_19, %dma_start3A_90, %dma_start3A_91] : memref<500x128x32xf32, #tpu.memory_space<hbm>> -> memref<1x128x32xf32, #tpu.memory_space<hbm>>
          %dma_start3A_93 = tpu.memref_squeeze %dma_start3A_92 : memref<1x128x32xf32, #tpu.memory_space<hbm>> -> memref<128x32xf32, #tpu.memory_space<hbm>>
          %dma_start3A_94 = arith.constant 0 : i32
          %dma_start3A_95 = arith.constant 0 : i32
          %dma_start3A_96 = tpu.memref_slice %arg6[%run_scoped3A, %dma_start3A_94, %dma_start3A_95] : memref<4x128x32xf32, #tpu.memory_space<vmem>> -> memref<1x128x32xf32, #tpu.memory_space<vmem>>
          %dma_start3A_97 = tpu.memref_squeeze %dma_start3A_96 : memref<1x128x32xf32, #tpu.memory_space<vmem>> -> memref<128x32xf32, #tpu.memory_space<vmem>>
          tpu.enqueue_dma source(%dma_start3A_97 : memref<128x32xf32, #tpu.memory_space<vmem>>) target(%dma_start3A_93 : memref<128x32xf32, #tpu.memory_space<hbm>>) target_semaphore(%run_scoped3A_82 : memref<!tpu.dma_semaphore, #tpu.memory_space<semaphore_mem>>)
          %dma_wait3A_98 = arith.constant 0 : i32
          %dma_wait3A_99 = arith.constant 0 : i32
          %dma_wait3A_100 = tpu.memref_slice %arg6[%run_scoped3A, %dma_wait3A_98, %dma_wait3A_99] : memref<4x128x32xf32, #tpu.memory_space<vmem>> -> memref<1x128x32xf32, #tpu.memory_space<vmem>>
          %dma_wait3A_101 = tpu.memref_squeeze %dma_wait3A_100 : memref<1x128x32xf32, #tpu.memory_space<vmem>> -> memref<128x32xf32, #tpu.memory_space<vmem>>
          %dma_wait3A_102 = arith.constant 0 : i32
          %dma_wait3A_103 = arith.constant 0 : i32
          %dma_wait3A_104 = tpu.memref_slice %arg4[%add3A_19, %dma_wait3A_102, %dma_wait3A_103] : memref<500x128x32xf32, #tpu.memory_space<hbm>> -> memref<1x128x32xf32, #tpu.memory_space<hbm>>
          %dma_wait3A_105 = tpu.memref_squeeze %dma_wait3A_104 : memref<1x128x32xf32, #tpu.memory_space<hbm>> -> memref<128x32xf32, #tpu.memory_space<hbm>>
          %dma_wait3A_106 = arith.constant 0 : i32
          %dma_wait3A_107 = arith.constant 0 : i32
          %dma_wait3A_108 = tpu.memref_slice %arg4[%add3A_19, %dma_wait3A_106, %dma_wait3A_107] : memref<500x128x32xf32, #tpu.memory_space<hbm>> -> memref<1x128x32xf32, #tpu.memory_space<hbm>>
          %dma_wait3A_109 = tpu.memref_squeeze %dma_wait3A_108 : memref<1x128x32xf32, #tpu.memory_space<hbm>> -> memref<128x32xf32, #tpu.memory_space<hbm>>
          %dma_wait3A_110 = arith.constant 0 : i32
          %dma_wait3A_111 = arith.constant 0 : i32
          %dma_wait3A_112 = tpu.memref_slice %arg6[%run_scoped3A, %dma_wait3A_110, %dma_wait3A_111] : memref<4x128x32xf32, #tpu.memory_space<vmem>> -> memref<1x128x32xf32, #tpu.memory_space<vmem>>
          %dma_wait3A_113 = tpu.memref_squeeze %dma_wait3A_112 : memref<1x128x32xf32, #tpu.memory_space<vmem>> -> memref<128x32xf32, #tpu.memory_space<vmem>>
          tpu.wait_dma2 semaphore(%run_scoped3A_82 : memref<!tpu.dma_semaphore, #tpu.memory_space<semaphore_mem>>) src(%dma_wait3A_113 : memref<128x32xf32, #tpu.memory_space<vmem>>) dst(%dma_wait3A_109 : memref<128x32xf32, #tpu.memory_space<hbm>>)
          tpu.yield
        }) : () -> ()
      } else {
      }
      %lt3A_61 = arith.constant 500 : i32
      %lt3A_62 = arith.cmpi slt, %add3A_26, %lt3A_61 : i32
      %convert_element_type3A_63 = arith.extui %lt3A_62 : i1 to i32
      %cond3A_64 = arith.constant 0 : i32
      %cond3A_65 = arith.cmpi ne, %convert_element_type3A_63, %cond3A_64 : i32
      scf.if %cond3A_65 {
        %dma_wait3A = arith.constant 2 : i32
        %dma_wait3A_71 = arith.constant 2 : i32
        %dma_wait3A_72 = arith.constant 0 : i32
        %dma_wait3A_73 = arith.constant 0 : i32
        %dma_wait3A_74 = tpu.memref_slice %arg6[%dma_wait3A_71, %dma_wait3A_72, %dma_wait3A_73] : memref<4x128x32xf32, #tpu.memory_space<vmem>> -> memref<1x128x32xf32, #tpu.memory_space<vmem>>
        %dma_wait3A_75 = tpu.memref_squeeze %dma_wait3A_74 : memref<1x128x32xf32, #tpu.memory_space<vmem>> -> memref<128x32xf32, #tpu.memory_space<vmem>>
        %dma_wait3A_76 = arith.constant 0 : i32
        %dma_wait3A_77 = tpu.memref_slice %arg5[%dma_wait3A, %dma_wait3A_76] : memref<4x128xi32, #tpu.memory_space<vmem>> -> memref<1x128xi32, #tpu.memory_space<vmem>>
        %dma_wait3A_78 = tpu.memref_squeeze %dma_wait3A_77 : memref<1x128xi32, #tpu.memory_space<vmem>> -> memref<128xi32, #tpu.memory_space<vmem>>
        %dma_wait3A_79 = arith.constant 0 : i32
        %dma_wait3A_80 = arith.constant 0 : i32
        %dma_wait3A_81 = tpu.memref_slice %arg2[%dma_wait3A_79, %dma_wait3A_80] : memref<10000x32xf32, #tpu.memory_space<hbm>> -> memref<10000x32xf32, #tpu.memory_space<hbm>>
        tpu.wait_indirect_dma semaphore(%arg9 : memref<!tpu.dma_semaphore, #tpu.memory_space<semaphore_mem>>) src(%dma_wait3A_81 : memref<10000x32xf32, #tpu.memory_space<hbm>>) dst(%dma_wait3A_75 : memref<128x32xf32, #tpu.memory_space<vmem>>)
        %run_scoped3A = arith.constant 2 : i32
        "tpu.region"() ({
          %run_scoped3A_82 = tpu.sem_alloc : memref<!tpu.dma_semaphore, #tpu.memory_space<semaphore_mem>>
          %dma_start3A = arith.constant 0 : i32
          %dma_start3A_83 = arith.constant 0 : i32
          %dma_start3A_84 = tpu.memref_slice %arg6[%run_scoped3A, %dma_start3A, %dma_start3A_83] : memref<4x128x32xf32, #tpu.memory_space<vmem>> -> memref<1x128x32xf32, #tpu.memory_space<vmem>>
          %dma_start3A_85 = tpu.memref_squeeze %dma_start3A_84 : memref<1x128x32xf32, #tpu.memory_space<vmem>> -> memref<128x32xf32, #tpu.memory_space<vmem>>
          %dma_start3A_86 = arith.constant 0 : i32
          %dma_start3A_87 = arith.constant 0 : i32
          %dma_start3A_88 = tpu.memref_slice %arg4[%add3A_26, %dma_start3A_86, %dma_start3A_87] : memref<500x128x32xf32, #tpu.memory_space<hbm>> -> memref<1x128x32xf32, #tpu.memory_space<hbm>>
          %dma_start3A_89 = tpu.memref_squeeze %dma_start3A_88 : memref<1x128x32xf32, #tpu.memory_space<hbm>> -> memref<128x32xf32, #tpu.memory_space<hbm>>
          %dma_start3A_90 = arith.constant 0 : i32
          %dma_start3A_91 = arith.constant 0 : i32
          %dma_start3A_92 = tpu.memref_slice %arg4[%add3A_26, %dma_start3A_90, %dma_start3A_91] : memref<500x128x32xf32, #tpu.memory_space<hbm>> -> memref<1x128x32xf32, #tpu.memory_space<hbm>>
          %dma_start3A_93 = tpu.memref_squeeze %dma_start3A_92 : memref<1x128x32xf32, #tpu.memory_space<hbm>> -> memref<128x32xf32, #tpu.memory_space<hbm>>
          %dma_start3A_94 = arith.constant 0 : i32
          %dma_start3A_95 = arith.constant 0 : i32
          %dma_start3A_96 = tpu.memref_slice %arg6[%run_scoped3A, %dma_start3A_94, %dma_start3A_95] : memref<4x128x32xf32, #tpu.memory_space<vmem>> -> memref<1x128x32xf32, #tpu.memory_space<vmem>>
          %dma_start3A_97 = tpu.memref_squeeze %dma_start3A_96 : memref<1x128x32xf32, #tpu.memory_space<vmem>> -> memref<128x32xf32, #tpu.memory_space<vmem>>
          tpu.enqueue_dma source(%dma_start3A_97 : memref<128x32xf32, #tpu.memory_space<vmem>>) target(%dma_start3A_93 : memref<128x32xf32, #tpu.memory_space<hbm>>) target_semaphore(%run_scoped3A_82 : memref<!tpu.dma_semaphore, #tpu.memory_space<semaphore_mem>>)
          %dma_wait3A_98 = arith.constant 0 : i32
          %dma_wait3A_99 = arith.constant 0 : i32
          %dma_wait3A_100 = tpu.memref_slice %arg6[%run_scoped3A, %dma_wait3A_98, %dma_wait3A_99] : memref<4x128x32xf32, #tpu.memory_space<vmem>> -> memref<1x128x32xf32, #tpu.memory_space<vmem>>
          %dma_wait3A_101 = tpu.memref_squeeze %dma_wait3A_100 : memref<1x128x32xf32, #tpu.memory_space<vmem>> -> memref<128x32xf32, #tpu.memory_space<vmem>>
          %dma_wait3A_102 = arith.constant 0 : i32
          %dma_wait3A_103 = arith.constant 0 : i32
          %dma_wait3A_104 = tpu.memref_slice %arg4[%add3A_26, %dma_wait3A_102, %dma_wait3A_103] : memref<500x128x32xf32, #tpu.memory_space<hbm>> -> memref<1x128x32xf32, #tpu.memory_space<hbm>>
          %dma_wait3A_105 = tpu.memref_squeeze %dma_wait3A_104 : memref<1x128x32xf32, #tpu.memory_space<hbm>> -> memref<128x32xf32, #tpu.memory_space<hbm>>
          %dma_wait3A_106 = arith.constant 0 : i32
          %dma_wait3A_107 = arith.constant 0 : i32
          %dma_wait3A_108 = tpu.memref_slice %arg4[%add3A_26, %dma_wait3A_106, %dma_wait3A_107] : memref<500x128x32xf32, #tpu.memory_space<hbm>> -> memref<1x128x32xf32, #tpu.memory_space<hbm>>
          %dma_wait3A_109 = tpu.memref_squeeze %dma_wait3A_108 : memref<1x128x32xf32, #tpu.memory_space<hbm>> -> memref<128x32xf32, #tpu.memory_space<hbm>>
          %dma_wait3A_110 = arith.constant 0 : i32
          %dma_wait3A_111 = arith.constant 0 : i32
          %dma_wait3A_112 = tpu.memref_slice %arg6[%run_scoped3A, %dma_wait3A_110, %dma_wait3A_111] : memref<4x128x32xf32, #tpu.memory_space<vmem>> -> memref<1x128x32xf32, #tpu.memory_space<vmem>>
          %dma_wait3A_113 = tpu.memref_squeeze %dma_wait3A_112 : memref<1x128x32xf32, #tpu.memory_space<vmem>> -> memref<128x32xf32, #tpu.memory_space<vmem>>
          tpu.wait_dma2 semaphore(%run_scoped3A_82 : memref<!tpu.dma_semaphore, #tpu.memory_space<semaphore_mem>>) src(%dma_wait3A_113 : memref<128x32xf32, #tpu.memory_space<vmem>>) dst(%dma_wait3A_109 : memref<128x32xf32, #tpu.memory_space<hbm>>)
          tpu.yield
        }) : () -> ()
      } else {
      }
      %lt3A_66 = arith.constant 500 : i32
      %lt3A_67 = arith.cmpi slt, %add3A_33, %lt3A_66 : i32
      %convert_element_type3A_68 = arith.extui %lt3A_67 : i1 to i32
      %cond3A_69 = arith.constant 0 : i32
      %cond3A_70 = arith.cmpi ne, %convert_element_type3A_68, %cond3A_69 : i32
      scf.if %cond3A_70 {
        %dma_wait3A = arith.constant 3 : i32
        %dma_wait3A_71 = arith.constant 3 : i32
        %dma_wait3A_72 = arith.constant 0 : i32
        %dma_wait3A_73 = arith.constant 0 : i32
        %dma_wait3A_74 = tpu.memref_slice %arg6[%dma_wait3A_71, %dma_wait3A_72, %dma_wait3A_73] : memref<4x128x32xf32, #tpu.memory_space<vmem>> -> memref<1x128x32xf32, #tpu.memory_space<vmem>>
        %dma_wait3A_75 = tpu.memref_squeeze %dma_wait3A_74 : memref<1x128x32xf32, #tpu.memory_space<vmem>> -> memref<128x32xf32, #tpu.memory_space<vmem>>
        %dma_wait3A_76 = arith.constant 0 : i32
        %dma_wait3A_77 = tpu.memref_slice %arg5[%dma_wait3A, %dma_wait3A_76] : memref<4x128xi32, #tpu.memory_space<vmem>> -> memref<1x128xi32, #tpu.memory_space<vmem>>
        %dma_wait3A_78 = tpu.memref_squeeze %dma_wait3A_77 : memref<1x128xi32, #tpu.memory_space<vmem>> -> memref<128xi32, #tpu.memory_space<vmem>>
        %dma_wait3A_79 = arith.constant 0 : i32
        %dma_wait3A_80 = arith.constant 0 : i32
        %dma_wait3A_81 = tpu.memref_slice %arg2[%dma_wait3A_79, %dma_wait3A_80] : memref<10000x32xf32, #tpu.memory_space<hbm>> -> memref<10000x32xf32, #tpu.memory_space<hbm>>
        tpu.wait_indirect_dma semaphore(%arg10 : memref<!tpu.dma_semaphore, #tpu.memory_space<semaphore_mem>>) src(%dma_wait3A_81 : memref<10000x32xf32, #tpu.memory_space<hbm>>) dst(%dma_wait3A_75 : memref<128x32xf32, #tpu.memory_space<vmem>>)
        %run_scoped3A = arith.constant 3 : i32
        "tpu.region"() ({
          %run_scoped3A_82 = tpu.sem_alloc : memref<!tpu.dma_semaphore, #tpu.memory_space<semaphore_mem>>
          %dma_start3A = arith.constant 0 : i32
          %dma_start3A_83 = arith.constant 0 : i32
          %dma_start3A_84 = tpu.memref_slice %arg6[%run_scoped3A, %dma_start3A, %dma_start3A_83] : memref<4x128x32xf32, #tpu.memory_space<vmem>> -> memref<1x128x32xf32, #tpu.memory_space<vmem>>
          %dma_start3A_85 = tpu.memref_squeeze %dma_start3A_84 : memref<1x128x32xf32, #tpu.memory_space<vmem>> -> memref<128x32xf32, #tpu.memory_space<vmem>>
          %dma_start3A_86 = arith.constant 0 : i32
          %dma_start3A_87 = arith.constant 0 : i32
          %dma_start3A_88 = tpu.memref_slice %arg4[%add3A_33, %dma_start3A_86, %dma_start3A_87] : memref<500x128x32xf32, #tpu.memory_space<hbm>> -> memref<1x128x32xf32, #tpu.memory_space<hbm>>
          %dma_start3A_89 = tpu.memref_squeeze %dma_start3A_88 : memref<1x128x32xf32, #tpu.memory_space<hbm>> -> memref<128x32xf32, #tpu.memory_space<hbm>>
          %dma_start3A_90 = arith.constant 0 : i32
          %dma_start3A_91 = arith.constant 0 : i32
          %dma_start3A_92 = tpu.memref_slice %arg4[%add3A_33, %dma_start3A_90, %dma_start3A_91] : memref<500x128x32xf32, #tpu.memory_space<hbm>> -> memref<1x128x32xf32, #tpu.memory_space<hbm>>
          %dma_start3A_93 = tpu.memref_squeeze %dma_start3A_92 : memref<1x128x32xf32, #tpu.memory_space<hbm>> -> memref<128x32xf32, #tpu.memory_space<hbm>>
          %dma_start3A_94 = arith.constant 0 : i32
          %dma_start3A_95 = arith.constant 0 : i32
          %dma_start3A_96 = tpu.memref_slice %arg6[%run_scoped3A, %dma_start3A_94, %dma_start3A_95] : memref<4x128x32xf32, #tpu.memory_space<vmem>> -> memref<1x128x32xf32, #tpu.memory_space<vmem>>
          %dma_start3A_97 = tpu.memref_squeeze %dma_start3A_96 : memref<1x128x32xf32, #tpu.memory_space<vmem>> -> memref<128x32xf32, #tpu.memory_space<vmem>>
          tpu.enqueue_dma source(%dma_start3A_97 : memref<128x32xf32, #tpu.memory_space<vmem>>) target(%dma_start3A_93 : memref<128x32xf32, #tpu.memory_space<hbm>>) target_semaphore(%run_scoped3A_82 : memref<!tpu.dma_semaphore, #tpu.memory_space<semaphore_mem>>)
          %dma_wait3A_98 = arith.constant 0 : i32
          %dma_wait3A_99 = arith.constant 0 : i32
          %dma_wait3A_100 = tpu.memref_slice %arg6[%run_scoped3A, %dma_wait3A_98, %dma_wait3A_99] : memref<4x128x32xf32, #tpu.memory_space<vmem>> -> memref<1x128x32xf32, #tpu.memory_space<vmem>>
          %dma_wait3A_101 = tpu.memref_squeeze %dma_wait3A_100 : memref<1x128x32xf32, #tpu.memory_space<vmem>> -> memref<128x32xf32, #tpu.memory_space<vmem>>
          %dma_wait3A_102 = arith.constant 0 : i32
          %dma_wait3A_103 = arith.constant 0 : i32
          %dma_wait3A_104 = tpu.memref_slice %arg4[%add3A_33, %dma_wait3A_102, %dma_wait3A_103] : memref<500x128x32xf32, #tpu.memory_space<hbm>> -> memref<1x128x32xf32, #tpu.memory_space<hbm>>
          %dma_wait3A_105 = tpu.memref_squeeze %dma_wait3A_104 : memref<1x128x32xf32, #tpu.memory_space<hbm>> -> memref<128x32xf32, #tpu.memory_space<hbm>>
          %dma_wait3A_106 = arith.constant 0 : i32
          %dma_wait3A_107 = arith.constant 0 : i32
          %dma_wait3A_108 = tpu.memref_slice %arg4[%add3A_33, %dma_wait3A_106, %dma_wait3A_107] : memref<500x128x32xf32, #tpu.memory_space<hbm>> -> memref<1x128x32xf32, #tpu.memory_space<hbm>>
          %dma_wait3A_109 = tpu.memref_squeeze %dma_wait3A_108 : memref<1x128x32xf32, #tpu.memory_space<hbm>> -> memref<128x32xf32, #tpu.memory_space<hbm>>
          %dma_wait3A_110 = arith.constant 0 : i32
          %dma_wait3A_111 = arith.constant 0 : i32
          %dma_wait3A_112 = tpu.memref_slice %arg6[%run_scoped3A, %dma_wait3A_110, %dma_wait3A_111] : memref<4x128x32xf32, #tpu.memory_space<vmem>> -> memref<1x128x32xf32, #tpu.memory_space<vmem>>
          %dma_wait3A_113 = tpu.memref_squeeze %dma_wait3A_112 : memref<1x128x32xf32, #tpu.memory_space<vmem>> -> memref<128x32xf32, #tpu.memory_space<vmem>>
          tpu.wait_dma2 semaphore(%run_scoped3A_82 : memref<!tpu.dma_semaphore, #tpu.memory_space<semaphore_mem>>) src(%dma_wait3A_113 : memref<128x32xf32, #tpu.memory_space<vmem>>) dst(%dma_wait3A_109 : memref<128x32xf32, #tpu.memory_space<hbm>>)
          tpu.yield
        }) : () -> ()
      } else {
      }
    }
    %scan3A_4 = arith.constant 4 : i32
    return
  }
}

#map = affine_map<(d0, d1) -> (0, 0)>
#map1 = affine_map<(d0, d1) -> (0, 0, 0)>
module attributes {stable_mosaic.version = 14 : i64} {
  func.func @k(%arg0: i32, %arg1: i32, %arg2: memref<10000x32xf32, #tpu.memory_space<hbm>>, %arg3: memref<500x128xi32, #tpu.memory_space<hbm>>, %arg4: memref<500x128x32xf32, #tpu.memory_space<hbm>>, %arg5: memref<4x128xi32, #tpu.memory_space<vmem>>, %arg6: memref<4x128x32xf32, #tpu.memory_space<vmem>>, %arg7: memref<!tpu.dma_semaphore, #tpu.memory_space<semaphore_mem>>, %arg8: memref<!tpu.dma_semaphore, #tpu.memory_space<semaphore_mem>>, %arg9: memref<!tpu.dma_semaphore, #tpu.memory_space<semaphore_mem>>, %arg10: memref<!tpu.dma_semaphore, #tpu.memory_space<semaphore_mem>>) attributes {dimension_semantics = [#tpu.dimension_semantics<core_parallel>, #tpu.dimension_semantics<subcore_parallel>], iteration_bounds = array<i64: 2, 16>, scalar_prefetch = 0 : i64, scratch_operands = 6 : i64, tpu.core_type = #tpu.core_type<sc_vector_subcore>, window_params = [{transform_indices = #map}, {transform_indices = #map}, {transform_indices = #map1}]} {
    %mul3A = arith.constant 2 : i32
    %mul3A_0 = arith.muli %arg1, %mul3A : i32
    %add3A = arith.addi %mul3A_0, %arg0 : i32
    %scan3A = arith.constant 0 : i32
    %scan3A_1 = arith.constant 4 : i32
    %scan3A_2 = arith.addi %scan3A, %scan3A_1 : i32
    %scan3A_3 = arith.constant 1 : i32
    scf.for %scan3A_5 = %scan3A to %scan3A_2 step %scan3A_3  : i32 {
      %mul3A_6 = arith.constant 4 : i32
      %mul3A_7 = arith.muli %mul3A_6, %scan3A_5 : i32
      %add3A_8 = arith.constant 0 : i32
      %add3A_9 = arith.addi %mul3A_7, %add3A_8 : i32
      %mul3A_10 = arith.constant 32 : i32
      %mul3A_11 = arith.muli %add3A_9, %mul3A_10 : i32
      %add3A_12 = arith.addi %mul3A_11, %add3A : i32
      %mul3A_13 = arith.constant 4 : i32
      %mul3A_14 = arith.muli %mul3A_13, %scan3A_5 : i32
      %add3A_15 = arith.constant 1 : i32
      %add3A_16 = arith.addi %mul3A_14, %add3A_15 : i32
      %mul3A_17 = arith.constant 32 : i32
      %mul3A_18 = arith.muli %add3A_16, %mul3A_17 : i32
      %add3A_19 = arith.addi %mul3A_18, %add3A : i32
      %mul3A_20 = arith.constant 4 : i32
      %mul3A_21 = arith.muli %mul3A_20, %scan3A_5 : i32
      %add3A_22 = arith.constant 2 : i32
      %add3A_23 = arith.addi %mul3A_21, %add3A_22 : i32
      %mul3A_24 = arith.constant 32 : i32
      %mul3A_25 = arith.muli %add3A_23, %mul3A_24 : i32
      %add3A_26 = arith.addi %mul3A_25, %add3A : i32
      %mul3A_27 = arith.constant 4 : i32
      %mul3A_28 = arith.muli %mul3A_27, %scan3A_5 : i32
      %add3A_29 = arith.constant 3 : i32
      %add3A_30 = arith.addi %mul3A_28, %add3A_29 : i32
      %mul3A_31 = arith.constant 32 : i32
      %mul3A_32 = arith.muli %add3A_30, %mul3A_31 : i32
      %add3A_33 = arith.addi %mul3A_32, %add3A : i32
      %lt3A = arith.constant 500 : i32
      %lt3A_34 = arith.cmpi slt, %add3A_12, %lt3A : i32
      %convert_element_type3A = arith.extui %lt3A_34 : i1 to i32
      %cond3A = arith.constant 0 : i32
      %cond3A_35 = arith.cmpi ne, %convert_element_type3A, %cond3A : i32
      scf.if %cond3A_35 {
        %run_scoped3A = arith.constant 0 : i32
        "tpu.region"() ({
          %run_scoped3A_82 = tpu.sem_alloc : memref<!tpu.dma_semaphore, #tpu.memory_space<semaphore_mem>>
          %dma_start3A_83 = arith.constant 0 : i32
          %dma_start3A_84 = tpu.memref_slice %arg5[%run_scoped3A, %dma_start3A_83] : memref<4x128xi32, #tpu.memory_space<vmem>> -> memref<1x128xi32, #tpu.memory_space<vmem>>
          %dma_start3A_85 = tpu.memref_squeeze %dma_start3A_84 : memref<1x128xi32, #tpu.memory_space<vmem>> -> memref<128xi32, #tpu.memory_space<vmem>>
          %dma_start3A_86 = arith.constant 0 : i32
          %dma_start3A_87 = tpu.memref_slice %arg3[%add3A_12, %dma_start3A_86] : memref<500x128xi32, #tpu.memory_space<hbm>> -> memref<1x128xi32, #tpu.memory_space<hbm>>
          %dma_start3A_88 = tpu.memref_squeeze %dma_start3A_87 : memref<1x128xi32, #tpu.memory_space<hbm>> -> memref<128xi32, #tpu.memory_space<hbm>>
          %dma_start3A_89 = arith.constant 0 : i32
          %dma_start3A_90 = tpu.memref_slice %arg5[%run_scoped3A, %dma_start3A_89] : memref<4x128xi32, #tpu.memory_space<vmem>> -> memref<1x128xi32, #tpu.memory_space<vmem>>
          %dma_start3A_91 = tpu.memref_squeeze %dma_start3A_90 : memref<1x128xi32, #tpu.memory_space<vmem>> -> memref<128xi32, #tpu.memory_space<vmem>>
          %dma_start3A_92 = arith.constant 0 : i32
          %dma_start3A_93 = tpu.memref_slice %arg3[%add3A_12, %dma_start3A_92] : memref<500x128xi32, #tpu.memory_space<hbm>> -> memref<1x128xi32, #tpu.memory_space<hbm>>
          %dma_start3A_94 = tpu.memref_squeeze %dma_start3A_93 : memref<1x128xi32, #tpu.memory_space<hbm>> -> memref<128xi32, #tpu.memory_space<hbm>>
          tpu.enqueue_dma source(%dma_start3A_94 : memref<128xi32, #tpu.memory_space<hbm>>) target(%dma_start3A_91 : memref<128xi32, #tpu.memory_space<vmem>>) target_semaphore(%run_scoped3A_82 : memref<!tpu.dma_semaphore, #tpu.memory_space<semaphore_mem>>)
          %dma_wait3A = arith.constant 0 : i32
          %dma_wait3A_95 = tpu.memref_slice %arg5[%run_scoped3A, %dma_wait3A] : memref<4x128xi32, #tpu.memory_space<vmem>> -> memref<1x128xi32, #tpu.memory_space<vmem>>
          %dma_wait3A_96 = tpu.memref_squeeze %dma_wait3A_95 : memref<1x128xi32, #tpu.memory_space<vmem>> -> memref<128xi32, #tpu.memory_space<vmem>>
          %dma_wait3A_97 = arith.constant 0 : i32
          %dma_wait3A_98 = tpu.memref_slice %arg3[%add3A_12, %dma_wait3A_97] : memref<500x128xi32, #tpu.memory_space<hbm>> -> memref<1x128xi32, #tpu.memory_space<hbm>>
          %dma_wait3A_99 = tpu.memref_squeeze %dma_wait3A_98 : memref<1x128xi32, #tpu.memory_space<hbm>> -> memref<128xi32, #tpu.memory_space<hbm>>
          %dma_wait3A_100 = arith.constant 0 : i32
          %dma_wait3A_101 = tpu.memref_slice %arg5[%run_scoped3A, %dma_wait3A_100] : memref<4x128xi32, #tpu.memory_space<vmem>> -> memref<1x128xi32, #tpu.memory_space<vmem>>
          %dma_wait3A_102 = tpu.memref_squeeze %dma_wait3A_101 : memref<1x128xi32, #tpu.memory_space<vmem>> -> memref<128xi32, #tpu.memory_space<vmem>>
          %dma_wait3A_103 = arith.constant 0 : i32
          %dma_wait3A_104 = tpu.memref_slice %arg3[%add3A_12, %dma_wait3A_103] : memref<500x128xi32, #tpu.memory_space<hbm>> -> memref<1x128xi32, #tpu.memory_space<hbm>>
          %dma_wait3A_105 = tpu.memref_squeeze %dma_wait3A_104 : memref<1x128xi32, #tpu.memory_space<hbm>> -> memref<128xi32, #tpu.memory_space<hbm>>
          tpu.wait_dma2 semaphore(%run_scoped3A_82 : memref<!tpu.dma_semaphore, #tpu.memory_space<semaphore_mem>>) src(%dma_wait3A_105 : memref<128xi32, #tpu.memory_space<hbm>>) dst(%dma_wait3A_102 : memref<128xi32, #tpu.memory_space<vmem>>)
          tpu.yield
        }) : () -> ()
        %dma_start3A = arith.constant 0 : i32
        %dma_start3A_71 = arith.constant 0 : i32
        %dma_start3A_72 = arith.constant 0 : i32
        %dma_start3A_73 = arith.constant 0 : i32
        %dma_start3A_74 = tpu.memref_slice %arg6[%dma_start3A_71, %dma_start3A_72, %dma_start3A_73] : memref<4x128x32xf32, #tpu.memory_space<vmem>> -> memref<1x128x32xf32, #tpu.memory_space<vmem>>
        %dma_start3A_75 = tpu.memref_squeeze %dma_start3A_74 : memref<1x128x32xf32, #tpu.memory_space<vmem>> -> memref<128x32xf32, #tpu.memory_space<vmem>>
        %dma_start3A_76 = arith.constant 0 : i32
        %dma_start3A_77 = tpu.memref_slice %arg5[%dma_start3A, %dma_start3A_76] : memref<4x128xi32, #tpu.memory_space<vmem>> -> memref<1x128xi32, #tpu.memory_space<vmem>>
        %dma_start3A_78 = tpu.memref_squeeze %dma_start3A_77 : memref<1x128xi32, #tpu.memory_space<vmem>> -> memref<128xi32, #tpu.memory_space<vmem>>
        %dma_start3A_79 = arith.constant 0 : i32
        %dma_start3A_80 = arith.constant 0 : i32
        %dma_start3A_81 = tpu.memref_slice %arg2[%dma_start3A_79, %dma_start3A_80] : memref<10000x32xf32, #tpu.memory_space<hbm>> -> memref<10000x32xf32, #tpu.memory_space<hbm>>
        tpu.enqueue_indirect_dma source(%dma_start3A_81 : memref<10000x32xf32, #tpu.memory_space<hbm>>) target(%dma_start3A_75 : memref<128x32xf32, #tpu.memory_space<vmem>>) offsets(%dma_start3A_78 : memref<128xi32, #tpu.memory_space<vmem>>) semaphore(%arg7 : memref<!tpu.dma_semaphore, #tpu.memory_space<semaphore_mem>>)
      } else {
      }
      %lt3A_36 = arith.constant 500 : i32
      %lt3A_37 = arith.cmpi slt, %add3A_19, %lt3A_36 : i32
      %convert_element_type3A_38 = arith.extui %lt3A_37 : i1 to i32
      %cond3A_39 = arith.constant 0 : i32
      %cond3A_40 = arith.cmpi ne, %convert_element_type3A_38, %cond3A_39 : i32
      scf.if %cond3A_40 {
        %run_scoped3A = arith.constant 1 : i32
        "tpu.region"() ({
          %run_scoped3A_82 = tpu.sem_alloc : memref<!tpu.dma_semaphore, #tpu.memory_space<semaphore_mem>>
          %dma_start3A_83 = arith.constant 0 : i32
          %dma_start3A_84 = tpu.memref_slice %arg5[%run_scoped3A, %dma_start3A_83] : memref<4x128xi32, #tpu.memory_space<vmem>> -> memref<1x128xi32, #tpu.memory_space<vmem>>
          %dma_start3A_85 = tpu.memref_squeeze %dma_start3A_84 : memref<1x128xi32, #tpu.memory_space<vmem>> -> memref<128xi32, #tpu.memory_space<vmem>>
          %dma_start3A_86 = arith.constant 0 : i32
          %dma_start3A_87 = tpu.memref_slice %arg3[%add3A_19, %dma_start3A_86] : memref<500x128xi32, #tpu.memory_space<hbm>> -> memref<1x128xi32, #tpu.memory_space<hbm>>
          %dma_start3A_88 = tpu.memref_squeeze %dma_start3A_87 : memref<1x128xi32, #tpu.memory_space<hbm>> -> memref<128xi32, #tpu.memory_space<hbm>>
          %dma_start3A_89 = arith.constant 0 : i32
          %dma_start3A_90 = tpu.memref_slice %arg5[%run_scoped3A, %dma_start3A_89] : memref<4x128xi32, #tpu.memory_space<vmem>> -> memref<1x128xi32, #tpu.memory_space<vmem>>
          %dma_start3A_91 = tpu.memref_squeeze %dma_start3A_90 : memref<1x128xi32, #tpu.memory_space<vmem>> -> memref<128xi32, #tpu.memory_space<vmem>>
          %dma_start3A_92 = arith.constant 0 : i32
          %dma_start3A_93 = tpu.memref_slice %arg3[%add3A_19, %dma_start3A_92] : memref<500x128xi32, #tpu.memory_space<hbm>> -> memref<1x128xi32, #tpu.memory_space<hbm>>
          %dma_start3A_94 = tpu.memref_squeeze %dma_start3A_93 : memref<1x128xi32, #tpu.memory_space<hbm>> -> memref<128xi32, #tpu.memory_space<hbm>>
          tpu.enqueue_dma source(%dma_start3A_94 : memref<128xi32, #tpu.memory_space<hbm>>) target(%dma_start3A_91 : memref<128xi32, #tpu.memory_space<vmem>>) target_semaphore(%run_scoped3A_82 : memref<!tpu.dma_semaphore, #tpu.memory_space<semaphore_mem>>)
          %dma_wait3A = arith.constant 0 : i32
          %dma_wait3A_95 = tpu.memref_slice %arg5[%run_scoped3A, %dma_wait3A] : memref<4x128xi32, #tpu.memory_space<vmem>> -> memref<1x128xi32, #tpu.memory_space<vmem>>
          %dma_wait3A_96 = tpu.memref_squeeze %dma_wait3A_95 : memref<1x128xi32, #tpu.memory_space<vmem>> -> memref<128xi32, #tpu.memory_space<vmem>>
          %dma_wait3A_97 = arith.constant 0 : i32
          %dma_wait3A_98 = tpu.memref_slice %arg3[%add3A_19, %dma_wait3A_97] : memref<500x128xi32, #tpu.memory_space<hbm>> -> memref<1x128xi32, #tpu.memory_space<hbm>>
          %dma_wait3A_99 = tpu.memref_squeeze %dma_wait3A_98 : memref<1x128xi32, #tpu.memory_space<hbm>> -> memref<128xi32, #tpu.memory_space<hbm>>
          %dma_wait3A_100 = arith.constant 0 : i32
          %dma_wait3A_101 = tpu.memref_slice %arg5[%run_scoped3A, %dma_wait3A_100] : memref<4x128xi32, #tpu.memory_space<vmem>> -> memref<1x128xi32, #tpu.memory_space<vmem>>
          %dma_wait3A_102 = tpu.memref_squeeze %dma_wait3A_101 : memref<1x128xi32, #tpu.memory_space<vmem>> -> memref<128xi32, #tpu.memory_space<vmem>>
          %dma_wait3A_103 = arith.constant 0 : i32
          %dma_wait3A_104 = tpu.memref_slice %arg3[%add3A_19, %dma_wait3A_103] : memref<500x128xi32, #tpu.memory_space<hbm>> -> memref<1x128xi32, #tpu.memory_space<hbm>>
          %dma_wait3A_105 = tpu.memref_squeeze %dma_wait3A_104 : memref<1x128xi32, #tpu.memory_space<hbm>> -> memref<128xi32, #tpu.memory_space<hbm>>
          tpu.wait_dma2 semaphore(%run_scoped3A_82 : memref<!tpu.dma_semaphore, #tpu.memory_space<semaphore_mem>>) src(%dma_wait3A_105 : memref<128xi32, #tpu.memory_space<hbm>>) dst(%dma_wait3A_102 : memref<128xi32, #tpu.memory_space<vmem>>)
          tpu.yield
        }) : () -> ()
        %dma_start3A = arith.constant 1 : i32
        %dma_start3A_71 = arith.constant 1 : i32
        %dma_start3A_72 = arith.constant 0 : i32
        %dma_start3A_73 = arith.constant 0 : i32
        %dma_start3A_74 = tpu.memref_slice %arg6[%dma_start3A_71, %dma_start3A_72, %dma_start3A_73] : memref<4x128x32xf32, #tpu.memory_space<vmem>> -> memref<1x128x32xf32, #tpu.memory_space<vmem>>
        %dma_start3A_75 = tpu.memref_squeeze %dma_start3A_74 : memref<1x128x32xf32, #tpu.memory_space<vmem>> -> memref<128x32xf32, #tpu.memory_space<vmem>>
        %dma_start3A_76 = arith.constant 0 : i32
        %dma_start3A_77 = tpu.memref_slice %arg5[%dma_start3A, %dma_start3A_76] : memref<4x128xi32, #tpu.memory_space<vmem>> -> memref<1x128xi32, #tpu.memory_space<vmem>>
        %dma_start3A_78 = tpu.memref_squeeze %dma_start3A_77 : memref<1x128xi32, #tpu.memory_space<vmem>> -> memref<128xi32, #tpu.memory_space<vmem>>
        %dma_start3A_79 = arith.constant 0 : i32
        %dma_start3A_80 = arith.constant 0 : i32
        %dma_start3A_81 = tpu.memref_slice %arg2[%dma_start3A_79, %dma_start3A_80] : memref<10000x32xf32, #tpu.memory_space<hbm>> -> memref<10000x32xf32, #tpu.memory_space<hbm>>
        tpu.enqueue_indirect_dma source(%dma_start3A_81 : memref<10000x32xf32, #tpu.memory_space<hbm>>) target(%dma_start3A_75 : memref<128x32xf32, #tpu.memory_space<vmem>>) offsets(%dma_start3A_78 : memref<128xi32, #tpu.memory_space<vmem>>) semaphore(%arg8 : memref<!tpu.dma_semaphore, #tpu.memory_space<semaphore_mem>>)
      } else {
      }
      %lt3A_41 = arith.constant 500 : i32
      %lt3A_42 = arith.cmpi slt, %add3A_26, %lt3A_41 : i32
      %convert_element_type3A_43 = arith.extui %lt3A_42 : i1 to i32
      %cond3A_44 = arith.constant 0 : i32
      %cond3A_45 = arith.cmpi ne, %convert_element_type3A_43, %cond3A_44 : i32
      scf.if %cond3A_45 {
        %run_scoped3A = arith.constant 2 : i32
        "tpu.region"() ({
          %run_scoped3A_82 = tpu.sem_alloc : memref<!tpu.dma_semaphore, #tpu.memory_space<semaphore_mem>>
          %dma_start3A_83 = arith.constant 0 : i32
          %dma_start3A_84 = tpu.memref_slice %arg5[%run_scoped3A, %dma_start3A_83] : memref<4x128xi32, #tpu.memory_space<vmem>> -> memref<1x128xi32, #tpu.memory_space<vmem>>
          %dma_start3A_85 = tpu.memref_squeeze %dma_start3A_84 : memref<1x128xi32, #tpu.memory_space<vmem>> -> memref<128xi32, #tpu.memory_space<vmem>>
          %dma_start3A_86 = arith.constant 0 : i32
          %dma_start3A_87 = tpu.memref_slice %arg3[%add3A_26, %dma_start3A_86] : memref<500x128xi32, #tpu.memory_space<hbm>> -> memref<1x128xi32, #tpu.memory_space<hbm>>
          %dma_start3A_88 = tpu.memref_squeeze %dma_start3A_87 : memref<1x128xi32, #tpu.memory_space<hbm>> -> memref<128xi32, #tpu.memory_space<hbm>>
          %dma_start3A_89 = arith.constant 0 : i32
          %dma_start3A_90 = tpu.memref_slice %arg5[%run_scoped3A, %dma_start3A_89] : memref<4x128xi32, #tpu.memory_space<vmem>> -> memref<1x128xi32, #tpu.memory_space<vmem>>
          %dma_start3A_91 = tpu.memref_squeeze %dma_start3A_90 : memref<1x128xi32, #tpu.memory_space<vmem>> -> memref<128xi32, #tpu.memory_space<vmem>>
          %dma_start3A_92 = arith.constant 0 : i32
          %dma_start3A_93 = tpu.memref_slice %arg3[%add3A_26, %dma_start3A_92] : memref<500x128xi32, #tpu.memory_space<hbm>> -> memref<1x128xi32, #tpu.memory_space<hbm>>
          %dma_start3A_94 = tpu.memref_squeeze %dma_start3A_93 : memref<1x128xi32, #tpu.memory_space<hbm>> -> memref<128xi32, #tpu.memory_space<hbm>>
          tpu.enqueue_dma source(%dma_start3A_94 : memref<128xi32, #tpu.memory_space<hbm>>) target(%dma_start3A_91 : memref<128xi32, #tpu.memory_space<vmem>>) target_semaphore(%run_scoped3A_82 : memref<!tpu.dma_semaphore, #tpu.memory_space<semaphore_mem>>)
          %dma_wait3A = arith.constant 0 : i32
          %dma_wait3A_95 = tpu.memref_slice %arg5[%run_scoped3A, %dma_wait3A] : memref<4x128xi32, #tpu.memory_space<vmem>> -> memref<1x128xi32, #tpu.memory_space<vmem>>
          %dma_wait3A_96 = tpu.memref_squeeze %dma_wait3A_95 : memref<1x128xi32, #tpu.memory_space<vmem>> -> memref<128xi32, #tpu.memory_space<vmem>>
          %dma_wait3A_97 = arith.constant 0 : i32
          %dma_wait3A_98 = tpu.memref_slice %arg3[%add3A_26, %dma_wait3A_97] : memref<500x128xi32, #tpu.memory_space<hbm>> -> memref<1x128xi32, #tpu.memory_space<hbm>>
          %dma_wait3A_99 = tpu.memref_squeeze %dma_wait3A_98 : memref<1x128xi32, #tpu.memory_space<hbm>> -> memref<128xi32, #tpu.memory_space<hbm>>
          %dma_wait3A_100 = arith.constant 0 : i32
          %dma_wait3A_101 = tpu.memref_slice %arg5[%run_scoped3A, %dma_wait3A_100] : memref<4x128xi32, #tpu.memory_space<vmem>> -> memref<1x128xi32, #tpu.memory_space<vmem>>
          %dma_wait3A_102 = tpu.memref_squeeze %dma_wait3A_101 : memref<1x128xi32, #tpu.memory_space<vmem>> -> memref<128xi32, #tpu.memory_space<vmem>>
          %dma_wait3A_103 = arith.constant 0 : i32
          %dma_wait3A_104 = tpu.memref_slice %arg3[%add3A_26, %dma_wait3A_103] : memref<500x128xi32, #tpu.memory_space<hbm>> -> memref<1x128xi32, #tpu.memory_space<hbm>>
          %dma_wait3A_105 = tpu.memref_squeeze %dma_wait3A_104 : memref<1x128xi32, #tpu.memory_space<hbm>> -> memref<128xi32, #tpu.memory_space<hbm>>
          tpu.wait_dma2 semaphore(%run_scoped3A_82 : memref<!tpu.dma_semaphore, #tpu.memory_space<semaphore_mem>>) src(%dma_wait3A_105 : memref<128xi32, #tpu.memory_space<hbm>>) dst(%dma_wait3A_102 : memref<128xi32, #tpu.memory_space<vmem>>)
          tpu.yield
        }) : () -> ()
        %dma_start3A = arith.constant 2 : i32
        %dma_start3A_71 = arith.constant 2 : i32
        %dma_start3A_72 = arith.constant 0 : i32
        %dma_start3A_73 = arith.constant 0 : i32
        %dma_start3A_74 = tpu.memref_slice %arg6[%dma_start3A_71, %dma_start3A_72, %dma_start3A_73] : memref<4x128x32xf32, #tpu.memory_space<vmem>> -> memref<1x128x32xf32, #tpu.memory_space<vmem>>
        %dma_start3A_75 = tpu.memref_squeeze %dma_start3A_74 : memref<1x128x32xf32, #tpu.memory_space<vmem>> -> memref<128x32xf32, #tpu.memory_space<vmem>>
        %dma_start3A_76 = arith.constant 0 : i32
        %dma_start3A_77 = tpu.memref_slice %arg5[%dma_start3A, %dma_start3A_76] : memref<4x128xi32, #tpu.memory_space<vmem>> -> memref<1x128xi32, #tpu.memory_space<vmem>>
        %dma_start3A_78 = tpu.memref_squeeze %dma_start3A_77 : memref<1x128xi32, #tpu.memory_space<vmem>> -> memref<128xi32, #tpu.memory_space<vmem>>
        %dma_start3A_79 = arith.constant 0 : i32
        %dma_start3A_80 = arith.constant 0 : i32
        %dma_start3A_81 = tpu.memref_slice %arg2[%dma_start3A_79, %dma_start3A_80] : memref<10000x32xf32, #tpu.memory_space<hbm>> -> memref<10000x32xf32, #tpu.memory_space<hbm>>
        tpu.enqueue_indirect_dma source(%dma_start3A_81 : memref<10000x32xf32, #tpu.memory_space<hbm>>) target(%dma_start3A_75 : memref<128x32xf32, #tpu.memory_space<vmem>>) offsets(%dma_start3A_78 : memref<128xi32, #tpu.memory_space<vmem>>) semaphore(%arg9 : memref<!tpu.dma_semaphore, #tpu.memory_space<semaphore_mem>>)
      } else {
      }
      %lt3A_46 = arith.constant 500 : i32
      %lt3A_47 = arith.cmpi slt, %add3A_33, %lt3A_46 : i32
      %convert_element_type3A_48 = arith.extui %lt3A_47 : i1 to i32
      %cond3A_49 = arith.constant 0 : i32
      %cond3A_50 = arith.cmpi ne, %convert_element_type3A_48, %cond3A_49 : i32
      scf.if %cond3A_50 {
        %run_scoped3A = arith.constant 3 : i32
        "tpu.region"() ({
          %run_scoped3A_82 = tpu.sem_alloc : memref<!tpu.dma_semaphore, #tpu.memory_space<semaphore_mem>>
          %dma_start3A_83 = arith.constant 0 : i32
          %dma_start3A_84 = tpu.memref_slice %arg5[%run_scoped3A, %dma_start3A_83] : memref<4x128xi32, #tpu.memory_space<vmem>> -> memref<1x128xi32, #tpu.memory_space<vmem>>
          %dma_start3A_85 = tpu.memref_squeeze %dma_start3A_84 : memref<1x128xi32, #tpu.memory_space<vmem>> -> memref<128xi32, #tpu.memory_space<vmem>>
          %dma_start3A_86 = arith.constant 0 : i32
          %dma_start3A_87 = tpu.memref_slice %arg3[%add3A_33, %dma_start3A_86] : memref<500x128xi32, #tpu.memory_space<hbm>> -> memref<1x128xi32, #tpu.memory_space<hbm>>
          %dma_start3A_88 = tpu.memref_squeeze %dma_start3A_87 : memref<1x128xi32, #tpu.memory_space<hbm>> -> memref<128xi32, #tpu.memory_space<hbm>>
          %dma_start3A_89 = arith.constant 0 : i32
          %dma_start3A_90 = tpu.memref_slice %arg5[%run_scoped3A, %dma_start3A_89] : memref<4x128xi32, #tpu.memory_space<vmem>> -> memref<1x128xi32, #tpu.memory_space<vmem>>
          %dma_start3A_91 = tpu.memref_squeeze %dma_start3A_90 : memref<1x128xi32, #tpu.memory_space<vmem>> -> memref<128xi32, #tpu.memory_space<vmem>>
          %dma_start3A_92 = arith.constant 0 : i32
          %dma_start3A_93 = tpu.memref_slice %arg3[%add3A_33, %dma_start3A_92] : memref<500x128xi32, #tpu.memory_space<hbm>> -> memref<1x128xi32, #tpu.memory_space<hbm>>
          %dma_start3A_94 = tpu.memref_squeeze %dma_start3A_93 : memref<1x128xi32, #tpu.memory_space<hbm>> -> memref<128xi32, #tpu.memory_space<hbm>>
          tpu.enqueue_dma source(%dma_start3A_94 : memref<128xi32, #tpu.memory_space<hbm>>) target(%dma_start3A_91 : memref<128xi32, #tpu.memory_space<vmem>>) target_semaphore(%run_scoped3A_82 : memref<!tpu.dma_semaphore, #tpu.memory_space<semaphore_mem>>)
          %dma_wait3A = arith.constant 0 : i32
          %dma_wait3A_95 = tpu.memref_slice %arg5[%run_scoped3A, %dma_wait3A] : memref<4x128xi32, #tpu.memory_space<vmem>> -> memref<1x128xi32, #tpu.memory_space<vmem>>
          %dma_wait3A_96 = tpu.memref_squeeze %dma_wait3A_95 : memref<1x128xi32, #tpu.memory_space<vmem>> -> memref<128xi32, #tpu.memory_space<vmem>>
          %dma_wait3A_97 = arith.constant 0 : i32
          %dma_wait3A_98 = tpu.memref_slice %arg3[%add3A_33, %dma_wait3A_97] : memref<500x128xi32, #tpu.memory_space<hbm>> -> memref<1x128xi32, #tpu.memory_space<hbm>>
          %dma_wait3A_99 = tpu.memref_squeeze %dma_wait3A_98 : memref<1x128xi32, #tpu.memory_space<hbm>> -> memref<128xi32, #tpu.memory_space<hbm>>
          %dma_wait3A_100 = arith.constant 0 : i32
          %dma_wait3A_101 = tpu.memref_slice %arg5[%run_scoped3A, %dma_wait3A_100] : memref<4x128xi32, #tpu.memory_space<vmem>> -> memref<1x128xi32, #tpu.memory_space<vmem>>
          %dma_wait3A_102 = tpu.memref_squeeze %dma_wait3A_101 : memref<1x128xi32, #tpu.memory_space<vmem>> -> memref<128xi32, #tpu.memory_space<vmem>>
          %dma_wait3A_103 = arith.constant 0 : i32
          %dma_wait3A_104 = tpu.memref_slice %arg3[%add3A_33, %dma_wait3A_103] : memref<500x128xi32, #tpu.memory_space<hbm>> -> memref<1x128xi32, #tpu.memory_space<hbm>>
          %dma_wait3A_105 = tpu.memref_squeeze %dma_wait3A_104 : memref<1x128xi32, #tpu.memory_space<hbm>> -> memref<128xi32, #tpu.memory_space<hbm>>
          tpu.wait_dma2 semaphore(%run_scoped3A_82 : memref<!tpu.dma_semaphore, #tpu.memory_space<semaphore_mem>>) src(%dma_wait3A_105 : memref<128xi32, #tpu.memory_space<hbm>>) dst(%dma_wait3A_102 : memref<128xi32, #tpu.memory_space<vmem>>)
          tpu.yield
        }) : () -> ()
        %dma_start3A = arith.constant 3 : i32
        %dma_start3A_71 = arith.constant 3 : i32
        %dma_start3A_72 = arith.constant 0 : i32
        %dma_start3A_73 = arith.constant 0 : i32
        %dma_start3A_74 = tpu.memref_slice %arg6[%dma_start3A_71, %dma_start3A_72, %dma_start3A_73] : memref<4x128x32xf32, #tpu.memory_space<vmem>> -> memref<1x128x32xf32, #tpu.memory_space<vmem>>
        %dma_start3A_75 = tpu.memref_squeeze %dma_start3A_74 : memref<1x128x32xf32, #tpu.memory_space<vmem>> -> memref<128x32xf32, #tpu.memory_space<vmem>>
        %dma_start3A_76 = arith.constant 0 : i32
        %dma_start3A_77 = tpu.memref_slice %arg5[%dma_start3A, %dma_start3A_76] : memref<4x128xi32, #tpu.memory_space<vmem>> -> memref<1x128xi32, #tpu.memory_space<vmem>>
        %dma_start3A_78 = tpu.memref_squeeze %dma_start3A_77 : memref<1x128xi32, #tpu.memory_space<vmem>> -> memref<128xi32, #tpu.memory_space<vmem>>
        %dma_start3A_79 = arith.constant 0 : i32
        %dma_start3A_80 = arith.constant 0 : i32
        %dma_start3A_81 = tpu.memref_slice %arg2[%dma_start3A_79, %dma_start3A_80] : memref<10000x32xf32, #tpu.memory_space<hbm>> -> memref<10000x32xf32, #tpu.memory_space<hbm>>
        tpu.enqueue_indirect_dma source(%dma_start3A_81 : memref<10000x32xf32, #tpu.memory_space<hbm>>) target(%dma_start3A_75 : memref<128x32xf32, #tpu.memory_space<vmem>>) offsets(%dma_start3A_78 : memref<128xi32, #tpu.memory_space<vmem>>) semaphore(%arg10 : memref<!tpu.dma_semaphore, #tpu.memory_space<semaphore_mem>>)
      } else {
      }
      %lt3A_51 = arith.constant 500 : i32
      %lt3A_52 = arith.cmpi slt, %add3A_12, %lt3A_51 : i32
      %convert_element_type3A_53 = arith.extui %lt3A_52 : i1 to i32
      %cond3A_54 = arith.constant 0 : i32
      %cond3A_55 = arith.cmpi ne, %convert_element_type3A_53, %cond3A_54 : i32
      scf.if %cond3A_55 {
        %dma_wait3A = arith.constant 0 : i32
        %dma_wait3A_71 = arith.constant 0 : i32
        %dma_wait3A_72 = arith.constant 0 : i32
        %dma_wait3A_73 = arith.constant 0 : i32
        %dma_wait3A_74 = tpu.memref_slice %arg6[%dma_wait3A_71, %dma_wait3A_72, %dma_wait3A_73] : memref<4x128x32xf32, #tpu.memory_space<vmem>> -> memref<1x128x32xf32, #tpu.memory_space<vmem>>
        %dma_wait3A_75 = tpu.memref_squeeze %dma_wait3A_74 : memref<1x128x32xf32, #tpu.memory_space<vmem>> -> memref<128x32xf32, #tpu.memory_space<vmem>>
        %dma_wait3A_76 = arith.constant 0 : i32
        %dma_wait3A_77 = tpu.memref_slice %arg5[%dma_wait3A, %dma_wait3A_76] : memref<4x128xi32, #tpu.memory_space<vmem>> -> memref<1x128xi32, #tpu.memory_space<vmem>>
        %dma_wait3A_78 = tpu.memref_squeeze %dma_wait3A_77 : memref<1x128xi32, #tpu.memory_space<vmem>> -> memref<128xi32, #tpu.memory_space<vmem>>
        %dma_wait3A_79 = arith.constant 0 : i32
        %dma_wait3A_80 = arith.constant 0 : i32
        %dma_wait3A_81 = tpu.memref_slice %arg2[%dma_wait3A_79, %dma_wait3A_80] : memref<10000x32xf32, #tpu.memory_space<hbm>> -> memref<10000x32xf32, #tpu.memory_space<hbm>>
        tpu.wait_indirect_dma semaphore(%arg7 : memref<!tpu.dma_semaphore, #tpu.memory_space<semaphore_mem>>) src(%dma_wait3A_81 : memref<10000x32xf32, #tpu.memory_space<hbm>>) dst(%dma_wait3A_75 : memref<128x32xf32, #tpu.memory_space<vmem>>)
        %run_scoped3A = arith.constant 0 : i32
        "tpu.region"() ({
          %run_scoped3A_82 = tpu.sem_alloc : memref<!tpu.dma_semaphore, #tpu.memory_space<semaphore_mem>>
          %dma_start3A = arith.constant 0 : i32
          %dma_start3A_83 = arith.constant 0 : i32
          %dma_start3A_84 = tpu.memref_slice %arg6[%run_scoped3A, %dma_start3A, %dma_start3A_83] : memref<4x128x32xf32, #tpu.memory_space<vmem>> -> memref<1x128x32xf32, #tpu.memory_space<vmem>>
          %dma_start3A_85 = tpu.memref_squeeze %dma_start3A_84 : memref<1x128x32xf32, #tpu.memory_space<vmem>> -> memref<128x32xf32, #tpu.memory_space<vmem>>
          %dma_start3A_86 = arith.constant 0 : i32
          %dma_start3A_87 = arith.constant 0 : i32
          %dma_start3A_88 = tpu.memref_slice %arg4[%add3A_12, %dma_start3A_86, %dma_start3A_87] : memref<500x128x32xf32, #tpu.memory_space<hbm>> -> memref<1x128x32xf32, #tpu.memory_space<hbm>>
          %dma_start3A_89 = tpu.memref_squeeze %dma_start3A_88 : memref<1x128x32xf32, #tpu.memory_space<hbm>> -> memref<128x32xf32, #tpu.memory_space<hbm>>
          %dma_start3A_90 = arith.constant 0 : i32
          %dma_start3A_91 = arith.constant 0 : i32
          %dma_start3A_92 = tpu.memref_slice %arg4[%add3A_12, %dma_start3A_90, %dma_start3A_91] : memref<500x128x32xf32, #tpu.memory_space<hbm>> -> memref<1x128x32xf32, #tpu.memory_space<hbm>>
          %dma_start3A_93 = tpu.memref_squeeze %dma_start3A_92 : memref<1x128x32xf32, #tpu.memory_space<hbm>> -> memref<128x32xf32, #tpu.memory_space<hbm>>
          %dma_start3A_94 = arith.constant 0 : i32
          %dma_start3A_95 = arith.constant 0 : i32
          %dma_start3A_96 = tpu.memref_slice %arg6[%run_scoped3A, %dma_start3A_94, %dma_start3A_95] : memref<4x128x32xf32, #tpu.memory_space<vmem>> -> memref<1x128x32xf32, #tpu.memory_space<vmem>>
          %dma_start3A_97 = tpu.memref_squeeze %dma_start3A_96 : memref<1x128x32xf32, #tpu.memory_space<vmem>> -> memref<128x32xf32, #tpu.memory_space<vmem>>
          tpu.enqueue_dma source(%dma_start3A_97 : memref<128x32xf32, #tpu.memory_space<vmem>>) target(%dma_start3A_93 : memref<128x32xf32, #tpu.memory_space<hbm>>) target_semaphore(%run_scoped3A_82 : memref<!tpu.dma_semaphore, #tpu.memory_space<semaphore_mem>>)
          %dma_wait3A_98 = arith.constant 0 : i32
          %dma_wait3A_99 = arith.constant 0 : i32
          %dma_wait3A_100 = tpu.memref_slice %arg6[%run_scoped3A, %dma_wait3A_98, %dma_wait3A_99] : memref<4x128x32xf32, #tpu.memory_space<vmem>> -> memref<1x128x32xf32, #tpu.memory_space<vmem>>
          %dma_wait3A_101 = tpu.memref_squeeze %dma_wait3A_100 : memref<1x128x32xf32, #tpu.memory_space<vmem>> -> memref<128x32xf32, #tpu.memory_space<vmem>>
          %dma_wait3A_102 = arith.constant 0 : i32
          %dma_wait3A_103 = arith.constant 0 : i32
          %dma_wait3A_104 = tpu.memref_slice %arg4[%add3A_12, %dma_wait3A_102, %dma_wait3A_103] : memref<500x128x32xf32, #tpu.memory_space<hbm>> -> memref<1x128x32xf32, #tpu.memory_space<hbm>>
          %dma_wait3A_105 = tpu.memref_squeeze %dma_wait3A_104 : memref<1x128x32xf32, #tpu.memory_space<hbm>> -> memref<128x32xf32, #tpu.memory_space<hbm>>
          %dma_wait3A_106 = arith.constant 0 : i32
          %dma_wait3A_107 = arith.constant 0 : i32
          %dma_wait3A_108 = tpu.memref_slice %arg4[%add3A_12, %dma_wait3A_106, %dma_wait3A_107] : memref<500x128x32xf32, #tpu.memory_space<hbm>> -> memref<1x128x32xf32, #tpu.memory_space<hbm>>
          %dma_wait3A_109 = tpu.memref_squeeze %dma_wait3A_108 : memref<1x128x32xf32, #tpu.memory_space<hbm>> -> memref<128x32xf32, #tpu.memory_space<hbm>>
          %dma_wait3A_110 = arith.constant 0 : i32
          %dma_wait3A_111 = arith.constant 0 : i32
          %dma_wait3A_112 = tpu.memref_slice %arg6[%run_scoped3A, %dma_wait3A_110, %dma_wait3A_111] : memref<4x128x32xf32, #tpu.memory_space<vmem>> -> memref<1x128x32xf32, #tpu.memory_space<vmem>>
          %dma_wait3A_113 = tpu.memref_squeeze %dma_wait3A_112 : memref<1x128x32xf32, #tpu.memory_space<vmem>> -> memref<128x32xf32, #tpu.memory_space<vmem>>
          tpu.wait_dma2 semaphore(%run_scoped3A_82 : memref<!tpu.dma_semaphore, #tpu.memory_space<semaphore_mem>>) src(%dma_wait3A_113 : memref<128x32xf32, #tpu.memory_space<vmem>>) dst(%dma_wait3A_109 : memref<128x32xf32, #tpu.memory_space<hbm>>)
          tpu.yield
        }) : () -> ()
      } else {
      }
      %lt3A_56 = arith.constant 500 : i32
      %lt3A_57 = arith.cmpi slt, %add3A_19, %lt3A_56 : i32
      %convert_element_type3A_58 = arith.extui %lt3A_57 : i1 to i32
      %cond3A_59 = arith.constant 0 : i32
      %cond3A_60 = arith.cmpi ne, %convert_element_type3A_58, %cond3A_59 : i32
      scf.if %cond3A_60 {
        %dma_wait3A = arith.constant 1 : i32
        %dma_wait3A_71 = arith.constant 1 : i32
        %dma_wait3A_72 = arith.constant 0 : i32
        %dma_wait3A_73 = arith.constant 0 : i32
        %dma_wait3A_74 = tpu.memref_slice %arg6[%dma_wait3A_71, %dma_wait3A_72, %dma_wait3A_73] : memref<4x128x32xf32, #tpu.memory_space<vmem>> -> memref<1x128x32xf32, #tpu.memory_space<vmem>>
        %dma_wait3A_75 = tpu.memref_squeeze %dma_wait3A_74 : memref<1x128x32xf32, #tpu.memory_space<vmem>> -> memref<128x32xf32, #tpu.memory_space<vmem>>
        %dma_wait3A_76 = arith.constant 0 : i32
        %dma_wait3A_77 = tpu.memref_slice %arg5[%dma_wait3A, %dma_wait3A_76] : memref<4x128xi32, #tpu.memory_space<vmem>> -> memref<1x128xi32, #tpu.memory_space<vmem>>
        %dma_wait3A_78 = tpu.memref_squeeze %dma_wait3A_77 : memref<1x128xi32, #tpu.memory_space<vmem>> -> memref<128xi32, #tpu.memory_space<vmem>>
        %dma_wait3A_79 = arith.constant 0 : i32
        %dma_wait3A_80 = arith.constant 0 : i32
        %dma_wait3A_81 = tpu.memref_slice %arg2[%dma_wait3A_79, %dma_wait3A_80] : memref<10000x32xf32, #tpu.memory_space<hbm>> -> memref<10000x32xf32, #tpu.memory_space<hbm>>
        tpu.wait_indirect_dma semaphore(%arg8 : memref<!tpu.dma_semaphore, #tpu.memory_space<semaphore_mem>>) src(%dma_wait3A_81 : memref<10000x32xf32, #tpu.memory_space<hbm>>) dst(%dma_wait3A_75 : memref<128x32xf32, #tpu.memory_space<vmem>>)
        %run_scoped3A = arith.constant 1 : i32
        "tpu.region"() ({
          %run_scoped3A_82 = tpu.sem_alloc : memref<!tpu.dma_semaphore, #tpu.memory_space<semaphore_mem>>
          %dma_start3A = arith.constant 0 : i32
          %dma_start3A_83 = arith.constant 0 : i32
          %dma_start3A_84 = tpu.memref_slice %arg6[%run_scoped3A, %dma_start3A, %dma_start3A_83] : memref<4x128x32xf32, #tpu.memory_space<vmem>> -> memref<1x128x32xf32, #tpu.memory_space<vmem>>
          %dma_start3A_85 = tpu.memref_squeeze %dma_start3A_84 : memref<1x128x32xf32, #tpu.memory_space<vmem>> -> memref<128x32xf32, #tpu.memory_space<vmem>>
          %dma_start3A_86 = arith.constant 0 : i32
          %dma_start3A_87 = arith.constant 0 : i32
          %dma_start3A_88 = tpu.memref_slice %arg4[%add3A_19, %dma_start3A_86, %dma_start3A_87] : memref<500x128x32xf32, #tpu.memory_space<hbm>> -> memref<1x128x32xf32, #tpu.memory_space<hbm>>
          %dma_start3A_89 = tpu.memref_squeeze %dma_start3A_88 : memref<1x128x32xf32, #tpu.memory_space<hbm>> -> memref<128x32xf32, #tpu.memory_space<hbm>>
          %dma_start3A_90 = arith.constant 0 : i32
          %dma_start3A_91 = arith.constant 0 : i32
          %dma_start3A_92 = tpu.memref_slice %arg4[%add3A_19, %dma_start3A_90, %dma_start3A_91] : memref<500x128x32xf32, #tpu.memory_space<hbm>> -> memref<1x128x32xf32, #tpu.memory_space<hbm>>
          %dma_start3A_93 = tpu.memref_squeeze %dma_start3A_92 : memref<1x128x32xf32, #tpu.memory_space<hbm>> -> memref<128x32xf32, #tpu.memory_space<hbm>>
          %dma_start3A_94 = arith.constant 0 : i32
          %dma_start3A_95 = arith.constant 0 : i32
          %dma_start3A_96 = tpu.memref_slice %arg6[%run_scoped3A, %dma_start3A_94, %dma_start3A_95] : memref<4x128x32xf32, #tpu.memory_space<vmem>> -> memref<1x128x32xf32, #tpu.memory_space<vmem>>
          %dma_start3A_97 = tpu.memref_squeeze %dma_start3A_96 : memref<1x128x32xf32, #tpu.memory_space<vmem>> -> memref<128x32xf32, #tpu.memory_space<vmem>>
          tpu.enqueue_dma source(%dma_start3A_97 : memref<128x32xf32, #tpu.memory_space<vmem>>) target(%dma_start3A_93 : memref<128x32xf32, #tpu.memory_space<hbm>>) target_semaphore(%run_scoped3A_82 : memref<!tpu.dma_semaphore, #tpu.memory_space<semaphore_mem>>)
          %dma_wait3A_98 = arith.constant 0 : i32
          %dma_wait3A_99 = arith.constant 0 : i32
          %dma_wait3A_100 = tpu.memref_slice %arg6[%run_scoped3A, %dma_wait3A_98, %dma_wait3A_99] : memref<4x128x32xf32, #tpu.memory_space<vmem>> -> memref<1x128x32xf32, #tpu.memory_space<vmem>>
          %dma_wait3A_101 = tpu.memref_squeeze %dma_wait3A_100 : memref<1x128x32xf32, #tpu.memory_space<vmem>> -> memref<128x32xf32, #tpu.memory_space<vmem>>
          %dma_wait3A_102 = arith.constant 0 : i32
          %dma_wait3A_103 = arith.constant 0 : i32
          %dma_wait3A_104 = tpu.memref_slice %arg4[%add3A_19, %dma_wait3A_102, %dma_wait3A_103] : memref<500x128x32xf32, #tpu.memory_space<hbm>> -> memref<1x128x32xf32, #tpu.memory_space<hbm>>
          %dma_wait3A_105 = tpu.memref_squeeze %dma_wait3A_104 : memref<1x128x32xf32, #tpu.memory_space<hbm>> -> memref<128x32xf32, #tpu.memory_space<hbm>>
          %dma_wait3A_106 = arith.constant 0 : i32
          %dma_wait3A_107 = arith.constant 0 : i32
          %dma_wait3A_108 = tpu.memref_slice %arg4[%add3A_19, %dma_wait3A_106, %dma_wait3A_107] : memref<500x128x32xf32, #tpu.memory_space<hbm>> -> memref<1x128x32xf32, #tpu.memory_space<hbm>>
          %dma_wait3A_109 = tpu.memref_squeeze %dma_wait3A_108 : memref<1x128x32xf32, #tpu.memory_space<hbm>> -> memref<128x32xf32, #tpu.memory_space<hbm>>
          %dma_wait3A_110 = arith.constant 0 : i32
          %dma_wait3A_111 = arith.constant 0 : i32
          %dma_wait3A_112 = tpu.memref_slice %arg6[%run_scoped3A, %dma_wait3A_110, %dma_wait3A_111] : memref<4x128x32xf32, #tpu.memory_space<vmem>> -> memref<1x128x32xf32, #tpu.memory_space<vmem>>
          %dma_wait3A_113 = tpu.memref_squeeze %dma_wait3A_112 : memref<1x128x32xf32, #tpu.memory_space<vmem>> -> memref<128x32xf32, #tpu.memory_space<vmem>>
          tpu.wait_dma2 semaphore(%run_scoped3A_82 : memref<!tpu.dma_semaphore, #tpu.memory_space<semaphore_mem>>) src(%dma_wait3A_113 : memref<128x32xf32, #tpu.memory_space<vmem>>) dst(%dma_wait3A_109 : memref<128x32xf32, #tpu.memory_space<hbm>>)
          tpu.yield
        }) : () -> ()
      } else {
      }
      %lt3A_61 = arith.constant 500 : i32
      %lt3A_62 = arith.cmpi slt, %add3A_26, %lt3A_61 : i32
      %convert_element_type3A_63 = arith.extui %lt3A_62 : i1 to i32
      %cond3A_64 = arith.constant 0 : i32
      %cond3A_65 = arith.cmpi ne, %convert_element_type3A_63, %cond3A_64 : i32
      scf.if %cond3A_65 {
        %dma_wait3A = arith.constant 2 : i32
        %dma_wait3A_71 = arith.constant 2 : i32
        %dma_wait3A_72 = arith.constant 0 : i32
        %dma_wait3A_73 = arith.constant 0 : i32
        %dma_wait3A_74 = tpu.memref_slice %arg6[%dma_wait3A_71, %dma_wait3A_72, %dma_wait3A_73] : memref<4x128x32xf32, #tpu.memory_space<vmem>> -> memref<1x128x32xf32, #tpu.memory_space<vmem>>
        %dma_wait3A_75 = tpu.memref_squeeze %dma_wait3A_74 : memref<1x128x32xf32, #tpu.memory_space<vmem>> -> memref<128x32xf32, #tpu.memory_space<vmem>>
        %dma_wait3A_76 = arith.constant 0 : i32
        %dma_wait3A_77 = tpu.memref_slice %arg5[%dma_wait3A, %dma_wait3A_76] : memref<4x128xi32, #tpu.memory_space<vmem>> -> memref<1x128xi32, #tpu.memory_space<vmem>>
        %dma_wait3A_78 = tpu.memref_squeeze %dma_wait3A_77 : memref<1x128xi32, #tpu.memory_space<vmem>> -> memref<128xi32, #tpu.memory_space<vmem>>
        %dma_wait3A_79 = arith.constant 0 : i32
        %dma_wait3A_80 = arith.constant 0 : i32
        %dma_wait3A_81 = tpu.memref_slice %arg2[%dma_wait3A_79, %dma_wait3A_80] : memref<10000x32xf32, #tpu.memory_space<hbm>> -> memref<10000x32xf32, #tpu.memory_space<hbm>>
        tpu.wait_indirect_dma semaphore(%arg9 : memref<!tpu.dma_semaphore, #tpu.memory_space<semaphore_mem>>) src(%dma_wait3A_81 : memref<10000x32xf32, #tpu.memory_space<hbm>>) dst(%dma_wait3A_75 : memref<128x32xf32, #tpu.memory_space<vmem>>)
        %run_scoped3A = arith.constant 2 : i32
        "tpu.region"() ({
          %run_scoped3A_82 = tpu.sem_alloc : memref<!tpu.dma_semaphore, #tpu.memory_space<semaphore_mem>>
          %dma_start3A = arith.constant 0 : i32
          %dma_start3A_83 = arith.constant 0 : i32
          %dma_start3A_84 = tpu.memref_slice %arg6[%run_scoped3A, %dma_start3A, %dma_start3A_83] : memref<4x128x32xf32, #tpu.memory_space<vmem>> -> memref<1x128x32xf32, #tpu.memory_space<vmem>>
          %dma_start3A_85 = tpu.memref_squeeze %dma_start3A_84 : memref<1x128x32xf32, #tpu.memory_space<vmem>> -> memref<128x32xf32, #tpu.memory_space<vmem>>
          %dma_start3A_86 = arith.constant 0 : i32
          %dma_start3A_87 = arith.constant 0 : i32
          %dma_start3A_88 = tpu.memref_slice %arg4[%add3A_26, %dma_start3A_86, %dma_start3A_87] : memref<500x128x32xf32, #tpu.memory_space<hbm>> -> memref<1x128x32xf32, #tpu.memory_space<hbm>>
          %dma_start3A_89 = tpu.memref_squeeze %dma_start3A_88 : memref<1x128x32xf32, #tpu.memory_space<hbm>> -> memref<128x32xf32, #tpu.memory_space<hbm>>
          %dma_start3A_90 = arith.constant 0 : i32
          %dma_start3A_91 = arith.constant 0 : i32
          %dma_start3A_92 = tpu.memref_slice %arg4[%add3A_26, %dma_start3A_90, %dma_start3A_91] : memref<500x128x32xf32, #tpu.memory_space<hbm>> -> memref<1x128x32xf32, #tpu.memory_space<hbm>>
          %dma_start3A_93 = tpu.memref_squeeze %dma_start3A_92 : memref<1x128x32xf32, #tpu.memory_space<hbm>> -> memref<128x32xf32, #tpu.memory_space<hbm>>
          %dma_start3A_94 = arith.constant 0 : i32
          %dma_start3A_95 = arith.constant 0 : i32
          %dma_start3A_96 = tpu.memref_slice %arg6[%run_scoped3A, %dma_start3A_94, %dma_start3A_95] : memref<4x128x32xf32, #tpu.memory_space<vmem>> -> memref<1x128x32xf32, #tpu.memory_space<vmem>>
          %dma_start3A_97 = tpu.memref_squeeze %dma_start3A_96 : memref<1x128x32xf32, #tpu.memory_space<vmem>> -> memref<128x32xf32, #tpu.memory_space<vmem>>
          tpu.enqueue_dma source(%dma_start3A_97 : memref<128x32xf32, #tpu.memory_space<vmem>>) target(%dma_start3A_93 : memref<128x32xf32, #tpu.memory_space<hbm>>) target_semaphore(%run_scoped3A_82 : memref<!tpu.dma_semaphore, #tpu.memory_space<semaphore_mem>>)
          %dma_wait3A_98 = arith.constant 0 : i32
          %dma_wait3A_99 = arith.constant 0 : i32
          %dma_wait3A_100 = tpu.memref_slice %arg6[%run_scoped3A, %dma_wait3A_98, %dma_wait3A_99] : memref<4x128x32xf32, #tpu.memory_space<vmem>> -> memref<1x128x32xf32, #tpu.memory_space<vmem>>
          %dma_wait3A_101 = tpu.memref_squeeze %dma_wait3A_100 : memref<1x128x32xf32, #tpu.memory_space<vmem>> -> memref<128x32xf32, #tpu.memory_space<vmem>>
          %dma_wait3A_102 = arith.constant 0 : i32
          %dma_wait3A_103 = arith.constant 0 : i32
          %dma_wait3A_104 = tpu.memref_slice %arg4[%add3A_26, %dma_wait3A_102, %dma_wait3A_103] : memref<500x128x32xf32, #tpu.memory_space<hbm>> -> memref<1x128x32xf32, #tpu.memory_space<hbm>>
          %dma_wait3A_105 = tpu.memref_squeeze %dma_wait3A_104 : memref<1x128x32xf32, #tpu.memory_space<hbm>> -> memref<128x32xf32, #tpu.memory_space<hbm>>
          %dma_wait3A_106 = arith.constant 0 : i32
          %dma_wait3A_107 = arith.constant 0 : i32
          %dma_wait3A_108 = tpu.memref_slice %arg4[%add3A_26, %dma_wait3A_106, %dma_wait3A_107] : memref<500x128x32xf32, #tpu.memory_space<hbm>> -> memref<1x128x32xf32, #tpu.memory_space<hbm>>
          %dma_wait3A_109 = tpu.memref_squeeze %dma_wait3A_108 : memref<1x128x32xf32, #tpu.memory_space<hbm>> -> memref<128x32xf32, #tpu.memory_space<hbm>>
          %dma_wait3A_110 = arith.constant 0 : i32
          %dma_wait3A_111 = arith.constant 0 : i32
          %dma_wait3A_112 = tpu.memref_slice %arg6[%run_scoped3A, %dma_wait3A_110, %dma_wait3A_111] : memref<4x128x32xf32, #tpu.memory_space<vmem>> -> memref<1x128x32xf32, #tpu.memory_space<vmem>>
          %dma_wait3A_113 = tpu.memref_squeeze %dma_wait3A_112 : memref<1x128x32xf32, #tpu.memory_space<vmem>> -> memref<128x32xf32, #tpu.memory_space<vmem>>
          tpu.wait_dma2 semaphore(%run_scoped3A_82 : memref<!tpu.dma_semaphore, #tpu.memory_space<semaphore_mem>>) src(%dma_wait3A_113 : memref<128x32xf32, #tpu.memory_space<vmem>>) dst(%dma_wait3A_109 : memref<128x32xf32, #tpu.memory_space<hbm>>)
          tpu.yield
        }) : () -> ()
      } else {
      }
      %lt3A_66 = arith.constant 500 : i32
      %lt3A_67 = arith.cmpi slt, %add3A_33, %lt3A_66 : i32
      %convert_element_type3A_68 = arith.extui %lt3A_67 : i1 to i32
      %cond3A_69 = arith.constant 0 : i32
      %cond3A_70 = arith.cmpi ne, %convert_element_type3A_68, %cond3A_69 : i32
      scf.if %cond3A_70 {
        %dma_wait3A = arith.constant 3 : i32
        %dma_wait3A_71 = arith.constant 3 : i32
        %dma_wait3A_72 = arith.constant 0 : i32
        %dma_wait3A_73 = arith.constant 0 : i32
        %dma_wait3A_74 = tpu.memref_slice %arg6[%dma_wait3A_71, %dma_wait3A_72, %dma_wait3A_73] : memref<4x128x32xf32, #tpu.memory_space<vmem>> -> memref<1x128x32xf32, #tpu.memory_space<vmem>>
        %dma_wait3A_75 = tpu.memref_squeeze %dma_wait3A_74 : memref<1x128x32xf32, #tpu.memory_space<vmem>> -> memref<128x32xf32, #tpu.memory_space<vmem>>
        %dma_wait3A_76 = arith.constant 0 : i32
        %dma_wait3A_77 = tpu.memref_slice %arg5[%dma_wait3A, %dma_wait3A_76] : memref<4x128xi32, #tpu.memory_space<vmem>> -> memref<1x128xi32, #tpu.memory_space<vmem>>
        %dma_wait3A_78 = tpu.memref_squeeze %dma_wait3A_77 : memref<1x128xi32, #tpu.memory_space<vmem>> -> memref<128xi32, #tpu.memory_space<vmem>>
        %dma_wait3A_79 = arith.constant 0 : i32
        %dma_wait3A_80 = arith.constant 0 : i32
        %dma_wait3A_81 = tpu.memref_slice %arg2[%dma_wait3A_79, %dma_wait3A_80] : memref<10000x32xf32, #tpu.memory_space<hbm>> -> memref<10000x32xf32, #tpu.memory_space<hbm>>
        tpu.wait_indirect_dma semaphore(%arg10 : memref<!tpu.dma_semaphore, #tpu.memory_space<semaphore_mem>>) src(%dma_wait3A_81 : memref<10000x32xf32, #tpu.memory_space<hbm>>) dst(%dma_wait3A_75 : memref<128x32xf32, #tpu.memory_space<vmem>>)
        %run_scoped3A = arith.constant 3 : i32
        "tpu.region"() ({
          %run_scoped3A_82 = tpu.sem_alloc : memref<!tpu.dma_semaphore, #tpu.memory_space<semaphore_mem>>
          %dma_start3A = arith.constant 0 : i32
          %dma_start3A_83 = arith.constant 0 : i32
          %dma_start3A_84 = tpu.memref_slice %arg6[%run_scoped3A, %dma_start3A, %dma_start3A_83] : memref<4x128x32xf32, #tpu.memory_space<vmem>> -> memref<1x128x32xf32, #tpu.memory_space<vmem>>
          %dma_start3A_85 = tpu.memref_squeeze %dma_start3A_84 : memref<1x128x32xf32, #tpu.memory_space<vmem>> -> memref<128x32xf32, #tpu.memory_space<vmem>>
          %dma_start3A_86 = arith.constant 0 : i32
          %dma_start3A_87 = arith.constant 0 : i32
          %dma_start3A_88 = tpu.memref_slice %arg4[%add3A_33, %dma_start3A_86, %dma_start3A_87] : memref<500x128x32xf32, #tpu.memory_space<hbm>> -> memref<1x128x32xf32, #tpu.memory_space<hbm>>
          %dma_start3A_89 = tpu.memref_squeeze %dma_start3A_88 : memref<1x128x32xf32, #tpu.memory_space<hbm>> -> memref<128x32xf32, #tpu.memory_space<hbm>>
          %dma_start3A_90 = arith.constant 0 : i32
          %dma_start3A_91 = arith.constant 0 : i32
          %dma_start3A_92 = tpu.memref_slice %arg4[%add3A_33, %dma_start3A_90, %dma_start3A_91] : memref<500x128x32xf32, #tpu.memory_space<hbm>> -> memref<1x128x32xf32, #tpu.memory_space<hbm>>
          %dma_start3A_93 = tpu.memref_squeeze %dma_start3A_92 : memref<1x128x32xf32, #tpu.memory_space<hbm>> -> memref<128x32xf32, #tpu.memory_space<hbm>>
          %dma_start3A_94 = arith.constant 0 : i32
          %dma_start3A_95 = arith.constant 0 : i32
          %dma_start3A_96 = tpu.memref_slice %arg6[%run_scoped3A, %dma_start3A_94, %dma_start3A_95] : memref<4x128x32xf32, #tpu.memory_space<vmem>> -> memref<1x128x32xf32, #tpu.memory_space<vmem>>
          %dma_start3A_97 = tpu.memref_squeeze %dma_start3A_96 : memref<1x128x32xf32, #tpu.memory_space<vmem>> -> memref<128x32xf32, #tpu.memory_space<vmem>>
          tpu.enqueue_dma source(%dma_start3A_97 : memref<128x32xf32, #tpu.memory_space<vmem>>) target(%dma_start3A_93 : memref<128x32xf32, #tpu.memory_space<hbm>>) target_semaphore(%run_scoped3A_82 : memref<!tpu.dma_semaphore, #tpu.memory_space<semaphore_mem>>)
          %dma_wait3A_98 = arith.constant 0 : i32
          %dma_wait3A_99 = arith.constant 0 : i32
          %dma_wait3A_100 = tpu.memref_slice %arg6[%run_scoped3A, %dma_wait3A_98, %dma_wait3A_99] : memref<4x128x32xf32, #tpu.memory_space<vmem>> -> memref<1x128x32xf32, #tpu.memory_space<vmem>>
          %dma_wait3A_101 = tpu.memref_squeeze %dma_wait3A_100 : memref<1x128x32xf32, #tpu.memory_space<vmem>> -> memref<128x32xf32, #tpu.memory_space<vmem>>
          %dma_wait3A_102 = arith.constant 0 : i32
          %dma_wait3A_103 = arith.constant 0 : i32
          %dma_wait3A_104 = tpu.memref_slice %arg4[%add3A_33, %dma_wait3A_102, %dma_wait3A_103] : memref<500x128x32xf32, #tpu.memory_space<hbm>> -> memref<1x128x32xf32, #tpu.memory_space<hbm>>
          %dma_wait3A_105 = tpu.memref_squeeze %dma_wait3A_104 : memref<1x128x32xf32, #tpu.memory_space<hbm>> -> memref<128x32xf32, #tpu.memory_space<hbm>>
          %dma_wait3A_106 = arith.constant 0 : i32
          %dma_wait3A_107 = arith.constant 0 : i32
          %dma_wait3A_108 = tpu.memref_slice %arg4[%add3A_33, %dma_wait3A_106, %dma_wait3A_107] : memref<500x128x32xf32, #tpu.memory_space<hbm>> -> memref<1x128x32xf32, #tpu.memory_space<hbm>>
          %dma_wait3A_109 = tpu.memref_squeeze %dma_wait3A_108 : memref<1x128x32xf32, #tpu.memory_space<hbm>> -> memref<128x32xf32, #tpu.memory_space<hbm>>
          %dma_wait3A_110 = arith.constant 0 : i32
          %dma_wait3A_111 = arith.constant 0 : i32
          %dma_wait3A_112 = tpu.memref_slice %arg6[%run_scoped3A, %dma_wait3A_110, %dma_wait3A_111] : memref<4x128x32xf32, #tpu.memory_space<vmem>> -> memref<1x128x32xf32, #tpu.memory_space<vmem>>
          %dma_wait3A_113 = tpu.memref_squeeze %dma_wait3A_112 : memref<1x128x32xf32, #tpu.memory_space<vmem>> -> memref<128x32xf32, #tpu.memory_space<vmem>>
          tpu.wait_dma2 semaphore(%run_scoped3A_82 : memref<!tpu.dma_semaphore, #tpu.memory_space<semaphore_mem>>) src(%dma_wait3A_113 : memref<128x32xf32, #tpu.memory_space<vmem>>) dst(%dma_wait3A_109 : memref<128x32xf32, #tpu.memory_space<hbm>>)
          tpu.yield
        }) : () -> ()
      } else {
      }
    }
    %scan3A_4 = arith.constant 4 : i32
    return
  }
}

#map = affine_map<(d0, d1) -> (0, 0)>
#map1 = affine_map<(d0, d1) -> (0, 0, 0)>
module attributes {stable_mosaic.version = 14 : i64} {
  func.func @k(%arg0: i32, %arg1: i32, %arg2: memref<10000x32xf32, #tpu.memory_space<hbm>>, %arg3: memref<500x128xi32, #tpu.memory_space<hbm>>, %arg4: memref<500x128x32xf32, #tpu.memory_space<hbm>>, %arg5: memref<4x128xi32, #tpu.memory_space<vmem>>, %arg6: memref<4x128x32xf32, #tpu.memory_space<vmem>>, %arg7: memref<!tpu.dma_semaphore, #tpu.memory_space<semaphore_mem>>, %arg8: memref<!tpu.dma_semaphore, #tpu.memory_space<semaphore_mem>>, %arg9: memref<!tpu.dma_semaphore, #tpu.memory_space<semaphore_mem>>, %arg10: memref<!tpu.dma_semaphore, #tpu.memory_space<semaphore_mem>>) attributes {dimension_semantics = [#tpu.dimension_semantics<core_parallel>, #tpu.dimension_semantics<subcore_parallel>], iteration_bounds = array<i64: 2, 16>, scalar_prefetch = 0 : i64, scratch_operands = 6 : i64, tpu.core_type = #tpu.core_type<sc_vector_subcore>, window_params = [{transform_indices = #map}, {transform_indices = #map}, {transform_indices = #map1}]} {
    %mul3A = arith.constant 2 : i32
    %mul3A_0 = arith.muli %arg1, %mul3A : i32
    %add3A = arith.addi %mul3A_0, %arg0 : i32
    %scan3A = arith.constant 0 : i32
    %scan3A_1 = arith.constant 4 : i32
    %scan3A_2 = arith.addi %scan3A, %scan3A_1 : i32
    %scan3A_3 = arith.constant 1 : i32
    scf.for %scan3A_5 = %scan3A to %scan3A_2 step %scan3A_3  : i32 {
      %mul3A_6 = arith.constant 4 : i32
      %mul3A_7 = arith.muli %mul3A_6, %scan3A_5 : i32
      %add3A_8 = arith.constant 0 : i32
      %add3A_9 = arith.addi %mul3A_7, %add3A_8 : i32
      %mul3A_10 = arith.constant 32 : i32
      %mul3A_11 = arith.muli %add3A_9, %mul3A_10 : i32
      %add3A_12 = arith.addi %mul3A_11, %add3A : i32
      %mul3A_13 = arith.constant 4 : i32
      %mul3A_14 = arith.muli %mul3A_13, %scan3A_5 : i32
      %add3A_15 = arith.constant 1 : i32
      %add3A_16 = arith.addi %mul3A_14, %add3A_15 : i32
      %mul3A_17 = arith.constant 32 : i32
      %mul3A_18 = arith.muli %add3A_16, %mul3A_17 : i32
      %add3A_19 = arith.addi %mul3A_18, %add3A : i32
      %mul3A_20 = arith.constant 4 : i32
      %mul3A_21 = arith.muli %mul3A_20, %scan3A_5 : i32
      %add3A_22 = arith.constant 2 : i32
      %add3A_23 = arith.addi %mul3A_21, %add3A_22 : i32
      %mul3A_24 = arith.constant 32 : i32
      %mul3A_25 = arith.muli %add3A_23, %mul3A_24 : i32
      %add3A_26 = arith.addi %mul3A_25, %add3A : i32
      %mul3A_27 = arith.constant 4 : i32
      %mul3A_28 = arith.muli %mul3A_27, %scan3A_5 : i32
      %add3A_29 = arith.constant 3 : i32
      %add3A_30 = arith.addi %mul3A_28, %add3A_29 : i32
      %mul3A_31 = arith.constant 32 : i32
      %mul3A_32 = arith.muli %add3A_30, %mul3A_31 : i32
      %add3A_33 = arith.addi %mul3A_32, %add3A : i32
      %lt3A = arith.constant 500 : i32
      %lt3A_34 = arith.cmpi slt, %add3A_12, %lt3A : i32
      %convert_element_type3A = arith.extui %lt3A_34 : i1 to i32
      %cond3A = arith.constant 0 : i32
      %cond3A_35 = arith.cmpi ne, %convert_element_type3A, %cond3A : i32
      scf.if %cond3A_35 {
        %run_scoped3A = arith.constant 0 : i32
        "tpu.region"() ({
          %run_scoped3A_82 = tpu.sem_alloc : memref<!tpu.dma_semaphore, #tpu.memory_space<semaphore_mem>>
          %dma_start3A_83 = arith.constant 0 : i32
          %dma_start3A_84 = tpu.memref_slice %arg5[%run_scoped3A, %dma_start3A_83] : memref<4x128xi32, #tpu.memory_space<vmem>> -> memref<1x128xi32, #tpu.memory_space<vmem>>
          %dma_start3A_85 = tpu.memref_squeeze %dma_start3A_84 : memref<1x128xi32, #tpu.memory_space<vmem>> -> memref<128xi32, #tpu.memory_space<vmem>>
          %dma_start3A_86 = arith.constant 0 : i32
          %dma_start3A_87 = tpu.memref_slice %arg3[%add3A_12, %dma_start3A_86] : memref<500x128xi32, #tpu.memory_space<hbm>> -> memref<1x128xi32, #tpu.memory_space<hbm>>
          %dma_start3A_88 = tpu.memref_squeeze %dma_start3A_87 : memref<1x128xi32, #tpu.memory_space<hbm>> -> memref<128xi32, #tpu.memory_space<hbm>>
          %dma_start3A_89 = arith.constant 0 : i32
          %dma_start3A_90 = tpu.memref_slice %arg5[%run_scoped3A, %dma_start3A_89] : memref<4x128xi32, #tpu.memory_space<vmem>> -> memref<1x128xi32, #tpu.memory_space<vmem>>
          %dma_start3A_91 = tpu.memref_squeeze %dma_start3A_90 : memref<1x128xi32, #tpu.memory_space<vmem>> -> memref<128xi32, #tpu.memory_space<vmem>>
          %dma_start3A_92 = arith.constant 0 : i32
          %dma_start3A_93 = tpu.memref_slice %arg3[%add3A_12, %dma_start3A_92] : memref<500x128xi32, #tpu.memory_space<hbm>> -> memref<1x128xi32, #tpu.memory_space<hbm>>
          %dma_start3A_94 = tpu.memref_squeeze %dma_start3A_93 : memref<1x128xi32, #tpu.memory_space<hbm>> -> memref<128xi32, #tpu.memory_space<hbm>>
          tpu.enqueue_dma source(%dma_start3A_94 : memref<128xi32, #tpu.memory_space<hbm>>) target(%dma_start3A_91 : memref<128xi32, #tpu.memory_space<vmem>>) target_semaphore(%run_scoped3A_82 : memref<!tpu.dma_semaphore, #tpu.memory_space<semaphore_mem>>)
          %dma_wait3A = arith.constant 0 : i32
          %dma_wait3A_95 = tpu.memref_slice %arg5[%run_scoped3A, %dma_wait3A] : memref<4x128xi32, #tpu.memory_space<vmem>> -> memref<1x128xi32, #tpu.memory_space<vmem>>
          %dma_wait3A_96 = tpu.memref_squeeze %dma_wait3A_95 : memref<1x128xi32, #tpu.memory_space<vmem>> -> memref<128xi32, #tpu.memory_space<vmem>>
          %dma_wait3A_97 = arith.constant 0 : i32
          %dma_wait3A_98 = tpu.memref_slice %arg3[%add3A_12, %dma_wait3A_97] : memref<500x128xi32, #tpu.memory_space<hbm>> -> memref<1x128xi32, #tpu.memory_space<hbm>>
          %dma_wait3A_99 = tpu.memref_squeeze %dma_wait3A_98 : memref<1x128xi32, #tpu.memory_space<hbm>> -> memref<128xi32, #tpu.memory_space<hbm>>
          %dma_wait3A_100 = arith.constant 0 : i32
          %dma_wait3A_101 = tpu.memref_slice %arg5[%run_scoped3A, %dma_wait3A_100] : memref<4x128xi32, #tpu.memory_space<vmem>> -> memref<1x128xi32, #tpu.memory_space<vmem>>
          %dma_wait3A_102 = tpu.memref_squeeze %dma_wait3A_101 : memref<1x128xi32, #tpu.memory_space<vmem>> -> memref<128xi32, #tpu.memory_space<vmem>>
          %dma_wait3A_103 = arith.constant 0 : i32
          %dma_wait3A_104 = tpu.memref_slice %arg3[%add3A_12, %dma_wait3A_103] : memref<500x128xi32, #tpu.memory_space<hbm>> -> memref<1x128xi32, #tpu.memory_space<hbm>>
          %dma_wait3A_105 = tpu.memref_squeeze %dma_wait3A_104 : memref<1x128xi32, #tpu.memory_space<hbm>> -> memref<128xi32, #tpu.memory_space<hbm>>
          tpu.wait_dma2 semaphore(%run_scoped3A_82 : memref<!tpu.dma_semaphore, #tpu.memory_space<semaphore_mem>>) src(%dma_wait3A_105 : memref<128xi32, #tpu.memory_space<hbm>>) dst(%dma_wait3A_102 : memref<128xi32, #tpu.memory_space<vmem>>)
          tpu.yield
        }) : () -> ()
        %dma_start3A = arith.constant 0 : i32
        %dma_start3A_71 = arith.constant 0 : i32
        %dma_start3A_72 = arith.constant 0 : i32
        %dma_start3A_73 = arith.constant 0 : i32
        %dma_start3A_74 = tpu.memref_slice %arg6[%dma_start3A_71, %dma_start3A_72, %dma_start3A_73] : memref<4x128x32xf32, #tpu.memory_space<vmem>> -> memref<1x128x32xf32, #tpu.memory_space<vmem>>
        %dma_start3A_75 = tpu.memref_squeeze %dma_start3A_74 : memref<1x128x32xf32, #tpu.memory_space<vmem>> -> memref<128x32xf32, #tpu.memory_space<vmem>>
        %dma_start3A_76 = arith.constant 0 : i32
        %dma_start3A_77 = tpu.memref_slice %arg5[%dma_start3A, %dma_start3A_76] : memref<4x128xi32, #tpu.memory_space<vmem>> -> memref<1x128xi32, #tpu.memory_space<vmem>>
        %dma_start3A_78 = tpu.memref_squeeze %dma_start3A_77 : memref<1x128xi32, #tpu.memory_space<vmem>> -> memref<128xi32, #tpu.memory_space<vmem>>
        %dma_start3A_79 = arith.constant 0 : i32
        %dma_start3A_80 = arith.constant 0 : i32
        %dma_start3A_81 = tpu.memref_slice %arg2[%dma_start3A_79, %dma_start3A_80] : memref<10000x32xf32, #tpu.memory_space<hbm>> -> memref<10000x32xf32, #tpu.memory_space<hbm>>
        tpu.enqueue_indirect_dma source(%dma_start3A_81 : memref<10000x32xf32, #tpu.memory_space<hbm>>) target(%dma_start3A_75 : memref<128x32xf32, #tpu.memory_space<vmem>>) offsets(%dma_start3A_78 : memref<128xi32, #tpu.memory_space<vmem>>) semaphore(%arg7 : memref<!tpu.dma_semaphore, #tpu.memory_space<semaphore_mem>>)
      } else {
      }
      %lt3A_36 = arith.constant 500 : i32
      %lt3A_37 = arith.cmpi slt, %add3A_19, %lt3A_36 : i32
      %convert_element_type3A_38 = arith.extui %lt3A_37 : i1 to i32
      %cond3A_39 = arith.constant 0 : i32
      %cond3A_40 = arith.cmpi ne, %convert_element_type3A_38, %cond3A_39 : i32
      scf.if %cond3A_40 {
        %run_scoped3A = arith.constant 1 : i32
        "tpu.region"() ({
          %run_scoped3A_82 = tpu.sem_alloc : memref<!tpu.dma_semaphore, #tpu.memory_space<semaphore_mem>>
          %dma_start3A_83 = arith.constant 0 : i32
          %dma_start3A_84 = tpu.memref_slice %arg5[%run_scoped3A, %dma_start3A_83] : memref<4x128xi32, #tpu.memory_space<vmem>> -> memref<1x128xi32, #tpu.memory_space<vmem>>
          %dma_start3A_85 = tpu.memref_squeeze %dma_start3A_84 : memref<1x128xi32, #tpu.memory_space<vmem>> -> memref<128xi32, #tpu.memory_space<vmem>>
          %dma_start3A_86 = arith.constant 0 : i32
          %dma_start3A_87 = tpu.memref_slice %arg3[%add3A_19, %dma_start3A_86] : memref<500x128xi32, #tpu.memory_space<hbm>> -> memref<1x128xi32, #tpu.memory_space<hbm>>
          %dma_start3A_88 = tpu.memref_squeeze %dma_start3A_87 : memref<1x128xi32, #tpu.memory_space<hbm>> -> memref<128xi32, #tpu.memory_space<hbm>>
          %dma_start3A_89 = arith.constant 0 : i32
          %dma_start3A_90 = tpu.memref_slice %arg5[%run_scoped3A, %dma_start3A_89] : memref<4x128xi32, #tpu.memory_space<vmem>> -> memref<1x128xi32, #tpu.memory_space<vmem>>
          %dma_start3A_91 = tpu.memref_squeeze %dma_start3A_90 : memref<1x128xi32, #tpu.memory_space<vmem>> -> memref<128xi32, #tpu.memory_space<vmem>>
          %dma_start3A_92 = arith.constant 0 : i32
          %dma_start3A_93 = tpu.memref_slice %arg3[%add3A_19, %dma_start3A_92] : memref<500x128xi32, #tpu.memory_space<hbm>> -> memref<1x128xi32, #tpu.memory_space<hbm>>
          %dma_start3A_94 = tpu.memref_squeeze %dma_start3A_93 : memref<1x128xi32, #tpu.memory_space<hbm>> -> memref<128xi32, #tpu.memory_space<hbm>>
          tpu.enqueue_dma source(%dma_start3A_94 : memref<128xi32, #tpu.memory_space<hbm>>) target(%dma_start3A_91 : memref<128xi32, #tpu.memory_space<vmem>>) target_semaphore(%run_scoped3A_82 : memref<!tpu.dma_semaphore, #tpu.memory_space<semaphore_mem>>)
          %dma_wait3A = arith.constant 0 : i32
          %dma_wait3A_95 = tpu.memref_slice %arg5[%run_scoped3A, %dma_wait3A] : memref<4x128xi32, #tpu.memory_space<vmem>> -> memref<1x128xi32, #tpu.memory_space<vmem>>
          %dma_wait3A_96 = tpu.memref_squeeze %dma_wait3A_95 : memref<1x128xi32, #tpu.memory_space<vmem>> -> memref<128xi32, #tpu.memory_space<vmem>>
          %dma_wait3A_97 = arith.constant 0 : i32
          %dma_wait3A_98 = tpu.memref_slice %arg3[%add3A_19, %dma_wait3A_97] : memref<500x128xi32, #tpu.memory_space<hbm>> -> memref<1x128xi32, #tpu.memory_space<hbm>>
          %dma_wait3A_99 = tpu.memref_squeeze %dma_wait3A_98 : memref<1x128xi32, #tpu.memory_space<hbm>> -> memref<128xi32, #tpu.memory_space<hbm>>
          %dma_wait3A_100 = arith.constant 0 : i32
          %dma_wait3A_101 = tpu.memref_slice %arg5[%run_scoped3A, %dma_wait3A_100] : memref<4x128xi32, #tpu.memory_space<vmem>> -> memref<1x128xi32, #tpu.memory_space<vmem>>
          %dma_wait3A_102 = tpu.memref_squeeze %dma_wait3A_101 : memref<1x128xi32, #tpu.memory_space<vmem>> -> memref<128xi32, #tpu.memory_space<vmem>>
          %dma_wait3A_103 = arith.constant 0 : i32
          %dma_wait3A_104 = tpu.memref_slice %arg3[%add3A_19, %dma_wait3A_103] : memref<500x128xi32, #tpu.memory_space<hbm>> -> memref<1x128xi32, #tpu.memory_space<hbm>>
          %dma_wait3A_105 = tpu.memref_squeeze %dma_wait3A_104 : memref<1x128xi32, #tpu.memory_space<hbm>> -> memref<128xi32, #tpu.memory_space<hbm>>
          tpu.wait_dma2 semaphore(%run_scoped3A_82 : memref<!tpu.dma_semaphore, #tpu.memory_space<semaphore_mem>>) src(%dma_wait3A_105 : memref<128xi32, #tpu.memory_space<hbm>>) dst(%dma_wait3A_102 : memref<128xi32, #tpu.memory_space<vmem>>)
          tpu.yield
        }) : () -> ()
        %dma_start3A = arith.constant 1 : i32
        %dma_start3A_71 = arith.constant 1 : i32
        %dma_start3A_72 = arith.constant 0 : i32
        %dma_start3A_73 = arith.constant 0 : i32
        %dma_start3A_74 = tpu.memref_slice %arg6[%dma_start3A_71, %dma_start3A_72, %dma_start3A_73] : memref<4x128x32xf32, #tpu.memory_space<vmem>> -> memref<1x128x32xf32, #tpu.memory_space<vmem>>
        %dma_start3A_75 = tpu.memref_squeeze %dma_start3A_74 : memref<1x128x32xf32, #tpu.memory_space<vmem>> -> memref<128x32xf32, #tpu.memory_space<vmem>>
        %dma_start3A_76 = arith.constant 0 : i32
        %dma_start3A_77 = tpu.memref_slice %arg5[%dma_start3A, %dma_start3A_76] : memref<4x128xi32, #tpu.memory_space<vmem>> -> memref<1x128xi32, #tpu.memory_space<vmem>>
        %dma_start3A_78 = tpu.memref_squeeze %dma_start3A_77 : memref<1x128xi32, #tpu.memory_space<vmem>> -> memref<128xi32, #tpu.memory_space<vmem>>
        %dma_start3A_79 = arith.constant 0 : i32
        %dma_start3A_80 = arith.constant 0 : i32
        %dma_start3A_81 = tpu.memref_slice %arg2[%dma_start3A_79, %dma_start3A_80] : memref<10000x32xf32, #tpu.memory_space<hbm>> -> memref<10000x32xf32, #tpu.memory_space<hbm>>
        tpu.enqueue_indirect_dma source(%dma_start3A_81 : memref<10000x32xf32, #tpu.memory_space<hbm>>) target(%dma_start3A_75 : memref<128x32xf32, #tpu.memory_space<vmem>>) offsets(%dma_start3A_78 : memref<128xi32, #tpu.memory_space<vmem>>) semaphore(%arg8 : memref<!tpu.dma_semaphore, #tpu.memory_space<semaphore_mem>>)
      } else {
      }
      %lt3A_41 = arith.constant 500 : i32
      %lt3A_42 = arith.cmpi slt, %add3A_26, %lt3A_41 : i32
      %convert_element_type3A_43 = arith.extui %lt3A_42 : i1 to i32
      %cond3A_44 = arith.constant 0 : i32
      %cond3A_45 = arith.cmpi ne, %convert_element_type3A_43, %cond3A_44 : i32
      scf.if %cond3A_45 {
        %run_scoped3A = arith.constant 2 : i32
        "tpu.region"() ({
          %run_scoped3A_82 = tpu.sem_alloc : memref<!tpu.dma_semaphore, #tpu.memory_space<semaphore_mem>>
          %dma_start3A_83 = arith.constant 0 : i32
          %dma_start3A_84 = tpu.memref_slice %arg5[%run_scoped3A, %dma_start3A_83] : memref<4x128xi32, #tpu.memory_space<vmem>> -> memref<1x128xi32, #tpu.memory_space<vmem>>
          %dma_start3A_85 = tpu.memref_squeeze %dma_start3A_84 : memref<1x128xi32, #tpu.memory_space<vmem>> -> memref<128xi32, #tpu.memory_space<vmem>>
          %dma_start3A_86 = arith.constant 0 : i32
          %dma_start3A_87 = tpu.memref_slice %arg3[%add3A_26, %dma_start3A_86] : memref<500x128xi32, #tpu.memory_space<hbm>> -> memref<1x128xi32, #tpu.memory_space<hbm>>
          %dma_start3A_88 = tpu.memref_squeeze %dma_start3A_87 : memref<1x128xi32, #tpu.memory_space<hbm>> -> memref<128xi32, #tpu.memory_space<hbm>>
          %dma_start3A_89 = arith.constant 0 : i32
          %dma_start3A_90 = tpu.memref_slice %arg5[%run_scoped3A, %dma_start3A_89] : memref<4x128xi32, #tpu.memory_space<vmem>> -> memref<1x128xi32, #tpu.memory_space<vmem>>
          %dma_start3A_91 = tpu.memref_squeeze %dma_start3A_90 : memref<1x128xi32, #tpu.memory_space<vmem>> -> memref<128xi32, #tpu.memory_space<vmem>>
          %dma_start3A_92 = arith.constant 0 : i32
          %dma_start3A_93 = tpu.memref_slice %arg3[%add3A_26, %dma_start3A_92] : memref<500x128xi32, #tpu.memory_space<hbm>> -> memref<1x128xi32, #tpu.memory_space<hbm>>
          %dma_start3A_94 = tpu.memref_squeeze %dma_start3A_93 : memref<1x128xi32, #tpu.memory_space<hbm>> -> memref<128xi32, #tpu.memory_space<hbm>>
          tpu.enqueue_dma source(%dma_start3A_94 : memref<128xi32, #tpu.memory_space<hbm>>) target(%dma_start3A_91 : memref<128xi32, #tpu.memory_space<vmem>>) target_semaphore(%run_scoped3A_82 : memref<!tpu.dma_semaphore, #tpu.memory_space<semaphore_mem>>)
          %dma_wait3A = arith.constant 0 : i32
          %dma_wait3A_95 = tpu.memref_slice %arg5[%run_scoped3A, %dma_wait3A] : memref<4x128xi32, #tpu.memory_space<vmem>> -> memref<1x128xi32, #tpu.memory_space<vmem>>
          %dma_wait3A_96 = tpu.memref_squeeze %dma_wait3A_95 : memref<1x128xi32, #tpu.memory_space<vmem>> -> memref<128xi32, #tpu.memory_space<vmem>>
          %dma_wait3A_97 = arith.constant 0 : i32
          %dma_wait3A_98 = tpu.memref_slice %arg3[%add3A_26, %dma_wait3A_97] : memref<500x128xi32, #tpu.memory_space<hbm>> -> memref<1x128xi32, #tpu.memory_space<hbm>>
          %dma_wait3A_99 = tpu.memref_squeeze %dma_wait3A_98 : memref<1x128xi32, #tpu.memory_space<hbm>> -> memref<128xi32, #tpu.memory_space<hbm>>
          %dma_wait3A_100 = arith.constant 0 : i32
          %dma_wait3A_101 = tpu.memref_slice %arg5[%run_scoped3A, %dma_wait3A_100] : memref<4x128xi32, #tpu.memory_space<vmem>> -> memref<1x128xi32, #tpu.memory_space<vmem>>
          %dma_wait3A_102 = tpu.memref_squeeze %dma_wait3A_101 : memref<1x128xi32, #tpu.memory_space<vmem>> -> memref<128xi32, #tpu.memory_space<vmem>>
          %dma_wait3A_103 = arith.constant 0 : i32
          %dma_wait3A_104 = tpu.memref_slice %arg3[%add3A_26, %dma_wait3A_103] : memref<500x128xi32, #tpu.memory_space<hbm>> -> memref<1x128xi32, #tpu.memory_space<hbm>>
          %dma_wait3A_105 = tpu.memref_squeeze %dma_wait3A_104 : memref<1x128xi32, #tpu.memory_space<hbm>> -> memref<128xi32, #tpu.memory_space<hbm>>
          tpu.wait_dma2 semaphore(%run_scoped3A_82 : memref<!tpu.dma_semaphore, #tpu.memory_space<semaphore_mem>>) src(%dma_wait3A_105 : memref<128xi32, #tpu.memory_space<hbm>>) dst(%dma_wait3A_102 : memref<128xi32, #tpu.memory_space<vmem>>)
          tpu.yield
        }) : () -> ()
        %dma_start3A = arith.constant 2 : i32
        %dma_start3A_71 = arith.constant 2 : i32
        %dma_start3A_72 = arith.constant 0 : i32
        %dma_start3A_73 = arith.constant 0 : i32
        %dma_start3A_74 = tpu.memref_slice %arg6[%dma_start3A_71, %dma_start3A_72, %dma_start3A_73] : memref<4x128x32xf32, #tpu.memory_space<vmem>> -> memref<1x128x32xf32, #tpu.memory_space<vmem>>
        %dma_start3A_75 = tpu.memref_squeeze %dma_start3A_74 : memref<1x128x32xf32, #tpu.memory_space<vmem>> -> memref<128x32xf32, #tpu.memory_space<vmem>>
        %dma_start3A_76 = arith.constant 0 : i32
        %dma_start3A_77 = tpu.memref_slice %arg5[%dma_start3A, %dma_start3A_76] : memref<4x128xi32, #tpu.memory_space<vmem>> -> memref<1x128xi32, #tpu.memory_space<vmem>>
        %dma_start3A_78 = tpu.memref_squeeze %dma_start3A_77 : memref<1x128xi32, #tpu.memory_space<vmem>> -> memref<128xi32, #tpu.memory_space<vmem>>
        %dma_start3A_79 = arith.constant 0 : i32
        %dma_start3A_80 = arith.constant 0 : i32
        %dma_start3A_81 = tpu.memref_slice %arg2[%dma_start3A_79, %dma_start3A_80] : memref<10000x32xf32, #tpu.memory_space<hbm>> -> memref<10000x32xf32, #tpu.memory_space<hbm>>
        tpu.enqueue_indirect_dma source(%dma_start3A_81 : memref<10000x32xf32, #tpu.memory_space<hbm>>) target(%dma_start3A_75 : memref<128x32xf32, #tpu.memory_space<vmem>>) offsets(%dma_start3A_78 : memref<128xi32, #tpu.memory_space<vmem>>) semaphore(%arg9 : memref<!tpu.dma_semaphore, #tpu.memory_space<semaphore_mem>>)
      } else {
      }
      %lt3A_46 = arith.constant 500 : i32
      %lt3A_47 = arith.cmpi slt, %add3A_33, %lt3A_46 : i32
      %convert_element_type3A_48 = arith.extui %lt3A_47 : i1 to i32
      %cond3A_49 = arith.constant 0 : i32
      %cond3A_50 = arith.cmpi ne, %convert_element_type3A_48, %cond3A_49 : i32
      scf.if %cond3A_50 {
        %run_scoped3A = arith.constant 3 : i32
        "tpu.region"() ({
          %run_scoped3A_82 = tpu.sem_alloc : memref<!tpu.dma_semaphore, #tpu.memory_space<semaphore_mem>>
          %dma_start3A_83 = arith.constant 0 : i32
          %dma_start3A_84 = tpu.memref_slice %arg5[%run_scoped3A, %dma_start3A_83] : memref<4x128xi32, #tpu.memory_space<vmem>> -> memref<1x128xi32, #tpu.memory_space<vmem>>
          %dma_start3A_85 = tpu.memref_squeeze %dma_start3A_84 : memref<1x128xi32, #tpu.memory_space<vmem>> -> memref<128xi32, #tpu.memory_space<vmem>>
          %dma_start3A_86 = arith.constant 0 : i32
          %dma_start3A_87 = tpu.memref_slice %arg3[%add3A_33, %dma_start3A_86] : memref<500x128xi32, #tpu.memory_space<hbm>> -> memref<1x128xi32, #tpu.memory_space<hbm>>
          %dma_start3A_88 = tpu.memref_squeeze %dma_start3A_87 : memref<1x128xi32, #tpu.memory_space<hbm>> -> memref<128xi32, #tpu.memory_space<hbm>>
          %dma_start3A_89 = arith.constant 0 : i32
          %dma_start3A_90 = tpu.memref_slice %arg5[%run_scoped3A, %dma_start3A_89] : memref<4x128xi32, #tpu.memory_space<vmem>> -> memref<1x128xi32, #tpu.memory_space<vmem>>
          %dma_start3A_91 = tpu.memref_squeeze %dma_start3A_90 : memref<1x128xi32, #tpu.memory_space<vmem>> -> memref<128xi32, #tpu.memory_space<vmem>>
          %dma_start3A_92 = arith.constant 0 : i32
          %dma_start3A_93 = tpu.memref_slice %arg3[%add3A_33, %dma_start3A_92] : memref<500x128xi32, #tpu.memory_space<hbm>> -> memref<1x128xi32, #tpu.memory_space<hbm>>
          %dma_start3A_94 = tpu.memref_squeeze %dma_start3A_93 : memref<1x128xi32, #tpu.memory_space<hbm>> -> memref<128xi32, #tpu.memory_space<hbm>>
          tpu.enqueue_dma source(%dma_start3A_94 : memref<128xi32, #tpu.memory_space<hbm>>) target(%dma_start3A_91 : memref<128xi32, #tpu.memory_space<vmem>>) target_semaphore(%run_scoped3A_82 : memref<!tpu.dma_semaphore, #tpu.memory_space<semaphore_mem>>)
          %dma_wait3A = arith.constant 0 : i32
          %dma_wait3A_95 = tpu.memref_slice %arg5[%run_scoped3A, %dma_wait3A] : memref<4x128xi32, #tpu.memory_space<vmem>> -> memref<1x128xi32, #tpu.memory_space<vmem>>
          %dma_wait3A_96 = tpu.memref_squeeze %dma_wait3A_95 : memref<1x128xi32, #tpu.memory_space<vmem>> -> memref<128xi32, #tpu.memory_space<vmem>>
          %dma_wait3A_97 = arith.constant 0 : i32
          %dma_wait3A_98 = tpu.memref_slice %arg3[%add3A_33, %dma_wait3A_97] : memref<500x128xi32, #tpu.memory_space<hbm>> -> memref<1x128xi32, #tpu.memory_space<hbm>>
          %dma_wait3A_99 = tpu.memref_squeeze %dma_wait3A_98 : memref<1x128xi32, #tpu.memory_space<hbm>> -> memref<128xi32, #tpu.memory_space<hbm>>
          %dma_wait3A_100 = arith.constant 0 : i32
          %dma_wait3A_101 = tpu.memref_slice %arg5[%run_scoped3A, %dma_wait3A_100] : memref<4x128xi32, #tpu.memory_space<vmem>> -> memref<1x128xi32, #tpu.memory_space<vmem>>
          %dma_wait3A_102 = tpu.memref_squeeze %dma_wait3A_101 : memref<1x128xi32, #tpu.memory_space<vmem>> -> memref<128xi32, #tpu.memory_space<vmem>>
          %dma_wait3A_103 = arith.constant 0 : i32
          %dma_wait3A_104 = tpu.memref_slice %arg3[%add3A_33, %dma_wait3A_103] : memref<500x128xi32, #tpu.memory_space<hbm>> -> memref<1x128xi32, #tpu.memory_space<hbm>>
          %dma_wait3A_105 = tpu.memref_squeeze %dma_wait3A_104 : memref<1x128xi32, #tpu.memory_space<hbm>> -> memref<128xi32, #tpu.memory_space<hbm>>
          tpu.wait_dma2 semaphore(%run_scoped3A_82 : memref<!tpu.dma_semaphore, #tpu.memory_space<semaphore_mem>>) src(%dma_wait3A_105 : memref<128xi32, #tpu.memory_space<hbm>>) dst(%dma_wait3A_102 : memref<128xi32, #tpu.memory_space<vmem>>)
          tpu.yield
        }) : () -> ()
        %dma_start3A = arith.constant 3 : i32
        %dma_start3A_71 = arith.constant 3 : i32
        %dma_start3A_72 = arith.constant 0 : i32
        %dma_start3A_73 = arith.constant 0 : i32
        %dma_start3A_74 = tpu.memref_slice %arg6[%dma_start3A_71, %dma_start3A_72, %dma_start3A_73] : memref<4x128x32xf32, #tpu.memory_space<vmem>> -> memref<1x128x32xf32, #tpu.memory_space<vmem>>
        %dma_start3A_75 = tpu.memref_squeeze %dma_start3A_74 : memref<1x128x32xf32, #tpu.memory_space<vmem>> -> memref<128x32xf32, #tpu.memory_space<vmem>>
        %dma_start3A_76 = arith.constant 0 : i32
        %dma_start3A_77 = tpu.memref_slice %arg5[%dma_start3A, %dma_start3A_76] : memref<4x128xi32, #tpu.memory_space<vmem>> -> memref<1x128xi32, #tpu.memory_space<vmem>>
        %dma_start3A_78 = tpu.memref_squeeze %dma_start3A_77 : memref<1x128xi32, #tpu.memory_space<vmem>> -> memref<128xi32, #tpu.memory_space<vmem>>
        %dma_start3A_79 = arith.constant 0 : i32
        %dma_start3A_80 = arith.constant 0 : i32
        %dma_start3A_81 = tpu.memref_slice %arg2[%dma_start3A_79, %dma_start3A_80] : memref<10000x32xf32, #tpu.memory_space<hbm>> -> memref<10000x32xf32, #tpu.memory_space<hbm>>
        tpu.enqueue_indirect_dma source(%dma_start3A_81 : memref<10000x32xf32, #tpu.memory_space<hbm>>) target(%dma_start3A_75 : memref<128x32xf32, #tpu.memory_space<vmem>>) offsets(%dma_start3A_78 : memref<128xi32, #tpu.memory_space<vmem>>) semaphore(%arg10 : memref<!tpu.dma_semaphore, #tpu.memory_space<semaphore_mem>>)
      } else {
      }
      %lt3A_51 = arith.constant 500 : i32
      %lt3A_52 = arith.cmpi slt, %add3A_12, %lt3A_51 : i32
      %convert_element_type3A_53 = arith.extui %lt3A_52 : i1 to i32
      %cond3A_54 = arith.constant 0 : i32
      %cond3A_55 = arith.cmpi ne, %convert_element_type3A_53, %cond3A_54 : i32
      scf.if %cond3A_55 {
        %dma_wait3A = arith.constant 0 : i32
        %dma_wait3A_71 = arith.constant 0 : i32
        %dma_wait3A_72 = arith.constant 0 : i32
        %dma_wait3A_73 = arith.constant 0 : i32
        %dma_wait3A_74 = tpu.memref_slice %arg6[%dma_wait3A_71, %dma_wait3A_72, %dma_wait3A_73] : memref<4x128x32xf32, #tpu.memory_space<vmem>> -> memref<1x128x32xf32, #tpu.memory_space<vmem>>
        %dma_wait3A_75 = tpu.memref_squeeze %dma_wait3A_74 : memref<1x128x32xf32, #tpu.memory_space<vmem>> -> memref<128x32xf32, #tpu.memory_space<vmem>>
        %dma_wait3A_76 = arith.constant 0 : i32
        %dma_wait3A_77 = tpu.memref_slice %arg5[%dma_wait3A, %dma_wait3A_76] : memref<4x128xi32, #tpu.memory_space<vmem>> -> memref<1x128xi32, #tpu.memory_space<vmem>>
        %dma_wait3A_78 = tpu.memref_squeeze %dma_wait3A_77 : memref<1x128xi32, #tpu.memory_space<vmem>> -> memref<128xi32, #tpu.memory_space<vmem>>
        %dma_wait3A_79 = arith.constant 0 : i32
        %dma_wait3A_80 = arith.constant 0 : i32
        %dma_wait3A_81 = tpu.memref_slice %arg2[%dma_wait3A_79, %dma_wait3A_80] : memref<10000x32xf32, #tpu.memory_space<hbm>> -> memref<10000x32xf32, #tpu.memory_space<hbm>>
        tpu.wait_indirect_dma semaphore(%arg7 : memref<!tpu.dma_semaphore, #tpu.memory_space<semaphore_mem>>) src(%dma_wait3A_81 : memref<10000x32xf32, #tpu.memory_space<hbm>>) dst(%dma_wait3A_75 : memref<128x32xf32, #tpu.memory_space<vmem>>)
        %run_scoped3A = arith.constant 0 : i32
        "tpu.region"() ({
          %run_scoped3A_82 = tpu.sem_alloc : memref<!tpu.dma_semaphore, #tpu.memory_space<semaphore_mem>>
          %dma_start3A = arith.constant 0 : i32
          %dma_start3A_83 = arith.constant 0 : i32
          %dma_start3A_84 = tpu.memref_slice %arg6[%run_scoped3A, %dma_start3A, %dma_start3A_83] : memref<4x128x32xf32, #tpu.memory_space<vmem>> -> memref<1x128x32xf32, #tpu.memory_space<vmem>>
          %dma_start3A_85 = tpu.memref_squeeze %dma_start3A_84 : memref<1x128x32xf32, #tpu.memory_space<vmem>> -> memref<128x32xf32, #tpu.memory_space<vmem>>
          %dma_start3A_86 = arith.constant 0 : i32
          %dma_start3A_87 = arith.constant 0 : i32
          %dma_start3A_88 = tpu.memref_slice %arg4[%add3A_12, %dma_start3A_86, %dma_start3A_87] : memref<500x128x32xf32, #tpu.memory_space<hbm>> -> memref<1x128x32xf32, #tpu.memory_space<hbm>>
          %dma_start3A_89 = tpu.memref_squeeze %dma_start3A_88 : memref<1x128x32xf32, #tpu.memory_space<hbm>> -> memref<128x32xf32, #tpu.memory_space<hbm>>
          %dma_start3A_90 = arith.constant 0 : i32
          %dma_start3A_91 = arith.constant 0 : i32
          %dma_start3A_92 = tpu.memref_slice %arg4[%add3A_12, %dma_start3A_90, %dma_start3A_91] : memref<500x128x32xf32, #tpu.memory_space<hbm>> -> memref<1x128x32xf32, #tpu.memory_space<hbm>>
          %dma_start3A_93 = tpu.memref_squeeze %dma_start3A_92 : memref<1x128x32xf32, #tpu.memory_space<hbm>> -> memref<128x32xf32, #tpu.memory_space<hbm>>
          %dma_start3A_94 = arith.constant 0 : i32
          %dma_start3A_95 = arith.constant 0 : i32
          %dma_start3A_96 = tpu.memref_slice %arg6[%run_scoped3A, %dma_start3A_94, %dma_start3A_95] : memref<4x128x32xf32, #tpu.memory_space<vmem>> -> memref<1x128x32xf32, #tpu.memory_space<vmem>>
          %dma_start3A_97 = tpu.memref_squeeze %dma_start3A_96 : memref<1x128x32xf32, #tpu.memory_space<vmem>> -> memref<128x32xf32, #tpu.memory_space<vmem>>
          tpu.enqueue_dma source(%dma_start3A_97 : memref<128x32xf32, #tpu.memory_space<vmem>>) target(%dma_start3A_93 : memref<128x32xf32, #tpu.memory_space<hbm>>) target_semaphore(%run_scoped3A_82 : memref<!tpu.dma_semaphore, #tpu.memory_space<semaphore_mem>>)
          %dma_wait3A_98 = arith.constant 0 : i32
          %dma_wait3A_99 = arith.constant 0 : i32
          %dma_wait3A_100 = tpu.memref_slice %arg6[%run_scoped3A, %dma_wait3A_98, %dma_wait3A_99] : memref<4x128x32xf32, #tpu.memory_space<vmem>> -> memref<1x128x32xf32, #tpu.memory_space<vmem>>
          %dma_wait3A_101 = tpu.memref_squeeze %dma_wait3A_100 : memref<1x128x32xf32, #tpu.memory_space<vmem>> -> memref<128x32xf32, #tpu.memory_space<vmem>>
          %dma_wait3A_102 = arith.constant 0 : i32
          %dma_wait3A_103 = arith.constant 0 : i32
          %dma_wait3A_104 = tpu.memref_slice %arg4[%add3A_12, %dma_wait3A_102, %dma_wait3A_103] : memref<500x128x32xf32, #tpu.memory_space<hbm>> -> memref<1x128x32xf32, #tpu.memory_space<hbm>>
          %dma_wait3A_105 = tpu.memref_squeeze %dma_wait3A_104 : memref<1x128x32xf32, #tpu.memory_space<hbm>> -> memref<128x32xf32, #tpu.memory_space<hbm>>
          %dma_wait3A_106 = arith.constant 0 : i32
          %dma_wait3A_107 = arith.constant 0 : i32
          %dma_wait3A_108 = tpu.memref_slice %arg4[%add3A_12, %dma_wait3A_106, %dma_wait3A_107] : memref<500x128x32xf32, #tpu.memory_space<hbm>> -> memref<1x128x32xf32, #tpu.memory_space<hbm>>
          %dma_wait3A_109 = tpu.memref_squeeze %dma_wait3A_108 : memref<1x128x32xf32, #tpu.memory_space<hbm>> -> memref<128x32xf32, #tpu.memory_space<hbm>>
          %dma_wait3A_110 = arith.constant 0 : i32
          %dma_wait3A_111 = arith.constant 0 : i32
          %dma_wait3A_112 = tpu.memref_slice %arg6[%run_scoped3A, %dma_wait3A_110, %dma_wait3A_111] : memref<4x128x32xf32, #tpu.memory_space<vmem>> -> memref<1x128x32xf32, #tpu.memory_space<vmem>>
          %dma_wait3A_113 = tpu.memref_squeeze %dma_wait3A_112 : memref<1x128x32xf32, #tpu.memory_space<vmem>> -> memref<128x32xf32, #tpu.memory_space<vmem>>
          tpu.wait_dma2 semaphore(%run_scoped3A_82 : memref<!tpu.dma_semaphore, #tpu.memory_space<semaphore_mem>>) src(%dma_wait3A_113 : memref<128x32xf32, #tpu.memory_space<vmem>>) dst(%dma_wait3A_109 : memref<128x32xf32, #tpu.memory_space<hbm>>)
          tpu.yield
        }) : () -> ()
      } else {
      }
      %lt3A_56 = arith.constant 500 : i32
      %lt3A_57 = arith.cmpi slt, %add3A_19, %lt3A_56 : i32
      %convert_element_type3A_58 = arith.extui %lt3A_57 : i1 to i32
      %cond3A_59 = arith.constant 0 : i32
      %cond3A_60 = arith.cmpi ne, %convert_element_type3A_58, %cond3A_59 : i32
      scf.if %cond3A_60 {
        %dma_wait3A = arith.constant 1 : i32
        %dma_wait3A_71 = arith.constant 1 : i32
        %dma_wait3A_72 = arith.constant 0 : i32
        %dma_wait3A_73 = arith.constant 0 : i32
        %dma_wait3A_74 = tpu.memref_slice %arg6[%dma_wait3A_71, %dma_wait3A_72, %dma_wait3A_73] : memref<4x128x32xf32, #tpu.memory_space<vmem>> -> memref<1x128x32xf32, #tpu.memory_space<vmem>>
        %dma_wait3A_75 = tpu.memref_squeeze %dma_wait3A_74 : memref<1x128x32xf32, #tpu.memory_space<vmem>> -> memref<128x32xf32, #tpu.memory_space<vmem>>
        %dma_wait3A_76 = arith.constant 0 : i32
        %dma_wait3A_77 = tpu.memref_slice %arg5[%dma_wait3A, %dma_wait3A_76] : memref<4x128xi32, #tpu.memory_space<vmem>> -> memref<1x128xi32, #tpu.memory_space<vmem>>
        %dma_wait3A_78 = tpu.memref_squeeze %dma_wait3A_77 : memref<1x128xi32, #tpu.memory_space<vmem>> -> memref<128xi32, #tpu.memory_space<vmem>>
        %dma_wait3A_79 = arith.constant 0 : i32
        %dma_wait3A_80 = arith.constant 0 : i32
        %dma_wait3A_81 = tpu.memref_slice %arg2[%dma_wait3A_79, %dma_wait3A_80] : memref<10000x32xf32, #tpu.memory_space<hbm>> -> memref<10000x32xf32, #tpu.memory_space<hbm>>
        tpu.wait_indirect_dma semaphore(%arg8 : memref<!tpu.dma_semaphore, #tpu.memory_space<semaphore_mem>>) src(%dma_wait3A_81 : memref<10000x32xf32, #tpu.memory_space<hbm>>) dst(%dma_wait3A_75 : memref<128x32xf32, #tpu.memory_space<vmem>>)
        %run_scoped3A = arith.constant 1 : i32
        "tpu.region"() ({
          %run_scoped3A_82 = tpu.sem_alloc : memref<!tpu.dma_semaphore, #tpu.memory_space<semaphore_mem>>
          %dma_start3A = arith.constant 0 : i32
          %dma_start3A_83 = arith.constant 0 : i32
          %dma_start3A_84 = tpu.memref_slice %arg6[%run_scoped3A, %dma_start3A, %dma_start3A_83] : memref<4x128x32xf32, #tpu.memory_space<vmem>> -> memref<1x128x32xf32, #tpu.memory_space<vmem>>
          %dma_start3A_85 = tpu.memref_squeeze %dma_start3A_84 : memref<1x128x32xf32, #tpu.memory_space<vmem>> -> memref<128x32xf32, #tpu.memory_space<vmem>>
          %dma_start3A_86 = arith.constant 0 : i32
          %dma_start3A_87 = arith.constant 0 : i32
          %dma_start3A_88 = tpu.memref_slice %arg4[%add3A_19, %dma_start3A_86, %dma_start3A_87] : memref<500x128x32xf32, #tpu.memory_space<hbm>> -> memref<1x128x32xf32, #tpu.memory_space<hbm>>
          %dma_start3A_89 = tpu.memref_squeeze %dma_start3A_88 : memref<1x128x32xf32, #tpu.memory_space<hbm>> -> memref<128x32xf32, #tpu.memory_space<hbm>>
          %dma_start3A_90 = arith.constant 0 : i32
          %dma_start3A_91 = arith.constant 0 : i32
          %dma_start3A_92 = tpu.memref_slice %arg4[%add3A_19, %dma_start3A_90, %dma_start3A_91] : memref<500x128x32xf32, #tpu.memory_space<hbm>> -> memref<1x128x32xf32, #tpu.memory_space<hbm>>
          %dma_start3A_93 = tpu.memref_squeeze %dma_start3A_92 : memref<1x128x32xf32, #tpu.memory_space<hbm>> -> memref<128x32xf32, #tpu.memory_space<hbm>>
          %dma_start3A_94 = arith.constant 0 : i32
          %dma_start3A_95 = arith.constant 0 : i32
          %dma_start3A_96 = tpu.memref_slice %arg6[%run_scoped3A, %dma_start3A_94, %dma_start3A_95] : memref<4x128x32xf32, #tpu.memory_space<vmem>> -> memref<1x128x32xf32, #tpu.memory_space<vmem>>
          %dma_start3A_97 = tpu.memref_squeeze %dma_start3A_96 : memref<1x128x32xf32, #tpu.memory_space<vmem>> -> memref<128x32xf32, #tpu.memory_space<vmem>>
          tpu.enqueue_dma source(%dma_start3A_97 : memref<128x32xf32, #tpu.memory_space<vmem>>) target(%dma_start3A_93 : memref<128x32xf32, #tpu.memory_space<hbm>>) target_semaphore(%run_scoped3A_82 : memref<!tpu.dma_semaphore, #tpu.memory_space<semaphore_mem>>)
          %dma_wait3A_98 = arith.constant 0 : i32
          %dma_wait3A_99 = arith.constant 0 : i32
          %dma_wait3A_100 = tpu.memref_slice %arg6[%run_scoped3A, %dma_wait3A_98, %dma_wait3A_99] : memref<4x128x32xf32, #tpu.memory_space<vmem>> -> memref<1x128x32xf32, #tpu.memory_space<vmem>>
          %dma_wait3A_101 = tpu.memref_squeeze %dma_wait3A_100 : memref<1x128x32xf32, #tpu.memory_space<vmem>> -> memref<128x32xf32, #tpu.memory_space<vmem>>
          %dma_wait3A_102 = arith.constant 0 : i32
          %dma_wait3A_103 = arith.constant 0 : i32
          %dma_wait3A_104 = tpu.memref_slice %arg4[%add3A_19, %dma_wait3A_102, %dma_wait3A_103] : memref<500x128x32xf32, #tpu.memory_space<hbm>> -> memref<1x128x32xf32, #tpu.memory_space<hbm>>
          %dma_wait3A_105 = tpu.memref_squeeze %dma_wait3A_104 : memref<1x128x32xf32, #tpu.memory_space<hbm>> -> memref<128x32xf32, #tpu.memory_space<hbm>>
          %dma_wait3A_106 = arith.constant 0 : i32
          %dma_wait3A_107 = arith.constant 0 : i32
          %dma_wait3A_108 = tpu.memref_slice %arg4[%add3A_19, %dma_wait3A_106, %dma_wait3A_107] : memref<500x128x32xf32, #tpu.memory_space<hbm>> -> memref<1x128x32xf32, #tpu.memory_space<hbm>>
          %dma_wait3A_109 = tpu.memref_squeeze %dma_wait3A_108 : memref<1x128x32xf32, #tpu.memory_space<hbm>> -> memref<128x32xf32, #tpu.memory_space<hbm>>
          %dma_wait3A_110 = arith.constant 0 : i32
          %dma_wait3A_111 = arith.constant 0 : i32
          %dma_wait3A_112 = tpu.memref_slice %arg6[%run_scoped3A, %dma_wait3A_110, %dma_wait3A_111] : memref<4x128x32xf32, #tpu.memory_space<vmem>> -> memref<1x128x32xf32, #tpu.memory_space<vmem>>
          %dma_wait3A_113 = tpu.memref_squeeze %dma_wait3A_112 : memref<1x128x32xf32, #tpu.memory_space<vmem>> -> memref<128x32xf32, #tpu.memory_space<vmem>>
          tpu.wait_dma2 semaphore(%run_scoped3A_82 : memref<!tpu.dma_semaphore, #tpu.memory_space<semaphore_mem>>) src(%dma_wait3A_113 : memref<128x32xf32, #tpu.memory_space<vmem>>) dst(%dma_wait3A_109 : memref<128x32xf32, #tpu.memory_space<hbm>>)
          tpu.yield
        }) : () -> ()
      } else {
      }
      %lt3A_61 = arith.constant 500 : i32
      %lt3A_62 = arith.cmpi slt, %add3A_26, %lt3A_61 : i32
      %convert_element_type3A_63 = arith.extui %lt3A_62 : i1 to i32
      %cond3A_64 = arith.constant 0 : i32
      %cond3A_65 = arith.cmpi ne, %convert_element_type3A_63, %cond3A_64 : i32
      scf.if %cond3A_65 {
        %dma_wait3A = arith.constant 2 : i32
        %dma_wait3A_71 = arith.constant 2 : i32
        %dma_wait3A_72 = arith.constant 0 : i32
        %dma_wait3A_73 = arith.constant 0 : i32
        %dma_wait3A_74 = tpu.memref_slice %arg6[%dma_wait3A_71, %dma_wait3A_72, %dma_wait3A_73] : memref<4x128x32xf32, #tpu.memory_space<vmem>> -> memref<1x128x32xf32, #tpu.memory_space<vmem>>
        %dma_wait3A_75 = tpu.memref_squeeze %dma_wait3A_74 : memref<1x128x32xf32, #tpu.memory_space<vmem>> -> memref<128x32xf32, #tpu.memory_space<vmem>>
        %dma_wait3A_76 = arith.constant 0 : i32
        %dma_wait3A_77 = tpu.memref_slice %arg5[%dma_wait3A, %dma_wait3A_76] : memref<4x128xi32, #tpu.memory_space<vmem>> -> memref<1x128xi32, #tpu.memory_space<vmem>>
        %dma_wait3A_78 = tpu.memref_squeeze %dma_wait3A_77 : memref<1x128xi32, #tpu.memory_space<vmem>> -> memref<128xi32, #tpu.memory_space<vmem>>
        %dma_wait3A_79 = arith.constant 0 : i32
        %dma_wait3A_80 = arith.constant 0 : i32
        %dma_wait3A_81 = tpu.memref_slice %arg2[%dma_wait3A_79, %dma_wait3A_80] : memref<10000x32xf32, #tpu.memory_space<hbm>> -> memref<10000x32xf32, #tpu.memory_space<hbm>>
        tpu.wait_indirect_dma semaphore(%arg9 : memref<!tpu.dma_semaphore, #tpu.memory_space<semaphore_mem>>) src(%dma_wait3A_81 : memref<10000x32xf32, #tpu.memory_space<hbm>>) dst(%dma_wait3A_75 : memref<128x32xf32, #tpu.memory_space<vmem>>)
        %run_scoped3A = arith.constant 2 : i32
        "tpu.region"() ({
          %run_scoped3A_82 = tpu.sem_alloc : memref<!tpu.dma_semaphore, #tpu.memory_space<semaphore_mem>>
          %dma_start3A = arith.constant 0 : i32
          %dma_start3A_83 = arith.constant 0 : i32
          %dma_start3A_84 = tpu.memref_slice %arg6[%run_scoped3A, %dma_start3A, %dma_start3A_83] : memref<4x128x32xf32, #tpu.memory_space<vmem>> -> memref<1x128x32xf32, #tpu.memory_space<vmem>>
          %dma_start3A_85 = tpu.memref_squeeze %dma_start3A_84 : memref<1x128x32xf32, #tpu.memory_space<vmem>> -> memref<128x32xf32, #tpu.memory_space<vmem>>
          %dma_start3A_86 = arith.constant 0 : i32
          %dma_start3A_87 = arith.constant 0 : i32
          %dma_start3A_88 = tpu.memref_slice %arg4[%add3A_26, %dma_start3A_86, %dma_start3A_87] : memref<500x128x32xf32, #tpu.memory_space<hbm>> -> memref<1x128x32xf32, #tpu.memory_space<hbm>>
          %dma_start3A_89 = tpu.memref_squeeze %dma_start3A_88 : memref<1x128x32xf32, #tpu.memory_space<hbm>> -> memref<128x32xf32, #tpu.memory_space<hbm>>
          %dma_start3A_90 = arith.constant 0 : i32
          %dma_start3A_91 = arith.constant 0 : i32
          %dma_start3A_92 = tpu.memref_slice %arg4[%add3A_26, %dma_start3A_90, %dma_start3A_91] : memref<500x128x32xf32, #tpu.memory_space<hbm>> -> memref<1x128x32xf32, #tpu.memory_space<hbm>>
          %dma_start3A_93 = tpu.memref_squeeze %dma_start3A_92 : memref<1x128x32xf32, #tpu.memory_space<hbm>> -> memref<128x32xf32, #tpu.memory_space<hbm>>
          %dma_start3A_94 = arith.constant 0 : i32
          %dma_start3A_95 = arith.constant 0 : i32
          %dma_start3A_96 = tpu.memref_slice %arg6[%run_scoped3A, %dma_start3A_94, %dma_start3A_95] : memref<4x128x32xf32, #tpu.memory_space<vmem>> -> memref<1x128x32xf32, #tpu.memory_space<vmem>>
          %dma_start3A_97 = tpu.memref_squeeze %dma_start3A_96 : memref<1x128x32xf32, #tpu.memory_space<vmem>> -> memref<128x32xf32, #tpu.memory_space<vmem>>
          tpu.enqueue_dma source(%dma_start3A_97 : memref<128x32xf32, #tpu.memory_space<vmem>>) target(%dma_start3A_93 : memref<128x32xf32, #tpu.memory_space<hbm>>) target_semaphore(%run_scoped3A_82 : memref<!tpu.dma_semaphore, #tpu.memory_space<semaphore_mem>>)
          %dma_wait3A_98 = arith.constant 0 : i32
          %dma_wait3A_99 = arith.constant 0 : i32
          %dma_wait3A_100 = tpu.memref_slice %arg6[%run_scoped3A, %dma_wait3A_98, %dma_wait3A_99] : memref<4x128x32xf32, #tpu.memory_space<vmem>> -> memref<1x128x32xf32, #tpu.memory_space<vmem>>
          %dma_wait3A_101 = tpu.memref_squeeze %dma_wait3A_100 : memref<1x128x32xf32, #tpu.memory_space<vmem>> -> memref<128x32xf32, #tpu.memory_space<vmem>>
          %dma_wait3A_102 = arith.constant 0 : i32
          %dma_wait3A_103 = arith.constant 0 : i32
          %dma_wait3A_104 = tpu.memref_slice %arg4[%add3A_26, %dma_wait3A_102, %dma_wait3A_103] : memref<500x128x32xf32, #tpu.memory_space<hbm>> -> memref<1x128x32xf32, #tpu.memory_space<hbm>>
          %dma_wait3A_105 = tpu.memref_squeeze %dma_wait3A_104 : memref<1x128x32xf32, #tpu.memory_space<hbm>> -> memref<128x32xf32, #tpu.memory_space<hbm>>
          %dma_wait3A_106 = arith.constant 0 : i32
          %dma_wait3A_107 = arith.constant 0 : i32
          %dma_wait3A_108 = tpu.memref_slice %arg4[%add3A_26, %dma_wait3A_106, %dma_wait3A_107] : memref<500x128x32xf32, #tpu.memory_space<hbm>> -> memref<1x128x32xf32, #tpu.memory_space<hbm>>
          %dma_wait3A_109 = tpu.memref_squeeze %dma_wait3A_108 : memref<1x128x32xf32, #tpu.memory_space<hbm>> -> memref<128x32xf32, #tpu.memory_space<hbm>>
          %dma_wait3A_110 = arith.constant 0 : i32
          %dma_wait3A_111 = arith.constant 0 : i32
          %dma_wait3A_112 = tpu.memref_slice %arg6[%run_scoped3A, %dma_wait3A_110, %dma_wait3A_111] : memref<4x128x32xf32, #tpu.memory_space<vmem>> -> memref<1x128x32xf32, #tpu.memory_space<vmem>>
          %dma_wait3A_113 = tpu.memref_squeeze %dma_wait3A_112 : memref<1x128x32xf32, #tpu.memory_space<vmem>> -> memref<128x32xf32, #tpu.memory_space<vmem>>
          tpu.wait_dma2 semaphore(%run_scoped3A_82 : memref<!tpu.dma_semaphore, #tpu.memory_space<semaphore_mem>>) src(%dma_wait3A_113 : memref<128x32xf32, #tpu.memory_space<vmem>>) dst(%dma_wait3A_109 : memref<128x32xf32, #tpu.memory_space<hbm>>)
          tpu.yield
        }) : () -> ()
      } else {
      }
      %lt3A_66 = arith.constant 500 : i32
      %lt3A_67 = arith.cmpi slt, %add3A_33, %lt3A_66 : i32
      %convert_element_type3A_68 = arith.extui %lt3A_67 : i1 to i32
      %cond3A_69 = arith.constant 0 : i32
      %cond3A_70 = arith.cmpi ne, %convert_element_type3A_68, %cond3A_69 : i32
      scf.if %cond3A_70 {
        %dma_wait3A = arith.constant 3 : i32
        %dma_wait3A_71 = arith.constant 3 : i32
        %dma_wait3A_72 = arith.constant 0 : i32
        %dma_wait3A_73 = arith.constant 0 : i32
        %dma_wait3A_74 = tpu.memref_slice %arg6[%dma_wait3A_71, %dma_wait3A_72, %dma_wait3A_73] : memref<4x128x32xf32, #tpu.memory_space<vmem>> -> memref<1x128x32xf32, #tpu.memory_space<vmem>>
        %dma_wait3A_75 = tpu.memref_squeeze %dma_wait3A_74 : memref<1x128x32xf32, #tpu.memory_space<vmem>> -> memref<128x32xf32, #tpu.memory_space<vmem>>
        %dma_wait3A_76 = arith.constant 0 : i32
        %dma_wait3A_77 = tpu.memref_slice %arg5[%dma_wait3A, %dma_wait3A_76] : memref<4x128xi32, #tpu.memory_space<vmem>> -> memref<1x128xi32, #tpu.memory_space<vmem>>
        %dma_wait3A_78 = tpu.memref_squeeze %dma_wait3A_77 : memref<1x128xi32, #tpu.memory_space<vmem>> -> memref<128xi32, #tpu.memory_space<vmem>>
        %dma_wait3A_79 = arith.constant 0 : i32
        %dma_wait3A_80 = arith.constant 0 : i32
        %dma_wait3A_81 = tpu.memref_slice %arg2[%dma_wait3A_79, %dma_wait3A_80] : memref<10000x32xf32, #tpu.memory_space<hbm>> -> memref<10000x32xf32, #tpu.memory_space<hbm>>
        tpu.wait_indirect_dma semaphore(%arg10 : memref<!tpu.dma_semaphore, #tpu.memory_space<semaphore_mem>>) src(%dma_wait3A_81 : memref<10000x32xf32, #tpu.memory_space<hbm>>) dst(%dma_wait3A_75 : memref<128x32xf32, #tpu.memory_space<vmem>>)
        %run_scoped3A = arith.constant 3 : i32
        "tpu.region"() ({
          %run_scoped3A_82 = tpu.sem_alloc : memref<!tpu.dma_semaphore, #tpu.memory_space<semaphore_mem>>
          %dma_start3A = arith.constant 0 : i32
          %dma_start3A_83 = arith.constant 0 : i32
          %dma_start3A_84 = tpu.memref_slice %arg6[%run_scoped3A, %dma_start3A, %dma_start3A_83] : memref<4x128x32xf32, #tpu.memory_space<vmem>> -> memref<1x128x32xf32, #tpu.memory_space<vmem>>
          %dma_start3A_85 = tpu.memref_squeeze %dma_start3A_84 : memref<1x128x32xf32, #tpu.memory_space<vmem>> -> memref<128x32xf32, #tpu.memory_space<vmem>>
          %dma_start3A_86 = arith.constant 0 : i32
          %dma_start3A_87 = arith.constant 0 : i32
          %dma_start3A_88 = tpu.memref_slice %arg4[%add3A_33, %dma_start3A_86, %dma_start3A_87] : memref<500x128x32xf32, #tpu.memory_space<hbm>> -> memref<1x128x32xf32, #tpu.memory_space<hbm>>
          %dma_start3A_89 = tpu.memref_squeeze %dma_start3A_88 : memref<1x128x32xf32, #tpu.memory_space<hbm>> -> memref<128x32xf32, #tpu.memory_space<hbm>>
          %dma_start3A_90 = arith.constant 0 : i32
          %dma_start3A_91 = arith.constant 0 : i32
          %dma_start3A_92 = tpu.memref_slice %arg4[%add3A_33, %dma_start3A_90, %dma_start3A_91] : memref<500x128x32xf32, #tpu.memory_space<hbm>> -> memref<1x128x32xf32, #tpu.memory_space<hbm>>
          %dma_start3A_93 = tpu.memref_squeeze %dma_start3A_92 : memref<1x128x32xf32, #tpu.memory_space<hbm>> -> memref<128x32xf32, #tpu.memory_space<hbm>>
          %dma_start3A_94 = arith.constant 0 : i32
          %dma_start3A_95 = arith.constant 0 : i32
          %dma_start3A_96 = tpu.memref_slice %arg6[%run_scoped3A, %dma_start3A_94, %dma_start3A_95] : memref<4x128x32xf32, #tpu.memory_space<vmem>> -> memref<1x128x32xf32, #tpu.memory_space<vmem>>
          %dma_start3A_97 = tpu.memref_squeeze %dma_start3A_96 : memref<1x128x32xf32, #tpu.memory_space<vmem>> -> memref<128x32xf32, #tpu.memory_space<vmem>>
          tpu.enqueue_dma source(%dma_start3A_97 : memref<128x32xf32, #tpu.memory_space<vmem>>) target(%dma_start3A_93 : memref<128x32xf32, #tpu.memory_space<hbm>>) target_semaphore(%run_scoped3A_82 : memref<!tpu.dma_semaphore, #tpu.memory_space<semaphore_mem>>)
          %dma_wait3A_98 = arith.constant 0 : i32
          %dma_wait3A_99 = arith.constant 0 : i32
          %dma_wait3A_100 = tpu.memref_slice %arg6[%run_scoped3A, %dma_wait3A_98, %dma_wait3A_99] : memref<4x128x32xf32, #tpu.memory_space<vmem>> -> memref<1x128x32xf32, #tpu.memory_space<vmem>>
          %dma_wait3A_101 = tpu.memref_squeeze %dma_wait3A_100 : memref<1x128x32xf32, #tpu.memory_space<vmem>> -> memref<128x32xf32, #tpu.memory_space<vmem>>
          %dma_wait3A_102 = arith.constant 0 : i32
          %dma_wait3A_103 = arith.constant 0 : i32
          %dma_wait3A_104 = tpu.memref_slice %arg4[%add3A_33, %dma_wait3A_102, %dma_wait3A_103] : memref<500x128x32xf32, #tpu.memory_space<hbm>> -> memref<1x128x32xf32, #tpu.memory_space<hbm>>
          %dma_wait3A_105 = tpu.memref_squeeze %dma_wait3A_104 : memref<1x128x32xf32, #tpu.memory_space<hbm>> -> memref<128x32xf32, #tpu.memory_space<hbm>>
          %dma_wait3A_106 = arith.constant 0 : i32
          %dma_wait3A_107 = arith.constant 0 : i32
          %dma_wait3A_108 = tpu.memref_slice %arg4[%add3A_33, %dma_wait3A_106, %dma_wait3A_107] : memref<500x128x32xf32, #tpu.memory_space<hbm>> -> memref<1x128x32xf32, #tpu.memory_space<hbm>>
          %dma_wait3A_109 = tpu.memref_squeeze %dma_wait3A_108 : memref<1x128x32xf32, #tpu.memory_space<hbm>> -> memref<128x32xf32, #tpu.memory_space<hbm>>
          %dma_wait3A_110 = arith.constant 0 : i32
          %dma_wait3A_111 = arith.constant 0 : i32
          %dma_wait3A_112 = tpu.memref_slice %arg6[%run_scoped3A, %dma_wait3A_110, %dma_wait3A_111] : memref<4x128x32xf32, #tpu.memory_space<vmem>> -> memref<1x128x32xf32, #tpu.memory_space<vmem>>
          %dma_wait3A_113 = tpu.memref_squeeze %dma_wait3A_112 : memref<1x128x32xf32, #tpu.memory_space<vmem>> -> memref<128x32xf32, #tpu.memory_space<vmem>>
          tpu.wait_dma2 semaphore(%run_scoped3A_82 : memref<!tpu.dma_semaphore, #tpu.memory_space<semaphore_mem>>) src(%dma_wait3A_113 : memref<128x32xf32, #tpu.memory_space<vmem>>) dst(%dma_wait3A_109 : memref<128x32xf32, #tpu.memory_space<hbm>>)
          tpu.yield
        }) : () -> ()
      } else {
      }
    }
    %scan3A_4 = arith.constant 4 : i32
    return
  }
}

#map = affine_map<(d0, d1) -> (0, 0)>
#map1 = affine_map<(d0, d1) -> (0, 0, 0)>
module attributes {stable_mosaic.version = 14 : i64} {
  func.func @k(%arg0: i32, %arg1: i32, %arg2: memref<10000x32xf32, #tpu.memory_space<hbm>>, %arg3: memref<500x128xi32, #tpu.memory_space<hbm>>, %arg4: memref<500x128x32xf32, #tpu.memory_space<hbm>>, %arg5: memref<4x128xi32, #tpu.memory_space<vmem>>, %arg6: memref<4x128x32xf32, #tpu.memory_space<vmem>>, %arg7: memref<!tpu.dma_semaphore, #tpu.memory_space<semaphore_mem>>, %arg8: memref<!tpu.dma_semaphore, #tpu.memory_space<semaphore_mem>>, %arg9: memref<!tpu.dma_semaphore, #tpu.memory_space<semaphore_mem>>, %arg10: memref<!tpu.dma_semaphore, #tpu.memory_space<semaphore_mem>>) attributes {dimension_semantics = [#tpu.dimension_semantics<core_parallel>, #tpu.dimension_semantics<subcore_parallel>], iteration_bounds = array<i64: 2, 16>, scalar_prefetch = 0 : i64, scratch_operands = 6 : i64, tpu.core_type = #tpu.core_type<sc_vector_subcore>, window_params = [{transform_indices = #map}, {transform_indices = #map}, {transform_indices = #map1}]} {
    %mul3A = arith.constant 2 : i32
    %mul3A_0 = arith.muli %arg1, %mul3A : i32
    %add3A = arith.addi %mul3A_0, %arg0 : i32
    %scan3A = arith.constant 0 : i32
    %scan3A_1 = arith.constant 4 : i32
    %scan3A_2 = arith.addi %scan3A, %scan3A_1 : i32
    %scan3A_3 = arith.constant 1 : i32
    scf.for %scan3A_5 = %scan3A to %scan3A_2 step %scan3A_3  : i32 {
      %mul3A_6 = arith.constant 4 : i32
      %mul3A_7 = arith.muli %mul3A_6, %scan3A_5 : i32
      %add3A_8 = arith.constant 0 : i32
      %add3A_9 = arith.addi %mul3A_7, %add3A_8 : i32
      %mul3A_10 = arith.constant 32 : i32
      %mul3A_11 = arith.muli %add3A_9, %mul3A_10 : i32
      %add3A_12 = arith.addi %mul3A_11, %add3A : i32
      %mul3A_13 = arith.constant 4 : i32
      %mul3A_14 = arith.muli %mul3A_13, %scan3A_5 : i32
      %add3A_15 = arith.constant 1 : i32
      %add3A_16 = arith.addi %mul3A_14, %add3A_15 : i32
      %mul3A_17 = arith.constant 32 : i32
      %mul3A_18 = arith.muli %add3A_16, %mul3A_17 : i32
      %add3A_19 = arith.addi %mul3A_18, %add3A : i32
      %mul3A_20 = arith.constant 4 : i32
      %mul3A_21 = arith.muli %mul3A_20, %scan3A_5 : i32
      %add3A_22 = arith.constant 2 : i32
      %add3A_23 = arith.addi %mul3A_21, %add3A_22 : i32
      %mul3A_24 = arith.constant 32 : i32
      %mul3A_25 = arith.muli %add3A_23, %mul3A_24 : i32
      %add3A_26 = arith.addi %mul3A_25, %add3A : i32
      %mul3A_27 = arith.constant 4 : i32
      %mul3A_28 = arith.muli %mul3A_27, %scan3A_5 : i32
      %add3A_29 = arith.constant 3 : i32
      %add3A_30 = arith.addi %mul3A_28, %add3A_29 : i32
      %mul3A_31 = arith.constant 32 : i32
      %mul3A_32 = arith.muli %add3A_30, %mul3A_31 : i32
      %add3A_33 = arith.addi %mul3A_32, %add3A : i32
      %lt3A = arith.constant 500 : i32
      %lt3A_34 = arith.cmpi slt, %add3A_12, %lt3A : i32
      %convert_element_type3A = arith.extui %lt3A_34 : i1 to i32
      %cond3A = arith.constant 0 : i32
      %cond3A_35 = arith.cmpi ne, %convert_element_type3A, %cond3A : i32
      scf.if %cond3A_35 {
        %run_scoped3A = arith.constant 0 : i32
        "tpu.region"() ({
          %run_scoped3A_82 = tpu.sem_alloc : memref<!tpu.dma_semaphore, #tpu.memory_space<semaphore_mem>>
          %dma_start3A_83 = arith.constant 0 : i32
          %dma_start3A_84 = tpu.memref_slice %arg5[%run_scoped3A, %dma_start3A_83] : memref<4x128xi32, #tpu.memory_space<vmem>> -> memref<1x128xi32, #tpu.memory_space<vmem>>
          %dma_start3A_85 = tpu.memref_squeeze %dma_start3A_84 : memref<1x128xi32, #tpu.memory_space<vmem>> -> memref<128xi32, #tpu.memory_space<vmem>>
          %dma_start3A_86 = arith.constant 0 : i32
          %dma_start3A_87 = tpu.memref_slice %arg3[%add3A_12, %dma_start3A_86] : memref<500x128xi32, #tpu.memory_space<hbm>> -> memref<1x128xi32, #tpu.memory_space<hbm>>
          %dma_start3A_88 = tpu.memref_squeeze %dma_start3A_87 : memref<1x128xi32, #tpu.memory_space<hbm>> -> memref<128xi32, #tpu.memory_space<hbm>>
          %dma_start3A_89 = arith.constant 0 : i32
          %dma_start3A_90 = tpu.memref_slice %arg5[%run_scoped3A, %dma_start3A_89] : memref<4x128xi32, #tpu.memory_space<vmem>> -> memref<1x128xi32, #tpu.memory_space<vmem>>
          %dma_start3A_91 = tpu.memref_squeeze %dma_start3A_90 : memref<1x128xi32, #tpu.memory_space<vmem>> -> memref<128xi32, #tpu.memory_space<vmem>>
          %dma_start3A_92 = arith.constant 0 : i32
          %dma_start3A_93 = tpu.memref_slice %arg3[%add3A_12, %dma_start3A_92] : memref<500x128xi32, #tpu.memory_space<hbm>> -> memref<1x128xi32, #tpu.memory_space<hbm>>
          %dma_start3A_94 = tpu.memref_squeeze %dma_start3A_93 : memref<1x128xi32, #tpu.memory_space<hbm>> -> memref<128xi32, #tpu.memory_space<hbm>>
          tpu.enqueue_dma source(%dma_start3A_94 : memref<128xi32, #tpu.memory_space<hbm>>) target(%dma_start3A_91 : memref<128xi32, #tpu.memory_space<vmem>>) target_semaphore(%run_scoped3A_82 : memref<!tpu.dma_semaphore, #tpu.memory_space<semaphore_mem>>)
          %dma_wait3A = arith.constant 0 : i32
          %dma_wait3A_95 = tpu.memref_slice %arg5[%run_scoped3A, %dma_wait3A] : memref<4x128xi32, #tpu.memory_space<vmem>> -> memref<1x128xi32, #tpu.memory_space<vmem>>
          %dma_wait3A_96 = tpu.memref_squeeze %dma_wait3A_95 : memref<1x128xi32, #tpu.memory_space<vmem>> -> memref<128xi32, #tpu.memory_space<vmem>>
          %dma_wait3A_97 = arith.constant 0 : i32
          %dma_wait3A_98 = tpu.memref_slice %arg3[%add3A_12, %dma_wait3A_97] : memref<500x128xi32, #tpu.memory_space<hbm>> -> memref<1x128xi32, #tpu.memory_space<hbm>>
          %dma_wait3A_99 = tpu.memref_squeeze %dma_wait3A_98 : memref<1x128xi32, #tpu.memory_space<hbm>> -> memref<128xi32, #tpu.memory_space<hbm>>
          %dma_wait3A_100 = arith.constant 0 : i32
          %dma_wait3A_101 = tpu.memref_slice %arg5[%run_scoped3A, %dma_wait3A_100] : memref<4x128xi32, #tpu.memory_space<vmem>> -> memref<1x128xi32, #tpu.memory_space<vmem>>
          %dma_wait3A_102 = tpu.memref_squeeze %dma_wait3A_101 : memref<1x128xi32, #tpu.memory_space<vmem>> -> memref<128xi32, #tpu.memory_space<vmem>>
          %dma_wait3A_103 = arith.constant 0 : i32
          %dma_wait3A_104 = tpu.memref_slice %arg3[%add3A_12, %dma_wait3A_103] : memref<500x128xi32, #tpu.memory_space<hbm>> -> memref<1x128xi32, #tpu.memory_space<hbm>>
          %dma_wait3A_105 = tpu.memref_squeeze %dma_wait3A_104 : memref<1x128xi32, #tpu.memory_space<hbm>> -> memref<128xi32, #tpu.memory_space<hbm>>
          tpu.wait_dma2 semaphore(%run_scoped3A_82 : memref<!tpu.dma_semaphore, #tpu.memory_space<semaphore_mem>>) src(%dma_wait3A_105 : memref<128xi32, #tpu.memory_space<hbm>>) dst(%dma_wait3A_102 : memref<128xi32, #tpu.memory_space<vmem>>)
          tpu.yield
        }) : () -> ()
        %dma_start3A = arith.constant 0 : i32
        %dma_start3A_71 = arith.constant 0 : i32
        %dma_start3A_72 = arith.constant 0 : i32
        %dma_start3A_73 = arith.constant 0 : i32
        %dma_start3A_74 = tpu.memref_slice %arg6[%dma_start3A_71, %dma_start3A_72, %dma_start3A_73] : memref<4x128x32xf32, #tpu.memory_space<vmem>> -> memref<1x128x32xf32, #tpu.memory_space<vmem>>
        %dma_start3A_75 = tpu.memref_squeeze %dma_start3A_74 : memref<1x128x32xf32, #tpu.memory_space<vmem>> -> memref<128x32xf32, #tpu.memory_space<vmem>>
        %dma_start3A_76 = arith.constant 0 : i32
        %dma_start3A_77 = tpu.memref_slice %arg5[%dma_start3A, %dma_start3A_76] : memref<4x128xi32, #tpu.memory_space<vmem>> -> memref<1x128xi32, #tpu.memory_space<vmem>>
        %dma_start3A_78 = tpu.memref_squeeze %dma_start3A_77 : memref<1x128xi32, #tpu.memory_space<vmem>> -> memref<128xi32, #tpu.memory_space<vmem>>
        %dma_start3A_79 = arith.constant 0 : i32
        %dma_start3A_80 = arith.constant 0 : i32
        %dma_start3A_81 = tpu.memref_slice %arg2[%dma_start3A_79, %dma_start3A_80] : memref<10000x32xf32, #tpu.memory_space<hbm>> -> memref<10000x32xf32, #tpu.memory_space<hbm>>
        tpu.enqueue_indirect_dma source(%dma_start3A_81 : memref<10000x32xf32, #tpu.memory_space<hbm>>) target(%dma_start3A_75 : memref<128x32xf32, #tpu.memory_space<vmem>>) offsets(%dma_start3A_78 : memref<128xi32, #tpu.memory_space<vmem>>) semaphore(%arg7 : memref<!tpu.dma_semaphore, #tpu.memory_space<semaphore_mem>>)
      } else {
      }
      %lt3A_36 = arith.constant 500 : i32
      %lt3A_37 = arith.cmpi slt, %add3A_19, %lt3A_36 : i32
      %convert_element_type3A_38 = arith.extui %lt3A_37 : i1 to i32
      %cond3A_39 = arith.constant 0 : i32
      %cond3A_40 = arith.cmpi ne, %convert_element_type3A_38, %cond3A_39 : i32
      scf.if %cond3A_40 {
        %run_scoped3A = arith.constant 1 : i32
        "tpu.region"() ({
          %run_scoped3A_82 = tpu.sem_alloc : memref<!tpu.dma_semaphore, #tpu.memory_space<semaphore_mem>>
          %dma_start3A_83 = arith.constant 0 : i32
          %dma_start3A_84 = tpu.memref_slice %arg5[%run_scoped3A, %dma_start3A_83] : memref<4x128xi32, #tpu.memory_space<vmem>> -> memref<1x128xi32, #tpu.memory_space<vmem>>
          %dma_start3A_85 = tpu.memref_squeeze %dma_start3A_84 : memref<1x128xi32, #tpu.memory_space<vmem>> -> memref<128xi32, #tpu.memory_space<vmem>>
          %dma_start3A_86 = arith.constant 0 : i32
          %dma_start3A_87 = tpu.memref_slice %arg3[%add3A_19, %dma_start3A_86] : memref<500x128xi32, #tpu.memory_space<hbm>> -> memref<1x128xi32, #tpu.memory_space<hbm>>
          %dma_start3A_88 = tpu.memref_squeeze %dma_start3A_87 : memref<1x128xi32, #tpu.memory_space<hbm>> -> memref<128xi32, #tpu.memory_space<hbm>>
          %dma_start3A_89 = arith.constant 0 : i32
          %dma_start3A_90 = tpu.memref_slice %arg5[%run_scoped3A, %dma_start3A_89] : memref<4x128xi32, #tpu.memory_space<vmem>> -> memref<1x128xi32, #tpu.memory_space<vmem>>
          %dma_start3A_91 = tpu.memref_squeeze %dma_start3A_90 : memref<1x128xi32, #tpu.memory_space<vmem>> -> memref<128xi32, #tpu.memory_space<vmem>>
          %dma_start3A_92 = arith.constant 0 : i32
          %dma_start3A_93 = tpu.memref_slice %arg3[%add3A_19, %dma_start3A_92] : memref<500x128xi32, #tpu.memory_space<hbm>> -> memref<1x128xi32, #tpu.memory_space<hbm>>
          %dma_start3A_94 = tpu.memref_squeeze %dma_start3A_93 : memref<1x128xi32, #tpu.memory_space<hbm>> -> memref<128xi32, #tpu.memory_space<hbm>>
          tpu.enqueue_dma source(%dma_start3A_94 : memref<128xi32, #tpu.memory_space<hbm>>) target(%dma_start3A_91 : memref<128xi32, #tpu.memory_space<vmem>>) target_semaphore(%run_scoped3A_82 : memref<!tpu.dma_semaphore, #tpu.memory_space<semaphore_mem>>)
          %dma_wait3A = arith.constant 0 : i32
          %dma_wait3A_95 = tpu.memref_slice %arg5[%run_scoped3A, %dma_wait3A] : memref<4x128xi32, #tpu.memory_space<vmem>> -> memref<1x128xi32, #tpu.memory_space<vmem>>
          %dma_wait3A_96 = tpu.memref_squeeze %dma_wait3A_95 : memref<1x128xi32, #tpu.memory_space<vmem>> -> memref<128xi32, #tpu.memory_space<vmem>>
          %dma_wait3A_97 = arith.constant 0 : i32
          %dma_wait3A_98 = tpu.memref_slice %arg3[%add3A_19, %dma_wait3A_97] : memref<500x128xi32, #tpu.memory_space<hbm>> -> memref<1x128xi32, #tpu.memory_space<hbm>>
          %dma_wait3A_99 = tpu.memref_squeeze %dma_wait3A_98 : memref<1x128xi32, #tpu.memory_space<hbm>> -> memref<128xi32, #tpu.memory_space<hbm>>
          %dma_wait3A_100 = arith.constant 0 : i32
          %dma_wait3A_101 = tpu.memref_slice %arg5[%run_scoped3A, %dma_wait3A_100] : memref<4x128xi32, #tpu.memory_space<vmem>> -> memref<1x128xi32, #tpu.memory_space<vmem>>
          %dma_wait3A_102 = tpu.memref_squeeze %dma_wait3A_101 : memref<1x128xi32, #tpu.memory_space<vmem>> -> memref<128xi32, #tpu.memory_space<vmem>>
          %dma_wait3A_103 = arith.constant 0 : i32
          %dma_wait3A_104 = tpu.memref_slice %arg3[%add3A_19, %dma_wait3A_103] : memref<500x128xi32, #tpu.memory_space<hbm>> -> memref<1x128xi32, #tpu.memory_space<hbm>>
          %dma_wait3A_105 = tpu.memref_squeeze %dma_wait3A_104 : memref<1x128xi32, #tpu.memory_space<hbm>> -> memref<128xi32, #tpu.memory_space<hbm>>
          tpu.wait_dma2 semaphore(%run_scoped3A_82 : memref<!tpu.dma_semaphore, #tpu.memory_space<semaphore_mem>>) src(%dma_wait3A_105 : memref<128xi32, #tpu.memory_space<hbm>>) dst(%dma_wait3A_102 : memref<128xi32, #tpu.memory_space<vmem>>)
          tpu.yield
        }) : () -> ()
        %dma_start3A = arith.constant 1 : i32
        %dma_start3A_71 = arith.constant 1 : i32
        %dma_start3A_72 = arith.constant 0 : i32
        %dma_start3A_73 = arith.constant 0 : i32
        %dma_start3A_74 = tpu.memref_slice %arg6[%dma_start3A_71, %dma_start3A_72, %dma_start3A_73] : memref<4x128x32xf32, #tpu.memory_space<vmem>> -> memref<1x128x32xf32, #tpu.memory_space<vmem>>
        %dma_start3A_75 = tpu.memref_squeeze %dma_start3A_74 : memref<1x128x32xf32, #tpu.memory_space<vmem>> -> memref<128x32xf32, #tpu.memory_space<vmem>>
        %dma_start3A_76 = arith.constant 0 : i32
        %dma_start3A_77 = tpu.memref_slice %arg5[%dma_start3A, %dma_start3A_76] : memref<4x128xi32, #tpu.memory_space<vmem>> -> memref<1x128xi32, #tpu.memory_space<vmem>>
        %dma_start3A_78 = tpu.memref_squeeze %dma_start3A_77 : memref<1x128xi32, #tpu.memory_space<vmem>> -> memref<128xi32, #tpu.memory_space<vmem>>
        %dma_start3A_79 = arith.constant 0 : i32
        %dma_start3A_80 = arith.constant 0 : i32
        %dma_start3A_81 = tpu.memref_slice %arg2[%dma_start3A_79, %dma_start3A_80] : memref<10000x32xf32, #tpu.memory_space<hbm>> -> memref<10000x32xf32, #tpu.memory_space<hbm>>
        tpu.enqueue_indirect_dma source(%dma_start3A_81 : memref<10000x32xf32, #tpu.memory_space<hbm>>) target(%dma_start3A_75 : memref<128x32xf32, #tpu.memory_space<vmem>>) offsets(%dma_start3A_78 : memref<128xi32, #tpu.memory_space<vmem>>) semaphore(%arg8 : memref<!tpu.dma_semaphore, #tpu.memory_space<semaphore_mem>>)
      } else {
      }
      %lt3A_41 = arith.constant 500 : i32
      %lt3A_42 = arith.cmpi slt, %add3A_26, %lt3A_41 : i32
      %convert_element_type3A_43 = arith.extui %lt3A_42 : i1 to i32
      %cond3A_44 = arith.constant 0 : i32
      %cond3A_45 = arith.cmpi ne, %convert_element_type3A_43, %cond3A_44 : i32
      scf.if %cond3A_45 {
        %run_scoped3A = arith.constant 2 : i32
        "tpu.region"() ({
          %run_scoped3A_82 = tpu.sem_alloc : memref<!tpu.dma_semaphore, #tpu.memory_space<semaphore_mem>>
          %dma_start3A_83 = arith.constant 0 : i32
          %dma_start3A_84 = tpu.memref_slice %arg5[%run_scoped3A, %dma_start3A_83] : memref<4x128xi32, #tpu.memory_space<vmem>> -> memref<1x128xi32, #tpu.memory_space<vmem>>
          %dma_start3A_85 = tpu.memref_squeeze %dma_start3A_84 : memref<1x128xi32, #tpu.memory_space<vmem>> -> memref<128xi32, #tpu.memory_space<vmem>>
          %dma_start3A_86 = arith.constant 0 : i32
          %dma_start3A_87 = tpu.memref_slice %arg3[%add3A_26, %dma_start3A_86] : memref<500x128xi32, #tpu.memory_space<hbm>> -> memref<1x128xi32, #tpu.memory_space<hbm>>
          %dma_start3A_88 = tpu.memref_squeeze %dma_start3A_87 : memref<1x128xi32, #tpu.memory_space<hbm>> -> memref<128xi32, #tpu.memory_space<hbm>>
          %dma_start3A_89 = arith.constant 0 : i32
          %dma_start3A_90 = tpu.memref_slice %arg5[%run_scoped3A, %dma_start3A_89] : memref<4x128xi32, #tpu.memory_space<vmem>> -> memref<1x128xi32, #tpu.memory_space<vmem>>
          %dma_start3A_91 = tpu.memref_squeeze %dma_start3A_90 : memref<1x128xi32, #tpu.memory_space<vmem>> -> memref<128xi32, #tpu.memory_space<vmem>>
          %dma_start3A_92 = arith.constant 0 : i32
          %dma_start3A_93 = tpu.memref_slice %arg3[%add3A_26, %dma_start3A_92] : memref<500x128xi32, #tpu.memory_space<hbm>> -> memref<1x128xi32, #tpu.memory_space<hbm>>
          %dma_start3A_94 = tpu.memref_squeeze %dma_start3A_93 : memref<1x128xi32, #tpu.memory_space<hbm>> -> memref<128xi32, #tpu.memory_space<hbm>>
          tpu.enqueue_dma source(%dma_start3A_94 : memref<128xi32, #tpu.memory_space<hbm>>) target(%dma_start3A_91 : memref<128xi32, #tpu.memory_space<vmem>>) target_semaphore(%run_scoped3A_82 : memref<!tpu.dma_semaphore, #tpu.memory_space<semaphore_mem>>)
          %dma_wait3A = arith.constant 0 : i32
          %dma_wait3A_95 = tpu.memref_slice %arg5[%run_scoped3A, %dma_wait3A] : memref<4x128xi32, #tpu.memory_space<vmem>> -> memref<1x128xi32, #tpu.memory_space<vmem>>
          %dma_wait3A_96 = tpu.memref_squeeze %dma_wait3A_95 : memref<1x128xi32, #tpu.memory_space<vmem>> -> memref<128xi32, #tpu.memory_space<vmem>>
          %dma_wait3A_97 = arith.constant 0 : i32
          %dma_wait3A_98 = tpu.memref_slice %arg3[%add3A_26, %dma_wait3A_97] : memref<500x128xi32, #tpu.memory_space<hbm>> -> memref<1x128xi32, #tpu.memory_space<hbm>>
          %dma_wait3A_99 = tpu.memref_squeeze %dma_wait3A_98 : memref<1x128xi32, #tpu.memory_space<hbm>> -> memref<128xi32, #tpu.memory_space<hbm>>
          %dma_wait3A_100 = arith.constant 0 : i32
          %dma_wait3A_101 = tpu.memref_slice %arg5[%run_scoped3A, %dma_wait3A_100] : memref<4x128xi32, #tpu.memory_space<vmem>> -> memref<1x128xi32, #tpu.memory_space<vmem>>
          %dma_wait3A_102 = tpu.memref_squeeze %dma_wait3A_101 : memref<1x128xi32, #tpu.memory_space<vmem>> -> memref<128xi32, #tpu.memory_space<vmem>>
          %dma_wait3A_103 = arith.constant 0 : i32
          %dma_wait3A_104 = tpu.memref_slice %arg3[%add3A_26, %dma_wait3A_103] : memref<500x128xi32, #tpu.memory_space<hbm>> -> memref<1x128xi32, #tpu.memory_space<hbm>>
          %dma_wait3A_105 = tpu.memref_squeeze %dma_wait3A_104 : memref<1x128xi32, #tpu.memory_space<hbm>> -> memref<128xi32, #tpu.memory_space<hbm>>
          tpu.wait_dma2 semaphore(%run_scoped3A_82 : memref<!tpu.dma_semaphore, #tpu.memory_space<semaphore_mem>>) src(%dma_wait3A_105 : memref<128xi32, #tpu.memory_space<hbm>>) dst(%dma_wait3A_102 : memref<128xi32, #tpu.memory_space<vmem>>)
          tpu.yield
        }) : () -> ()
        %dma_start3A = arith.constant 2 : i32
        %dma_start3A_71 = arith.constant 2 : i32
        %dma_start3A_72 = arith.constant 0 : i32
        %dma_start3A_73 = arith.constant 0 : i32
        %dma_start3A_74 = tpu.memref_slice %arg6[%dma_start3A_71, %dma_start3A_72, %dma_start3A_73] : memref<4x128x32xf32, #tpu.memory_space<vmem>> -> memref<1x128x32xf32, #tpu.memory_space<vmem>>
        %dma_start3A_75 = tpu.memref_squeeze %dma_start3A_74 : memref<1x128x32xf32, #tpu.memory_space<vmem>> -> memref<128x32xf32, #tpu.memory_space<vmem>>
        %dma_start3A_76 = arith.constant 0 : i32
        %dma_start3A_77 = tpu.memref_slice %arg5[%dma_start3A, %dma_start3A_76] : memref<4x128xi32, #tpu.memory_space<vmem>> -> memref<1x128xi32, #tpu.memory_space<vmem>>
        %dma_start3A_78 = tpu.memref_squeeze %dma_start3A_77 : memref<1x128xi32, #tpu.memory_space<vmem>> -> memref<128xi32, #tpu.memory_space<vmem>>
        %dma_start3A_79 = arith.constant 0 : i32
        %dma_start3A_80 = arith.constant 0 : i32
        %dma_start3A_81 = tpu.memref_slice %arg2[%dma_start3A_79, %dma_start3A_80] : memref<10000x32xf32, #tpu.memory_space<hbm>> -> memref<10000x32xf32, #tpu.memory_space<hbm>>
        tpu.enqueue_indirect_dma source(%dma_start3A_81 : memref<10000x32xf32, #tpu.memory_space<hbm>>) target(%dma_start3A_75 : memref<128x32xf32, #tpu.memory_space<vmem>>) offsets(%dma_start3A_78 : memref<128xi32, #tpu.memory_space<vmem>>) semaphore(%arg9 : memref<!tpu.dma_semaphore, #tpu.memory_space<semaphore_mem>>)
      } else {
      }
      %lt3A_46 = arith.constant 500 : i32
      %lt3A_47 = arith.cmpi slt, %add3A_33, %lt3A_46 : i32
      %convert_element_type3A_48 = arith.extui %lt3A_47 : i1 to i32
      %cond3A_49 = arith.constant 0 : i32
      %cond3A_50 = arith.cmpi ne, %convert_element_type3A_48, %cond3A_49 : i32
      scf.if %cond3A_50 {
        %run_scoped3A = arith.constant 3 : i32
        "tpu.region"() ({
          %run_scoped3A_82 = tpu.sem_alloc : memref<!tpu.dma_semaphore, #tpu.memory_space<semaphore_mem>>
          %dma_start3A_83 = arith.constant 0 : i32
          %dma_start3A_84 = tpu.memref_slice %arg5[%run_scoped3A, %dma_start3A_83] : memref<4x128xi32, #tpu.memory_space<vmem>> -> memref<1x128xi32, #tpu.memory_space<vmem>>
          %dma_start3A_85 = tpu.memref_squeeze %dma_start3A_84 : memref<1x128xi32, #tpu.memory_space<vmem>> -> memref<128xi32, #tpu.memory_space<vmem>>
          %dma_start3A_86 = arith.constant 0 : i32
          %dma_start3A_87 = tpu.memref_slice %arg3[%add3A_33, %dma_start3A_86] : memref<500x128xi32, #tpu.memory_space<hbm>> -> memref<1x128xi32, #tpu.memory_space<hbm>>
          %dma_start3A_88 = tpu.memref_squeeze %dma_start3A_87 : memref<1x128xi32, #tpu.memory_space<hbm>> -> memref<128xi32, #tpu.memory_space<hbm>>
          %dma_start3A_89 = arith.constant 0 : i32
          %dma_start3A_90 = tpu.memref_slice %arg5[%run_scoped3A, %dma_start3A_89] : memref<4x128xi32, #tpu.memory_space<vmem>> -> memref<1x128xi32, #tpu.memory_space<vmem>>
          %dma_start3A_91 = tpu.memref_squeeze %dma_start3A_90 : memref<1x128xi32, #tpu.memory_space<vmem>> -> memref<128xi32, #tpu.memory_space<vmem>>
          %dma_start3A_92 = arith.constant 0 : i32
          %dma_start3A_93 = tpu.memref_slice %arg3[%add3A_33, %dma_start3A_92] : memref<500x128xi32, #tpu.memory_space<hbm>> -> memref<1x128xi32, #tpu.memory_space<hbm>>
          %dma_start3A_94 = tpu.memref_squeeze %dma_start3A_93 : memref<1x128xi32, #tpu.memory_space<hbm>> -> memref<128xi32, #tpu.memory_space<hbm>>
          tpu.enqueue_dma source(%dma_start3A_94 : memref<128xi32, #tpu.memory_space<hbm>>) target(%dma_start3A_91 : memref<128xi32, #tpu.memory_space<vmem>>) target_semaphore(%run_scoped3A_82 : memref<!tpu.dma_semaphore, #tpu.memory_space<semaphore_mem>>)
          %dma_wait3A = arith.constant 0 : i32
          %dma_wait3A_95 = tpu.memref_slice %arg5[%run_scoped3A, %dma_wait3A] : memref<4x128xi32, #tpu.memory_space<vmem>> -> memref<1x128xi32, #tpu.memory_space<vmem>>
          %dma_wait3A_96 = tpu.memref_squeeze %dma_wait3A_95 : memref<1x128xi32, #tpu.memory_space<vmem>> -> memref<128xi32, #tpu.memory_space<vmem>>
          %dma_wait3A_97 = arith.constant 0 : i32
          %dma_wait3A_98 = tpu.memref_slice %arg3[%add3A_33, %dma_wait3A_97] : memref<500x128xi32, #tpu.memory_space<hbm>> -> memref<1x128xi32, #tpu.memory_space<hbm>>
          %dma_wait3A_99 = tpu.memref_squeeze %dma_wait3A_98 : memref<1x128xi32, #tpu.memory_space<hbm>> -> memref<128xi32, #tpu.memory_space<hbm>>
          %dma_wait3A_100 = arith.constant 0 : i32
          %dma_wait3A_101 = tpu.memref_slice %arg5[%run_scoped3A, %dma_wait3A_100] : memref<4x128xi32, #tpu.memory_space<vmem>> -> memref<1x128xi32, #tpu.memory_space<vmem>>
          %dma_wait3A_102 = tpu.memref_squeeze %dma_wait3A_101 : memref<1x128xi32, #tpu.memory_space<vmem>> -> memref<128xi32, #tpu.memory_space<vmem>>
          %dma_wait3A_103 = arith.constant 0 : i32
          %dma_wait3A_104 = tpu.memref_slice %arg3[%add3A_33, %dma_wait3A_103] : memref<500x128xi32, #tpu.memory_space<hbm>> -> memref<1x128xi32, #tpu.memory_space<hbm>>
          %dma_wait3A_105 = tpu.memref_squeeze %dma_wait3A_104 : memref<1x128xi32, #tpu.memory_space<hbm>> -> memref<128xi32, #tpu.memory_space<hbm>>
          tpu.wait_dma2 semaphore(%run_scoped3A_82 : memref<!tpu.dma_semaphore, #tpu.memory_space<semaphore_mem>>) src(%dma_wait3A_105 : memref<128xi32, #tpu.memory_space<hbm>>) dst(%dma_wait3A_102 : memref<128xi32, #tpu.memory_space<vmem>>)
          tpu.yield
        }) : () -> ()
        %dma_start3A = arith.constant 3 : i32
        %dma_start3A_71 = arith.constant 3 : i32
        %dma_start3A_72 = arith.constant 0 : i32
        %dma_start3A_73 = arith.constant 0 : i32
        %dma_start3A_74 = tpu.memref_slice %arg6[%dma_start3A_71, %dma_start3A_72, %dma_start3A_73] : memref<4x128x32xf32, #tpu.memory_space<vmem>> -> memref<1x128x32xf32, #tpu.memory_space<vmem>>
        %dma_start3A_75 = tpu.memref_squeeze %dma_start3A_74 : memref<1x128x32xf32, #tpu.memory_space<vmem>> -> memref<128x32xf32, #tpu.memory_space<vmem>>
        %dma_start3A_76 = arith.constant 0 : i32
        %dma_start3A_77 = tpu.memref_slice %arg5[%dma_start3A, %dma_start3A_76] : memref<4x128xi32, #tpu.memory_space<vmem>> -> memref<1x128xi32, #tpu.memory_space<vmem>>
        %dma_start3A_78 = tpu.memref_squeeze %dma_start3A_77 : memref<1x128xi32, #tpu.memory_space<vmem>> -> memref<128xi32, #tpu.memory_space<vmem>>
        %dma_start3A_79 = arith.constant 0 : i32
        %dma_start3A_80 = arith.constant 0 : i32
        %dma_start3A_81 = tpu.memref_slice %arg2[%dma_start3A_79, %dma_start3A_80] : memref<10000x32xf32, #tpu.memory_space<hbm>> -> memref<10000x32xf32, #tpu.memory_space<hbm>>
        tpu.enqueue_indirect_dma source(%dma_start3A_81 : memref<10000x32xf32, #tpu.memory_space<hbm>>) target(%dma_start3A_75 : memref<128x32xf32, #tpu.memory_space<vmem>>) offsets(%dma_start3A_78 : memref<128xi32, #tpu.memory_space<vmem>>) semaphore(%arg10 : memref<!tpu.dma_semaphore, #tpu.memory_space<semaphore_mem>>)
      } else {
      }
      %lt3A_51 = arith.constant 500 : i32
      %lt3A_52 = arith.cmpi slt, %add3A_12, %lt3A_51 : i32
      %convert_element_type3A_53 = arith.extui %lt3A_52 : i1 to i32
      %cond3A_54 = arith.constant 0 : i32
      %cond3A_55 = arith.cmpi ne, %convert_element_type3A_53, %cond3A_54 : i32
      scf.if %cond3A_55 {
        %dma_wait3A = arith.constant 0 : i32
        %dma_wait3A_71 = arith.constant 0 : i32
        %dma_wait3A_72 = arith.constant 0 : i32
        %dma_wait3A_73 = arith.constant 0 : i32
        %dma_wait3A_74 = tpu.memref_slice %arg6[%dma_wait3A_71, %dma_wait3A_72, %dma_wait3A_73] : memref<4x128x32xf32, #tpu.memory_space<vmem>> -> memref<1x128x32xf32, #tpu.memory_space<vmem>>
        %dma_wait3A_75 = tpu.memref_squeeze %dma_wait3A_74 : memref<1x128x32xf32, #tpu.memory_space<vmem>> -> memref<128x32xf32, #tpu.memory_space<vmem>>
        %dma_wait3A_76 = arith.constant 0 : i32
        %dma_wait3A_77 = tpu.memref_slice %arg5[%dma_wait3A, %dma_wait3A_76] : memref<4x128xi32, #tpu.memory_space<vmem>> -> memref<1x128xi32, #tpu.memory_space<vmem>>
        %dma_wait3A_78 = tpu.memref_squeeze %dma_wait3A_77 : memref<1x128xi32, #tpu.memory_space<vmem>> -> memref<128xi32, #tpu.memory_space<vmem>>
        %dma_wait3A_79 = arith.constant 0 : i32
        %dma_wait3A_80 = arith.constant 0 : i32
        %dma_wait3A_81 = tpu.memref_slice %arg2[%dma_wait3A_79, %dma_wait3A_80] : memref<10000x32xf32, #tpu.memory_space<hbm>> -> memref<10000x32xf32, #tpu.memory_space<hbm>>
        tpu.wait_indirect_dma semaphore(%arg7 : memref<!tpu.dma_semaphore, #tpu.memory_space<semaphore_mem>>) src(%dma_wait3A_81 : memref<10000x32xf32, #tpu.memory_space<hbm>>) dst(%dma_wait3A_75 : memref<128x32xf32, #tpu.memory_space<vmem>>)
        %run_scoped3A = arith.constant 0 : i32
        "tpu.region"() ({
          %run_scoped3A_82 = tpu.sem_alloc : memref<!tpu.dma_semaphore, #tpu.memory_space<semaphore_mem>>
          %dma_start3A = arith.constant 0 : i32
          %dma_start3A_83 = arith.constant 0 : i32
          %dma_start3A_84 = tpu.memref_slice %arg6[%run_scoped3A, %dma_start3A, %dma_start3A_83] : memref<4x128x32xf32, #tpu.memory_space<vmem>> -> memref<1x128x32xf32, #tpu.memory_space<vmem>>
          %dma_start3A_85 = tpu.memref_squeeze %dma_start3A_84 : memref<1x128x32xf32, #tpu.memory_space<vmem>> -> memref<128x32xf32, #tpu.memory_space<vmem>>
          %dma_start3A_86 = arith.constant 0 : i32
          %dma_start3A_87 = arith.constant 0 : i32
          %dma_start3A_88 = tpu.memref_slice %arg4[%add3A_12, %dma_start3A_86, %dma_start3A_87] : memref<500x128x32xf32, #tpu.memory_space<hbm>> -> memref<1x128x32xf32, #tpu.memory_space<hbm>>
          %dma_start3A_89 = tpu.memref_squeeze %dma_start3A_88 : memref<1x128x32xf32, #tpu.memory_space<hbm>> -> memref<128x32xf32, #tpu.memory_space<hbm>>
          %dma_start3A_90 = arith.constant 0 : i32
          %dma_start3A_91 = arith.constant 0 : i32
          %dma_start3A_92 = tpu.memref_slice %arg4[%add3A_12, %dma_start3A_90, %dma_start3A_91] : memref<500x128x32xf32, #tpu.memory_space<hbm>> -> memref<1x128x32xf32, #tpu.memory_space<hbm>>
          %dma_start3A_93 = tpu.memref_squeeze %dma_start3A_92 : memref<1x128x32xf32, #tpu.memory_space<hbm>> -> memref<128x32xf32, #tpu.memory_space<hbm>>
          %dma_start3A_94 = arith.constant 0 : i32
          %dma_start3A_95 = arith.constant 0 : i32
          %dma_start3A_96 = tpu.memref_slice %arg6[%run_scoped3A, %dma_start3A_94, %dma_start3A_95] : memref<4x128x32xf32, #tpu.memory_space<vmem>> -> memref<1x128x32xf32, #tpu.memory_space<vmem>>
          %dma_start3A_97 = tpu.memref_squeeze %dma_start3A_96 : memref<1x128x32xf32, #tpu.memory_space<vmem>> -> memref<128x32xf32, #tpu.memory_space<vmem>>
          tpu.enqueue_dma source(%dma_start3A_97 : memref<128x32xf32, #tpu.memory_space<vmem>>) target(%dma_start3A_93 : memref<128x32xf32, #tpu.memory_space<hbm>>) target_semaphore(%run_scoped3A_82 : memref<!tpu.dma_semaphore, #tpu.memory_space<semaphore_mem>>)
          %dma_wait3A_98 = arith.constant 0 : i32
          %dma_wait3A_99 = arith.constant 0 : i32
          %dma_wait3A_100 = tpu.memref_slice %arg6[%run_scoped3A, %dma_wait3A_98, %dma_wait3A_99] : memref<4x128x32xf32, #tpu.memory_space<vmem>> -> memref<1x128x32xf32, #tpu.memory_space<vmem>>
          %dma_wait3A_101 = tpu.memref_squeeze %dma_wait3A_100 : memref<1x128x32xf32, #tpu.memory_space<vmem>> -> memref<128x32xf32, #tpu.memory_space<vmem>>
          %dma_wait3A_102 = arith.constant 0 : i32
          %dma_wait3A_103 = arith.constant 0 : i32
          %dma_wait3A_104 = tpu.memref_slice %arg4[%add3A_12, %dma_wait3A_102, %dma_wait3A_103] : memref<500x128x32xf32, #tpu.memory_space<hbm>> -> memref<1x128x32xf32, #tpu.memory_space<hbm>>
          %dma_wait3A_105 = tpu.memref_squeeze %dma_wait3A_104 : memref<1x128x32xf32, #tpu.memory_space<hbm>> -> memref<128x32xf32, #tpu.memory_space<hbm>>
          %dma_wait3A_106 = arith.constant 0 : i32
          %dma_wait3A_107 = arith.constant 0 : i32
          %dma_wait3A_108 = tpu.memref_slice %arg4[%add3A_12, %dma_wait3A_106, %dma_wait3A_107] : memref<500x128x32xf32, #tpu.memory_space<hbm>> -> memref<1x128x32xf32, #tpu.memory_space<hbm>>
          %dma_wait3A_109 = tpu.memref_squeeze %dma_wait3A_108 : memref<1x128x32xf32, #tpu.memory_space<hbm>> -> memref<128x32xf32, #tpu.memory_space<hbm>>
          %dma_wait3A_110 = arith.constant 0 : i32
          %dma_wait3A_111 = arith.constant 0 : i32
          %dma_wait3A_112 = tpu.memref_slice %arg6[%run_scoped3A, %dma_wait3A_110, %dma_wait3A_111] : memref<4x128x32xf32, #tpu.memory_space<vmem>> -> memref<1x128x32xf32, #tpu.memory_space<vmem>>
          %dma_wait3A_113 = tpu.memref_squeeze %dma_wait3A_112 : memref<1x128x32xf32, #tpu.memory_space<vmem>> -> memref<128x32xf32, #tpu.memory_space<vmem>>
          tpu.wait_dma2 semaphore(%run_scoped3A_82 : memref<!tpu.dma_semaphore, #tpu.memory_space<semaphore_mem>>) src(%dma_wait3A_113 : memref<128x32xf32, #tpu.memory_space<vmem>>) dst(%dma_wait3A_109 : memref<128x32xf32, #tpu.memory_space<hbm>>)
          tpu.yield
        }) : () -> ()
      } else {
      }
      %lt3A_56 = arith.constant 500 : i32
      %lt3A_57 = arith.cmpi slt, %add3A_19, %lt3A_56 : i32
      %convert_element_type3A_58 = arith.extui %lt3A_57 : i1 to i32
      %cond3A_59 = arith.constant 0 : i32
      %cond3A_60 = arith.cmpi ne, %convert_element_type3A_58, %cond3A_59 : i32
      scf.if %cond3A_60 {
        %dma_wait3A = arith.constant 1 : i32
        %dma_wait3A_71 = arith.constant 1 : i32
        %dma_wait3A_72 = arith.constant 0 : i32
        %dma_wait3A_73 = arith.constant 0 : i32
        %dma_wait3A_74 = tpu.memref_slice %arg6[%dma_wait3A_71, %dma_wait3A_72, %dma_wait3A_73] : memref<4x128x32xf32, #tpu.memory_space<vmem>> -> memref<1x128x32xf32, #tpu.memory_space<vmem>>
        %dma_wait3A_75 = tpu.memref_squeeze %dma_wait3A_74 : memref<1x128x32xf32, #tpu.memory_space<vmem>> -> memref<128x32xf32, #tpu.memory_space<vmem>>
        %dma_wait3A_76 = arith.constant 0 : i32
        %dma_wait3A_77 = tpu.memref_slice %arg5[%dma_wait3A, %dma_wait3A_76] : memref<4x128xi32, #tpu.memory_space<vmem>> -> memref<1x128xi32, #tpu.memory_space<vmem>>
        %dma_wait3A_78 = tpu.memref_squeeze %dma_wait3A_77 : memref<1x128xi32, #tpu.memory_space<vmem>> -> memref<128xi32, #tpu.memory_space<vmem>>
        %dma_wait3A_79 = arith.constant 0 : i32
        %dma_wait3A_80 = arith.constant 0 : i32
        %dma_wait3A_81 = tpu.memref_slice %arg2[%dma_wait3A_79, %dma_wait3A_80] : memref<10000x32xf32, #tpu.memory_space<hbm>> -> memref<10000x32xf32, #tpu.memory_space<hbm>>
        tpu.wait_indirect_dma semaphore(%arg8 : memref<!tpu.dma_semaphore, #tpu.memory_space<semaphore_mem>>) src(%dma_wait3A_81 : memref<10000x32xf32, #tpu.memory_space<hbm>>) dst(%dma_wait3A_75 : memref<128x32xf32, #tpu.memory_space<vmem>>)
        %run_scoped3A = arith.constant 1 : i32
        "tpu.region"() ({
          %run_scoped3A_82 = tpu.sem_alloc : memref<!tpu.dma_semaphore, #tpu.memory_space<semaphore_mem>>
          %dma_start3A = arith.constant 0 : i32
          %dma_start3A_83 = arith.constant 0 : i32
          %dma_start3A_84 = tpu.memref_slice %arg6[%run_scoped3A, %dma_start3A, %dma_start3A_83] : memref<4x128x32xf32, #tpu.memory_space<vmem>> -> memref<1x128x32xf32, #tpu.memory_space<vmem>>
          %dma_start3A_85 = tpu.memref_squeeze %dma_start3A_84 : memref<1x128x32xf32, #tpu.memory_space<vmem>> -> memref<128x32xf32, #tpu.memory_space<vmem>>
          %dma_start3A_86 = arith.constant 0 : i32
          %dma_start3A_87 = arith.constant 0 : i32
          %dma_start3A_88 = tpu.memref_slice %arg4[%add3A_19, %dma_start3A_86, %dma_start3A_87] : memref<500x128x32xf32, #tpu.memory_space<hbm>> -> memref<1x128x32xf32, #tpu.memory_space<hbm>>
          %dma_start3A_89 = tpu.memref_squeeze %dma_start3A_88 : memref<1x128x32xf32, #tpu.memory_space<hbm>> -> memref<128x32xf32, #tpu.memory_space<hbm>>
          %dma_start3A_90 = arith.constant 0 : i32
          %dma_start3A_91 = arith.constant 0 : i32
          %dma_start3A_92 = tpu.memref_slice %arg4[%add3A_19, %dma_start3A_90, %dma_start3A_91] : memref<500x128x32xf32, #tpu.memory_space<hbm>> -> memref<1x128x32xf32, #tpu.memory_space<hbm>>
          %dma_start3A_93 = tpu.memref_squeeze %dma_start3A_92 : memref<1x128x32xf32, #tpu.memory_space<hbm>> -> memref<128x32xf32, #tpu.memory_space<hbm>>
          %dma_start3A_94 = arith.constant 0 : i32
          %dma_start3A_95 = arith.constant 0 : i32
          %dma_start3A_96 = tpu.memref_slice %arg6[%run_scoped3A, %dma_start3A_94, %dma_start3A_95] : memref<4x128x32xf32, #tpu.memory_space<vmem>> -> memref<1x128x32xf32, #tpu.memory_space<vmem>>
          %dma_start3A_97 = tpu.memref_squeeze %dma_start3A_96 : memref<1x128x32xf32, #tpu.memory_space<vmem>> -> memref<128x32xf32, #tpu.memory_space<vmem>>
          tpu.enqueue_dma source(%dma_start3A_97 : memref<128x32xf32, #tpu.memory_space<vmem>>) target(%dma_start3A_93 : memref<128x32xf32, #tpu.memory_space<hbm>>) target_semaphore(%run_scoped3A_82 : memref<!tpu.dma_semaphore, #tpu.memory_space<semaphore_mem>>)
          %dma_wait3A_98 = arith.constant 0 : i32
          %dma_wait3A_99 = arith.constant 0 : i32
          %dma_wait3A_100 = tpu.memref_slice %arg6[%run_scoped3A, %dma_wait3A_98, %dma_wait3A_99] : memref<4x128x32xf32, #tpu.memory_space<vmem>> -> memref<1x128x32xf32, #tpu.memory_space<vmem>>
          %dma_wait3A_101 = tpu.memref_squeeze %dma_wait3A_100 : memref<1x128x32xf32, #tpu.memory_space<vmem>> -> memref<128x32xf32, #tpu.memory_space<vmem>>
          %dma_wait3A_102 = arith.constant 0 : i32
          %dma_wait3A_103 = arith.constant 0 : i32
          %dma_wait3A_104 = tpu.memref_slice %arg4[%add3A_19, %dma_wait3A_102, %dma_wait3A_103] : memref<500x128x32xf32, #tpu.memory_space<hbm>> -> memref<1x128x32xf32, #tpu.memory_space<hbm>>
          %dma_wait3A_105 = tpu.memref_squeeze %dma_wait3A_104 : memref<1x128x32xf32, #tpu.memory_space<hbm>> -> memref<128x32xf32, #tpu.memory_space<hbm>>
          %dma_wait3A_106 = arith.constant 0 : i32
          %dma_wait3A_107 = arith.constant 0 : i32
          %dma_wait3A_108 = tpu.memref_slice %arg4[%add3A_19, %dma_wait3A_106, %dma_wait3A_107] : memref<500x128x32xf32, #tpu.memory_space<hbm>> -> memref<1x128x32xf32, #tpu.memory_space<hbm>>
          %dma_wait3A_109 = tpu.memref_squeeze %dma_wait3A_108 : memref<1x128x32xf32, #tpu.memory_space<hbm>> -> memref<128x32xf32, #tpu.memory_space<hbm>>
          %dma_wait3A_110 = arith.constant 0 : i32
          %dma_wait3A_111 = arith.constant 0 : i32
          %dma_wait3A_112 = tpu.memref_slice %arg6[%run_scoped3A, %dma_wait3A_110, %dma_wait3A_111] : memref<4x128x32xf32, #tpu.memory_space<vmem>> -> memref<1x128x32xf32, #tpu.memory_space<vmem>>
          %dma_wait3A_113 = tpu.memref_squeeze %dma_wait3A_112 : memref<1x128x32xf32, #tpu.memory_space<vmem>> -> memref<128x32xf32, #tpu.memory_space<vmem>>
          tpu.wait_dma2 semaphore(%run_scoped3A_82 : memref<!tpu.dma_semaphore, #tpu.memory_space<semaphore_mem>>) src(%dma_wait3A_113 : memref<128x32xf32, #tpu.memory_space<vmem>>) dst(%dma_wait3A_109 : memref<128x32xf32, #tpu.memory_space<hbm>>)
          tpu.yield
        }) : () -> ()
      } else {
      }
      %lt3A_61 = arith.constant 500 : i32
      %lt3A_62 = arith.cmpi slt, %add3A_26, %lt3A_61 : i32
      %convert_element_type3A_63 = arith.extui %lt3A_62 : i1 to i32
      %cond3A_64 = arith.constant 0 : i32
      %cond3A_65 = arith.cmpi ne, %convert_element_type3A_63, %cond3A_64 : i32
      scf.if %cond3A_65 {
        %dma_wait3A = arith.constant 2 : i32
        %dma_wait3A_71 = arith.constant 2 : i32
        %dma_wait3A_72 = arith.constant 0 : i32
        %dma_wait3A_73 = arith.constant 0 : i32
        %dma_wait3A_74 = tpu.memref_slice %arg6[%dma_wait3A_71, %dma_wait3A_72, %dma_wait3A_73] : memref<4x128x32xf32, #tpu.memory_space<vmem>> -> memref<1x128x32xf32, #tpu.memory_space<vmem>>
        %dma_wait3A_75 = tpu.memref_squeeze %dma_wait3A_74 : memref<1x128x32xf32, #tpu.memory_space<vmem>> -> memref<128x32xf32, #tpu.memory_space<vmem>>
        %dma_wait3A_76 = arith.constant 0 : i32
        %dma_wait3A_77 = tpu.memref_slice %arg5[%dma_wait3A, %dma_wait3A_76] : memref<4x128xi32, #tpu.memory_space<vmem>> -> memref<1x128xi32, #tpu.memory_space<vmem>>
        %dma_wait3A_78 = tpu.memref_squeeze %dma_wait3A_77 : memref<1x128xi32, #tpu.memory_space<vmem>> -> memref<128xi32, #tpu.memory_space<vmem>>
        %dma_wait3A_79 = arith.constant 0 : i32
        %dma_wait3A_80 = arith.constant 0 : i32
        %dma_wait3A_81 = tpu.memref_slice %arg2[%dma_wait3A_79, %dma_wait3A_80] : memref<10000x32xf32, #tpu.memory_space<hbm>> -> memref<10000x32xf32, #tpu.memory_space<hbm>>
        tpu.wait_indirect_dma semaphore(%arg9 : memref<!tpu.dma_semaphore, #tpu.memory_space<semaphore_mem>>) src(%dma_wait3A_81 : memref<10000x32xf32, #tpu.memory_space<hbm>>) dst(%dma_wait3A_75 : memref<128x32xf32, #tpu.memory_space<vmem>>)
        %run_scoped3A = arith.constant 2 : i32
        "tpu.region"() ({
          %run_scoped3A_82 = tpu.sem_alloc : memref<!tpu.dma_semaphore, #tpu.memory_space<semaphore_mem>>
          %dma_start3A = arith.constant 0 : i32
          %dma_start3A_83 = arith.constant 0 : i32
          %dma_start3A_84 = tpu.memref_slice %arg6[%run_scoped3A, %dma_start3A, %dma_start3A_83] : memref<4x128x32xf32, #tpu.memory_space<vmem>> -> memref<1x128x32xf32, #tpu.memory_space<vmem>>
          %dma_start3A_85 = tpu.memref_squeeze %dma_start3A_84 : memref<1x128x32xf32, #tpu.memory_space<vmem>> -> memref<128x32xf32, #tpu.memory_space<vmem>>
          %dma_start3A_86 = arith.constant 0 : i32
          %dma_start3A_87 = arith.constant 0 : i32
          %dma_start3A_88 = tpu.memref_slice %arg4[%add3A_26, %dma_start3A_86, %dma_start3A_87] : memref<500x128x32xf32, #tpu.memory_space<hbm>> -> memref<1x128x32xf32, #tpu.memory_space<hbm>>
          %dma_start3A_89 = tpu.memref_squeeze %dma_start3A_88 : memref<1x128x32xf32, #tpu.memory_space<hbm>> -> memref<128x32xf32, #tpu.memory_space<hbm>>
          %dma_start3A_90 = arith.constant 0 : i32
          %dma_start3A_91 = arith.constant 0 : i32
          %dma_start3A_92 = tpu.memref_slice %arg4[%add3A_26, %dma_start3A_90, %dma_start3A_91] : memref<500x128x32xf32, #tpu.memory_space<hbm>> -> memref<1x128x32xf32, #tpu.memory_space<hbm>>
          %dma_start3A_93 = tpu.memref_squeeze %dma_start3A_92 : memref<1x128x32xf32, #tpu.memory_space<hbm>> -> memref<128x32xf32, #tpu.memory_space<hbm>>
          %dma_start3A_94 = arith.constant 0 : i32
          %dma_start3A_95 = arith.constant 0 : i32
          %dma_start3A_96 = tpu.memref_slice %arg6[%run_scoped3A, %dma_start3A_94, %dma_start3A_95] : memref<4x128x32xf32, #tpu.memory_space<vmem>> -> memref<1x128x32xf32, #tpu.memory_space<vmem>>
          %dma_start3A_97 = tpu.memref_squeeze %dma_start3A_96 : memref<1x128x32xf32, #tpu.memory_space<vmem>> -> memref<128x32xf32, #tpu.memory_space<vmem>>
          tpu.enqueue_dma source(%dma_start3A_97 : memref<128x32xf32, #tpu.memory_space<vmem>>) target(%dma_start3A_93 : memref<128x32xf32, #tpu.memory_space<hbm>>) target_semaphore(%run_scoped3A_82 : memref<!tpu.dma_semaphore, #tpu.memory_space<semaphore_mem>>)
          %dma_wait3A_98 = arith.constant 0 : i32
          %dma_wait3A_99 = arith.constant 0 : i32
          %dma_wait3A_100 = tpu.memref_slice %arg6[%run_scoped3A, %dma_wait3A_98, %dma_wait3A_99] : memref<4x128x32xf32, #tpu.memory_space<vmem>> -> memref<1x128x32xf32, #tpu.memory_space<vmem>>
          %dma_wait3A_101 = tpu.memref_squeeze %dma_wait3A_100 : memref<1x128x32xf32, #tpu.memory_space<vmem>> -> memref<128x32xf32, #tpu.memory_space<vmem>>
          %dma_wait3A_102 = arith.constant 0 : i32
          %dma_wait3A_103 = arith.constant 0 : i32
          %dma_wait3A_104 = tpu.memref_slice %arg4[%add3A_26, %dma_wait3A_102, %dma_wait3A_103] : memref<500x128x32xf32, #tpu.memory_space<hbm>> -> memref<1x128x32xf32, #tpu.memory_space<hbm>>
          %dma_wait3A_105 = tpu.memref_squeeze %dma_wait3A_104 : memref<1x128x32xf32, #tpu.memory_space<hbm>> -> memref<128x32xf32, #tpu.memory_space<hbm>>
          %dma_wait3A_106 = arith.constant 0 : i32
          %dma_wait3A_107 = arith.constant 0 : i32
          %dma_wait3A_108 = tpu.memref_slice %arg4[%add3A_26, %dma_wait3A_106, %dma_wait3A_107] : memref<500x128x32xf32, #tpu.memory_space<hbm>> -> memref<1x128x32xf32, #tpu.memory_space<hbm>>
          %dma_wait3A_109 = tpu.memref_squeeze %dma_wait3A_108 : memref<1x128x32xf32, #tpu.memory_space<hbm>> -> memref<128x32xf32, #tpu.memory_space<hbm>>
          %dma_wait3A_110 = arith.constant 0 : i32
          %dma_wait3A_111 = arith.constant 0 : i32
          %dma_wait3A_112 = tpu.memref_slice %arg6[%run_scoped3A, %dma_wait3A_110, %dma_wait3A_111] : memref<4x128x32xf32, #tpu.memory_space<vmem>> -> memref<1x128x32xf32, #tpu.memory_space<vmem>>
          %dma_wait3A_113 = tpu.memref_squeeze %dma_wait3A_112 : memref<1x128x32xf32, #tpu.memory_space<vmem>> -> memref<128x32xf32, #tpu.memory_space<vmem>>
          tpu.wait_dma2 semaphore(%run_scoped3A_82 : memref<!tpu.dma_semaphore, #tpu.memory_space<semaphore_mem>>) src(%dma_wait3A_113 : memref<128x32xf32, #tpu.memory_space<vmem>>) dst(%dma_wait3A_109 : memref<128x32xf32, #tpu.memory_space<hbm>>)
          tpu.yield
        }) : () -> ()
      } else {
      }
      %lt3A_66 = arith.constant 500 : i32
      %lt3A_67 = arith.cmpi slt, %add3A_33, %lt3A_66 : i32
      %convert_element_type3A_68 = arith.extui %lt3A_67 : i1 to i32
      %cond3A_69 = arith.constant 0 : i32
      %cond3A_70 = arith.cmpi ne, %convert_element_type3A_68, %cond3A_69 : i32
      scf.if %cond3A_70 {
        %dma_wait3A = arith.constant 3 : i32
        %dma_wait3A_71 = arith.constant 3 : i32
        %dma_wait3A_72 = arith.constant 0 : i32
        %dma_wait3A_73 = arith.constant 0 : i32
        %dma_wait3A_74 = tpu.memref_slice %arg6[%dma_wait3A_71, %dma_wait3A_72, %dma_wait3A_73] : memref<4x128x32xf32, #tpu.memory_space<vmem>> -> memref<1x128x32xf32, #tpu.memory_space<vmem>>
        %dma_wait3A_75 = tpu.memref_squeeze %dma_wait3A_74 : memref<1x128x32xf32, #tpu.memory_space<vmem>> -> memref<128x32xf32, #tpu.memory_space<vmem>>
        %dma_wait3A_76 = arith.constant 0 : i32
        %dma_wait3A_77 = tpu.memref_slice %arg5[%dma_wait3A, %dma_wait3A_76] : memref<4x128xi32, #tpu.memory_space<vmem>> -> memref<1x128xi32, #tpu.memory_space<vmem>>
        %dma_wait3A_78 = tpu.memref_squeeze %dma_wait3A_77 : memref<1x128xi32, #tpu.memory_space<vmem>> -> memref<128xi32, #tpu.memory_space<vmem>>
        %dma_wait3A_79 = arith.constant 0 : i32
        %dma_wait3A_80 = arith.constant 0 : i32
        %dma_wait3A_81 = tpu.memref_slice %arg2[%dma_wait3A_79, %dma_wait3A_80] : memref<10000x32xf32, #tpu.memory_space<hbm>> -> memref<10000x32xf32, #tpu.memory_space<hbm>>
        tpu.wait_indirect_dma semaphore(%arg10 : memref<!tpu.dma_semaphore, #tpu.memory_space<semaphore_mem>>) src(%dma_wait3A_81 : memref<10000x32xf32, #tpu.memory_space<hbm>>) dst(%dma_wait3A_75 : memref<128x32xf32, #tpu.memory_space<vmem>>)
        %run_scoped3A = arith.constant 3 : i32
        "tpu.region"() ({
          %run_scoped3A_82 = tpu.sem_alloc : memref<!tpu.dma_semaphore, #tpu.memory_space<semaphore_mem>>
          %dma_start3A = arith.constant 0 : i32
          %dma_start3A_83 = arith.constant 0 : i32
          %dma_start3A_84 = tpu.memref_slice %arg6[%run_scoped3A, %dma_start3A, %dma_start3A_83] : memref<4x128x32xf32, #tpu.memory_space<vmem>> -> memref<1x128x32xf32, #tpu.memory_space<vmem>>
          %dma_start3A_85 = tpu.memref_squeeze %dma_start3A_84 : memref<1x128x32xf32, #tpu.memory_space<vmem>> -> memref<128x32xf32, #tpu.memory_space<vmem>>
          %dma_start3A_86 = arith.constant 0 : i32
          %dma_start3A_87 = arith.constant 0 : i32
          %dma_start3A_88 = tpu.memref_slice %arg4[%add3A_33, %dma_start3A_86, %dma_start3A_87] : memref<500x128x32xf32, #tpu.memory_space<hbm>> -> memref<1x128x32xf32, #tpu.memory_space<hbm>>
          %dma_start3A_89 = tpu.memref_squeeze %dma_start3A_88 : memref<1x128x32xf32, #tpu.memory_space<hbm>> -> memref<128x32xf32, #tpu.memory_space<hbm>>
          %dma_start3A_90 = arith.constant 0 : i32
          %dma_start3A_91 = arith.constant 0 : i32
          %dma_start3A_92 = tpu.memref_slice %arg4[%add3A_33, %dma_start3A_90, %dma_start3A_91] : memref<500x128x32xf32, #tpu.memory_space<hbm>> -> memref<1x128x32xf32, #tpu.memory_space<hbm>>
          %dma_start3A_93 = tpu.memref_squeeze %dma_start3A_92 : memref<1x128x32xf32, #tpu.memory_space<hbm>> -> memref<128x32xf32, #tpu.memory_space<hbm>>
          %dma_start3A_94 = arith.constant 0 : i32
          %dma_start3A_95 = arith.constant 0 : i32
          %dma_start3A_96 = tpu.memref_slice %arg6[%run_scoped3A, %dma_start3A_94, %dma_start3A_95] : memref<4x128x32xf32, #tpu.memory_space<vmem>> -> memref<1x128x32xf32, #tpu.memory_space<vmem>>
          %dma_start3A_97 = tpu.memref_squeeze %dma_start3A_96 : memref<1x128x32xf32, #tpu.memory_space<vmem>> -> memref<128x32xf32, #tpu.memory_space<vmem>>
          tpu.enqueue_dma source(%dma_start3A_97 : memref<128x32xf32, #tpu.memory_space<vmem>>) target(%dma_start3A_93 : memref<128x32xf32, #tpu.memory_space<hbm>>) target_semaphore(%run_scoped3A_82 : memref<!tpu.dma_semaphore, #tpu.memory_space<semaphore_mem>>)
          %dma_wait3A_98 = arith.constant 0 : i32
          %dma_wait3A_99 = arith.constant 0 : i32
          %dma_wait3A_100 = tpu.memref_slice %arg6[%run_scoped3A, %dma_wait3A_98, %dma_wait3A_99] : memref<4x128x32xf32, #tpu.memory_space<vmem>> -> memref<1x128x32xf32, #tpu.memory_space<vmem>>
          %dma_wait3A_101 = tpu.memref_squeeze %dma_wait3A_100 : memref<1x128x32xf32, #tpu.memory_space<vmem>> -> memref<128x32xf32, #tpu.memory_space<vmem>>
          %dma_wait3A_102 = arith.constant 0 : i32
          %dma_wait3A_103 = arith.constant 0 : i32
          %dma_wait3A_104 = tpu.memref_slice %arg4[%add3A_33, %dma_wait3A_102, %dma_wait3A_103] : memref<500x128x32xf32, #tpu.memory_space<hbm>> -> memref<1x128x32xf32, #tpu.memory_space<hbm>>
          %dma_wait3A_105 = tpu.memref_squeeze %dma_wait3A_104 : memref<1x128x32xf32, #tpu.memory_space<hbm>> -> memref<128x32xf32, #tpu.memory_space<hbm>>
          %dma_wait3A_106 = arith.constant 0 : i32
          %dma_wait3A_107 = arith.constant 0 : i32
          %dma_wait3A_108 = tpu.memref_slice %arg4[%add3A_33, %dma_wait3A_106, %dma_wait3A_107] : memref<500x128x32xf32, #tpu.memory_space<hbm>> -> memref<1x128x32xf32, #tpu.memory_space<hbm>>
          %dma_wait3A_109 = tpu.memref_squeeze %dma_wait3A_108 : memref<1x128x32xf32, #tpu.memory_space<hbm>> -> memref<128x32xf32, #tpu.memory_space<hbm>>
          %dma_wait3A_110 = arith.constant 0 : i32
          %dma_wait3A_111 = arith.constant 0 : i32
          %dma_wait3A_112 = tpu.memref_slice %arg6[%run_scoped3A, %dma_wait3A_110, %dma_wait3A_111] : memref<4x128x32xf32, #tpu.memory_space<vmem>> -> memref<1x128x32xf32, #tpu.memory_space<vmem>>
          %dma_wait3A_113 = tpu.memref_squeeze %dma_wait3A_112 : memref<1x128x32xf32, #tpu.memory_space<vmem>> -> memref<128x32xf32, #tpu.memory_space<vmem>>
          tpu.wait_dma2 semaphore(%run_scoped3A_82 : memref<!tpu.dma_semaphore, #tpu.memory_space<semaphore_mem>>) src(%dma_wait3A_113 : memref<128x32xf32, #tpu.memory_space<vmem>>) dst(%dma_wait3A_109 : memref<128x32xf32, #tpu.memory_space<hbm>>)
          tpu.yield
        }) : () -> ()
      } else {
      }
    }
    %scan3A_4 = arith.constant 4 : i32
    return
  }
}

module attributes {stable_mosaic.version = 14 : i64} {
  func.func @_precompute_body(%arg0: memref<10000x128xf32, #tpu.memory_space<vmem>>, %arg1: memref<256x32xf32, #tpu.memory_space<vmem>>, %arg2: memref<1x32xf32, #tpu.memory_space<vmem>>, %arg3: memref<10000x32xf32, #tpu.memory_space<vmem>>, %arg4: memref<10000x32xf32, #tpu.memory_space<vmem>>) attributes {dimension_semantics = [], scalar_prefetch = 0 : i64, scratch_operands = 0 : i64, tpu.core_type = #tpu.core_type<tc>} {
    %get3A = arith.constant 0 : index
    %get3A_0 = arith.constant 0 : index
    %get3A_1 = vector.load %arg0[%get3A, %get3A_0] : memref<10000x128xf32, #tpu.memory_space<vmem>>, vector<10000x128xf32>
    %get3A_2 = arith.constant 0 : index
    %get3A_3 = arith.constant 0 : index
    %get3A_4 = vector.load %arg1[%get3A_2, %get3A_3] : memref<256x32xf32, #tpu.memory_space<vmem>>, vector<128x32xf32>
    %dot_general3A = arith.constant dense<0.000000e+00> : vector<10000x32xf32>
    %dot_general3A_5 = tpu.matmul %get3A_1, %get3A_4, %dot_general3A {dimension_numbers = #tpu.dot_dimension_numbers<[1], [0], [0], [1], [0, 0, 1, 1], [], []>, transpose_lhs_hint = false} : vector<10000x128xf32>, vector<128x32xf32>, vector<10000x32xf32> -> vector<10000x32xf32>
    %swap3A = arith.constant 0 : index
    %swap3A_6 = arith.constant 0 : index
    %swap3A_7 = vector.load %arg3[%swap3A, %swap3A_6] : memref<10000x32xf32, #tpu.memory_space<vmem>>, vector<10000x32xf32>
    tpu.vector_store %arg3[%swap3A, %swap3A_6], %dot_general3A_5 {strides = array<i32>} : memref<10000x32xf32, #tpu.memory_space<vmem>>, vector<10000x32xf32>,
    %get3A_8 = arith.constant 128 : index
    %get3A_9 = arith.constant 0 : index
    %get3A_10 = vector.load %arg1[%get3A_8, %get3A_9] : memref<256x32xf32, #tpu.memory_space<vmem>>, vector<128x32xf32>
    %dot_general3A_11 = arith.constant dense<0.000000e+00> : vector<10000x32xf32>
    %dot_general3A_12 = tpu.matmul %get3A_1, %get3A_10, %dot_general3A_11 {dimension_numbers = #tpu.dot_dimension_numbers<[1], [0], [0], [1], [0, 0, 1, 1], [], []>, transpose_lhs_hint = false} : vector<10000x128xf32>, vector<128x32xf32>, vector<10000x32xf32> -> vector<10000x32xf32>
    %get3A_13 = arith.constant 0 : index
    %get3A_14 = arith.constant 0 : index
    %get3A_15 = vector.load %arg2[%get3A_13, %get3A_14] : memref<1x32xf32, #tpu.memory_space<vmem>>, vector<1x32xf32>
    %add3A = vector.broadcast %get3A_15 : vector<1x32xf32> to vector<10000x32xf32>
    %add3A_16 = arith.addf %dot_general3A_12, %add3A : vector<10000x32xf32>
    %swap3A_17 = arith.constant 0 : index
    %swap3A_18 = arith.constant 0 : index
    %swap3A_19 = vector.load %arg4[%swap3A_17, %swap3A_18] : memref<10000x32xf32, #tpu.memory_space<vmem>>, vector<10000x32xf32>
    tpu.vector_store %arg4[%swap3A_17, %swap3A_18], %add3A_16 {strides = array<i32>} : memref<10000x32xf32, #tpu.memory_space<vmem>>, vector<10000x32xf32>,
    return
  }
}

module attributes {stable_mosaic.version = 14 : i64} {
  func.func @_dense_body(%arg0: i32, %arg1: memref<1600x128xf32, #tpu.memory_space<vmem>>, %arg2: memref<200x32xf32, #tpu.memory_space<vmem>>, %arg3: memref<128x64xf32, #tpu.memory_space<vmem>>, %arg4: memref<1x64xf32, #tpu.memory_space<vmem>>, %arg5: memref<64x16xf32, #tpu.memory_space<vmem>>, %arg6: memref<1x16xf32, #tpu.memory_space<vmem>>, %arg7: memref<200x1600xf32, #tpu.memory_space<vmem>>, %arg8: memref<200x64xf32, #tpu.memory_space<vmem>>) attributes {dimension_semantics = [#tpu.dimension_semantics<arbitrary>], iteration_bounds = array<i64: 10>, scalar_prefetch = 0 : i64, scratch_operands = 0 : i64, tpu.core_type = #tpu.core_type<tc>, window_params = [{transform_indices = @transform_0, window_bounds = array<i64: 1600, 128>}, {transform_indices = @transform_1, window_bounds = array<i64: 200, 32>}, {pipeline_mode = #tpu.pipeline_mode<synchronous>, transform_indices = @transform_2, window_bounds = array<i64: 128, 64>}, {pipeline_mode = #tpu.pipeline_mode<synchronous>, transform_indices = @transform_3, window_bounds = array<i64: 1, 64>}, {pipeline_mode = #tpu.pipeline_mode<synchronous>, transform_indices = @transform_4, window_bounds = array<i64: 64, 16>}, {pipeline_mode = #tpu.pipeline_mode<synchronous>, transform_indices = @transform_5, window_bounds = array<i64: 1, 16>}, {pipeline_mode = #tpu.pipeline_mode<synchronous>, transform_indices = @transform_6, window_bounds = array<i64: 200, 1600>}, {transform_indices = @transform_7, window_bounds = array<i64: 200, 64>}]} {
    %get3A = arith.constant 0 : index
    %get3A_0 = arith.constant 0 : index
    %get3A_1 = vector.load %arg1[%get3A, %get3A_0] : memref<1600x128xf32, #tpu.memory_space<vmem>>, vector<1600x128xf32>
    %get3A_2 = arith.constant 0 : index
    %get3A_3 = arith.constant 0 : index
    %get3A_4 = vector.load %arg2[%get3A_2, %get3A_3] : memref<200x32xf32, #tpu.memory_space<vmem>>, vector<200x32xf32>
    %concatenate3A = tpu.concatenate %get3A_4, %get3A_4, %get3A_4, %get3A_4 in 1 : vector<200x32xf32>, vector<200x32xf32>, vector<200x32xf32>, vector<200x32xf32> -> vector<200x128xf32>
    %broadcast_in_dim3A = vector.shape_cast %concatenate3A : vector<200x128xf32> to vector<200x1x128xf32>
    %broadcast_in_dim3A_5 = vector.shape_cast %broadcast_in_dim3A : vector<200x1x128xf32> to vector<200x1x128xf32>
    %broadcast_in_dim3A_6 = vector.broadcast %broadcast_in_dim3A_5 : vector<200x1x128xf32> to vector<200x8x128xf32>
    %reshape3A = vector.shape_cast %broadcast_in_dim3A_6 : vector<200x8x128xf32> to vector<1600x128xf32>
    %add3A = arith.addf %get3A_1, %reshape3A : vector<1600x128xf32>
    %max3A = arith.constant 0.000000e+00 : f32
    %max3A_7 = vector.broadcast %max3A : f32 to vector<1600x128xf32>
    %max3A_8 = arith.maximumf %add3A, %max3A_7 : vector<1600x128xf32>
    %get3A_9 = arith.constant 0 : index
    %get3A_10 = arith.constant 0 : index
    %get3A_11 = vector.load %arg3[%get3A_9, %get3A_10] : memref<128x64xf32, #tpu.memory_space<vmem>>, vector<128x64xf32>
    %dot_general3A = arith.constant dense<0.000000e+00> : vector<1600x64xf32>
    %dot_general3A_12 = tpu.matmul %max3A_8, %get3A_11, %dot_general3A {dimension_numbers = #tpu.dot_dimension_numbers<[1], [0], [0], [1], [0, 0, 1, 1], [], []>, transpose_lhs_hint = false} : vector<1600x128xf32>, vector<128x64xf32>, vector<1600x64xf32> -> vector<1600x64xf32>
    %get3A_13 = arith.constant 0 : index
    %get3A_14 = arith.constant 0 : index
    %get3A_15 = vector.load %arg4[%get3A_13, %get3A_14] : memref<1x64xf32, #tpu.memory_space<vmem>>, vector<1x64xf32>
    %add3A_16 = vector.broadcast %get3A_15 : vector<1x64xf32> to vector<1600x64xf32>
    %add3A_17 = arith.addf %dot_general3A_12, %add3A_16 : vector<1600x64xf32>
    %max3A_18 = arith.constant 0.000000e+00 : f32
    %max3A_19 = vector.broadcast %max3A_18 : f32 to vector<1600x64xf32>
    %max3A_20 = arith.maximumf %add3A_17, %max3A_19 : vector<1600x64xf32>
    %get3A_21 = arith.constant 0 : index
    %get3A_22 = arith.constant 0 : index
    %get3A_23 = vector.load %arg5[%get3A_21, %get3A_22] : memref<64x16xf32, #tpu.memory_space<vmem>>, vector<64x16xf32>
    %dot_general3A_24 = arith.constant dense<0.000000e+00> : vector<1600x16xf32>
    %dot_general3A_25 = tpu.matmul %max3A_20, %get3A_23, %dot_general3A_24 {dimension_numbers = #tpu.dot_dimension_numbers<[1], [0], [0], [1], [0, 0, 1, 1], [], []>, transpose_lhs_hint = false} : vector<1600x64xf32>, vector<64x16xf32>, vector<1600x16xf32> -> vector<1600x16xf32>
    %get3A_26 = arith.constant 0 : index
    %get3A_27 = arith.constant 0 : index
    %get3A_28 = vector.load %arg6[%get3A_26, %get3A_27] : memref<1x16xf32, #tpu.memory_space<vmem>>, vector<1x16xf32>
    %add3A_29 = vector.broadcast %get3A_28 : vector<1x16xf32> to vector<1600x16xf32>
    %add3A_30 = arith.addf %dot_general3A_25, %add3A_29 : vector<1600x16xf32>
    %max3A_31 = arith.constant 0.000000e+00 : f32
    %max3A_32 = vector.broadcast %max3A_31 : f32 to vector<1600x16xf32>
    %max3A_33 = arith.maximumf %add3A_30, %max3A_32 : vector<1600x16xf32>
    %reduce_max3A = arith.constant dense<0xFF800000> : vector<1600xf32>
    %reduce_max3A_34 = vector.multi_reduction <maximumf>, %max3A_33, %reduce_max3A [1] : vector<1600x16xf32> to vector<1600xf32>
    %broadcast_in_dim3A_35 = vector.shape_cast %reduce_max3A_34 : vector<1600xf32> to vector<1600x1xf32>
    %sub3A = vector.broadcast %broadcast_in_dim3A_35 : vector<1600x1xf32> to vector<1600x16xf32>
    %sub3A_36 = arith.subf %max3A_33, %sub3A : vector<1600x16xf32>
    %exp3A = math.exp %sub3A_36 : vector<1600x16xf32>
    %iota3A = tpu.iota {dimensions = array<i32: 0>} : vector<16x16xi32>
    %iota3A_37 = tpu.iota {dimensions = array<i32: 1>} : vector<16x16xi32>
    %jit3A = arith.constant 4 : i32
    %div3A = vector.broadcast %jit3A : i32 to vector<16x16xi32>
    %div3A_38 = arith.divsi %iota3A, %div3A : vector<16x16xi32>
    %sign3A = arith.constant 0 : i32
    %sign3A_39 = vector.broadcast %sign3A : i32 to vector<16x16xi32>
    %sign3A_40 = arith.cmpi sgt, %iota3A, %sign3A_39 : vector<16x16xi32>
    %sign3A_41 = arith.extui %sign3A_40 : vector<16x16xi1> to vector<16x16xi32>
    %sign3A_42 = arith.constant 0 : i32
    %sign3A_43 = vector.broadcast %sign3A_42 : i32 to vector<16x16xi32>
    %sign3A_44 = arith.cmpi slt, %iota3A, %sign3A_43 : vector<16x16xi32>
    %sign3A_45 = arith.extui %sign3A_44 : vector<16x16xi1> to vector<16x16xi32>
    %sign3A_46 = arith.subi %sign3A_41, %sign3A_45 : vector<16x16xi32>
    %sign3A_47 = arith.constant 0 : i32
    %sign3A_48 = arith.cmpi sgt, %jit3A, %sign3A_47 : i32
    %sign3A_49 = arith.extui %sign3A_48 : i1 to i32
    %sign3A_50 = arith.constant 0 : i32
    %sign3A_51 = arith.cmpi slt, %jit3A, %sign3A_50 : i32
    %sign3A_52 = arith.extui %sign3A_51 : i1 to i32
    %sign3A_53 = arith.subi %sign3A_49, %sign3A_52 : i32
    %ne3A = vector.broadcast %sign3A_53 : i32 to vector<16x16xi32>
    %ne3A_54 = arith.cmpi ne, %sign3A_46, %ne3A : vector<16x16xi32>
    %rem3A = vector.broadcast %jit3A : i32 to vector<16x16xi32>
    %rem3A_55 = arith.remsi %iota3A, %rem3A : vector<16x16xi32>
    %ne3A_56 = arith.constant 0 : i32
    %ne3A_57 = vector.broadcast %ne3A_56 : i32 to vector<16x16xi32>
    %ne3A_58 = arith.cmpi ne, %rem3A_55, %ne3A_57 : vector<16x16xi32>
    %and3A = arith.andi %ne3A_54, %ne3A_58 : vector<16x16xi1>
    %sub3A_59 = arith.constant 1 : i32
    %sub3A_60 = vector.broadcast %sub3A_59 : i32 to vector<16x16xi32>
    %sub3A_61 = arith.subi %div3A_38, %sub3A_60 : vector<16x16xi32>
    %select_n3A = arith.select %and3A, %sub3A_61, %div3A_38 : vector<16x16xi1>, vector<16x16xi32>
    %jit3A_62 = arith.constant 4 : i32
    %div3A_63 = vector.broadcast %jit3A_62 : i32 to vector<16x16xi32>
    %div3A_64 = arith.divsi %iota3A_37, %div3A_63 : vector<16x16xi32>
    %sign3A_65 = arith.constant 0 : i32
    %sign3A_66 = vector.broadcast %sign3A_65 : i32 to vector<16x16xi32>
    %sign3A_67 = arith.cmpi sgt, %iota3A_37, %sign3A_66 : vector<16x16xi32>
    %sign3A_68 = arith.extui %sign3A_67 : vector<16x16xi1> to vector<16x16xi32>
    %sign3A_69 = arith.constant 0 : i32
    %sign3A_70 = vector.broadcast %sign3A_69 : i32 to vector<16x16xi32>
    %sign3A_71 = arith.cmpi slt, %iota3A_37, %sign3A_70 : vector<16x16xi32>
    %sign3A_72 = arith.extui %sign3A_71 : vector<16x16xi1> to vector<16x16xi32>
    %sign3A_73 = arith.subi %sign3A_68, %sign3A_72 : vector<16x16xi32>
    %sign3A_74 = arith.constant 0 : i32
    %sign3A_75 = arith.cmpi sgt, %jit3A_62, %sign3A_74 : i32
    %sign3A_76 = arith.extui %sign3A_75 : i1 to i32
    %sign3A_77 = arith.constant 0 : i32
    %sign3A_78 = arith.cmpi slt, %jit3A_62, %sign3A_77 : i32
    %sign3A_79 = arith.extui %sign3A_78 : i1 to i32
    %sign3A_80 = arith.subi %sign3A_76, %sign3A_79 : i32
    %ne3A_81 = vector.broadcast %sign3A_80 : i32 to vector<16x16xi32>
    %ne3A_82 = arith.cmpi ne, %sign3A_73, %ne3A_81 : vector<16x16xi32>
    %rem3A_83 = vector.broadcast %jit3A_62 : i32 to vector<16x16xi32>
    %rem3A_84 = arith.remsi %iota3A_37, %rem3A_83 : vector<16x16xi32>
    %ne3A_85 = arith.constant 0 : i32
    %ne3A_86 = vector.broadcast %ne3A_85 : i32 to vector<16x16xi32>
    %ne3A_87 = arith.cmpi ne, %rem3A_84, %ne3A_86 : vector<16x16xi32>
    %and3A_88 = arith.andi %ne3A_82, %ne3A_87 : vector<16x16xi1>
    %sub3A_89 = arith.constant 1 : i32
    %sub3A_90 = vector.broadcast %sub3A_89 : i32 to vector<16x16xi32>
    %sub3A_91 = arith.subi %div3A_64, %sub3A_90 : vector<16x16xi32>
    %select_n3A_92 = arith.select %and3A_88, %sub3A_91, %div3A_64 : vector<16x16xi1>, vector<16x16xi32>
    %eq3A = arith.cmpi eq, %select_n3A, %select_n3A_92 : vector<16x16xi32>
    %convert_element_type3A = arith.extui %eq3A : vector<16x16xi1> to vector<16x16xi32>
    %convert_element_type3A_93 = arith.sitofp %convert_element_type3A : vector<16x16xi32> to vector<16x16xf32>
    %dot_general3A_94 = arith.constant dense<0.000000e+00> : vector<1600x16xf32>
    %dot_general3A_95 = tpu.matmul %exp3A, %convert_element_type3A_93, %dot_general3A_94 {dimension_numbers = #tpu.dot_dimension_numbers<[1], [0], [0], [1], [0, 0, 1, 1], [], []>, transpose_lhs_hint = false} : vector<1600x16xf32>, vector<16x16xf32>, vector<1600x16xf32> -> vector<1600x16xf32>
    %div3A_96 = arith.divf %exp3A, %dot_general3A_95 : vector<1600x16xf32>
    %reshape3A_97 = vector.shape_cast %div3A_96 : vector<1600x16xf32> to vector<200x8x16xf32>
    %iota3A_98 = tpu.iota {dimensions = array<i32: 0>} : vector<32x128xi32>
    %iota3A_99 = tpu.iota {dimensions = array<i32: 1>} : vector<32x128xi32>
    %jit3A_100 = arith.constant 64 : i32
    %div3A_101 = vector.broadcast %jit3A_100 : i32 to vector<32x128xi32>
    %div3A_102 = arith.divsi %iota3A_99, %div3A_101 : vector<32x128xi32>
    %sign3A_103 = arith.constant 0 : i32
    %sign3A_104 = vector.broadcast %sign3A_103 : i32 to vector<32x128xi32>
    %sign3A_105 = arith.cmpi sgt, %iota3A_99, %sign3A_104 : vector<32x128xi32>
    %sign3A_106 = arith.extui %sign3A_105 : vector<32x128xi1> to vector<32x128xi32>
    %sign3A_107 = arith.constant 0 : i32
    %sign3A_108 = vector.broadcast %sign3A_107 : i32 to vector<32x128xi32>
    %sign3A_109 = arith.cmpi slt, %iota3A_99, %sign3A_108 : vector<32x128xi32>
    %sign3A_110 = arith.extui %sign3A_109 : vector<32x128xi1> to vector<32x128xi32>
    %sign3A_111 = arith.subi %sign3A_106, %sign3A_110 : vector<32x128xi32>
    %sign3A_112 = arith.constant 0 : i32
    %sign3A_113 = arith.cmpi sgt, %jit3A_100, %sign3A_112 : i32
    %sign3A_114 = arith.extui %sign3A_113 : i1 to i32
    %sign3A_115 = arith.constant 0 : i32
    %sign3A_116 = arith.cmpi slt, %jit3A_100, %sign3A_115 : i32
    %sign3A_117 = arith.extui %sign3A_116 : i1 to i32
    %sign3A_118 = arith.subi %sign3A_114, %sign3A_117 : i32
    %ne3A_119 = vector.broadcast %sign3A_118 : i32 to vector<32x128xi32>
    %ne3A_120 = arith.cmpi ne, %sign3A_111, %ne3A_119 : vector<32x128xi32>
    %rem3A_121 = vector.broadcast %jit3A_100 : i32 to vector<32x128xi32>
    %rem3A_122 = arith.remsi %iota3A_99, %rem3A_121 : vector<32x128xi32>
    %ne3A_123 = arith.constant 0 : i32
    %ne3A_124 = vector.broadcast %ne3A_123 : i32 to vector<32x128xi32>
    %ne3A_125 = arith.cmpi ne, %rem3A_122, %ne3A_124 : vector<32x128xi32>
    %and3A_126 = arith.andi %ne3A_120, %ne3A_125 : vector<32x128xi1>
    %sub3A_127 = arith.constant 1 : i32
    %sub3A_128 = vector.broadcast %sub3A_127 : i32 to vector<32x128xi32>
    %sub3A_129 = arith.subi %div3A_102, %sub3A_128 : vector<32x128xi32>
    %select_n3A_130 = arith.select %and3A_126, %sub3A_129, %div3A_102 : vector<32x128xi1>, vector<32x128xi32>
    %jit3A_131 = arith.constant 64 : i32
    %eq3A_132 = arith.constant 0 : i32
    %eq3A_133 = arith.cmpi eq, %jit3A_131, %eq3A_132 : i32
    %jit3A_134 = arith.constant 1 : i32
    %select_n3A_135 = arith.select %eq3A_133, %jit3A_134, %jit3A_131 : i32
    %rem3A_136 = vector.broadcast %select_n3A_135 : i32 to vector<32x128xi32>
    %rem3A_137 = arith.remsi %iota3A_99, %rem3A_136 : vector<32x128xi32>
    %ne3A_138 = arith.constant 0 : i32
    %ne3A_139 = vector.broadcast %ne3A_138 : i32 to vector<32x128xi32>
    %ne3A_140 = arith.cmpi ne, %rem3A_137, %ne3A_139 : vector<32x128xi32>
    %lt3A = arith.constant 0 : i32
    %lt3A_141 = vector.broadcast %lt3A : i32 to vector<32x128xi32>
    %lt3A_142 = arith.cmpi slt, %rem3A_137, %lt3A_141 : vector<32x128xi32>
    %lt3A_143 = arith.constant 0 : i32
    %lt3A_144 = arith.cmpi slt, %select_n3A_135, %lt3A_143 : i32
    %ne3A_145 = vector.broadcast %lt3A_144 : i1 to vector<32x128xi1>
    %ne3A_146 = vector.broadcast %ne3A_145 : vector<32x128xi1> to vector<32x128xi1>
    %ne3A_147 = arith.xori %lt3A_142, %ne3A_146 : vector<32x128xi1>
    %and3A_148 = arith.andi %ne3A_147, %ne3A_140 : vector<32x128xi1>
    %add3A_149 = vector.broadcast %select_n3A_135 : i32 to vector<32x128xi32>
    %add3A_150 = arith.addi %rem3A_137, %add3A_149 : vector<32x128xi32>
    %select_n3A_151 = arith.select %and3A_148, %add3A_150, %rem3A_137 : vector<32x128xi1>, vector<32x128xi32>
    %jit3A_152 = arith.constant 16 : i32
    %div3A_153 = vector.broadcast %jit3A_152 : i32 to vector<32x128xi32>
    %div3A_154 = arith.divsi %select_n3A_151, %div3A_153 : vector<32x128xi32>
    %sign3A_155 = arith.constant 0 : i32
    %sign3A_156 = vector.broadcast %sign3A_155 : i32 to vector<32x128xi32>
    %sign3A_157 = arith.cmpi sgt, %select_n3A_151, %sign3A_156 : vector<32x128xi32>
    %sign3A_158 = arith.extui %sign3A_157 : vector<32x128xi1> to vector<32x128xi32>
    %sign3A_159 = arith.constant 0 : i32
    %sign3A_160 = vector.broadcast %sign3A_159 : i32 to vector<32x128xi32>
    %sign3A_161 = arith.cmpi slt, %select_n3A_151, %sign3A_160 : vector<32x128xi32>
    %sign3A_162 = arith.extui %sign3A_161 : vector<32x128xi1> to vector<32x128xi32>
    %sign3A_163 = arith.subi %sign3A_158, %sign3A_162 : vector<32x128xi32>
    %sign3A_164 = arith.constant 0 : i32
    %sign3A_165 = arith.cmpi sgt, %jit3A_152, %sign3A_164 : i32
    %sign3A_166 = arith.extui %sign3A_165 : i1 to i32
    %sign3A_167 = arith.constant 0 : i32
    %sign3A_168 = arith.cmpi slt, %jit3A_152, %sign3A_167 : i32
    %sign3A_169 = arith.extui %sign3A_168 : i1 to i32
    %sign3A_170 = arith.subi %sign3A_166, %sign3A_169 : i32
    %ne3A_171 = vector.broadcast %sign3A_170 : i32 to vector<32x128xi32>
    %ne3A_172 = arith.cmpi ne, %sign3A_163, %ne3A_171 : vector<32x128xi32>
    %rem3A_173 = vector.broadcast %jit3A_152 : i32 to vector<32x128xi32>
    %rem3A_174 = arith.remsi %select_n3A_151, %rem3A_173 : vector<32x128xi32>
    %ne3A_175 = arith.constant 0 : i32
    %ne3A_176 = vector.broadcast %ne3A_175 : i32 to vector<32x128xi32>
    %ne3A_177 = arith.cmpi ne, %rem3A_174, %ne3A_176 : vector<32x128xi32>
    %and3A_178 = arith.andi %ne3A_172, %ne3A_177 : vector<32x128xi1>
    %sub3A_179 = arith.constant 1 : i32
    %sub3A_180 = vector.broadcast %sub3A_179 : i32 to vector<32x128xi32>
    %sub3A_181 = arith.subi %div3A_154, %sub3A_180 : vector<32x128xi32>
    %select_n3A_182 = arith.select %and3A_178, %sub3A_181, %div3A_154 : vector<32x128xi1>, vector<32x128xi32>
    %iota3A_183 = tpu.iota {dimensions = array<i32: 0>} : vector<128x32xi32>
    %iota3A_184 = tpu.iota {dimensions = array<i32: 1>} : vector<128x32xi32>
    %jit3A_185 = arith.constant 16 : i32
    %eq3A_186 = arith.constant 0 : i32
    %eq3A_187 = arith.cmpi eq, %jit3A_185, %eq3A_186 : i32
    %jit3A_188 = arith.constant 1 : i32
    %select_n3A_189 = arith.select %eq3A_187, %jit3A_188, %jit3A_185 : i32
    %rem3A_190 = vector.broadcast %select_n3A_189 : i32 to vector<128x32xi32>
    %rem3A_191 = arith.remsi %iota3A_183, %rem3A_190 : vector<128x32xi32>
    %ne3A_192 = arith.constant 0 : i32
    %ne3A_193 = vector.broadcast %ne3A_192 : i32 to vector<128x32xi32>
    %ne3A_194 = arith.cmpi ne, %rem3A_191, %ne3A_193 : vector<128x32xi32>
    %lt3A_195 = arith.constant 0 : i32
    %lt3A_196 = vector.broadcast %lt3A_195 : i32 to vector<128x32xi32>
    %lt3A_197 = arith.cmpi slt, %rem3A_191, %lt3A_196 : vector<128x32xi32>
    %lt3A_198 = arith.constant 0 : i32
    %lt3A_199 = arith.cmpi slt, %select_n3A_189, %lt3A_198 : i32
    %ne3A_200 = vector.broadcast %lt3A_199 : i1 to vector<128x32xi1>
    %ne3A_201 = vector.broadcast %ne3A_200 : vector<128x32xi1> to vector<128x32xi1>
    %ne3A_202 = arith.xori %lt3A_197, %ne3A_201 : vector<128x32xi1>
    %and3A_203 = arith.andi %ne3A_202, %ne3A_194 : vector<128x32xi1>
    %add3A_204 = vector.broadcast %select_n3A_189 : i32 to vector<128x32xi32>
    %add3A_205 = arith.addi %rem3A_191, %add3A_204 : vector<128x32xi32>
    %select_n3A_206 = arith.select %and3A_203, %add3A_205, %rem3A_191 : vector<128x32xi1>, vector<128x32xi32>
    %jit3A_207 = arith.constant 16 : i32
    %eq3A_208 = arith.constant 0 : i32
    %eq3A_209 = arith.cmpi eq, %jit3A_207, %eq3A_208 : i32
    %jit3A_210 = arith.constant 1 : i32
    %select_n3A_211 = arith.select %eq3A_209, %jit3A_210, %jit3A_207 : i32
    %rem3A_212 = vector.broadcast %select_n3A_211 : i32 to vector<128x32xi32>
    %rem3A_213 = arith.remsi %iota3A_184, %rem3A_212 : vector<128x32xi32>
    %ne3A_214 = arith.constant 0 : i32
    %ne3A_215 = vector.broadcast %ne3A_214 : i32 to vector<128x32xi32>
    %ne3A_216 = arith.cmpi ne, %rem3A_213, %ne3A_215 : vector<128x32xi32>
    %lt3A_217 = arith.constant 0 : i32
    %lt3A_218 = vector.broadcast %lt3A_217 : i32 to vector<128x32xi32>
    %lt3A_219 = arith.cmpi slt, %rem3A_213, %lt3A_218 : vector<128x32xi32>
    %lt3A_220 = arith.constant 0 : i32
    %lt3A_221 = arith.cmpi slt, %select_n3A_211, %lt3A_220 : i32
    %ne3A_222 = vector.broadcast %lt3A_221 : i1 to vector<128x32xi1>
    %ne3A_223 = vector.broadcast %ne3A_222 : vector<128x32xi1> to vector<128x32xi1>
    %ne3A_224 = arith.xori %lt3A_219, %ne3A_223 : vector<128x32xi1>
    %and3A_225 = arith.andi %ne3A_224, %ne3A_216 : vector<128x32xi1>
    %add3A_226 = vector.broadcast %select_n3A_211 : i32 to vector<128x32xi32>
    %add3A_227 = arith.addi %rem3A_213, %add3A_226 : vector<128x32xi32>
    %select_n3A_228 = arith.select %and3A_225, %add3A_227, %rem3A_213 : vector<128x32xi1>, vector<128x32xi32>
    %eq3A_229 = arith.cmpi eq, %select_n3A_206, %select_n3A_228 : vector<128x32xi32>
    %jit3A_230 = arith.constant 64 : i32
    %div3A_231 = vector.broadcast %jit3A_230 : i32 to vector<128x32xi32>
    %div3A_232 = arith.divsi %iota3A_183, %div3A_231 : vector<128x32xi32>
    %sign3A_233 = arith.constant 0 : i32
    %sign3A_234 = vector.broadcast %sign3A_233 : i32 to vector<128x32xi32>
    %sign3A_235 = arith.cmpi sgt, %iota3A_183, %sign3A_234 : vector<128x32xi32>
    %sign3A_236 = arith.extui %sign3A_235 : vector<128x32xi1> to vector<128x32xi32>
    %sign3A_237 = arith.constant 0 : i32
    %sign3A_238 = vector.broadcast %sign3A_237 : i32 to vector<128x32xi32>
    %sign3A_239 = arith.cmpi slt, %iota3A_183, %sign3A_238 : vector<128x32xi32>
    %sign3A_240 = arith.extui %sign3A_239 : vector<128x32xi1> to vector<128x32xi32>
    %sign3A_241 = arith.subi %sign3A_236, %sign3A_240 : vector<128x32xi32>
    %sign3A_242 = arith.constant 0 : i32
    %sign3A_243 = arith.cmpi sgt, %jit3A_230, %sign3A_242 : i32
    %sign3A_244 = arith.extui %sign3A_243 : i1 to i32
    %sign3A_245 = arith.constant 0 : i32
    %sign3A_246 = arith.cmpi slt, %jit3A_230, %sign3A_245 : i32
    %sign3A_247 = arith.extui %sign3A_246 : i1 to i32
    %sign3A_248 = arith.subi %sign3A_244, %sign3A_247 : i32
    %ne3A_249 = vector.broadcast %sign3A_248 : i32 to vector<128x32xi32>
    %ne3A_250 = arith.cmpi ne, %sign3A_241, %ne3A_249 : vector<128x32xi32>
    %rem3A_251 = vector.broadcast %jit3A_230 : i32 to vector<128x32xi32>
    %rem3A_252 = arith.remsi %iota3A_183, %rem3A_251 : vector<128x32xi32>
    %ne3A_253 = arith.constant 0 : i32
    %ne3A_254 = vector.broadcast %ne3A_253 : i32 to vector<128x32xi32>
    %ne3A_255 = arith.cmpi ne, %rem3A_252, %ne3A_254 : vector<128x32xi32>
    %and3A_256 = arith.andi %ne3A_250, %ne3A_255 : vector<128x32xi1>
    %sub3A_257 = arith.constant 1 : i32
    %sub3A_258 = vector.broadcast %sub3A_257 : i32 to vector<128x32xi32>
    %sub3A_259 = arith.subi %div3A_232, %sub3A_258 : vector<128x32xi32>
    %select_n3A_260 = arith.select %and3A_256, %sub3A_259, %div3A_232 : vector<128x32xi1>, vector<128x32xi32>
    %jit3A_261 = arith.constant 16 : i32
    %div3A_262 = vector.broadcast %jit3A_261 : i32 to vector<128x32xi32>
    %div3A_263 = arith.divsi %iota3A_184, %div3A_262 : vector<128x32xi32>
    %sign3A_264 = arith.constant 0 : i32
    %sign3A_265 = vector.broadcast %sign3A_264 : i32 to vector<128x32xi32>
    %sign3A_266 = arith.cmpi sgt, %iota3A_184, %sign3A_265 : vector<128x32xi32>
    %sign3A_267 = arith.extui %sign3A_266 : vector<128x32xi1> to vector<128x32xi32>
    %sign3A_268 = arith.constant 0 : i32
    %sign3A_269 = vector.broadcast %sign3A_268 : i32 to vector<128x32xi32>
    %sign3A_270 = arith.cmpi slt, %iota3A_184, %sign3A_269 : vector<128x32xi32>
    %sign3A_271 = arith.extui %sign3A_270 : vector<128x32xi1> to vector<128x32xi32>
    %sign3A_272 = arith.subi %sign3A_267, %sign3A_271 : vector<128x32xi32>
    %sign3A_273 = arith.constant 0 : i32
    %sign3A_274 = arith.cmpi sgt, %jit3A_261, %sign3A_273 : i32
    %sign3A_275 = arith.extui %sign3A_274 : i1 to i32
    %sign3A_276 = arith.constant 0 : i32
    %sign3A_277 = arith.cmpi slt, %jit3A_261, %sign3A_276 : i32
    %sign3A_278 = arith.extui %sign3A_277 : i1 to i32
    %sign3A_279 = arith.subi %sign3A_275, %sign3A_278 : i32
    %ne3A_280 = vector.broadcast %sign3A_279 : i32 to vector<128x32xi32>
    %ne3A_281 = arith.cmpi ne, %sign3A_272, %ne3A_280 : vector<128x32xi32>
    %rem3A_282 = vector.broadcast %jit3A_261 : i32 to vector<128x32xi32>
    %rem3A_283 = arith.remsi %iota3A_184, %rem3A_282 : vector<128x32xi32>
    %ne3A_284 = arith.constant 0 : i32
    %ne3A_285 = vector.broadcast %ne3A_284 : i32 to vector<128x32xi32>
    %ne3A_286 = arith.cmpi ne, %rem3A_283, %ne3A_285 : vector<128x32xi32>
    %and3A_287 = arith.andi %ne3A_281, %ne3A_286 : vector<128x32xi1>
    %sub3A_288 = arith.constant 1 : i32
    %sub3A_289 = vector.broadcast %sub3A_288 : i32 to vector<128x32xi32>
    %sub3A_290 = arith.subi %div3A_263, %sub3A_289 : vector<128x32xi32>
    %select_n3A_291 = arith.select %and3A_287, %sub3A_290, %div3A_263 : vector<128x32xi1>, vector<128x32xi32>
    %eq3A_292 = arith.cmpi eq, %select_n3A_260, %select_n3A_291 : vector<128x32xi32>
    %and3A_293 = arith.andi %eq3A_229, %eq3A_292 : vector<128x32xi1>
    %convert_element_type3A_294 = arith.extui %and3A_293 : vector<128x32xi1> to vector<128x32xi32>
    %convert_element_type3A_295 = arith.sitofp %convert_element_type3A_294 : vector<128x32xi32> to vector<128x32xf32>
    %iota3A_296 = tpu.iota {dimensions = array<i32: 0>} : vector<1600x1xi32>
    %jit3A_297 = arith.constant 4 : i32
    %eq3A_298 = arith.constant 0 : i32
    %eq3A_299 = arith.cmpi eq, %jit3A_297, %eq3A_298 : i32
    %jit3A_300 = arith.constant 1 : i32
    %select_n3A_301 = arith.select %eq3A_299, %jit3A_300, %jit3A_297 : i32
    %rem3A_302 = vector.broadcast %select_n3A_301 : i32 to vector<1600x1xi32>
    %rem3A_303 = arith.remsi %iota3A_296, %rem3A_302 : vector<1600x1xi32>
    %ne3A_304 = arith.constant 0 : i32
    %ne3A_305 = vector.broadcast %ne3A_304 : i32 to vector<1600x1xi32>
    %ne3A_306 = arith.cmpi ne, %rem3A_303, %ne3A_305 : vector<1600x1xi32>
    %lt3A_307 = arith.constant 0 : i32
    %lt3A_308 = vector.broadcast %lt3A_307 : i32 to vector<1600x1xi32>
    %lt3A_309 = arith.cmpi slt, %rem3A_303, %lt3A_308 : vector<1600x1xi32>
    %lt3A_310 = arith.constant 0 : i32
    %lt3A_311 = arith.cmpi slt, %select_n3A_301, %lt3A_310 : i32
    %ne3A_312 = vector.broadcast %lt3A_311 : i1 to vector<1600x1xi1>
    %ne3A_313 = vector.broadcast %ne3A_312 : vector<1600x1xi1> to vector<1600x1xi1>
    %ne3A_314 = arith.xori %lt3A_309, %ne3A_313 : vector<1600x1xi1>
    %and3A_315 = arith.andi %ne3A_314, %ne3A_306 : vector<1600x1xi1>
    %add3A_316 = vector.broadcast %select_n3A_301 : i32 to vector<1600x1xi32>
    %add3A_317 = arith.addi %rem3A_303, %add3A_316 : vector<1600x1xi32>
    %select_n3A_318 = arith.select %and3A_315, %add3A_317, %rem3A_303 : vector<1600x1xi1>, vector<1600x1xi32>
    %concatenate3A_319 = tpu.concatenate %max3A_20, %max3A_20 in 1 : vector<1600x64xf32>, vector<1600x64xf32> -> vector<1600x128xf32>
    %slice3A = vector.extract_strided_slice %reshape3A_97 {offsets = [0, 0, 0], sizes = [200, 2, 16], strides = [1, 1, 1]} : vector<200x8x16xf32> to vector<200x2x16xf32>
    %slice3A_320 = vector.extract_strided_slice %reshape3A_97 {offsets = [0, 2, 0], sizes = [200, 2, 16], strides = [1, 1, 1]} : vector<200x8x16xf32> to vector<200x2x16xf32>
    %broadcast_in_dim3A_321 = vector.shape_cast %slice3A : vector<200x2x16xf32> to vector<200x2x1x16xf32>
    %broadcast_in_dim3A_322 = vector.shape_cast %broadcast_in_dim3A_321 : vector<200x2x1x16xf32> to vector<200x2x1x16xf32>
    %broadcast_in_dim3A_323 = vector.broadcast %broadcast_in_dim3A_322 : vector<200x2x1x16xf32> to vector<200x2x4x16xf32>
    %reshape3A_324 = vector.shape_cast %broadcast_in_dim3A_323 : vector<200x2x4x16xf32> to vector<1600x16xf32>
    %broadcast_in_dim3A_325 = vector.shape_cast %slice3A_320 : vector<200x2x16xf32> to vector<200x2x1x16xf32>
    %broadcast_in_dim3A_326 = vector.shape_cast %broadcast_in_dim3A_325 : vector<200x2x1x16xf32> to vector<200x2x1x16xf32>
    %broadcast_in_dim3A_327 = vector.broadcast %broadcast_in_dim3A_326 : vector<200x2x1x16xf32> to vector<200x2x4x16xf32>
    %reshape3A_328 = vector.shape_cast %broadcast_in_dim3A_327 : vector<200x2x4x16xf32> to vector<1600x16xf32>
    %concatenate3A_329 = tpu.concatenate %reshape3A_324, %reshape3A_328 in 1 : vector<1600x16xf32>, vector<1600x16xf32> -> vector<1600x32xf32>
    %broadcast_in_dim3A_330 = arith.constant 0.000000e+00 : f32
    %broadcast_in_dim3A_331 = vector.broadcast %broadcast_in_dim3A_330 : f32 to vector<1600x128xf32>
    %mul3A = arith.constant 16 : i32
    %mul3A_332 = vector.broadcast %mul3A : i32 to vector<32x128xi32>
    %mul3A_333 = arith.muli %mul3A_332, %select_n3A_130 : vector<32x128xi32>
    %add3A_334 = arith.constant 0 : i32
    %add3A_335 = vector.broadcast %add3A_334 : i32 to vector<32x128xi32>
    %add3A_336 = arith.addi %mul3A_333, %add3A_335 : vector<32x128xi32>
    %add3A_337 = arith.addi %add3A_336, %select_n3A_182 : vector<32x128xi32>
    %eq3A_338 = arith.cmpi eq, %iota3A_98, %add3A_337 : vector<32x128xi32>
    %convert_element_type3A_339 = arith.extui %eq3A_338 : vector<32x128xi1> to vector<32x128xi32>
    %convert_element_type3A_340 = arith.sitofp %convert_element_type3A_339 : vector<32x128xi32> to vector<32x128xf32>
    %dot_general3A_341 = arith.constant dense<0.000000e+00> : vector<1600x128xf32>
    %dot_general3A_342 = tpu.matmul %concatenate3A_329, %convert_element_type3A_340, %dot_general3A_341 {dimension_numbers = #tpu.dot_dimension_numbers<[1], [0], [0], [1], [0, 0, 1, 1], [], []>, transpose_lhs_hint = false} : vector<1600x32xf32>, vector<32x128xf32>, vector<1600x128xf32> -> vector<1600x128xf32>
    %eq3A_343 = arith.constant 0 : i32
    %eq3A_344 = vector.broadcast %eq3A_343 : i32 to vector<1600x1xi32>
    %eq3A_345 = arith.cmpi eq, %select_n3A_318, %eq3A_344 : vector<1600x1xi32>
    %jit3A_346 = arith.constant 0.000000e+00 : f32
    %broadcast_in_dim3A_347 = vector.shape_cast %eq3A_345 : vector<1600x1xi1> to vector<1600x1xi1>
    %broadcast_in_dim3A_348 = vector.broadcast %broadcast_in_dim3A_347 : vector<1600x1xi1> to vector<1600x128xi1>
    %broadcast_in_dim3A_349 = vector.broadcast %jit3A_346 : f32 to vector<1600x128xf32>
    %select_n3A_350 = arith.select %broadcast_in_dim3A_348, %dot_general3A_342, %broadcast_in_dim3A_349 : vector<1600x128xi1>, vector<1600x128xf32>
    %add3A_351 = arith.addf %broadcast_in_dim3A_331, %select_n3A_350 : vector<1600x128xf32>
    %mul3A_352 = arith.constant 16 : i32
    %mul3A_353 = vector.broadcast %mul3A_352 : i32 to vector<32x128xi32>
    %mul3A_354 = arith.muli %mul3A_353, %select_n3A_130 : vector<32x128xi32>
    %add3A_355 = arith.constant 4 : i32
    %add3A_356 = vector.broadcast %add3A_355 : i32 to vector<32x128xi32>
    %add3A_357 = arith.addi %mul3A_354, %add3A_356 : vector<32x128xi32>
    %add3A_358 = arith.addi %add3A_357, %select_n3A_182 : vector<32x128xi32>
    %eq3A_359 = arith.cmpi eq, %iota3A_98, %add3A_358 : vector<32x128xi32>
    %convert_element_type3A_360 = arith.extui %eq3A_359 : vector<32x128xi1> to vector<32x128xi32>
    %convert_element_type3A_361 = arith.sitofp %convert_element_type3A_360 : vector<32x128xi32> to vector<32x128xf32>
    %dot_general3A_362 = arith.constant dense<0.000000e+00> : vector<1600x128xf32>
    %dot_general3A_363 = tpu.matmul %concatenate3A_329, %convert_element_type3A_361, %dot_general3A_362 {dimension_numbers = #tpu.dot_dimension_numbers<[1], [0], [0], [1], [0, 0, 1, 1], [], []>, transpose_lhs_hint = false} : vector<1600x32xf32>, vector<32x128xf32>, vector<1600x128xf32> -> vector<1600x128xf32>
    %eq3A_364 = arith.constant 1 : i32
    %eq3A_365 = vector.broadcast %eq3A_364 : i32 to vector<1600x1xi32>
    %eq3A_366 = arith.cmpi eq, %select_n3A_318, %eq3A_365 : vector<1600x1xi32>
    %jit3A_367 = arith.constant 0.000000e+00 : f32
    %broadcast_in_dim3A_368 = vector.shape_cast %eq3A_366 : vector<1600x1xi1> to vector<1600x1xi1>
    %broadcast_in_dim3A_369 = vector.broadcast %broadcast_in_dim3A_368 : vector<1600x1xi1> to vector<1600x128xi1>
    %broadcast_in_dim3A_370 = vector.broadcast %jit3A_367 : f32 to vector<1600x128xf32>
    %select_n3A_371 = arith.select %broadcast_in_dim3A_369, %dot_general3A_363, %broadcast_in_dim3A_370 : vector<1600x128xi1>, vector<1600x128xf32>
    %add3A_372 = arith.addf %add3A_351, %select_n3A_371 : vector<1600x128xf32>
    %mul3A_373 = arith.constant 16 : i32
    %mul3A_374 = vector.broadcast %mul3A_373 : i32 to vector<32x128xi32>
    %mul3A_375 = arith.muli %mul3A_374, %select_n3A_130 : vector<32x128xi32>
    %add3A_376 = arith.constant 8 : i32
    %add3A_377 = vector.broadcast %add3A_376 : i32 to vector<32x128xi32>
    %add3A_378 = arith.addi %mul3A_375, %add3A_377 : vector<32x128xi32>
    %add3A_379 = arith.addi %add3A_378, %select_n3A_182 : vector<32x128xi32>
    %eq3A_380 = arith.cmpi eq, %iota3A_98, %add3A_379 : vector<32x128xi32>
    %convert_element_type3A_381 = arith.extui %eq3A_380 : vector<32x128xi1> to vector<32x128xi32>
    %convert_element_type3A_382 = arith.sitofp %convert_element_type3A_381 : vector<32x128xi32> to vector<32x128xf32>
    %dot_general3A_383 = arith.constant dense<0.000000e+00> : vector<1600x128xf32>
    %dot_general3A_384 = tpu.matmul %concatenate3A_329, %convert_element_type3A_382, %dot_general3A_383 {dimension_numbers = #tpu.dot_dimension_numbers<[1], [0], [0], [1], [0, 0, 1, 1], [], []>, transpose_lhs_hint = false} : vector<1600x32xf32>, vector<32x128xf32>, vector<1600x128xf32> -> vector<1600x128xf32>
    %eq3A_385 = arith.constant 2 : i32
    %eq3A_386 = vector.broadcast %eq3A_385 : i32 to vector<1600x1xi32>
    %eq3A_387 = arith.cmpi eq, %select_n3A_318, %eq3A_386 : vector<1600x1xi32>
    %jit3A_388 = arith.constant 0.000000e+00 : f32
    %broadcast_in_dim3A_389 = vector.shape_cast %eq3A_387 : vector<1600x1xi1> to vector<1600x1xi1>
    %broadcast_in_dim3A_390 = vector.broadcast %broadcast_in_dim3A_389 : vector<1600x1xi1> to vector<1600x128xi1>
    %broadcast_in_dim3A_391 = vector.broadcast %jit3A_388 : f32 to vector<1600x128xf32>
    %select_n3A_392 = arith.select %broadcast_in_dim3A_390, %dot_general3A_384, %broadcast_in_dim3A_391 : vector<1600x128xi1>, vector<1600x128xf32>
    %add3A_393 = arith.addf %add3A_372, %select_n3A_392 : vector<1600x128xf32>
    %mul3A_394 = arith.constant 16 : i32
    %mul3A_395 = vector.broadcast %mul3A_394 : i32 to vector<32x128xi32>
    %mul3A_396 = arith.muli %mul3A_395, %select_n3A_130 : vector<32x128xi32>
    %add3A_397 = arith.constant 12 : i32
    %add3A_398 = vector.broadcast %add3A_397 : i32 to vector<32x128xi32>
    %add3A_399 = arith.addi %mul3A_396, %add3A_398 : vector<32x128xi32>
    %add3A_400 = arith.addi %add3A_399, %select_n3A_182 : vector<32x128xi32>
    %eq3A_401 = arith.cmpi eq, %iota3A_98, %add3A_400 : vector<32x128xi32>
    %convert_element_type3A_402 = arith.extui %eq3A_401 : vector<32x128xi1> to vector<32x128xi32>
    %convert_element_type3A_403 = arith.sitofp %convert_element_type3A_402 : vector<32x128xi32> to vector<32x128xf32>
    %dot_general3A_404 = arith.constant dense<0.000000e+00> : vector<1600x128xf32>
    %dot_general3A_405 = tpu.matmul %concatenate3A_329, %convert_element_type3A_403, %dot_general3A_404 {dimension_numbers = #tpu.dot_dimension_numbers<[1], [0], [0], [1], [0, 0, 1, 1], [], []>, transpose_lhs_hint = false} : vector<1600x32xf32>, vector<32x128xf32>, vector<1600x128xf32> -> vector<1600x128xf32>
    %eq3A_406 = arith.constant 3 : i32
    %eq3A_407 = vector.broadcast %eq3A_406 : i32 to vector<1600x1xi32>
    %eq3A_408 = arith.cmpi eq, %select_n3A_318, %eq3A_407 : vector<1600x1xi32>
    %jit3A_409 = arith.constant 0.000000e+00 : f32
    %broadcast_in_dim3A_410 = vector.shape_cast %eq3A_408 : vector<1600x1xi1> to vector<1600x1xi1>
    %broadcast_in_dim3A_411 = vector.broadcast %broadcast_in_dim3A_410 : vector<1600x1xi1> to vector<1600x128xi1>
    %broadcast_in_dim3A_412 = vector.broadcast %jit3A_409 : f32 to vector<1600x128xf32>
    %select_n3A_413 = arith.select %broadcast_in_dim3A_411, %dot_general3A_405, %broadcast_in_dim3A_412 : vector<1600x128xi1>, vector<1600x128xf32>
    %add3A_414 = arith.addf %add3A_393, %select_n3A_413 : vector<1600x128xf32>
    %mul3A_415 = arith.mulf %add3A_414, %concatenate3A_319 : vector<1600x128xf32>
    %dot_general3A_416 = arith.constant dense<0.000000e+00> : vector<1600x32xf32>
    %dot_general3A_417 = tpu.matmul %mul3A_415, %convert_element_type3A_295, %dot_general3A_416 {dimension_numbers = #tpu.dot_dimension_numbers<[1], [0], [0], [1], [0, 0, 1, 1], [], []>, transpose_lhs_hint = false} : vector<1600x128xf32>, vector<128x32xf32>, vector<1600x32xf32> -> vector<1600x32xf32>
    %get3A_418 = arith.constant 0 : index
    %get3A_419 = arith.constant 0 : index
    %get3A_420 = vector.load %arg7[%get3A_418, %get3A_419] : memref<200x1600xf32, #tpu.memory_space<vmem>>, vector<200x1600xf32>
    %dot_general3A_421 = arith.constant dense<0.000000e+00> : vector<200x32xf32>
    %dot_general3A_422 = tpu.matmul %get3A_420, %dot_general3A_417, %dot_general3A_421 {dimension_numbers = #tpu.dot_dimension_numbers<[1], [0], [0], [1], [0, 0, 1, 1], [], []>, transpose_lhs_hint = false} : vector<200x1600xf32>, vector<1600x32xf32>, vector<200x32xf32> -> vector<200x32xf32>
    %slice3A_423 = vector.extract_strided_slice %reshape3A_97 {offsets = [0, 4, 0], sizes = [200, 2, 16], strides = [1, 1, 1]} : vector<200x8x16xf32> to vector<200x2x16xf32>
    %slice3A_424 = vector.extract_strided_slice %reshape3A_97 {offsets = [0, 6, 0], sizes = [200, 2, 16], strides = [1, 1, 1]} : vector<200x8x16xf32> to vector<200x2x16xf32>
    %broadcast_in_dim3A_425 = vector.shape_cast %slice3A_423 : vector<200x2x16xf32> to vector<200x2x1x16xf32>
    %broadcast_in_dim3A_426 = vector.shape_cast %broadcast_in_dim3A_425 : vector<200x2x1x16xf32> to vector<200x2x1x16xf32>
    %broadcast_in_dim3A_427 = vector.broadcast %broadcast_in_dim3A_426 : vector<200x2x1x16xf32> to vector<200x2x4x16xf32>
    %reshape3A_428 = vector.shape_cast %broadcast_in_dim3A_427 : vector<200x2x4x16xf32> to vector<1600x16xf32>
    %broadcast_in_dim3A_429 = vector.shape_cast %slice3A_424 : vector<200x2x16xf32> to vector<200x2x1x16xf32>
    %broadcast_in_dim3A_430 = vector.shape_cast %broadcast_in_dim3A_429 : vector<200x2x1x16xf32> to vector<200x2x1x16xf32>
    %broadcast_in_dim3A_431 = vector.broadcast %broadcast_in_dim3A_430 : vector<200x2x1x16xf32> to vector<200x2x4x16xf32>
    %reshape3A_432 = vector.shape_cast %broadcast_in_dim3A_431 : vector<200x2x4x16xf32> to vector<1600x16xf32>
    %concatenate3A_433 = tpu.concatenate %reshape3A_428, %reshape3A_432 in 1 : vector<1600x16xf32>, vector<1600x16xf32> -> vector<1600x32xf32>
    %broadcast_in_dim3A_434 = arith.constant 0.000000e+00 : f32
    %broadcast_in_dim3A_435 = vector.broadcast %broadcast_in_dim3A_434 : f32 to vector<1600x128xf32>
    %mul3A_436 = arith.constant 16 : i32
    %mul3A_437 = vector.broadcast %mul3A_436 : i32 to vector<32x128xi32>
    %mul3A_438 = arith.muli %mul3A_437, %select_n3A_130 : vector<32x128xi32>
    %add3A_439 = arith.constant 0 : i32
    %add3A_440 = vector.broadcast %add3A_439 : i32 to vector<32x128xi32>
    %add3A_441 = arith.addi %mul3A_438, %add3A_440 : vector<32x128xi32>
    %add3A_442 = arith.addi %add3A_441, %select_n3A_182 : vector<32x128xi32>
    %eq3A_443 = arith.cmpi eq, %iota3A_98, %add3A_442 : vector<32x128xi32>
    %convert_element_type3A_444 = arith.extui %eq3A_443 : vector<32x128xi1> to vector<32x128xi32>
    %convert_element_type3A_445 = arith.sitofp %convert_element_type3A_444 : vector<32x128xi32> to vector<32x128xf32>
    %dot_general3A_446 = arith.constant dense<0.000000e+00> : vector<1600x128xf32>
    %dot_general3A_447 = tpu.matmul %concatenate3A_433, %convert_element_type3A_445, %dot_general3A_446 {dimension_numbers = #tpu.dot_dimension_numbers<[1], [0], [0], [1], [0, 0, 1, 1], [], []>, transpose_lhs_hint = false} : vector<1600x32xf32>, vector<32x128xf32>, vector<1600x128xf32> -> vector<1600x128xf32>
    %eq3A_448 = arith.constant 0 : i32
    %eq3A_449 = vector.broadcast %eq3A_448 : i32 to vector<1600x1xi32>
    %eq3A_450 = arith.cmpi eq, %select_n3A_318, %eq3A_449 : vector<1600x1xi32>
    %jit3A_451 = arith.constant 0.000000e+00 : f32
    %broadcast_in_dim3A_452 = vector.shape_cast %eq3A_450 : vector<1600x1xi1> to vector<1600x1xi1>
    %broadcast_in_dim3A_453 = vector.broadcast %broadcast_in_dim3A_452 : vector<1600x1xi1> to vector<1600x128xi1>
    %broadcast_in_dim3A_454 = vector.broadcast %jit3A_451 : f32 to vector<1600x128xf32>
    %select_n3A_455 = arith.select %broadcast_in_dim3A_453, %dot_general3A_447, %broadcast_in_dim3A_454 : vector<1600x128xi1>, vector<1600x128xf32>
    %add3A_456 = arith.addf %broadcast_in_dim3A_435, %select_n3A_455 : vector<1600x128xf32>
    %mul3A_457 = arith.constant 16 : i32
    %mul3A_458 = vector.broadcast %mul3A_457 : i32 to vector<32x128xi32>
    %mul3A_459 = arith.muli %mul3A_458, %select_n3A_130 : vector<32x128xi32>
    %add3A_460 = arith.constant 4 : i32
    %add3A_461 = vector.broadcast %add3A_460 : i32 to vector<32x128xi32>
    %add3A_462 = arith.addi %mul3A_459, %add3A_461 : vector<32x128xi32>
    %add3A_463 = arith.addi %add3A_462, %select_n3A_182 : vector<32x128xi32>
    %eq3A_464 = arith.cmpi eq, %iota3A_98, %add3A_463 : vector<32x128xi32>
    %convert_element_type3A_465 = arith.extui %eq3A_464 : vector<32x128xi1> to vector<32x128xi32>
    %convert_element_type3A_466 = arith.sitofp %convert_element_type3A_465 : vector<32x128xi32> to vector<32x128xf32>
    %dot_general3A_467 = arith.constant dense<0.000000e+00> : vector<1600x128xf32>
    %dot_general3A_468 = tpu.matmul %concatenate3A_433, %convert_element_type3A_466, %dot_general3A_467 {dimension_numbers = #tpu.dot_dimension_numbers<[1], [0], [0], [1], [0, 0, 1, 1], [], []>, transpose_lhs_hint = false} : vector<1600x32xf32>, vector<32x128xf32>, vector<1600x128xf32> -> vector<1600x128xf32>
    %eq3A_469 = arith.constant 1 : i32
    %eq3A_470 = vector.broadcast %eq3A_469 : i32 to vector<1600x1xi32>
    %eq3A_471 = arith.cmpi eq, %select_n3A_318, %eq3A_470 : vector<1600x1xi32>
    %jit3A_472 = arith.constant 0.000000e+00 : f32
    %broadcast_in_dim3A_473 = vector.shape_cast %eq3A_471 : vector<1600x1xi1> to vector<1600x1xi1>
    %broadcast_in_dim3A_474 = vector.broadcast %broadcast_in_dim3A_473 : vector<1600x1xi1> to vector<1600x128xi1>
    %broadcast_in_dim3A_475 = vector.broadcast %jit3A_472 : f32 to vector<1600x128xf32>
    %select_n3A_476 = arith.select %broadcast_in_dim3A_474, %dot_general3A_468, %broadcast_in_dim3A_475 : vector<1600x128xi1>, vector<1600x128xf32>
    %add3A_477 = arith.addf %add3A_456, %select_n3A_476 : vector<1600x128xf32>
    %mul3A_478 = arith.constant 16 : i32
    %mul3A_479 = vector.broadcast %mul3A_478 : i32 to vector<32x128xi32>
    %mul3A_480 = arith.muli %mul3A_479, %select_n3A_130 : vector<32x128xi32>
    %add3A_481 = arith.constant 8 : i32
    %add3A_482 = vector.broadcast %add3A_481 : i32 to vector<32x128xi32>
    %add3A_483 = arith.addi %mul3A_480, %add3A_482 : vector<32x128xi32>
    %add3A_484 = arith.addi %add3A_483, %select_n3A_182 : vector<32x128xi32>
    %eq3A_485 = arith.cmpi eq, %iota3A_98, %add3A_484 : vector<32x128xi32>
    %convert_element_type3A_486 = arith.extui %eq3A_485 : vector<32x128xi1> to vector<32x128xi32>
    %convert_element_type3A_487 = arith.sitofp %convert_element_type3A_486 : vector<32x128xi32> to vector<32x128xf32>
    %dot_general3A_488 = arith.constant dense<0.000000e+00> : vector<1600x128xf32>
    %dot_general3A_489 = tpu.matmul %concatenate3A_433, %convert_element_type3A_487, %dot_general3A_488 {dimension_numbers = #tpu.dot_dimension_numbers<[1], [0], [0], [1], [0, 0, 1, 1], [], []>, transpose_lhs_hint = false} : vector<1600x32xf32>, vector<32x128xf32>, vector<1600x128xf32> -> vector<1600x128xf32>
    %eq3A_490 = arith.constant 2 : i32
    %eq3A_491 = vector.broadcast %eq3A_490 : i32 to vector<1600x1xi32>
    %eq3A_492 = arith.cmpi eq, %select_n3A_318, %eq3A_491 : vector<1600x1xi32>
    %jit3A_493 = arith.constant 0.000000e+00 : f32
    %broadcast_in_dim3A_494 = vector.shape_cast %eq3A_492 : vector<1600x1xi1> to vector<1600x1xi1>
    %broadcast_in_dim3A_495 = vector.broadcast %broadcast_in_dim3A_494 : vector<1600x1xi1> to vector<1600x128xi1>
    %broadcast_in_dim3A_496 = vector.broadcast %jit3A_493 : f32 to vector<1600x128xf32>
    %select_n3A_497 = arith.select %broadcast_in_dim3A_495, %dot_general3A_489, %broadcast_in_dim3A_496 : vector<1600x128xi1>, vector<1600x128xf32>
    %add3A_498 = arith.addf %add3A_477, %select_n3A_497 : vector<1600x128xf32>
    %mul3A_499 = arith.constant 16 : i32
    %mul3A_500 = vector.broadcast %mul3A_499 : i32 to vector<32x128xi32>
    %mul3A_501 = arith.muli %mul3A_500, %select_n3A_130 : vector<32x128xi32>
    %add3A_502 = arith.constant 12 : i32
    %add3A_503 = vector.broadcast %add3A_502 : i32 to vector<32x128xi32>
    %add3A_504 = arith.addi %mul3A_501, %add3A_503 : vector<32x128xi32>
    %add3A_505 = arith.addi %add3A_504, %select_n3A_182 : vector<32x128xi32>
    %eq3A_506 = arith.cmpi eq, %iota3A_98, %add3A_505 : vector<32x128xi32>
    %convert_element_type3A_507 = arith.extui %eq3A_506 : vector<32x128xi1> to vector<32x128xi32>
    %convert_element_type3A_508 = arith.sitofp %convert_element_type3A_507 : vector<32x128xi32> to vector<32x128xf32>
    %dot_general3A_509 = arith.constant dense<0.000000e+00> : vector<1600x128xf32>
    %dot_general3A_510 = tpu.matmul %concatenate3A_433, %convert_element_type3A_508, %dot_general3A_509 {dimension_numbers = #tpu.dot_dimension_numbers<[1], [0], [0], [1], [0, 0, 1, 1], [], []>, transpose_lhs_hint = false} : vector<1600x32xf32>, vector<32x128xf32>, vector<1600x128xf32> -> vector<1600x128xf32>
    %eq3A_511 = arith.constant 3 : i32
    %eq3A_512 = vector.broadcast %eq3A_511 : i32 to vector<1600x1xi32>
    %eq3A_513 = arith.cmpi eq, %select_n3A_318, %eq3A_512 : vector<1600x1xi32>
    %jit3A_514 = arith.constant 0.000000e+00 : f32
    %broadcast_in_dim3A_515 = vector.shape_cast %eq3A_513 : vector<1600x1xi1> to vector<1600x1xi1>
    %broadcast_in_dim3A_516 = vector.broadcast %broadcast_in_dim3A_515 : vector<1600x1xi1> to vector<1600x128xi1>
    %broadcast_in_dim3A_517 = vector.broadcast %jit3A_514 : f32 to vector<1600x128xf32>
    %select_n3A_518 = arith.select %broadcast_in_dim3A_516, %dot_general3A_510, %broadcast_in_dim3A_517 : vector<1600x128xi1>, vector<1600x128xf32>
    %add3A_519 = arith.addf %add3A_498, %select_n3A_518 : vector<1600x128xf32>
    %mul3A_520 = arith.mulf %add3A_519, %concatenate3A_319 : vector<1600x128xf32>
    %dot_general3A_521 = arith.constant dense<0.000000e+00> : vector<1600x32xf32>
    %dot_general3A_522 = tpu.matmul %mul3A_520, %convert_element_type3A_295, %dot_general3A_521 {dimension_numbers = #tpu.dot_dimension_numbers<[1], [0], [0], [1], [0, 0, 1, 1], [], []>, transpose_lhs_hint = false} : vector<1600x128xf32>, vector<128x32xf32>, vector<1600x32xf32> -> vector<1600x32xf32>
    %get3A_523 = arith.constant 0 : index
    %get3A_524 = arith.constant 0 : index
    %get3A_525 = vector.load %arg7[%get3A_523, %get3A_524] : memref<200x1600xf32, #tpu.memory_space<vmem>>, vector<200x1600xf32>
    %dot_general3A_526 = arith.constant dense<0.000000e+00> : vector<200x32xf32>
    %dot_general3A_527 = tpu.matmul %get3A_525, %dot_general3A_522, %dot_general3A_526 {dimension_numbers = #tpu.dot_dimension_numbers<[1], [0], [0], [1], [0, 0, 1, 1], [], []>, transpose_lhs_hint = false} : vector<200x1600xf32>, vector<1600x32xf32>, vector<200x32xf32> -> vector<200x32xf32>
    %concatenate3A_528 = tpu.concatenate %dot_general3A_422, %dot_general3A_527 in 1 : vector<200x32xf32>, vector<200x32xf32> -> vector<200x64xf32>
    %swap3A = arith.constant 0 : index
    %swap3A_529 = arith.constant 0 : index
    %swap3A_530 = vector.load %arg8[%swap3A, %swap3A_529] : memref<200x64xf32, #tpu.memory_space<vmem>>, vector<200x64xf32>
    tpu.vector_store %arg8[%swap3A, %swap3A_529], %concatenate3A_528 {strides = array<i32>} : memref<200x64xf32, #tpu.memory_space<vmem>>, vector<200x64xf32>,
    return
  }
  func.func @transform_0(%arg0: i32) -> (i32, i32) {
    %c0_i32 = arith.constant 0 : i32
    %c0_i32_0 = arith.constant 0 : i32
    return %arg0, %c0_i32 : i32, i32
  }
  func.func @transform_1(%arg0: i32) -> (i32, i32) {
    %c0_i32 = arith.constant 0 : i32
    %c0_i32_0 = arith.constant 0 : i32
    return %arg0, %c0_i32 : i32, i32
  }
  func.func @transform_2(%arg0: i32) -> (i32, i32) {
    %c0_i32 = arith.constant 0 : i32
    %c0_i32_0 = arith.constant 0 : i32
    %c0_i32_1 = arith.constant 0 : i32
    return %c0_i32, %c0_i32_0 : i32, i32
  }
  func.func @transform_3(%arg0: i32) -> (i32, i32) {
    %c0_i32 = arith.constant 0 : i32
    %c0_i32_0 = arith.constant 0 : i32
    %c0_i32_1 = arith.constant 0 : i32
    return %c0_i32, %c0_i32_0 : i32, i32
  }
  func.func @transform_4(%arg0: i32) -> (i32, i32) {
    %c0_i32 = arith.constant 0 : i32
    %c0_i32_0 = arith.constant 0 : i32
    %c0_i32_1 = arith.constant 0 : i32
    return %c0_i32, %c0_i32_0 : i32, i32
  }
  func.func @transform_5(%arg0: i32) -> (i32, i32) {
    %c0_i32 = arith.constant 0 : i32
    %c0_i32_0 = arith.constant 0 : i32
    %c0_i32_1 = arith.constant 0 : i32
    return %c0_i32, %c0_i32_0 : i32, i32
  }
  func.func @transform_6(%arg0: i32) -> (i32, i32) {
    %c0_i32 = arith.constant 0 : i32
    %c0_i32_0 = arith.constant 0 : i32
    %c0_i32_1 = arith.constant 0 : i32
    return %c0_i32, %c0_i32_0 : i32, i32
  }
  func.func @transform_7(%arg0: i32) -> (i32, i32) {
    %c0_i32 = arith.constant 0 : i32
    %c0_i32_0 = arith.constant 0 : i32
    return %arg0, %c0_i32 : i32, i32
  }
}

</mosaic_0001>

<sc_bundles>
// kernel: kernel.13.cloned.1.call-start
scs
__scs_entry_jumppad:
0x0: {  	(pc) =	sbr.rel $0x88, $3  }
0x1: {  	(tag) =	ssettag $0x0;
	lr =	simm.s32 $0x1  }
0x2: {  	[smem:$0x3F99] =	sst lr;
	_ =	strace $0xD0000000  }
0x3: {  	_ = 	snop  }
0x4: {  	_ = 	snop  }
0x5: {  	_ = 	snop  }
0x6: {  	_ = 	snop  }
0x7: {  	_ = 	snop  }
__scs_overlays_trampoline_lowered:
0x8: {  	[smem:$0x3FA8] =	sst s0  }
0x9: {  	[smem:$0x3FA9] =	sst s1  }
0xa: {  	[smem:$0x3FAA] =	sst s2  }
0xb: {  	[smem:$0x3FAB] =	sst s3  }
0xc: {  	[smem:$0x3FAC] =	sst s4  }
0xd: {  	[smem:$0x3FAD] =	sst s5  }
0xe: {  	[smem:$0x3FAE] =	sst s6  }
0xf: {  	[smem:$0x3FAF] =	sst s7  }
0x10: {  	[smem:$0x3FB0] =	sst s8  }
0x11: {  	[smem:$0x3FB1] =	sst s9;
	s0 =	simm.s32 @!p0 $0x0  }
0x12: {  	s1 =	sld [smem:$0x3F97];
	s0 =	simm.s32 @p0 $0x1  }
0x13: {  	[smem:$0x3FB2] =	sst s0;
	s0 =	simm.s32 @!p1 $0x0  }
0x14: {  	s2 =	sld [smem:$0x3F96];
	s0 =	simm.s32 @p1 $0x1  }
0x15: {  	[smem:$0x3FB3] =	sst s0;
	s0 =	simm.s32 @!p2 $0x0  }
0x16: {  	s3 =	sld [smem:$0x3FDB];
	s0 =	simm.s32 @p2 $0x1  }
0x17: {  	s4 =	simm.s32 $0x1BF5;
	[smem:$0x3FB5] =	sst s0  }
0x18: {  	s0 =	sld [smem:$0x3F98];
	_ =	swait.ge [sflag:s4], $0x0  }
0x19: {  	s7 =	sld [smem:$0x3F99]  }
0x1a: {  	s8 =	sadd.s32 $0xFFFFE003, lr  }
0x1b: {  	s9 =	sadd.s32 $0xFFFFFEF7, lr;
	s5 =	simm.s32 $0xFFFFFFFF;
	p2 =	slt.u32 s8, $0xFFFFF086  }
0x1c: {  	p1 =	slt.u32 s9, $0xF7A;
	s5 =	simm.s32 @!p2 $0x0  }
0x1d: {  	s5 =	simm.s32 @p1 $0x1;
	p0 =	seq.s32 s7, s2  }
0x1e: {  	s7 =	smul.u32 @!p0 $0xF7A, s2;
	p2 =	seq.s32 @!p0 s5, $0x0  }
0x1f: {  	s9 =	smul.u32 $0xF7A, s1;
	s8 =	simm.s32 @!p0 $0x1BF5;
	p2 =	por !p2, p0  }
0x20: {  	[sflag:s8] =	ssyncset.s32 @!p0 $0xFFFFF086;
	s6 =	sadd.s32 @!p0 s3, s7;
	s7 =	simm.s32 @!p0 $0x108  }
0x21: {  	s3 =	sadd.s32 s3, s9;
	s6 =	sadd.s32 @!p0 $0x88, s6;
	s7 =	simm.s32 @p2 $0x1082  }
0x22: {  	[simem:s7], [sflag:s8] =	dma.local @!p0 [hbm:s6], $0xF7A  }
0x23: {  	s9 =	sor.u32 $0xD0000000, s2;
	s6 =	simm.s32 $0x108;
	_ =	swait.ge @!p0 [sflag:s8], $0x0  }
0x24: {  	s3 =	sadd.s32 $0x88, s3;
	s6 =	simm.s32 @!p1 $0x1082;
	[sflag:s4] =	ssyncset.s32 $0xFFFFF086  }
0x25: {  	[simem:s6], [sflag:s4] =	dma.local [hbm:s3], $0xF7A  }
0x26: {  	[smem:$0x3F99] =	sst s1;
	(tag) =	ssettag s2;
	_ =	strace s9  }
0x27: {  	s1 =	sld [smem:$0x3FA9]  }
0x28: {  	s2 =	sld [smem:$0x3FAA]  }
0x29: {  	s4 =	sld [smem:$0x3FAC]  }
0x2a: {  	p0 =	seq.s32 s5, $0x0;
	s5 =	sld [smem:$0x3FAD]  }
0x2b: {  	s6 =	sld [smem:$0x3FAE]  }
0x2c: {  	s7 =	sld [smem:$0x3FAF]  }
0x2d: {  	s3 =	simm.s32 $0x108;
	s8 =	sld [smem:$0x3FB0]  }
0x2e: {  	s3 =	simm.s32 @!p0 $0x1082;
	s9 =	sld [smem:$0x3FB1]  }
0x2f: {  	lr =	sadd.s32 s0, s3;
	s0 =	sld [smem:$0x3FA8]  }
0x30: {  	s3 =	sld [smem:$0x3FAB]  }
0x31: {  	[smem:$0x3FB4] =	sst s10  }
0x32: {  	s10 =	sld [smem:$0x3FB2];
	_ =	sdelay $0x3  }
0x33: {  	p0 =	seq.s32 s10, $0x1;
	s10 =	sld [smem:$0x3FB4];
	_ =	sdelay $0x3  }
0x34: {  	[smem:$0x3FB4] =	sst s10  }
0x35: {  	s10 =	sld [smem:$0x3FB3];
	_ =	sdelay $0x3  }
0x36: {  	p1 =	seq.s32 s10, $0x1;
	s10 =	sld [smem:$0x3FB4];
	_ =	sdelay $0x3  }
0x37: {  	[smem:$0x3FB4] =	sst s10  }
0x38: {  	s10 =	sld [smem:$0x3FB5]  }
0x39: {  	_ = 	snop;
	(pc) =	sbr.ind lr, $3  }
0x3a: {  	_ = 	snop  }
0x3b: {  	_ = 	snop  }
0x3c: {  	p2 =	seq.s32 s10, $0x1;
	s10 =	sld [smem:$0x3FB4]  }
0x3d: {  	_ =	shalt  }
0x3e: {  	_ =	shalt  }
0x3f: {  	_ =	shalt  }
0x40: {  	_ =	shalt  }
0x41: {  	_ =	shalt  }
0x42: {  	_ =	shalt  }
0x43: {  	_ =	shalt  }
0x44: {  	_ =	shalt  }
0x45: {  	_ =	shalt  }
0x46: {  	_ =	shalt  }
0x47: {  	_ =	shalt  }
0x48: {  	_ =	shalt  }
0x49: {  	_ =	shalt  }
0x4a: {  	_ =	shalt  }
0x4b: {  	_ =	shalt  }
0x4c: {  	_ =	shalt  }
0x4d: {  	_ =	shalt  }
0x4e: {  	_ =	shalt  }
0x4f: {  	_ =	shalt  }
0x50: {  	_ =	shalt  }
0x51: {  	_ =	shalt  }
0x52: {  	_ =	shalt  }
0x53: {  	_ =	shalt  }
0x54: {  	_ =	shalt  }
0x55: {  	_ =	shalt  }
0x56: {  	_ =	shalt  }
0x57: {  	_ =	shalt  }
0x58: {  	_ =	shalt  }
0x59: {  	_ =	shalt  }
0x5a: {  	_ =	shalt  }
0x5b: {  	_ =	shalt  }
0x5c: {  	_ =	shalt  }
0x5d: {  	_ =	shalt  }
0x5e: {  	_ =	shalt  }
0x5f: {  	_ =	shalt  }
0x60: {  	_ =	shalt  }
0x61: {  	_ =	shalt  }
0x62: {  	_ =	shalt  }
0x63: {  	_ =	shalt  }
0x64: {  	_ =	shalt  }
0x65: {  	_ =	shalt  }
0x66: {  	_ =	shalt  }
0x67: {  	_ =	shalt  }
0x68: {  	_ =	shalt  }
0x69: {  	_ =	shalt  }
0x6a: {  	_ =	shalt  }
0x6b: {  	_ =	shalt  }
0x6c: {  	_ =	shalt  }
0x6d: {  	_ =	shalt  }
0x6e: {  	_ =	shalt  }
0x6f: {  	_ =	shalt  }
0x70: {  	_ =	shalt  }
0x71: {  	_ =	shalt  }
0x72: {  	_ =	shalt  }
0x73: {  	_ =	shalt  }
0x74: {  	_ =	shalt  }
0x75: {  	_ =	shalt  }
0x76: {  	_ =	shalt  }
0x77: {  	_ =	shalt  }
0x78: {  	_ =	shalt  }
0x79: {  	_ =	shalt  }
0x7a: {  	_ =	shalt  }
0x7b: {  	_ =	shalt  }
0x7c: {  	_ =	shalt  }
0x7d: {  	_ =	shalt  }
0x7e: {  	_ =	shalt  }
0x7f: {  	_ =	shalt  }
0x80: {  	_ =	shalt  }
0x81: {  	_ =	shalt  }
0x82: {  	_ =	shalt  }
0x83: {  	_ =	shalt  }
0x84: {  	_ =	shalt  }
0x85: {  	_ =	shalt  }
0x86: {  	_ =	shalt  }
0x87: {  	_ =	shalt  }
.Lfunc_end0:
.L_simem_size_0:
called_computation_lowered:
.L_overlay_start_0:
0x88: {  	s2 =	sld [smem:$0x3FD9]  }
0x89: {  	s3 =	sld [smem:$0x3FFE];
	_ =	sdelay $0x1  }
0x8a: {  	s1 =	srdreg.scid  }
0x8b: {  	s0 =	sand.u32 $0x1, s1  }
0x8c: {  	s17 =	sshll.u32 s0, $0xA;
	s2 =	sadd.s32 s3, s2  }
0x8d: {  	s2 =	sadd.s32 s2, s17  }
0x8e: {  	[smem:$0x3FC0] =	sst s2  }
0x8f: {  	_ = 	snop  }
0x90: {  	s18 =	sld [smem:$0x3FD0];
	(tm) =	ssettm $0x1  }
0x91: {  	s19 =	sld [smem:$0x3FFB];
	_ =	sdelay $0x3  }
0x92: {  	_ =	strace s19  }
0x93: {  	s2 =	sld [smem:$0x3FFC];
	_ =	sdelay $0x3  }
0x94: {  	_ =	strace s2  }
0x95: {  	s2 =	sld [smem:$0x3FFD];
	_ =	sdelay $0x3  }
0x96: {  	_ =	strace s2  }
0x97: {  	_ =	strace $0x8FFFFFFF  }
0x98: {  	s20 =	sld [smem:$0x3FDB];
	_ =	sdelay $0x1  }
0x99: {  	s4 =	simm.s32 $_scs_section_size  }
0x9a: {  	s5 =	simm.s32 $_size__tile_overlayer_lowered;
	s6 =	simm.s32 $_tile_overlayer_lowered  }
0x9b: {  	s7 =	simm.s32 $0x1BFF;
	s21 =	sshll.u32 s6, $0x1;
	s4 =	sadd.s32 s4, s20  }
0x9c: {  	s22 =	simm.s32 $0x0;
	s5 =	sshll.u32 s5, $0x1;
	s6 =	sadd.s32 s21, s4  }
0x9d: {  	[timem:s22], [sflag:s7] =	dma.local [hbm:s6], s5  }
0x9e: {  	_ =	swait.ge [sflag:s7], s5  }
0x9f: {  	s5 =	ssub.s32 $0x0, s5;
	[sflag:s7] =	ssyncset.done $0x0  }
0xa0: {  	[sflag:s7] =	ssyncadd.s32 s5;
	_ =	sdelay $0x1  }
0xa1: {  	s23 =	simm.s32 $0x1B8B  }
0xa2: {  	_ =	swait.ge [sflag:s23], $0x1  }
0xa3: {  	[sflag:s23] =	ssyncset.done $0x0  }
0xa4: {  	[sflag:s23] =	ssyncadd.s32 $0xFFFFFFFF  }
0xa5: {  	s5 =	sld [smem:$0x0]  }
0xa6: {  	s6 =	sand.u32 $0xFFFFFFFE, s1  }
0xa7: {  	p0 =	sne.s32 s1, s6  }
0xa8: {  	s6 =	sshll.u32 @p0 s6, $0xE  }
0xa9: {  	s6 =	sadd.s32 @p0 $0x11B8D, s6;
	s7 =	sshll.u32 @p0 s5, $0x11  }
0xaa: {  	s6 =	sor.u32 @p0 s7, s6  }
0xab: {  	[sflag:s6] =	ssyncadd.remote.s32 @p0 $0x1;
	_ =	sdelay $0x1  }
0xac: {  	s6 =	simm.s32 @p0 $0x1B8D  }
0xad: {  	_ =	swait.eq @p0 [sflag:s6], $0x1  }
0xae: {  	[sflag:s6] =	ssyncadd.s32 @p0 $0xFFFFFFFF  }
0xaf: {  	s7 =	sshll.u32 @!p0 s1, $0xE  }
0xb0: {  	s7 =	sor.u32 @!p0 $0x4000, s7;
	s6 =	simm.s32 @!p0 $0x1B8D  }
0xb1: {  	s5 =	sshll.u32 @!p0 s5, $0x11;
	s7 =	sadd.s32 @!p0 $0x11B8D, s7;
	_ =	swait.eq @!p0 [sflag:s6], $0x1  }
0xb2: {  	s5 =	sor.u32 @!p0 s5, s7;
	[sflag:s6] =	ssyncadd.s32 @!p0 $0xFFFFFFFF  }
0xb3: {  	s25 =	simm.s32 $0x1B8E;
	s24 =	sld [smem:$0x3FFE];
	[sflag:s5] =	ssyncadd.remote.s32 @!p0 $0x1  }
0xb4: {  	s26 =	simm.s32 $execute0_lowered;
	[smem:$0x3FD2] =	sst s25  }
0xb5: {  	s6 =	sshll.u32 s26, $0x1;
	_ =	strace $0x8000004F;
	[dreg:$0x1] =	wrdreg $0xFFFFFFFF  }
0xb6: {  	s28 =	simm.s32 $_size_execute0_lowered;
	s4 =	sadd.s32 s4, s6;
	[dreg:$0x0] =	wrdreg $0x0  }
0xb7: {  	s6 =	sshll.u32 s28, $0x1;
	[dreg:$0x2] =	wrdreg s4  }
0xb8: {  	[dreg:$0x3] =	wrdreg s6  }
0xb9: {  	[dreg:$0x4] =	wrdreg $0xC0  }
0xba: {  	_ =	task [dreg:s22], $0x5FFFF  }
0xbb: {  	[dreg:$0x1] =	wrdreg $0xFFFFFFFF  }
0xbc: {  	[dreg:$0x0] =	wrdreg $0x60  }
0xbd: {  	[dreg:$0x2] =	wrdreg s18  }
0xbe: {  	[dreg:$0x3] =	wrdreg s24  }
0xbf: {  	[dreg:$0x4] =	wrdreg $0x9  }
0xc0: {  	_ =	task.clear_ibuf [dreg:s22], $0x5FFFF;
	_ =	strace $0x9000004F  }
0xc1: {  	s29 =	simm.s32 $0x9;
	_ =	strace $0x80000051  }
0xc2: {  	_ =	swait.ge [sflag:s29], $0x1  }
0xc3: {  	[sflag:s29] =	ssyncadd.s32 $0xFFFFFFFF  }
0xc4: {  	_ =	strace $0x90000051  }
0xc5: {  	_ =	sfence  }
0xc6: {  	s30 =	sld [smem:$0x0];
	_ =	sdelay $0x2  }
0xc7: {  	s31 =	sshll.u32 s1, $0xD;
	s1 =	sshrl.u32 s1, $0x2  }
0xc8: {  	s4 =	sand.u32 $0x4000, s31;
	s1 =	sadd.s32 s1, s30  }
0xc9: {  	s0 =	sor.u32 s4, s0;
	s1 =	sshll.u32 s1, $0x11  }
0xca: {  	s0 =	sor.u32 s1, s0  }
0xcb: {  	s0 =	sadd.s32 $0x8F2B, s0  }
0xcc: {  	[sflag:s0] =	ssyncadd.remote.s32 $0x1  }
0xcd: {  	_ =	sfence.sel $0xFFFF  }
0xce: {  	[dreg:$0x0] =	wrdreg $0xFFFFFFFF;
	(pc) =	sbr.abs _section_cstart, $3  }
0xcf: {  	[dreg:$0x1] =	wrdreg $0xFFFFFFFF  }
0xd0: {  	_ =	task.clear_ibuf [dreg:s22], $0x2FFFF;
	_ =	strace $0x9FFFFFFF  }
0xd1: {  	(tm) =	ssettm $0x7FFFFFFF  }
tec
execute0_lowered:
.L_overlay_start_1:
0x0: {  	(tag) =	ssettag $0x1  }
0x1: {  	s1 =	rddreg [dreg:$0x0]  }
0x2: {  	s4 =	rddreg [dreg:$0x1]  }
0x3: {  	s0 =	rddreg [dreg:$0x2]  }
0x4: {  	s3 =	simm.s32 $0x0;
	s5 =	srdreg.scid;
	s2 =	stileid.u32  }
0x5: {  	s10 =	simm.s32 $0x200;
	s11 =	simm.s32 $0x1200;
	s12 =	simm.s32 $0x100  }
0x6: {  	s13 =	simm.s32 $0x2200;
	s14 =	simm.s32 $0x1;
	s15 =	simm.s32 $0x2  }
0x7: {  	s16 =	simm.s32 $0x3;
	s17 =	simm.s32 $0x0;
	[smem:$0x7FF] =	sst s3  }
0x8: {  	s6 =	sand.u32 $0x1, s5;
	s25 =	sshll.u32 s2, $0x5;
	s7 =	sshll.u32 s2, $0xA  }
0x9: {  	s29 =	sshll.u32 s2, $0x1;
	_ =	strace $0x80000050;
	s8 =	ssub.s32 $0x2, s6  }
0xa: {  	s9 =	sadd.s32 s25, s4;
	s26 =	sadd.s32 s7, s4;
	s30 =	sshll.u32 s6, $0x9  }
0xb: {  	s31 =	sshll.u32 s6, $0x4;
	s7 =	sor.u32 s6, s29;
	s28 =	sshrl.u32 s8, $0x1  }
0xc: {  	s5 =	sadd.s32 s30, s26;
	s7 =	sor.u32 $0x60, s7;
	s4 =	ssub.s32 s8, s28  }
0xd: {  	s5 =	sadd.s32 $0xC9200, s5;
	s8 =	sadd.s32 s31, s9;
	s9 =	simm.s32 $0x80  }
0xe: {  	s4 =	smax.u32 s4, $0x1;
	s6 =	sadd.s32 $0xC7200, s8;
	s8 =	simm.s32 $0x6  }
.LBB2_1:
0xf: {  	[tilespmem:s3], [sflag:$0x6] =	stream.linear.gather [hbm4b:s6+s3], $0x80, $0x38;
	[tilespmem:$0x4200] =	vst v63  }
0x10: {  	_ =	swait.ge [sflag:s8], $0x80  }
0x11: {  	[sflag:s8] =	ssyncset.done $0x0  }
0x12: {  	[sflag:s8] =	ssyncadd.s32 $0xFFFFFF80  }
0x13: {  	[tilespmem:s10], [sflag:$0x1] =	stream.indirect.gather [hbm4b:s1+s9], $0x20, s3, s9, $0xb8;
	[tilespmem:$0x4200] =	vst v63  }
0x14: {  	s18 =	sadd.s32 $0x200, s6  }
0x15: {  	[tilespmem:s9], [sflag:$0x6] =	stream.linear.gather [hbm4b:s18+s3], $0x80, $0x38;
	[tilespmem:$0x4200] =	vst v63  }
0x16: {  	_ =	swait.ge [sflag:s8], $0x80  }
0x17: {  	[sflag:s8] =	ssyncset.done $0x0  }
0x18: {  	[sflag:s8] =	ssyncadd.s32 $0xFFFFFF80  }
0x19: {  	[tilespmem:s11], [sflag:$0x2] =	stream.indirect.gather [hbm4b:s1+s9], $0x20, s9, s9, $0xb8;
	[tilespmem:$0x4200] =	vst v63  }
0x1a: {  	s29 =	sadd.s32 $0x400, s6  }
0x1b: {  	[tilespmem:s12], [sflag:$0x6] =	stream.linear.gather [hbm4b:s29+s3], $0x80, $0x38;
	[tilespmem:$0x4200] =	vst v63  }
0x1c: {  	_ =	swait.ge [sflag:s8], $0x80  }
0x1d: {  	p0 =	sgt.u32 s7, $0x1F3;
	[sflag:s8] =	ssyncset.done $0x0  }
0x1e: {  	s19 =	simm.s32 @!p0 $0x180;
	[sflag:s8] =	ssyncadd.s32 $0xFFFFFF80  }
0x1f: {  	[tilespmem:s13], [sflag:$0x3] =	stream.indirect.gather [hbm4b:s1+s9], $0x20, s12, s9, $0xb8;
	[tilespmem:$0x4200] =	vst v63  }
0x20: {  	s20 =	sadd.s32 @!p0 $0x600, s6;
	s21 =	simm.s32 @!p0 $0x6;
	s18 =	simm.s32 @!p0 $0x0  }
0x21: {  	[tilespmem:s19], [sflag:$0x6] =	stream.linear.gather @!p0 [hbm4b:s20+s18], $0x80, $0x38;
	[tilespmem:$0x4200] =	vst v63  }
0x22: {  	_ =	swait.ge @!p0 [sflag:s21], $0x80  }
0x23: {  	[sflag:s21] =	ssyncset.done @!p0 $0x0  }
0x24: {  	s22 =	simm.s32 @!p0 $0x3200;
	s20 =	simm.s32 @!p0 $0x80;
	[sflag:s21] =	ssyncadd.s32 @!p0 $0xFFFFFF80  }
0x25: {  	[tilespmem:s22], [sflag:$0x4] =	stream.indirect.gather @!p0 [hbm4b:s1+s20], $0x20, s19, s20, $0xb8;
	[tilespmem:$0x4200] =	vst v63  }
0x26: {  	_ =	swait.ge [sflag:s14], $0x1000  }
0x27: {  	[sflag:s14] =	ssyncset.done $0x0  }
0x28: {  	s30 =	sadd.s32 $0x0, s5;
	[sflag:s14] =	ssyncadd.s32 $0xFFFFF000  }
0x29: {  	[hbm4b:s30+s3] =	stream.linear.scatter [tilespmem:s10], [sflag:$0x6], $0x1000, $0x38;
	[tilespmem:$0x4200] =	vst v63  }
0x2a: {  	_ =	swait.ge [sflag:s8], $0x1000  }
0x2b: {  	[sflag:s8] =	ssyncset.done $0x0  }
0x2c: {  	[sflag:s8] =	ssyncadd.s32 $0xFFFFF000  }
0x2d: {  	_ =	swait.ge [sflag:s15], $0x1000  }
0x2e: {  	[sflag:s15] =	ssyncset.done $0x0  }
0x2f: {  	s31 =	sadd.s32 $0x4000, s30;
	[sflag:s15] =	ssyncadd.s32 $0xFFFFF000  }
0x30: {  	[hbm4b:s31+s3] =	stream.linear.scatter [tilespmem:s11], [sflag:$0x6], $0x1000, $0x38;
	[tilespmem:$0x4200] =	vst v63  }
0x31: {  	_ =	swait.ge [sflag:s8], $0x1000  }
0x32: {  	[sflag:s8] =	ssyncset.done $0x0  }
0x33: {  	[sflag:s8] =	ssyncadd.s32 $0xFFFFF000  }
0x34: {  	_ =	swait.ge [sflag:s16], $0x1000  }
0x35: {  	[sflag:s16] =	ssyncset.done $0x0  }
0x36: {  	s19 =	sadd.s32 $0x8000, s30;
	[sflag:s16] =	ssyncadd.s32 $0xFFFFF000  }
0x37: {  	[hbm4b:s19+s3] =	stream.linear.scatter [tilespmem:s13], [sflag:$0x6], $0x1000, $0x38;
	[tilespmem:$0x4200] =	vst v63  }
0x38: {  	_ =	swait.ge [sflag:s8], $0x1000  }
0x39: {  	[sflag:s8] =	ssyncset.done $0x0  }
0x3a: {  	s19 =	simm.s32 @!p0 $0x4;
	[sflag:s8] =	ssyncadd.s32 $0xFFFFF000  }
0x3b: {  	_ =	swait.ge @!p0 [sflag:s19], $0x1000  }
0x3c: {  	s24 =	simm.s32 @!p0 $0x5;
	s20 =	sadd.s32 @!p0 $0x0, s5;
	[sflag:s19] =	ssyncset.done @!p0 $0x0  }
0x3d: {  	s20 =	sadd.s32 @!p0 $0xC000, s20;
	[sflag:s19] =	ssyncadd.s32 @!p0 $0xFFFFF000;
	s19 =	sadd.s32 $0x80, s7  }
0x3e: {  	[hbm4b:s20+s18] =	stream.linear.scatter @!p0 [tilespmem:s22], [sflag:$0x5], $0x1000, $0x38;
	[tilespmem:$0x4200] =	vst v63  }
0x3f: {  	s18 =	simm.s32 $0x10000;
	s20 =	smov.u32 s6;
	_ =	swait.ge @!p0 [sflag:s24], $0x1000  }
.LBB2_2:
0x40: {  	[sflag:s24] =	ssyncset.done @!p0 $0x0  }
0x41: {  	s20 =	sadd.s32 $0x800, s20;
	s22 =	smov.u32 s18;
	s18 =	sadd.s32 $0x10000, s18  }
0x42: {  	p1 =	sne.s32 s18, $0x40000;
	[sflag:s24] =	ssyncadd.s32 @!p0 $0xFFFFF000  }
0x43: {  	[tilespmem:s3], [sflag:$0x6] =	stream.linear.gather [hbm4b:s20+s3], $0x80, $0x38;
	[tilespmem:$0x4200] =	vst v63  }
0x44: {  	_ =	swait.ge [sflag:s8], $0x80  }
0x45: {  	[sflag:s8] =	ssyncset.done $0x0  }
0x46: {  	[sflag:s8] =	ssyncadd.s32 $0xFFFFFF80  }
0x47: {  	[tilespmem:s10], [sflag:$0x1] =	stream.indirect.gather [hbm4b:s1+s9], $0x20, s3, s9, $0xb8;
	[tilespmem:$0x4200] =	vst v63  }
0x48: {  	s21 =	sadd.s32 $0x200, s20  }
0x49: {  	[tilespmem:s9], [sflag:$0x6] =	stream.linear.gather [hbm4b:s21+s3], $0x80, $0x38;
	[tilespmem:$0x4200] =	vst v63  }
0x4a: {  	_ =	swait.ge [sflag:s8], $0x80  }
0x4b: {  	[sflag:s8] =	ssyncset.done $0x0  }
0x4c: {  	[sflag:s8] =	ssyncadd.s32 $0xFFFFFF80  }
0x4d: {  	[tilespmem:s11], [sflag:$0x2] =	stream.indirect.gather [hbm4b:s1+s9], $0x20, s9, s9, $0xb8;
	[tilespmem:$0x4200] =	vst v63  }
0x4e: {  	s21 =	sadd.s32 $0x400, s20  }
0x4f: {  	[tilespmem:s12], [sflag:$0x6] =	stream.linear.gather [hbm4b:s21+s3], $0x80, $0x38;
	[tilespmem:$0x4200] =	vst v63  }
0x50: {  	_ =	swait.ge [sflag:s8], $0x80  }
0x51: {  	p0 =	sgt.u32 s19, $0x1F3;
	[sflag:s8] =	ssyncset.done $0x0  }
0x52: {  	s24 =	simm.s32 @!p0 $0x180;
	s21 =	simm.s32 @!p0 $0x0;
	[sflag:s8] =	ssyncadd.s32 $0xFFFFFF80  }
0x53: {  	[tilespmem:s13], [sflag:$0x3] =	stream.indirect.gather [hbm4b:s1+s9], $0x20, s12, s9, $0xb8;
	[tilespmem:$0x4200] =	vst v63  }
0x54: {  	s23 =	sadd.s32 @!p0 $0x600, s20;
	s25 =	simm.s32 @!p0 $0x6;
	s26 =	sadd.s32 @!p0 s22, s5  }
0x55: {  	[tilespmem:s24], [sflag:$0x6] =	stream.linear.gather @!p0 [hbm4b:s23+s21], $0x80, $0x38;
	[tilespmem:$0x4200] =	vst v63  }
0x56: {  	s23 =	sadd.s32 @!p0 $0xC000, s26;
	_ =	swait.ge @!p0 [sflag:s25], $0x80  }
0x57: {  	s28 =	simm.s32 @!p0 $0x3200;
	s26 =	simm.s32 @!p0 $0x80;
	[sflag:s25] =	ssyncset.done @!p0 $0x0  }
0x58: {  	[sflag:s25] =	ssyncadd.s32 @!p0 $0xFFFFFF80  }
0x59: {  	[tilespmem:s28], [sflag:$0x4] =	stream.indirect.gather @!p0 [hbm4b:s1+s26], $0x20, s24, s26, $0xb8;
	[tilespmem:$0x4200] =	vst v63  }
0x5a: {  	_ =	swait.ge [sflag:s14], $0x1000  }
0x5b: {  	s22 =	sadd.s32 s22, s5;
	[sflag:s14] =	ssyncset.done $0x0  }
0x5c: {  	[sflag:s14] =	ssyncadd.s32 $0xFFFFF000  }
0x5d: {  	[hbm4b:s22+s3] =	stream.linear.scatter [tilespmem:s10], [sflag:$0x6], $0x1000, $0x38;
	[tilespmem:$0x4200] =	vst v63  }
0x5e: {  	_ =	swait.ge [sflag:s8], $0x1000  }
0x5f: {  	[sflag:s8] =	ssyncset.done $0x0  }
0x60: {  	[sflag:s8] =	ssyncadd.s32 $0xFFFFF000  }
0x61: {  	_ =	swait.ge [sflag:s15], $0x1000  }
0x62: {  	s24 =	sadd.s32 $0x4000, s22;
	[sflag:s15] =	ssyncset.done $0x0  }
0x63: {  	[sflag:s15] =	ssyncadd.s32 $0xFFFFF000  }
0x64: {  	[hbm4b:s24+s3] =	stream.linear.scatter [tilespmem:s11], [sflag:$0x6], $0x1000, $0x38;
	[tilespmem:$0x4200] =	vst v63  }
0x65: {  	_ =	swait.ge [sflag:s8], $0x1000  }
0x66: {  	[sflag:s8] =	ssyncset.done $0x0  }
0x67: {  	[sflag:s8] =	ssyncadd.s32 $0xFFFFF000  }
0x68: {  	_ =	swait.ge [sflag:s16], $0x1000  }
0x69: {  	s22 =	sadd.s32 $0x8000, s22;
	[sflag:s16] =	ssyncset.done $0x0  }
0x6a: {  	[sflag:s16] =	ssyncadd.s32 $0xFFFFF000  }
0x6b: {  	[hbm4b:s22+s3] =	stream.linear.scatter [tilespmem:s13], [sflag:$0x6], $0x1000, $0x38;
	[tilespmem:$0x4200] =	vst v63  }
0x6c: {  	_ =	swait.ge [sflag:s8], $0x1000  }
0x6d: {  	s22 =	simm.s32 @!p0 $0x4;
	[sflag:s8] =	ssyncset.done $0x0  }
0x6e: {  	[sflag:s8] =	ssyncadd.s32 $0xFFFFF000  }
.Ltmp0:
0x6f: {  	_ =	swait.ge @!p0 [sflag:s22], $0x1000;
	(pc) =	sbr.rel @p1 .LBB2_2-.Ltmp0, $4  }
0x70: {  	[sflag:s22] =	ssyncset.done @!p0 $0x0  }
0x71: {  	s24 =	simm.s32 @!p0 $0x5;
	[sflag:s22] =	ssyncadd.s32 @!p0 $0xFFFFF000  }
0x72: {  	[hbm4b:s23+s21] =	stream.linear.scatter @!p0 [tilespmem:s28], [sflag:$0x5], $0x1000, $0x38;
	[tilespmem:$0x4200] =	vst v63  }
0x73: {  	s19 =	sadd.s32 $0x80, s19;
	_ =	swait.ge @!p0 [sflag:s24], $0x1000  }
0x74: {  	s17 =	sadd.s32 $0x1, s17  }
0x75: {  	p1 =	sne.s32 s17, s4  }
.Ltmp1:
0x76: {  	_ = 	snop;
	(pc) =	sbr.rel @p1 .LBB2_1-.Ltmp1, $3  }
0x77: {  	_ =	sdelay $0x1  }
0x78: {  	[sflag:s24] =	ssyncset.done @!p0 $0x0  }
0x79: {  	[sflag:s24] =	ssyncadd.s32 @!p0 $0xFFFFF000  }
0x7a: {  	_ =	sfence.sel $0x180000  }
0x7b: {  	[bflag:$0x0] =	sbarrier.arrive $0xFFFF  }
0x7c: {  	p0 =	sne.s32 s2, $0x0;
	_ =	strace $0x90000050  }
0x7d: {  	s0 =	sadd.s32 @!p0 $0x100000, s0;
	[bflag:$0x2] =	sbarrier.arrive $0xFFFF  }
0x7e: {  	[sflag:s0] =	ssyncadd.tile.s32 @!p0 $0x1;
	_ =	shalt  }
.Lfunc_end2:
_tile_overlayer_lowered:
.L_overlay_start_2:
0x7f: {  	(tag) =	ssettag $0x2  }
0x80: {  	s0 =	rddreg [dreg:$0x0];
	s2 =	stileid.u32  }
0x81: {  	s1 =	rddreg [dreg:$0x1];
	p0 =	sne.s32 s2, $0x0  }
0x82: {  	s3 =	rddreg [dreg:$0x2];
	[bflag:$0x3] =	sbarrier.arrive $0xFFFF;
	s2 =	simm.s32 @!p0 $0x1C05  }
0x83: {  	[timem:s3], [sflag:s2] =	dma.local @!p0 [hbm:s0], s1  }
0x84: {  	s0 =	simm.s32 @!p0 $0x5  }
0x85: {  	_ =	swait.ge @!p0 [sflag:s0], s1  }
0x86: {  	s1 =	ssub.s32 @!p0 $0x0, s1;
	[sflag:s0] =	ssyncset.done @!p0 $0x0  }
0x87: {  	[sflag:s0] =	ssyncadd.s32 @!p0 s1  }
0x88: {  	[bflag:$0x3] =	sbarrier.arrive $0xFFFF  }
0x89: {  	_ =	shalt  }

// kernel: kernel.16.cloned.1.call-start
scs
__scs_entry_jumppad:
0x0: {  	(pc) =	sbr.rel $0x88, $3  }
0x1: {  	(tag) =	ssettag $0x0;
	lr =	simm.s32 $0x1  }
0x2: {  	[smem:$0x3F99] =	sst lr;
	_ =	strace $0xD0000000  }
0x3: {  	_ = 	snop  }
0x4: {  	_ = 	snop  }
0x5: {  	_ = 	snop  }
0x6: {  	_ = 	snop  }
0x7: {  	_ = 	snop  }
__scs_overlays_trampoline_lowered:
0x8: {  	[smem:$0x3FA8] =	sst s0  }
0x9: {  	[smem:$0x3FA9] =	sst s1  }
0xa: {  	[smem:$0x3FAA] =	sst s2  }
0xb: {  	[smem:$0x3FAB] =	sst s3  }
0xc: {  	[smem:$0x3FAC] =	sst s4  }
0xd: {  	[smem:$0x3FAD] =	sst s5  }
0xe: {  	[smem:$0x3FAE] =	sst s6  }
0xf: {  	[smem:$0x3FAF] =	sst s7  }
0x10: {  	[smem:$0x3FB0] =	sst s8  }
0x11: {  	[smem:$0x3FB1] =	sst s9;
	s0 =	simm.s32 @!p0 $0x0  }
0x12: {  	s1 =	sld [smem:$0x3F97];
	s0 =	simm.s32 @p0 $0x1  }
0x13: {  	[smem:$0x3FB2] =	sst s0;
	s0 =	simm.s32 @!p1 $0x0  }
0x14: {  	s2 =	sld [smem:$0x3F96];
	s0 =	simm.s32 @p1 $0x1  }
0x15: {  	[smem:$0x3FB3] =	sst s0;
	s0 =	simm.s32 @!p2 $0x0  }
0x16: {  	s3 =	sld [smem:$0x3FDB];
	s0 =	simm.s32 @p2 $0x1  }
0x17: {  	s4 =	simm.s32 $0x1BF5;
	[smem:$0x3FB5] =	sst s0  }
0x18: {  	s0 =	sld [smem:$0x3F98];
	_ =	swait.ge [sflag:s4], $0x0  }
0x19: {  	s7 =	sld [smem:$0x3F99]  }
0x1a: {  	s8 =	sadd.s32 $0xFFFFE003, lr  }
0x1b: {  	s9 =	sadd.s32 $0xFFFFFEF7, lr;
	s5 =	simm.s32 $0xFFFFFFFF;
	p2 =	slt.u32 s8, $0xFFFFF086  }
0x1c: {  	p1 =	slt.u32 s9, $0xF7A;
	s5 =	simm.s32 @!p2 $0x0  }
0x1d: {  	s5 =	simm.s32 @p1 $0x1;
	p0 =	seq.s32 s7, s2  }
0x1e: {  	s7 =	smul.u32 @!p0 $0xF7A, s2;
	p2 =	seq.s32 @!p0 s5, $0x0  }
0x1f: {  	s9 =	smul.u32 $0xF7A, s1;
	s8 =	simm.s32 @!p0 $0x1BF5;
	p2 =	por !p2, p0  }
0x20: {  	[sflag:s8] =	ssyncset.s32 @!p0 $0xFFFFF086;
	s6 =	sadd.s32 @!p0 s3, s7;
	s7 =	simm.s32 @!p0 $0x108  }
0x21: {  	s3 =	sadd.s32 s3, s9;
	s6 =	sadd.s32 @!p0 $0x88, s6;
	s7 =	simm.s32 @p2 $0x1082  }
0x22: {  	[simem:s7], [sflag:s8] =	dma.local @!p0 [hbm:s6], $0xF7A  }
0x23: {  	s9 =	sor.u32 $0xD0000000, s2;
	s6 =	simm.s32 $0x108;
	_ =	swait.ge @!p0 [sflag:s8], $0x0  }
0x24: {  	s3 =	sadd.s32 $0x88, s3;
	s6 =	simm.s32 @!p1 $0x1082;
	[sflag:s4] =	ssyncset.s32 $0xFFFFF086  }
0x25: {  	[simem:s6], [sflag:s4] =	dma.local [hbm:s3], $0xF7A  }
0x26: {  	[smem:$0x3F99] =	sst s1;
	(tag) =	ssettag s2;
	_ =	strace s9  }
0x27: {  	s1 =	sld [smem:$0x3FA9]  }
0x28: {  	s2 =	sld [smem:$0x3FAA]  }
0x29: {  	s4 =	sld [smem:$0x3FAC]  }
0x2a: {  	p0 =	seq.s32 s5, $0x0;
	s5 =	sld [smem:$0x3FAD]  }
0x2b: {  	s6 =	sld [smem:$0x3FAE]  }
0x2c: {  	s7 =	sld [smem:$0x3FAF]  }
0x2d: {  	s3 =	simm.s32 $0x108;
	s8 =	sld [smem:$0x3FB0]  }
0x2e: {  	s3 =	simm.s32 @!p0 $0x1082;
	s9 =	sld [smem:$0x3FB1]  }
0x2f: {  	lr =	sadd.s32 s0, s3;
	s0 =	sld [smem:$0x3FA8]  }
0x30: {  	s3 =	sld [smem:$0x3FAB]  }
0x31: {  	[smem:$0x3FB4] =	sst s10  }
0x32: {  	s10 =	sld [smem:$0x3FB2];
	_ =	sdelay $0x3  }
0x33: {  	p0 =	seq.s32 s10, $0x1;
	s10 =	sld [smem:$0x3FB4];
	_ =	sdelay $0x3  }
0x34: {  	[smem:$0x3FB4] =	sst s10  }
0x35: {  	s10 =	sld [smem:$0x3FB3];
	_ =	sdelay $0x3  }
0x36: {  	p1 =	seq.s32 s10, $0x1;
	s10 =	sld [smem:$0x3FB4];
	_ =	sdelay $0x3  }
0x37: {  	[smem:$0x3FB4] =	sst s10  }
0x38: {  	s10 =	sld [smem:$0x3FB5]  }
0x39: {  	_ = 	snop;
	(pc) =	sbr.ind lr, $3  }
0x3a: {  	_ = 	snop  }
0x3b: {  	_ = 	snop  }
0x3c: {  	p2 =	seq.s32 s10, $0x1;
	s10 =	sld [smem:$0x3FB4]  }
0x3d: {  	_ =	shalt  }
0x3e: {  	_ =	shalt  }
0x3f: {  	_ =	shalt  }
0x40: {  	_ =	shalt  }
0x41: {  	_ =	shalt  }
0x42: {  	_ =	shalt  }
0x43: {  	_ =	shalt  }
0x44: {  	_ =	shalt  }
0x45: {  	_ =	shalt  }
0x46: {  	_ =	shalt  }
0x47: {  	_ =	shalt  }
0x48: {  	_ =	shalt  }
0x49: {  	_ =	shalt  }
0x4a: {  	_ =	shalt  }
0x4b: {  	_ =	shalt  }
0x4c: {  	_ =	shalt  }
0x4d: {  	_ =	shalt  }
0x4e: {  	_ =	shalt  }
0x4f: {  	_ =	shalt  }
0x50: {  	_ =	shalt  }
0x51: {  	_ =	shalt  }
0x52: {  	_ =	shalt  }
0x53: {  	_ =	shalt  }
0x54: {  	_ =	shalt  }
0x55: {  	_ =	shalt  }
0x56: {  	_ =	shalt  }
0x57: {  	_ =	shalt  }
0x58: {  	_ =	shalt  }
0x59: {  	_ =	shalt  }
0x5a: {  	_ =	shalt  }
0x5b: {  	_ =	shalt  }
0x5c: {  	_ =	shalt  }
0x5d: {  	_ =	shalt  }
0x5e: {  	_ =	shalt  }
0x5f: {  	_ =	shalt  }
0x60: {  	_ =	shalt  }
0x61: {  	_ =	shalt  }
0x62: {  	_ =	shalt  }
0x63: {  	_ =	shalt  }
0x64: {  	_ =	shalt  }
0x65: {  	_ =	shalt  }
0x66: {  	_ =	shalt  }
0x67: {  	_ =	shalt  }
0x68: {  	_ =	shalt  }
0x69: {  	_ =	shalt  }
0x6a: {  	_ =	shalt  }
0x6b: {  	_ =	shalt  }
0x6c: {  	_ =	shalt  }
0x6d: {  	_ =	shalt  }
0x6e: {  	_ =	shalt  }
0x6f: {  	_ =	shalt  }
0x70: {  	_ =	shalt  }
0x71: {  	_ =	shalt  }
0x72: {  	_ =	shalt  }
0x73: {  	_ =	shalt  }
0x74: {  	_ =	shalt  }
0x75: {  	_ =	shalt  }
0x76: {  	_ =	shalt  }
0x77: {  	_ =	shalt  }
0x78: {  	_ =	shalt  }
0x79: {  	_ =	shalt  }
0x7a: {  	_ =	shalt  }
0x7b: {  	_ =	shalt  }
0x7c: {  	_ =	shalt  }
0x7d: {  	_ =	shalt  }
0x7e: {  	_ =	shalt  }
0x7f: {  	_ =	shalt  }
0x80: {  	_ =	shalt  }
0x81: {  	_ =	shalt  }
0x82: {  	_ =	shalt  }
0x83: {  	_ =	shalt  }
0x84: {  	_ =	shalt  }
0x85: {  	_ =	shalt  }
0x86: {  	_ =	shalt  }
0x87: {  	_ =	shalt  }
.Lfunc_end0:
.L_simem_size_0:
called_computation.1_lowered:
.L_overlay_start_0:
0x88: {  	s2 =	sld [smem:$0x3FD9]  }
0x89: {  	s3 =	sld [smem:$0x3FFE];
	_ =	sdelay $0x1  }
0x8a: {  	s1 =	srdreg.scid  }
0x8b: {  	s0 =	sand.u32 $0x1, s1  }
0x8c: {  	s17 =	sshll.u32 s0, $0xA;
	s2 =	sadd.s32 s3, s2  }
0x8d: {  	s2 =	sadd.s32 s2, s17  }
0x8e: {  	[smem:$0x3FC0] =	sst s2  }
0x8f: {  	_ = 	snop  }
0x90: {  	s18 =	sld [smem:$0x3FD0];
	(tm) =	ssettm $0x1  }
0x91: {  	s19 =	sld [smem:$0x3FFB];
	_ =	sdelay $0x3  }
0x92: {  	_ =	strace s19  }
0x93: {  	s2 =	sld [smem:$0x3FFC];
	_ =	sdelay $0x3  }
0x94: {  	_ =	strace s2  }
0x95: {  	s2 =	sld [smem:$0x3FFD];
	_ =	sdelay $0x3  }
0x96: {  	_ =	strace s2  }
0x97: {  	_ =	strace $0x8FFFFFFF  }
0x98: {  	s20 =	sld [smem:$0x3FDB];
	_ =	sdelay $0x1  }
0x99: {  	s4 =	simm.s32 $_scs_section_size  }
0x9a: {  	s5 =	simm.s32 $_size__tile_overlayer_lowered;
	s6 =	simm.s32 $_tile_overlayer_lowered  }
0x9b: {  	s7 =	simm.s32 $0x1BFF;
	s21 =	sshll.u32 s6, $0x1;
	s4 =	sadd.s32 s4, s20  }
0x9c: {  	s22 =	simm.s32 $0x0;
	s5 =	sshll.u32 s5, $0x1;
	s6 =	sadd.s32 s21, s4  }
0x9d: {  	[timem:s22], [sflag:s7] =	dma.local [hbm:s6], s5  }
0x9e: {  	_ =	swait.ge [sflag:s7], s5  }
0x9f: {  	s5 =	ssub.s32 $0x0, s5;
	[sflag:s7] =	ssyncset.done $0x0  }
0xa0: {  	[sflag:s7] =	ssyncadd.s32 s5;
	_ =	sdelay $0x1  }
0xa1: {  	s23 =	simm.s32 $0x1B8B  }
0xa2: {  	_ =	swait.ge [sflag:s23], $0x1  }
0xa3: {  	[sflag:s23] =	ssyncset.done $0x0  }
0xa4: {  	[sflag:s23] =	ssyncadd.s32 $0xFFFFFFFF  }
0xa5: {  	s5 =	sld [smem:$0x0]  }
0xa6: {  	s6 =	sand.u32 $0xFFFFFFFE, s1  }
0xa7: {  	p0 =	sne.s32 s1, s6  }
0xa8: {  	s6 =	sshll.u32 @p0 s6, $0xE  }
0xa9: {  	s6 =	sadd.s32 @p0 $0x11B8D, s6;
	s7 =	sshll.u32 @p0 s5, $0x11  }
0xaa: {  	s6 =	sor.u32 @p0 s7, s6  }
0xab: {  	[sflag:s6] =	ssyncadd.remote.s32 @p0 $0x1;
	_ =	sdelay $0x1  }
0xac: {  	s6 =	simm.s32 @p0 $0x1B8D  }
0xad: {  	_ =	swait.eq @p0 [sflag:s6], $0x1  }
0xae: {  	[sflag:s6] =	ssyncadd.s32 @p0 $0xFFFFFFFF  }
0xaf: {  	s7 =	sshll.u32 @!p0 s1, $0xE  }
0xb0: {  	s7 =	sor.u32 @!p0 $0x4000, s7;
	s6 =	simm.s32 @!p0 $0x1B8D  }
0xb1: {  	s5 =	sshll.u32 @!p0 s5, $0x11;
	s7 =	sadd.s32 @!p0 $0x11B8D, s7;
	_ =	swait.eq @!p0 [sflag:s6], $0x1  }
0xb2: {  	s5 =	sor.u32 @!p0 s5, s7;
	[sflag:s6] =	ssyncadd.s32 @!p0 $0xFFFFFFFF  }
0xb3: {  	s25 =	simm.s32 $0x1B8E;
	s24 =	sld [smem:$0x3FFE];
	[sflag:s5] =	ssyncadd.remote.s32 @!p0 $0x1  }
0xb4: {  	s26 =	simm.s32 $execute0_lowered;
	[smem:$0x3FD2] =	sst s25  }
0xb5: {  	s6 =	sshll.u32 s26, $0x1;
	_ =	strace $0x80000052;
	[dreg:$0x1] =	wrdreg $0xFFFFFFFF  }
0xb6: {  	s28 =	simm.s32 $_size_execute0_lowered;
	s4 =	sadd.s32 s4, s6;
	[dreg:$0x0] =	wrdreg $0x0  }
0xb7: {  	s6 =	sshll.u32 s28, $0x1;
	[dreg:$0x2] =	wrdreg s4  }
0xb8: {  	[dreg:$0x3] =	wrdreg s6  }
0xb9: {  	[dreg:$0x4] =	wrdreg $0xC0  }
0xba: {  	_ =	task [dreg:s22], $0x5FFFF  }
0xbb: {  	[dreg:$0x1] =	wrdreg $0xFFFFFFFF  }
0xbc: {  	[dreg:$0x0] =	wrdreg $0x60  }
0xbd: {  	[dreg:$0x2] =	wrdreg s18  }
0xbe: {  	[dreg:$0x3] =	wrdreg s24  }
0xbf: {  	[dreg:$0x4] =	wrdreg $0xA  }
0xc0: {  	_ =	task.clear_ibuf [dreg:s22], $0x5FFFF;
	_ =	strace $0x90000052  }
0xc1: {  	s29 =	simm.s32 $0xA;
	_ =	strace $0x80000054  }
0xc2: {  	_ =	swait.ge [sflag:s29], $0x1  }
0xc3: {  	[sflag:s29] =	ssyncadd.s32 $0xFFFFFFFF  }
0xc4: {  	_ =	strace $0x90000054  }
0xc5: {  	_ =	sfence  }
0xc6: {  	s30 =	sld [smem:$0x0];
	_ =	sdelay $0x2  }
0xc7: {  	s31 =	sshll.u32 s1, $0xD;
	s1 =	sshrl.u32 s1, $0x2  }
0xc8: {  	s4 =	sand.u32 $0x4000, s31;
	s1 =	sadd.s32 s1, s30  }
0xc9: {  	s0 =	sor.u32 s4, s0;
	s1 =	sshll.u32 s1, $0x11  }
0xca: {  	s0 =	sor.u32 s1, s0  }
0xcb: {  	s0 =	sadd.s32 $0x8F2B, s0  }
0xcc: {  	[sflag:s0] =	ssyncadd.remote.s32 $0x1  }
0xcd: {  	_ =	sfence.sel $0xFFFF  }
0xce: {  	[dreg:$0x0] =	wrdreg $0xFFFFFFFF;
	(pc) =	sbr.abs _section_cstart, $3  }
0xcf: {  	[dreg:$0x1] =	wrdreg $0xFFFFFFFF  }
0xd0: {  	_ =	task.clear_ibuf [dreg:s22], $0x2FFFF;
	_ =	strace $0x9FFFFFFF  }
0xd1: {  	(tm) =	ssettm $0x7FFFFFFF  }
tec
execute0_lowered:
.L_overlay_start_1:
0x0: {  	(tag) =	ssettag $0x1  }
0x1: {  	s1 =	rddreg [dreg:$0x0]  }
0x2: {  	s4 =	rddreg [dreg:$0x1]  }
0x3: {  	s0 =	rddreg [dreg:$0x2]  }
0x4: {  	s3 =	simm.s32 $0x0;
	s5 =	srdreg.scid;
	s2 =	stileid.u32  }
0x5: {  	s10 =	simm.s32 $0x200;
	s11 =	simm.s32 $0x1200;
	s12 =	simm.s32 $0x100  }
0x6: {  	s13 =	simm.s32 $0x2200;
	s14 =	simm.s32 $0x1;
	s15 =	simm.s32 $0x2  }
0x7: {  	s16 =	simm.s32 $0x3;
	s17 =	simm.s32 $0x0;
	[smem:$0x7FF] =	sst s3  }
0x8: {  	s6 =	sand.u32 $0x1, s5;
	s25 =	sshll.u32 s2, $0x5;
	s7 =	sshll.u32 s2, $0xA  }
0x9: {  	s29 =	sshll.u32 s2, $0x1;
	_ =	strace $0x80000053;
	s8 =	ssub.s32 $0x2, s6  }
0xa: {  	s9 =	sadd.s32 s25, s4;
	s26 =	sadd.s32 s7, s4;
	s30 =	sshll.u32 s6, $0x9  }
0xb: {  	s31 =	sshll.u32 s6, $0x4;
	s7 =	sor.u32 s6, s29;
	s28 =	sshrl.u32 s8, $0x1  }
0xc: {  	s5 =	sadd.s32 s30, s26;
	s7 =	sor.u32 $0x60, s7;
	s4 =	ssub.s32 s8, s28  }
0xd: {  	s5 =	sadd.s32 $0x107A00, s5;
	s8 =	sadd.s32 s31, s9;
	s9 =	simm.s32 $0x80  }
0xe: {  	s4 =	smax.u32 s4, $0x1;
	s6 =	sadd.s32 $0x9A00, s8;
	s8 =	simm.s32 $0x6  }
.LBB2_1:
0xf: {  	[tilespmem:s3], [sflag:$0x6] =	stream.linear.gather [hbm4b:s6+s3], $0x80, $0x38;
	[tilespmem:$0x4200] =	vst v63  }
0x10: {  	_ =	swait.ge [sflag:s8], $0x80  }
0x11: {  	[sflag:s8] =	ssyncset.done $0x0  }
0x12: {  	[sflag:s8] =	ssyncadd.s32 $0xFFFFFF80  }
0x13: {  	[tilespmem:s10], [sflag:$0x1] =	stream.indirect.gather [hbm4b:s1+s9], $0x20, s3, s9, $0xb8;
	[tilespmem:$0x4200] =	vst v63  }
0x14: {  	s18 =	sadd.s32 $0x200, s6  }
0x15: {  	[tilespmem:s9], [sflag:$0x6] =	stream.linear.gather [hbm4b:s18+s3], $0x80, $0x38;
	[tilespmem:$0x4200] =	vst v63  }
0x16: {  	_ =	swait.ge [sflag:s8], $0x80  }
0x17: {  	[sflag:s8] =	ssyncset.done $0x0  }
0x18: {  	[sflag:s8] =	ssyncadd.s32 $0xFFFFFF80  }
0x19: {  	[tilespmem:s11], [sflag:$0x2] =	stream.indirect.gather [hbm4b:s1+s9], $0x20, s9, s9, $0xb8;
	[tilespmem:$0x4200] =	vst v63  }
0x1a: {  	s29 =	sadd.s32 $0x400, s6  }
0x1b: {  	[tilespmem:s12], [sflag:$0x6] =	stream.linear.gather [hbm4b:s29+s3], $0x80, $0x38;
	[tilespmem:$0x4200] =	vst v63  }
0x1c: {  	_ =	swait.ge [sflag:s8], $0x80  }
0x1d: {  	p0 =	sgt.u32 s7, $0x1F3;
	[sflag:s8] =	ssyncset.done $0x0  }
0x1e: {  	s19 =	simm.s32 @!p0 $0x180;
	[sflag:s8] =	ssyncadd.s32 $0xFFFFFF80  }
0x1f: {  	[tilespmem:s13], [sflag:$0x3] =	stream.indirect.gather [hbm4b:s1+s9], $0x20, s12, s9, $0xb8;
	[tilespmem:$0x4200] =	vst v63  }
0x20: {  	s20 =	sadd.s32 @!p0 $0x600, s6;
	s21 =	simm.s32 @!p0 $0x6;
	s18 =	simm.s32 @!p0 $0x0  }
0x21: {  	[tilespmem:s19], [sflag:$0x6] =	stream.linear.gather @!p0 [hbm4b:s20+s18], $0x80, $0x38;
	[tilespmem:$0x4200] =	vst v63  }
0x22: {  	_ =	swait.ge @!p0 [sflag:s21], $0x80  }
0x23: {  	[sflag:s21] =	ssyncset.done @!p0 $0x0  }
0x24: {  	s22 =	simm.s32 @!p0 $0x3200;
	s20 =	simm.s32 @!p0 $0x80;
	[sflag:s21] =	ssyncadd.s32 @!p0 $0xFFFFFF80  }
0x25: {  	[tilespmem:s22], [sflag:$0x4] =	stream.indirect.gather @!p0 [hbm4b:s1+s20], $0x20, s19, s20, $0xb8;
	[tilespmem:$0x4200] =	vst v63  }
0x26: {  	_ =	swait.ge [sflag:s14], $0x1000  }
0x27: {  	[sflag:s14] =	ssyncset.done $0x0  }
0x28: {  	s30 =	sadd.s32 $0x0, s5;
	[sflag:s14] =	ssyncadd.s32 $0xFFFFF000  }
0x29: {  	[hbm4b:s30+s3] =	stream.linear.scatter [tilespmem:s10], [sflag:$0x6], $0x1000, $0x38;
	[tilespmem:$0x4200] =	vst v63  }
0x2a: {  	_ =	swait.ge [sflag:s8], $0x1000  }
0x2b: {  	[sflag:s8] =	ssyncset.done $0x0  }
0x2c: {  	[sflag:s8] =	ssyncadd.s32 $0xFFFFF000  }
0x2d: {  	_ =	swait.ge [sflag:s15], $0x1000  }
0x2e: {  	[sflag:s15] =	ssyncset.done $0x0  }
0x2f: {  	s31 =	sadd.s32 $0x4000, s30;
	[sflag:s15] =	ssyncadd.s32 $0xFFFFF000  }
0x30: {  	[hbm4b:s31+s3] =	stream.linear.scatter [tilespmem:s11], [sflag:$0x6], $0x1000, $0x38;
	[tilespmem:$0x4200] =	vst v63  }
0x31: {  	_ =	swait.ge [sflag:s8], $0x1000  }
0x32: {  	[sflag:s8] =	ssyncset.done $0x0  }
0x33: {  	[sflag:s8] =	ssyncadd.s32 $0xFFFFF000  }
0x34: {  	_ =	swait.ge [sflag:s16], $0x1000  }
0x35: {  	[sflag:s16] =	ssyncset.done $0x0  }
0x36: {  	s19 =	sadd.s32 $0x8000, s30;
	[sflag:s16] =	ssyncadd.s32 $0xFFFFF000  }
0x37: {  	[hbm4b:s19+s3] =	stream.linear.scatter [tilespmem:s13], [sflag:$0x6], $0x1000, $0x38;
	[tilespmem:$0x4200] =	vst v63  }
0x38: {  	_ =	swait.ge [sflag:s8], $0x1000  }
0x39: {  	[sflag:s8] =	ssyncset.done $0x0  }
0x3a: {  	s19 =	simm.s32 @!p0 $0x4;
	[sflag:s8] =	ssyncadd.s32 $0xFFFFF000  }
0x3b: {  	_ =	swait.ge @!p0 [sflag:s19], $0x1000  }
0x3c: {  	s24 =	simm.s32 @!p0 $0x5;
	s20 =	sadd.s32 @!p0 $0x0, s5;
	[sflag:s19] =	ssyncset.done @!p0 $0x0  }
0x3d: {  	s20 =	sadd.s32 @!p0 $0xC000, s20;
	[sflag:s19] =	ssyncadd.s32 @!p0 $0xFFFFF000;
	s19 =	sadd.s32 $0x80, s7  }
0x3e: {  	[hbm4b:s20+s18] =	stream.linear.scatter @!p0 [tilespmem:s22], [sflag:$0x5], $0x1000, $0x38;
	[tilespmem:$0x4200] =	vst v63  }
0x3f: {  	s18 =	simm.s32 $0x10000;
	s20 =	smov.u32 s6;
	_ =	swait.ge @!p0 [sflag:s24], $0x1000  }
.LBB2_2:
0x40: {  	[sflag:s24] =	ssyncset.done @!p0 $0x0  }
0x41: {  	s20 =	sadd.s32 $0x800, s20;
	s22 =	smov.u32 s18;
	s18 =	sadd.s32 $0x10000, s18  }
0x42: {  	p1 =	sne.s32 s18, $0x40000;
	[sflag:s24] =	ssyncadd.s32 @!p0 $0xFFFFF000  }
0x43: {  	[tilespmem:s3], [sflag:$0x6] =	stream.linear.gather [hbm4b:s20+s3], $0x80, $0x38;
	[tilespmem:$0x4200] =	vst v63  }
0x44: {  	_ =	swait.ge [sflag:s8], $0x80  }
0x45: {  	[sflag:s8] =	ssyncset.done $0x0  }
0x46: {  	[sflag:s8] =	ssyncadd.s32 $0xFFFFFF80  }
0x47: {  	[tilespmem:s10], [sflag:$0x1] =	stream.indirect.gather [hbm4b:s1+s9], $0x20, s3, s9, $0xb8;
	[tilespmem:$0x4200] =	vst v63  }
0x48: {  	s21 =	sadd.s32 $0x200, s20  }
0x49: {  	[tilespmem:s9], [sflag:$0x6] =	stream.linear.gather [hbm4b:s21+s3], $0x80, $0x38;
	[tilespmem:$0x4200] =	vst v63  }
0x4a: {  	_ =	swait.ge [sflag:s8], $0x80  }
0x4b: {  	[sflag:s8] =	ssyncset.done $0x0  }
0x4c: {  	[sflag:s8] =	ssyncadd.s32 $0xFFFFFF80  }
0x4d: {  	[tilespmem:s11], [sflag:$0x2] =	stream.indirect.gather [hbm4b:s1+s9], $0x20, s9, s9, $0xb8;
	[tilespmem:$0x4200] =	vst v63  }
0x4e: {  	s21 =	sadd.s32 $0x400, s20  }
0x4f: {  	[tilespmem:s12], [sflag:$0x6] =	stream.linear.gather [hbm4b:s21+s3], $0x80, $0x38;
	[tilespmem:$0x4200] =	vst v63  }
0x50: {  	_ =	swait.ge [sflag:s8], $0x80  }
0x51: {  	p0 =	sgt.u32 s19, $0x1F3;
	[sflag:s8] =	ssyncset.done $0x0  }
0x52: {  	s24 =	simm.s32 @!p0 $0x180;
	s21 =	simm.s32 @!p0 $0x0;
	[sflag:s8] =	ssyncadd.s32 $0xFFFFFF80  }
0x53: {  	[tilespmem:s13], [sflag:$0x3] =	stream.indirect.gather [hbm4b:s1+s9], $0x20, s12, s9, $0xb8;
	[tilespmem:$0x4200] =	vst v63  }
0x54: {  	s23 =	sadd.s32 @!p0 $0x600, s20;
	s25 =	simm.s32 @!p0 $0x6;
	s26 =	sadd.s32 @!p0 s22, s5  }
0x55: {  	[tilespmem:s24], [sflag:$0x6] =	stream.linear.gather @!p0 [hbm4b:s23+s21], $0x80, $0x38;
	[tilespmem:$0x4200] =	vst v63  }
0x56: {  	s23 =	sadd.s32 @!p0 $0xC000, s26;
	_ =	swait.ge @!p0 [sflag:s25], $0x80  }
0x57: {  	s28 =	simm.s32 @!p0 $0x3200;
	s26 =	simm.s32 @!p0 $0x80;
	[sflag:s25] =	ssyncset.done @!p0 $0x0  }
0x58: {  	[sflag:s25] =	ssyncadd.s32 @!p0 $0xFFFFFF80  }
0x59: {  	[tilespmem:s28], [sflag:$0x4] =	stream.indirect.gather @!p0 [hbm4b:s1+s26], $0x20, s24, s26, $0xb8;
	[tilespmem:$0x4200] =	vst v63  }
0x5a: {  	_ =	swait.ge [sflag:s14], $0x1000  }
0x5b: {  	s22 =	sadd.s32 s22, s5;
	[sflag:s14] =	ssyncset.done $0x0  }
0x5c: {  	[sflag:s14] =	ssyncadd.s32 $0xFFFFF000  }
0x5d: {  	[hbm4b:s22+s3] =	stream.linear.scatter [tilespmem:s10], [sflag:$0x6], $0x1000, $0x38;
	[tilespmem:$0x4200] =	vst v63  }
0x5e: {  	_ =	swait.ge [sflag:s8], $0x1000  }
0x5f: {  	[sflag:s8] =	ssyncset.done $0x0  }
0x60: {  	[sflag:s8] =	ssyncadd.s32 $0xFFFFF000  }
0x61: {  	_ =	swait.ge [sflag:s15], $0x1000  }
0x62: {  	s24 =	sadd.s32 $0x4000, s22;
	[sflag:s15] =	ssyncset.done $0x0  }
0x63: {  	[sflag:s15] =	ssyncadd.s32 $0xFFFFF000  }
0x64: {  	[hbm4b:s24+s3] =	stream.linear.scatter [tilespmem:s11], [sflag:$0x6], $0x1000, $0x38;
	[tilespmem:$0x4200] =	vst v63  }
0x65: {  	_ =	swait.ge [sflag:s8], $0x1000  }
0x66: {  	[sflag:s8] =	ssyncset.done $0x0  }
0x67: {  	[sflag:s8] =	ssyncadd.s32 $0xFFFFF000  }
0x68: {  	_ =	swait.ge [sflag:s16], $0x1000  }
0x69: {  	s22 =	sadd.s32 $0x8000, s22;
	[sflag:s16] =	ssyncset.done $0x0  }
0x6a: {  	[sflag:s16] =	ssyncadd.s32 $0xFFFFF000  }
0x6b: {  	[hbm4b:s22+s3] =	stream.linear.scatter [tilespmem:s13], [sflag:$0x6], $0x1000, $0x38;
	[tilespmem:$0x4200] =	vst v63  }
0x6c: {  	_ =	swait.ge [sflag:s8], $0x1000  }
0x6d: {  	s22 =	simm.s32 @!p0 $0x4;
	[sflag:s8] =	ssyncset.done $0x0  }
0x6e: {  	[sflag:s8] =	ssyncadd.s32 $0xFFFFF000  }
.Ltmp0:
0x6f: {  	_ =	swait.ge @!p0 [sflag:s22], $0x1000;
	(pc) =	sbr.rel @p1 .LBB2_2-.Ltmp0, $4  }
0x70: {  	[sflag:s22] =	ssyncset.done @!p0 $0x0  }
0x71: {  	s24 =	simm.s32 @!p0 $0x5;
	[sflag:s22] =	ssyncadd.s32 @!p0 $0xFFFFF000  }
0x72: {  	[hbm4b:s23+s21] =	stream.linear.scatter @!p0 [tilespmem:s28], [sflag:$0x5], $0x1000, $0x38;
	[tilespmem:$0x4200] =	vst v63  }
0x73: {  	s19 =	sadd.s32 $0x80, s19;
	_ =	swait.ge @!p0 [sflag:s24], $0x1000  }
0x74: {  	s17 =	sadd.s32 $0x1, s17  }
0x75: {  	p1 =	sne.s32 s17, s4  }
.Ltmp1:
0x76: {  	_ = 	snop;
	(pc) =	sbr.rel @p1 .LBB2_1-.Ltmp1, $3  }
0x77: {  	_ =	sdelay $0x1  }
0x78: {  	[sflag:s24] =	ssyncset.done @!p0 $0x0  }
0x79: {  	[sflag:s24] =	ssyncadd.s32 @!p0 $0xFFFFF000  }
0x7a: {  	_ =	sfence.sel $0x180000  }
0x7b: {  	[bflag:$0x0] =	sbarrier.arrive $0xFFFF  }
0x7c: {  	p0 =	sne.s32 s2, $0x0;
	_ =	strace $0x90000053  }
0x7d: {  	s0 =	sadd.s32 @!p0 $0x100000, s0;
	[bflag:$0x2] =	sbarrier.arrive $0xFFFF  }
0x7e: {  	[sflag:s0] =	ssyncadd.tile.s32 @!p0 $0x1;
	_ =	shalt  }
.Lfunc_end2:
_tile_overlayer_lowered:
.L_overlay_start_2:
0x7f: {  	(tag) =	ssettag $0x2  }
0x80: {  	s0 =	rddreg [dreg:$0x0];
	s2 =	stileid.u32  }
0x81: {  	s1 =	rddreg [dreg:$0x1];
	p0 =	sne.s32 s2, $0x0  }
0x82: {  	s3 =	rddreg [dreg:$0x2];
	[bflag:$0x3] =	sbarrier.arrive $0xFFFF;
	s2 =	simm.s32 @!p0 $0x1C05  }
0x83: {  	[timem:s3], [sflag:s2] =	dma.local @!p0 [hbm:s0], s1  }
0x84: {  	s0 =	simm.s32 @!p0 $0x5  }
0x85: {  	_ =	swait.ge @!p0 [sflag:s0], s1  }
0x86: {  	s1 =	ssub.s32 @!p0 $0x0, s1;
	[sflag:s0] =	ssyncset.done @!p0 $0x0  }
0x87: {  	[sflag:s0] =	ssyncadd.s32 @!p0 s1  }
0x88: {  	[bflag:$0x3] =	sbarrier.arrive $0xFFFF  }
0x89: {  	_ =	shalt  }

// kernel: kernel.19.cloned.1.call-start
scs
__scs_entry_jumppad:
0x0: {  	(pc) =	sbr.rel $0x88, $3  }
0x1: {  	(tag) =	ssettag $0x0;
	lr =	simm.s32 $0x1  }
0x2: {  	[smem:$0x3F99] =	sst lr;
	_ =	strace $0xD0000000  }
0x3: {  	_ = 	snop  }
0x4: {  	_ = 	snop  }
0x5: {  	_ = 	snop  }
0x6: {  	_ = 	snop  }
0x7: {  	_ = 	snop  }
__scs_overlays_trampoline_lowered:
0x8: {  	[smem:$0x3FA8] =	sst s0  }
0x9: {  	[smem:$0x3FA9] =	sst s1  }
0xa: {  	[smem:$0x3FAA] =	sst s2  }
0xb: {  	[smem:$0x3FAB] =	sst s3  }
0xc: {  	[smem:$0x3FAC] =	sst s4  }
0xd: {  	[smem:$0x3FAD] =	sst s5  }
0xe: {  	[smem:$0x3FAE] =	sst s6  }
0xf: {  	[smem:$0x3FAF] =	sst s7  }
0x10: {  	[smem:$0x3FB0] =	sst s8  }
0x11: {  	[smem:$0x3FB1] =	sst s9;
	s0 =	simm.s32 @!p0 $0x0  }
0x12: {  	s1 =	sld [smem:$0x3F97];
	s0 =	simm.s32 @p0 $0x1  }
0x13: {  	[smem:$0x3FB2] =	sst s0;
	s0 =	simm.s32 @!p1 $0x0  }
0x14: {  	s2 =	sld [smem:$0x3F96];
	s0 =	simm.s32 @p1 $0x1  }
0x15: {  	[smem:$0x3FB3] =	sst s0;
	s0 =	simm.s32 @!p2 $0x0  }
0x16: {  	s3 =	sld [smem:$0x3FDB];
	s0 =	simm.s32 @p2 $0x1  }
0x17: {  	s4 =	simm.s32 $0x1BF5;
	[smem:$0x3FB5] =	sst s0  }
0x18: {  	s0 =	sld [smem:$0x3F98];
	_ =	swait.ge [sflag:s4], $0x0  }
0x19: {  	s7 =	sld [smem:$0x3F99]  }
0x1a: {  	s8 =	sadd.s32 $0xFFFFE003, lr  }
0x1b: {  	s9 =	sadd.s32 $0xFFFFFEF7, lr;
	s5 =	simm.s32 $0xFFFFFFFF;
	p2 =	slt.u32 s8, $0xFFFFF086  }
0x1c: {  	p1 =	slt.u32 s9, $0xF7A;
	s5 =	simm.s32 @!p2 $0x0  }
0x1d: {  	s5 =	simm.s32 @p1 $0x1;
	p0 =	seq.s32 s7, s2  }
0x1e: {  	s7 =	smul.u32 @!p0 $0xF7A, s2;
	p2 =	seq.s32 @!p0 s5, $0x0  }
0x1f: {  	s9 =	smul.u32 $0xF7A, s1;
	s8 =	simm.s32 @!p0 $0x1BF5;
	p2 =	por !p2, p0  }
0x20: {  	[sflag:s8] =	ssyncset.s32 @!p0 $0xFFFFF086;
	s6 =	sadd.s32 @!p0 s3, s7;
	s7 =	simm.s32 @!p0 $0x108  }
0x21: {  	s3 =	sadd.s32 s3, s9;
	s6 =	sadd.s32 @!p0 $0x88, s6;
	s7 =	simm.s32 @p2 $0x1082  }
0x22: {  	[simem:s7], [sflag:s8] =	dma.local @!p0 [hbm:s6], $0xF7A  }
0x23: {  	s9 =	sor.u32 $0xD0000000, s2;
	s6 =	simm.s32 $0x108;
	_ =	swait.ge @!p0 [sflag:s8], $0x0  }
0x24: {  	s3 =	sadd.s32 $0x88, s3;
	s6 =	simm.s32 @!p1 $0x1082;
	[sflag:s4] =	ssyncset.s32 $0xFFFFF086  }
0x25: {  	[simem:s6], [sflag:s4] =	dma.local [hbm:s3], $0xF7A  }
0x26: {  	[smem:$0x3F99] =	sst s1;
	(tag) =	ssettag s2;
	_ =	strace s9  }
0x27: {  	s1 =	sld [smem:$0x3FA9]  }
0x28: {  	s2 =	sld [smem:$0x3FAA]  }
0x29: {  	s4 =	sld [smem:$0x3FAC]  }
0x2a: {  	p0 =	seq.s32 s5, $0x0;
	s5 =	sld [smem:$0x3FAD]  }
0x2b: {  	s6 =	sld [smem:$0x3FAE]  }
0x2c: {  	s7 =	sld [smem:$0x3FAF]  }
0x2d: {  	s3 =	simm.s32 $0x108;
	s8 =	sld [smem:$0x3FB0]  }
0x2e: {  	s3 =	simm.s32 @!p0 $0x1082;
	s9 =	sld [smem:$0x3FB1]  }
0x2f: {  	lr =	sadd.s32 s0, s3;
	s0 =	sld [smem:$0x3FA8]  }
0x30: {  	s3 =	sld [smem:$0x3FAB]  }
0x31: {  	[smem:$0x3FB4] =	sst s10  }
0x32: {  	s10 =	sld [smem:$0x3FB2];
	_ =	sdelay $0x3  }
0x33: {  	p0 =	seq.s32 s10, $0x1;
	s10 =	sld [smem:$0x3FB4];
	_ =	sdelay $0x3  }
0x34: {  	[smem:$0x3FB4] =	sst s10  }
0x35: {  	s10 =	sld [smem:$0x3FB3];
	_ =	sdelay $0x3  }
0x36: {  	p1 =	seq.s32 s10, $0x1;
	s10 =	sld [smem:$0x3FB4];
	_ =	sdelay $0x3  }
0x37: {  	[smem:$0x3FB4] =	sst s10  }
0x38: {  	s10 =	sld [smem:$0x3FB5]  }
0x39: {  	_ = 	snop;
	(pc) =	sbr.ind lr, $3  }
0x3a: {  	_ = 	snop  }
0x3b: {  	_ = 	snop  }
0x3c: {  	p2 =	seq.s32 s10, $0x1;
	s10 =	sld [smem:$0x3FB4]  }
0x3d: {  	_ =	shalt  }
0x3e: {  	_ =	shalt  }
0x3f: {  	_ =	shalt  }
0x40: {  	_ =	shalt  }
0x41: {  	_ =	shalt  }
0x42: {  	_ =	shalt  }
0x43: {  	_ =	shalt  }
0x44: {  	_ =	shalt  }
0x45: {  	_ =	shalt  }
0x46: {  	_ =	shalt  }
0x47: {  	_ =	shalt  }
0x48: {  	_ =	shalt  }
0x49: {  	_ =	shalt  }
0x4a: {  	_ =	shalt  }
0x4b: {  	_ =	shalt  }
0x4c: {  	_ =	shalt  }
0x4d: {  	_ =	shalt  }
0x4e: {  	_ =	shalt  }
0x4f: {  	_ =	shalt  }
0x50: {  	_ =	shalt  }
0x51: {  	_ =	shalt  }
0x52: {  	_ =	shalt  }
0x53: {  	_ =	shalt  }
0x54: {  	_ =	shalt  }
0x55: {  	_ =	shalt  }
0x56: {  	_ =	shalt  }
0x57: {  	_ =	shalt  }
0x58: {  	_ =	shalt  }
0x59: {  	_ =	shalt  }
0x5a: {  	_ =	shalt  }
0x5b: {  	_ =	shalt  }
0x5c: {  	_ =	shalt  }
0x5d: {  	_ =	shalt  }
0x5e: {  	_ =	shalt  }
0x5f: {  	_ =	shalt  }
0x60: {  	_ =	shalt  }
0x61: {  	_ =	shalt  }
0x62: {  	_ =	shalt  }
0x63: {  	_ =	shalt  }
0x64: {  	_ =	shalt  }
0x65: {  	_ =	shalt  }
0x66: {  	_ =	shalt  }
0x67: {  	_ =	shalt  }
0x68: {  	_ =	shalt  }
0x69: {  	_ =	shalt  }
0x6a: {  	_ =	shalt  }
0x6b: {  	_ =	shalt  }
0x6c: {  	_ =	shalt  }
0x6d: {  	_ =	shalt  }
0x6e: {  	_ =	shalt  }
0x6f: {  	_ =	shalt  }
0x70: {  	_ =	shalt  }
0x71: {  	_ =	shalt  }
0x72: {  	_ =	shalt  }
0x73: {  	_ =	shalt  }
0x74: {  	_ =	shalt  }
0x75: {  	_ =	shalt  }
0x76: {  	_ =	shalt  }
0x77: {  	_ =	shalt  }
0x78: {  	_ =	shalt  }
0x79: {  	_ =	shalt  }
0x7a: {  	_ =	shalt  }
0x7b: {  	_ =	shalt  }
0x7c: {  	_ =	shalt  }
0x7d: {  	_ =	shalt  }
0x7e: {  	_ =	shalt  }
0x7f: {  	_ =	shalt  }
0x80: {  	_ =	shalt  }
0x81: {  	_ =	shalt  }
0x82: {  	_ =	shalt  }
0x83: {  	_ =	shalt  }
0x84: {  	_ =	shalt  }
0x85: {  	_ =	shalt  }
0x86: {  	_ =	shalt  }
0x87: {  	_ =	shalt  }
.Lfunc_end0:
.L_simem_size_0:
called_computation.2_lowered:
.L_overlay_start_0:
0x88: {  	s2 =	sld [smem:$0x3FD9]  }
0x89: {  	s3 =	sld [smem:$0x3FFE];
	_ =	sdelay $0x1  }
0x8a: {  	s1 =	srdreg.scid  }
0x8b: {  	s0 =	sand.u32 $0x1, s1  }
0x8c: {  	s17 =	sshll.u32 s0, $0xA;
	s2 =	sadd.s32 s3, s2  }
0x8d: {  	s2 =	sadd.s32 s2, s17  }
0x8e: {  	[smem:$0x3FC0] =	sst s2  }
0x8f: {  	_ = 	snop  }
0x90: {  	s18 =	sld [smem:$0x3FD0];
	(tm) =	ssettm $0x1  }
0x91: {  	s19 =	sld [smem:$0x3FFB];
	_ =	sdelay $0x3  }
0x92: {  	_ =	strace s19  }
0x93: {  	s2 =	sld [smem:$0x3FFC];
	_ =	sdelay $0x3  }
0x94: {  	_ =	strace s2  }
0x95: {  	s2 =	sld [smem:$0x3FFD];
	_ =	sdelay $0x3  }
0x96: {  	_ =	strace s2  }
0x97: {  	_ =	strace $0x8FFFFFFF  }
0x98: {  	s20 =	sld [smem:$0x3FDB];
	_ =	sdelay $0x1  }
0x99: {  	s4 =	simm.s32 $_scs_section_size  }
0x9a: {  	s5 =	simm.s32 $_size__tile_overlayer_lowered;
	s6 =	simm.s32 $_tile_overlayer_lowered  }
0x9b: {  	s7 =	simm.s32 $0x1BFF;
	s21 =	sshll.u32 s6, $0x1;
	s4 =	sadd.s32 s4, s20  }
0x9c: {  	s22 =	simm.s32 $0x0;
	s5 =	sshll.u32 s5, $0x1;
	s6 =	sadd.s32 s21, s4  }
0x9d: {  	[timem:s22], [sflag:s7] =	dma.local [hbm:s6], s5  }
0x9e: {  	_ =	swait.ge [sflag:s7], s5  }
0x9f: {  	s5 =	ssub.s32 $0x0, s5;
	[sflag:s7] =	ssyncset.done $0x0  }
0xa0: {  	[sflag:s7] =	ssyncadd.s32 s5;
	_ =	sdelay $0x1  }
0xa1: {  	s23 =	simm.s32 $0x1B8B  }
0xa2: {  	_ =	swait.ge [sflag:s23], $0x1  }
0xa3: {  	[sflag:s23] =	ssyncset.done $0x0  }
0xa4: {  	[sflag:s23] =	ssyncadd.s32 $0xFFFFFFFF  }
0xa5: {  	s5 =	sld [smem:$0x0]  }
0xa6: {  	s6 =	sand.u32 $0xFFFFFFFE, s1  }
0xa7: {  	p0 =	sne.s32 s1, s6  }
0xa8: {  	s6 =	sshll.u32 @p0 s6, $0xE  }
0xa9: {  	s6 =	sadd.s32 @p0 $0x11B8D, s6;
	s7 =	sshll.u32 @p0 s5, $0x11  }
0xaa: {  	s6 =	sor.u32 @p0 s7, s6  }
0xab: {  	[sflag:s6] =	ssyncadd.remote.s32 @p0 $0x1;
	_ =	sdelay $0x1  }
0xac: {  	s6 =	simm.s32 @p0 $0x1B8D  }
0xad: {  	_ =	swait.eq @p0 [sflag:s6], $0x1  }
0xae: {  	[sflag:s6] =	ssyncadd.s32 @p0 $0xFFFFFFFF  }
0xaf: {  	s7 =	sshll.u32 @!p0 s1, $0xE  }
0xb0: {  	s7 =	sor.u32 @!p0 $0x4000, s7;
	s6 =	simm.s32 @!p0 $0x1B8D  }
0xb1: {  	s5 =	sshll.u32 @!p0 s5, $0x11;
	s7 =	sadd.s32 @!p0 $0x11B8D, s7;
	_ =	swait.eq @!p0 [sflag:s6], $0x1  }
0xb2: {  	s5 =	sor.u32 @!p0 s5, s7;
	[sflag:s6] =	ssyncadd.s32 @!p0 $0xFFFFFFFF  }
0xb3: {  	s25 =	simm.s32 $0x1B8E;
	s24 =	sld [smem:$0x3FFE];
	[sflag:s5] =	ssyncadd.remote.s32 @!p0 $0x1  }
0xb4: {  	s26 =	simm.s32 $execute0_lowered;
	[smem:$0x3FD2] =	sst s25  }
0xb5: {  	s6 =	sshll.u32 s26, $0x1;
	_ =	strace $0x8000004C;
	[dreg:$0x1] =	wrdreg $0xFFFFFFFF  }
0xb6: {  	s28 =	simm.s32 $_size_execute0_lowered;
	s4 =	sadd.s32 s4, s6;
	[dreg:$0x0] =	wrdreg $0x0  }
0xb7: {  	s6 =	sshll.u32 s28, $0x1;
	[dreg:$0x2] =	wrdreg s4  }
0xb8: {  	[dreg:$0x3] =	wrdreg s6  }
0xb9: {  	[dreg:$0x4] =	wrdreg $0xC0  }
0xba: {  	_ =	task [dreg:s22], $0x5FFFF  }
0xbb: {  	[dreg:$0x1] =	wrdreg $0xFFFFFFFF  }
0xbc: {  	[dreg:$0x0] =	wrdreg $0x60  }
0xbd: {  	[dreg:$0x2] =	wrdreg s18  }
0xbe: {  	[dreg:$0x3] =	wrdreg s24  }
0xbf: {  	[dreg:$0x4] =	wrdreg $0xB  }
0xc0: {  	_ =	task.clear_ibuf [dreg:s22], $0x5FFFF;
	_ =	strace $0x9000004C  }
0xc1: {  	s29 =	simm.s32 $0xB;
	_ =	strace $0x8000004E  }
0xc2: {  	_ =	swait.ge [sflag:s29], $0x1  }
0xc3: {  	[sflag:s29] =	ssyncadd.s32 $0xFFFFFFFF  }
0xc4: {  	_ =	strace $0x9000004E  }
0xc5: {  	_ =	sfence  }
0xc6: {  	s30 =	sld [smem:$0x0];
	_ =	sdelay $0x2  }
0xc7: {  	s31 =	sshll.u32 s1, $0xD;
	s1 =	sshrl.u32 s1, $0x2  }
0xc8: {  	s4 =	sand.u32 $0x4000, s31;
	s1 =	sadd.s32 s1, s30  }
0xc9: {  	s0 =	sor.u32 s4, s0;
	s1 =	sshll.u32 s1, $0x11  }
0xca: {  	s0 =	sor.u32 s1, s0  }
0xcb: {  	s0 =	sadd.s32 $0x8F2B, s0  }
0xcc: {  	[sflag:s0] =	ssyncadd.remote.s32 $0x1  }
0xcd: {  	_ =	sfence.sel $0xFFFF  }
0xce: {  	[dreg:$0x0] =	wrdreg $0xFFFFFFFF;
	(pc) =	sbr.abs _section_cstart, $3  }
0xcf: {  	[dreg:$0x1] =	wrdreg $0xFFFFFFFF  }
0xd0: {  	_ =	task.clear_ibuf [dreg:s22], $0x2FFFF;
	_ =	strace $0x9FFFFFFF  }
0xd1: {  	(tm) =	ssettm $0x7FFFFFFF  }
tec
execute0_lowered:
.L_overlay_start_1:
0x0: {  	(tag) =	ssettag $0x1  }
0x1: {  	s1 =	rddreg [dreg:$0x0]  }
0x2: {  	s4 =	rddreg [dreg:$0x1]  }
0x3: {  	s0 =	rddreg [dreg:$0x2]  }
0x4: {  	s3 =	simm.s32 $0x0;
	s5 =	srdreg.scid;
	s2 =	stileid.u32  }
0x5: {  	s10 =	simm.s32 $0x200;
	s11 =	simm.s32 $0x1200;
	s12 =	simm.s32 $0x100  }
0x6: {  	s13 =	simm.s32 $0x2200;
	s14 =	simm.s32 $0x1;
	s15 =	simm.s32 $0x2  }
0x7: {  	s16 =	simm.s32 $0x3;
	s17 =	simm.s32 $0x0;
	[smem:$0x7FF] =	sst s3  }
0x8: {  	s6 =	sand.u32 $0x1, s5;
	s25 =	sshll.u32 s2, $0x5;
	s7 =	sshll.u32 s2, $0xA  }
0x9: {  	s29 =	sshll.u32 s2, $0x1;
	_ =	strace $0x8000004D;
	s8 =	ssub.s32 $0x2, s6  }
0xa: {  	s9 =	sadd.s32 s25, s4;
	s26 =	sadd.s32 s7, s4;
	s30 =	sshll.u32 s6, $0x9  }
0xb: {  	s31 =	sshll.u32 s6, $0x4;
	s7 =	sor.u32 s6, s29;
	s28 =	sshrl.u32 s8, $0x1  }
0xc: {  	s5 =	sadd.s32 s30, s26;
	s7 =	sor.u32 $0x60, s7;
	s4 =	ssub.s32 s8, s28  }
0xd: {  	s5 =	sadd.s32 $0x88A00, s5;
	s8 =	sadd.s32 s31, s9;
	s9 =	simm.s32 $0x80  }
0xe: {  	s4 =	smax.u32 s4, $0x1;
	s6 =	sadd.s32 $0x7A00, s8;
	s8 =	simm.s32 $0x6  }
.LBB2_1:
0xf: {  	[tilespmem:s3], [sflag:$0x6] =	stream.linear.gather [hbm4b:s6+s3], $0x80, $0x38;
	[tilespmem:$0x4200] =	vst v63  }
0x10: {  	_ =	swait.ge [sflag:s8], $0x80  }
0x11: {  	[sflag:s8] =	ssyncset.done $0x0  }
0x12: {  	[sflag:s8] =	ssyncadd.s32 $0xFFFFFF80  }
0x13: {  	[tilespmem:s10], [sflag:$0x1] =	stream.indirect.gather [hbm4b:s1+s9], $0x20, s3, s9, $0xb8;
	[tilespmem:$0x4200] =	vst v63  }
0x14: {  	s18 =	sadd.s32 $0x200, s6  }
0x15: {  	[tilespmem:s9], [sflag:$0x6] =	stream.linear.gather [hbm4b:s18+s3], $0x80, $0x38;
	[tilespmem:$0x4200] =	vst v63  }
0x16: {  	_ =	swait.ge [sflag:s8], $0x80  }
0x17: {  	[sflag:s8] =	ssyncset.done $0x0  }
0x18: {  	[sflag:s8] =	ssyncadd.s32 $0xFFFFFF80  }
0x19: {  	[tilespmem:s11], [sflag:$0x2] =	stream.indirect.gather [hbm4b:s1+s9], $0x20, s9, s9, $0xb8;
	[tilespmem:$0x4200] =	vst v63  }
0x1a: {  	s29 =	sadd.s32 $0x400, s6  }
0x1b: {  	[tilespmem:s12], [sflag:$0x6] =	stream.linear.gather [hbm4b:s29+s3], $0x80, $0x38;
	[tilespmem:$0x4200] =	vst v63  }
0x1c: {  	_ =	swait.ge [sflag:s8], $0x80  }
0x1d: {  	p0 =	sgt.u32 s7, $0x1F3;
	[sflag:s8] =	ssyncset.done $0x0  }
0x1e: {  	s19 =	simm.s32 @!p0 $0x180;
	[sflag:s8] =	ssyncadd.s32 $0xFFFFFF80  }
0x1f: {  	[tilespmem:s13], [sflag:$0x3] =	stream.indirect.gather [hbm4b:s1+s9], $0x20, s12, s9, $0xb8;
	[tilespmem:$0x4200] =	vst v63  }
0x20: {  	s20 =	sadd.s32 @!p0 $0x600, s6;
	s21 =	simm.s32 @!p0 $0x6;
	s18 =	simm.s32 @!p0 $0x0  }
0x21: {  	[tilespmem:s19], [sflag:$0x6] =	stream.linear.gather @!p0 [hbm4b:s20+s18], $0x80, $0x38;
	[tilespmem:$0x4200] =	vst v63  }
0x22: {  	_ =	swait.ge @!p0 [sflag:s21], $0x80  }
0x23: {  	[sflag:s21] =	ssyncset.done @!p0 $0x0  }
0x24: {  	s22 =	simm.s32 @!p0 $0x3200;
	s20 =	simm.s32 @!p0 $0x80;
	[sflag:s21] =	ssyncadd.s32 @!p0 $0xFFFFFF80  }
0x25: {  	[tilespmem:s22], [sflag:$0x4] =	stream.indirect.gather @!p0 [hbm4b:s1+s20], $0x20, s19, s20, $0xb8;
	[tilespmem:$0x4200] =	vst v63  }
0x26: {  	_ =	swait.ge [sflag:s14], $0x1000  }
0x27: {  	[sflag:s14] =	ssyncset.done $0x0  }
0x28: {  	s30 =	sadd.s32 $0x0, s5;
	[sflag:s14] =	ssyncadd.s32 $0xFFFFF000  }
0x29: {  	[hbm4b:s30+s3] =	stream.linear.scatter [tilespmem:s10], [sflag:$0x6], $0x1000, $0x38;
	[tilespmem:$0x4200] =	vst v63  }
0x2a: {  	_ =	swait.ge [sflag:s8], $0x1000  }
0x2b: {  	[sflag:s8] =	ssyncset.done $0x0  }
0x2c: {  	[sflag:s8] =	ssyncadd.s32 $0xFFFFF000  }
0x2d: {  	_ =	swait.ge [sflag:s15], $0x1000  }
0x2e: {  	[sflag:s15] =	ssyncset.done $0x0  }
0x2f: {  	s31 =	sadd.s32 $0x4000, s30;
	[sflag:s15] =	ssyncadd.s32 $0xFFFFF000  }
0x30: {  	[hbm4b:s31+s3] =	stream.linear.scatter [tilespmem:s11], [sflag:$0x6], $0x1000, $0x38;
	[tilespmem:$0x4200] =	vst v63  }
0x31: {  	_ =	swait.ge [sflag:s8], $0x1000  }
0x32: {  	[sflag:s8] =	ssyncset.done $0x0  }
0x33: {  	[sflag:s8] =	ssyncadd.s32 $0xFFFFF000  }
0x34: {  	_ =	swait.ge [sflag:s16], $0x1000  }
0x35: {  	[sflag:s16] =	ssyncset.done $0x0  }
0x36: {  	s19 =	sadd.s32 $0x8000, s30;
	[sflag:s16] =	ssyncadd.s32 $0xFFFFF000  }
0x37: {  	[hbm4b:s19+s3] =	stream.linear.scatter [tilespmem:s13], [sflag:$0x6], $0x1000, $0x38;
	[tilespmem:$0x4200] =	vst v63  }
0x38: {  	_ =	swait.ge [sflag:s8], $0x1000  }
0x39: {  	[sflag:s8] =	ssyncset.done $0x0  }
0x3a: {  	s19 =	simm.s32 @!p0 $0x4;
	[sflag:s8] =	ssyncadd.s32 $0xFFFFF000  }
0x3b: {  	_ =	swait.ge @!p0 [sflag:s19], $0x1000  }
0x3c: {  	s24 =	simm.s32 @!p0 $0x5;
	s20 =	sadd.s32 @!p0 $0x0, s5;
	[sflag:s19] =	ssyncset.done @!p0 $0x0  }
0x3d: {  	s20 =	sadd.s32 @!p0 $0xC000, s20;
	[sflag:s19] =	ssyncadd.s32 @!p0 $0xFFFFF000;
	s19 =	sadd.s32 $0x80, s7  }
0x3e: {  	[hbm4b:s20+s18] =	stream.linear.scatter @!p0 [tilespmem:s22], [sflag:$0x5], $0x1000, $0x38;
	[tilespmem:$0x4200] =	vst v63  }
0x3f: {  	s18 =	simm.s32 $0x10000;
	s20 =	smov.u32 s6;
	_ =	swait.ge @!p0 [sflag:s24], $0x1000  }
.LBB2_2:
0x40: {  	[sflag:s24] =	ssyncset.done @!p0 $0x0  }
0x41: {  	s20 =	sadd.s32 $0x800, s20;
	s22 =	smov.u32 s18;
	s18 =	sadd.s32 $0x10000, s18  }
0x42: {  	p1 =	sne.s32 s18, $0x40000;
	[sflag:s24] =	ssyncadd.s32 @!p0 $0xFFFFF000  }
0x43: {  	[tilespmem:s3], [sflag:$0x6] =	stream.linear.gather [hbm4b:s20+s3], $0x80, $0x38;
	[tilespmem:$0x4200] =	vst v63  }
0x44: {  	_ =	swait.ge [sflag:s8], $0x80  }
0x45: {  	[sflag:s8] =	ssyncset.done $0x0  }
0x46: {  	[sflag:s8] =	ssyncadd.s32 $0xFFFFFF80  }
0x47: {  	[tilespmem:s10], [sflag:$0x1] =	stream.indirect.gather [hbm4b:s1+s9], $0x20, s3, s9, $0xb8;
	[tilespmem:$0x4200] =	vst v63  }
0x48: {  	s21 =	sadd.s32 $0x200, s20  }
0x49: {  	[tilespmem:s9], [sflag:$0x6] =	stream.linear.gather [hbm4b:s21+s3], $0x80, $0x38;
	[tilespmem:$0x4200] =	vst v63  }
0x4a: {  	_ =	swait.ge [sflag:s8], $0x80  }
0x4b: {  	[sflag:s8] =	ssyncset.done $0x0  }
0x4c: {  	[sflag:s8] =	ssyncadd.s32 $0xFFFFFF80  }
0x4d: {  	[tilespmem:s11], [sflag:$0x2] =	stream.indirect.gather [hbm4b:s1+s9], $0x20, s9, s9, $0xb8;
	[tilespmem:$0x4200] =	vst v63  }
0x4e: {  	s21 =	sadd.s32 $0x400, s20  }
0x4f: {  	[tilespmem:s12], [sflag:$0x6] =	stream.linear.gather [hbm4b:s21+s3], $0x80, $0x38;
	[tilespmem:$0x4200] =	vst v63  }
0x50: {  	_ =	swait.ge [sflag:s8], $0x80  }
0x51: {  	p0 =	sgt.u32 s19, $0x1F3;
	[sflag:s8] =	ssyncset.done $0x0  }
0x52: {  	s24 =	simm.s32 @!p0 $0x180;
	s21 =	simm.s32 @!p0 $0x0;
	[sflag:s8] =	ssyncadd.s32 $0xFFFFFF80  }
0x53: {  	[tilespmem:s13], [sflag:$0x3] =	stream.indirect.gather [hbm4b:s1+s9], $0x20, s12, s9, $0xb8;
	[tilespmem:$0x4200] =	vst v63  }
0x54: {  	s23 =	sadd.s32 @!p0 $0x600, s20;
	s25 =	simm.s32 @!p0 $0x6;
	s26 =	sadd.s32 @!p0 s22, s5  }
0x55: {  	[tilespmem:s24], [sflag:$0x6] =	stream.linear.gather @!p0 [hbm4b:s23+s21], $0x80, $0x38;
	[tilespmem:$0x4200] =	vst v63  }
0x56: {  	s23 =	sadd.s32 @!p0 $0xC000, s26;
	_ =	swait.ge @!p0 [sflag:s25], $0x80  }
0x57: {  	s28 =	simm.s32 @!p0 $0x3200;
	s26 =	simm.s32 @!p0 $0x80;
	[sflag:s25] =	ssyncset.done @!p0 $0x0  }
0x58: {  	[sflag:s25] =	ssyncadd.s32 @!p0 $0xFFFFFF80  }
0x59: {  	[tilespmem:s28], [sflag:$0x4] =	stream.indirect.gather @!p0 [hbm4b:s1+s26], $0x20, s24, s26, $0xb8;
	[tilespmem:$0x4200] =	vst v63  }
0x5a: {  	_ =	swait.ge [sflag:s14], $0x1000  }
0x5b: {  	s22 =	sadd.s32 s22, s5;
	[sflag:s14] =	ssyncset.done $0x0  }
0x5c: {  	[sflag:s14] =	ssyncadd.s32 $0xFFFFF000  }
0x5d: {  	[hbm4b:s22+s3] =	stream.linear.scatter [tilespmem:s10], [sflag:$0x6], $0x1000, $0x38;
	[tilespmem:$0x4200] =	vst v63  }
0x5e: {  	_ =	swait.ge [sflag:s8], $0x1000  }
0x5f: {  	[sflag:s8] =	ssyncset.done $0x0  }
0x60: {  	[sflag:s8] =	ssyncadd.s32 $0xFFFFF000  }
0x61: {  	_ =	swait.ge [sflag:s15], $0x1000  }
0x62: {  	s24 =	sadd.s32 $0x4000, s22;
	[sflag:s15] =	ssyncset.done $0x0  }
0x63: {  	[sflag:s15] =	ssyncadd.s32 $0xFFFFF000  }
0x64: {  	[hbm4b:s24+s3] =	stream.linear.scatter [tilespmem:s11], [sflag:$0x6], $0x1000, $0x38;
	[tilespmem:$0x4200] =	vst v63  }
0x65: {  	_ =	swait.ge [sflag:s8], $0x1000  }
0x66: {  	[sflag:s8] =	ssyncset.done $0x0  }
0x67: {  	[sflag:s8] =	ssyncadd.s32 $0xFFFFF000  }
0x68: {  	_ =	swait.ge [sflag:s16], $0x1000  }
0x69: {  	s22 =	sadd.s32 $0x8000, s22;
	[sflag:s16] =	ssyncset.done $0x0  }
0x6a: {  	[sflag:s16] =	ssyncadd.s32 $0xFFFFF000  }
0x6b: {  	[hbm4b:s22+s3] =	stream.linear.scatter [tilespmem:s13], [sflag:$0x6], $0x1000, $0x38;
	[tilespmem:$0x4200] =	vst v63  }
0x6c: {  	_ =	swait.ge [sflag:s8], $0x1000  }
0x6d: {  	s22 =	simm.s32 @!p0 $0x4;
	[sflag:s8] =	ssyncset.done $0x0  }
0x6e: {  	[sflag:s8] =	ssyncadd.s32 $0xFFFFF000  }
.Ltmp0:
0x6f: {  	_ =	swait.ge @!p0 [sflag:s22], $0x1000;
	(pc) =	sbr.rel @p1 .LBB2_2-.Ltmp0, $4  }
0x70: {  	[sflag:s22] =	ssyncset.done @!p0 $0x0  }
0x71: {  	s24 =	simm.s32 @!p0 $0x5;
	[sflag:s22] =	ssyncadd.s32 @!p0 $0xFFFFF000  }
0x72: {  	[hbm4b:s23+s21] =	stream.linear.scatter @!p0 [tilespmem:s28], [sflag:$0x5], $0x1000, $0x38;
	[tilespmem:$0x4200] =	vst v63  }
0x73: {  	s19 =	sadd.s32 $0x80, s19;
	_ =	swait.ge @!p0 [sflag:s24], $0x1000  }
0x74: {  	s17 =	sadd.s32 $0x1, s17  }
0x75: {  	p1 =	sne.s32 s17, s4  }
.Ltmp1:
0x76: {  	_ = 	snop;
	(pc) =	sbr.rel @p1 .LBB2_1-.Ltmp1, $3  }
0x77: {  	_ =	sdelay $0x1  }
0x78: {  	[sflag:s24] =	ssyncset.done @!p0 $0x0  }
0x79: {  	[sflag:s24] =	ssyncadd.s32 @!p0 $0xFFFFF000  }
0x7a: {  	_ =	sfence.sel $0x180000  }
0x7b: {  	[bflag:$0x0] =	sbarrier.arrive $0xFFFF  }
0x7c: {  	p0 =	sne.s32 s2, $0x0;
	_ =	strace $0x9000004D  }
0x7d: {  	s0 =	sadd.s32 @!p0 $0x100000, s0;
	[bflag:$0x2] =	sbarrier.arrive $0xFFFF  }
0x7e: {  	[sflag:s0] =	ssyncadd.tile.s32 @!p0 $0x1;
	_ =	shalt  }
.Lfunc_end2:
_tile_overlayer_lowered:
.L_overlay_start_2:
0x7f: {  	(tag) =	ssettag $0x2  }
0x80: {  	s0 =	rddreg [dreg:$0x0];
	s2 =	stileid.u32  }
0x81: {  	s1 =	rddreg [dreg:$0x1];
	p0 =	sne.s32 s2, $0x0  }
0x82: {  	s3 =	rddreg [dreg:$0x2];
	[bflag:$0x3] =	sbarrier.arrive $0xFFFF;
	s2 =	simm.s32 @!p0 $0x1C05  }
0x83: {  	[timem:s3], [sflag:s2] =	dma.local @!p0 [hbm:s0], s1  }
0x84: {  	s0 =	simm.s32 @!p0 $0x5  }
0x85: {  	_ =	swait.ge @!p0 [sflag:s0], s1  }
0x86: {  	s1 =	ssub.s32 @!p0 $0x0, s1;
	[sflag:s0] =	ssyncset.done @!p0 $0x0  }
0x87: {  	[sflag:s0] =	ssyncadd.s32 @!p0 s1  }
0x88: {  	[bflag:$0x3] =	sbarrier.arrive $0xFFFF  }
0x89: {  	_ =	shalt  }

// kernel: kernel.22.cloned.1.call-start
scs
__scs_entry_jumppad:
0x0: {  	(pc) =	sbr.rel $0x88, $3  }
0x1: {  	(tag) =	ssettag $0x0;
	lr =	simm.s32 $0x1  }
0x2: {  	[smem:$0x3F99] =	sst lr;
	_ =	strace $0xD0000000  }
0x3: {  	_ = 	snop  }
0x4: {  	_ = 	snop  }
0x5: {  	_ = 	snop  }
0x6: {  	_ = 	snop  }
0x7: {  	_ = 	snop  }
__scs_overlays_trampoline_lowered:
0x8: {  	[smem:$0x3FA8] =	sst s0  }
0x9: {  	[smem:$0x3FA9] =	sst s1  }
0xa: {  	[smem:$0x3FAA] =	sst s2  }
0xb: {  	[smem:$0x3FAB] =	sst s3  }
0xc: {  	[smem:$0x3FAC] =	sst s4  }
0xd: {  	[smem:$0x3FAD] =	sst s5  }
0xe: {  	[smem:$0x3FAE] =	sst s6  }
0xf: {  	[smem:$0x3FAF] =	sst s7  }
0x10: {  	[smem:$0x3FB0] =	sst s8  }
0x11: {  	[smem:$0x3FB1] =	sst s9;
	s0 =	simm.s32 @!p0 $0x0  }
0x12: {  	s1 =	sld [smem:$0x3F97];
	s0 =	simm.s32 @p0 $0x1  }
0x13: {  	[smem:$0x3FB2] =	sst s0;
	s0 =	simm.s32 @!p1 $0x0  }
0x14: {  	s2 =	sld [smem:$0x3F96];
	s0 =	simm.s32 @p1 $0x1  }
0x15: {  	[smem:$0x3FB3] =	sst s0;
	s0 =	simm.s32 @!p2 $0x0  }
0x16: {  	s3 =	sld [smem:$0x3FDB];
	s0 =	simm.s32 @p2 $0x1  }
0x17: {  	s4 =	simm.s32 $0x1BF5;
	[smem:$0x3FB5] =	sst s0  }
0x18: {  	s0 =	sld [smem:$0x3F98];
	_ =	swait.ge [sflag:s4], $0x0  }
0x19: {  	s7 =	sld [smem:$0x3F99]  }
0x1a: {  	s8 =	sadd.s32 $0xFFFFE003, lr  }
0x1b: {  	s9 =	sadd.s32 $0xFFFFFEF7, lr;
	s5 =	simm.s32 $0xFFFFFFFF;
	p2 =	slt.u32 s8, $0xFFFFF086  }
0x1c: {  	p1 =	slt.u32 s9, $0xF7A;
	s5 =	simm.s32 @!p2 $0x0  }
0x1d: {  	s5 =	simm.s32 @p1 $0x1;
	p0 =	seq.s32 s7, s2  }
0x1e: {  	s7 =	smul.u32 @!p0 $0xF7A, s2;
	p2 =	seq.s32 @!p0 s5, $0x0  }
0x1f: {  	s9 =	smul.u32 $0xF7A, s1;
	s8 =	simm.s32 @!p0 $0x1BF5;
	p2 =	por !p2, p0  }
0x20: {  	[sflag:s8] =	ssyncset.s32 @!p0 $0xFFFFF086;
	s6 =	sadd.s32 @!p0 s3, s7;
	s7 =	simm.s32 @!p0 $0x108  }
0x21: {  	s3 =	sadd.s32 s3, s9;
	s6 =	sadd.s32 @!p0 $0x88, s6;
	s7 =	simm.s32 @p2 $0x1082  }
0x22: {  	[simem:s7], [sflag:s8] =	dma.local @!p0 [hbm:s6], $0xF7A  }
0x23: {  	s9 =	sor.u32 $0xD0000000, s2;
	s6 =	simm.s32 $0x108;
	_ =	swait.ge @!p0 [sflag:s8], $0x0  }
0x24: {  	s3 =	sadd.s32 $0x88, s3;
	s6 =	simm.s32 @!p1 $0x1082;
	[sflag:s4] =	ssyncset.s32 $0xFFFFF086  }
0x25: {  	[simem:s6], [sflag:s4] =	dma.local [hbm:s3], $0xF7A  }
0x26: {  	[smem:$0x3F99] =	sst s1;
	(tag) =	ssettag s2;
	_ =	strace s9  }
0x27: {  	s1 =	sld [smem:$0x3FA9]  }
0x28: {  	s2 =	sld [smem:$0x3FAA]  }
0x29: {  	s4 =	sld [smem:$0x3FAC]  }
0x2a: {  	p0 =	seq.s32 s5, $0x0;
	s5 =	sld [smem:$0x3FAD]  }
0x2b: {  	s6 =	sld [smem:$0x3FAE]  }
0x2c: {  	s7 =	sld [smem:$0x3FAF]  }
0x2d: {  	s3 =	simm.s32 $0x108;
	s8 =	sld [smem:$0x3FB0]  }
0x2e: {  	s3 =	simm.s32 @!p0 $0x1082;
	s9 =	sld [smem:$0x3FB1]  }
0x2f: {  	lr =	sadd.s32 s0, s3;
	s0 =	sld [smem:$0x3FA8]  }
0x30: {  	s3 =	sld [smem:$0x3FAB]  }
0x31: {  	[smem:$0x3FB4] =	sst s10  }
0x32: {  	s10 =	sld [smem:$0x3FB2];
	_ =	sdelay $0x3  }
0x33: {  	p0 =	seq.s32 s10, $0x1;
	s10 =	sld [smem:$0x3FB4];
	_ =	sdelay $0x3  }
0x34: {  	[smem:$0x3FB4] =	sst s10  }
0x35: {  	s10 =	sld [smem:$0x3FB3];
	_ =	sdelay $0x3  }
0x36: {  	p1 =	seq.s32 s10, $0x1;
	s10 =	sld [smem:$0x3FB4];
	_ =	sdelay $0x3  }
0x37: {  	[smem:$0x3FB4] =	sst s10  }
0x38: {  	s10 =	sld [smem:$0x3FB5]  }
0x39: {  	_ = 	snop;
	(pc) =	sbr.ind lr, $3  }
0x3a: {  	_ = 	snop  }
0x3b: {  	_ = 	snop  }
0x3c: {  	p2 =	seq.s32 s10, $0x1;
	s10 =	sld [smem:$0x3FB4]  }
0x3d: {  	_ =	shalt  }
0x3e: {  	_ =	shalt  }
0x3f: {  	_ =	shalt  }
0x40: {  	_ =	shalt  }
0x41: {  	_ =	shalt  }
0x42: {  	_ =	shalt  }
0x43: {  	_ =	shalt  }
0x44: {  	_ =	shalt  }
0x45: {  	_ =	shalt  }
0x46: {  	_ =	shalt  }
0x47: {  	_ =	shalt  }
0x48: {  	_ =	shalt  }
0x49: {  	_ =	shalt  }
0x4a: {  	_ =	shalt  }
0x4b: {  	_ =	shalt  }
0x4c: {  	_ =	shalt  }
0x4d: {  	_ =	shalt  }
0x4e: {  	_ =	shalt  }
0x4f: {  	_ =	shalt  }
0x50: {  	_ =	shalt  }
0x51: {  	_ =	shalt  }
0x52: {  	_ =	shalt  }
0x53: {  	_ =	shalt  }
0x54: {  	_ =	shalt  }
0x55: {  	_ =	shalt  }
0x56: {  	_ =	shalt  }
0x57: {  	_ =	shalt  }
0x58: {  	_ =	shalt  }
0x59: {  	_ =	shalt  }
0x5a: {  	_ =	shalt  }
0x5b: {  	_ =	shalt  }
0x5c: {  	_ =	shalt  }
0x5d: {  	_ =	shalt  }
0x5e: {  	_ =	shalt  }
0x5f: {  	_ =	shalt  }
0x60: {  	_ =	shalt  }
0x61: {  	_ =	shalt  }
0x62: {  	_ =	shalt  }
0x63: {  	_ =	shalt  }
0x64: {  	_ =	shalt  }
0x65: {  	_ =	shalt  }
0x66: {  	_ =	shalt  }
0x67: {  	_ =	shalt  }
0x68: {  	_ =	shalt  }
0x69: {  	_ =	shalt  }
0x6a: {  	_ =	shalt  }
0x6b: {  	_ =	shalt  }
0x6c: {  	_ =	shalt  }
0x6d: {  	_ =	shalt  }
0x6e: {  	_ =	shalt  }
0x6f: {  	_ =	shalt  }
0x70: {  	_ =	shalt  }
0x71: {  	_ =	shalt  }
0x72: {  	_ =	shalt  }
0x73: {  	_ =	shalt  }
0x74: {  	_ =	shalt  }
0x75: {  	_ =	shalt  }
0x76: {  	_ =	shalt  }
0x77: {  	_ =	shalt  }
0x78: {  	_ =	shalt  }
0x79: {  	_ =	shalt  }
0x7a: {  	_ =	shalt  }
0x7b: {  	_ =	shalt  }
0x7c: {  	_ =	shalt  }
0x7d: {  	_ =	shalt  }
0x7e: {  	_ =	shalt  }
0x7f: {  	_ =	shalt  }
0x80: {  	_ =	shalt  }
0x81: {  	_ =	shalt  }
0x82: {  	_ =	shalt  }
0x83: {  	_ =	shalt  }
0x84: {  	_ =	shalt  }
0x85: {  	_ =	shalt  }
0x86: {  	_ =	shalt  }
0x87: {  	_ =	shalt  }
.Lfunc_end0:
.L_simem_size_0:
called_computation.3_lowered:
.L_overlay_start_0:
0x88: {  	s2 =	sld [smem:$0x3FD9]  }
0x89: {  	s3 =	sld [smem:$0x3FFE];
	_ =	sdelay $0x1  }
0x8a: {  	s1 =	srdreg.scid  }
0x8b: {  	s0 =	sand.u32 $0x1, s1  }
0x8c: {  	s17 =	sshll.u32 s0, $0xA;
	s2 =	sadd.s32 s3, s2  }
0x8d: {  	s2 =	sadd.s32 s2, s17  }
0x8e: {  	[smem:$0x3FC0] =	sst s2  }
0x8f: {  	_ = 	snop  }
0x90: {  	s18 =	sld [smem:$0x3FD0];
	(tm) =	ssettm $0x1  }
0x91: {  	s19 =	sld [smem:$0x3FFB];
	_ =	sdelay $0x3  }
0x92: {  	_ =	strace s19  }
0x93: {  	s2 =	sld [smem:$0x3FFC];
	_ =	sdelay $0x3  }
0x94: {  	_ =	strace s2  }
0x95: {  	s2 =	sld [smem:$0x3FFD];
	_ =	sdelay $0x3  }
0x96: {  	_ =	strace s2  }
0x97: {  	_ =	strace $0x8FFFFFFF  }
0x98: {  	s20 =	sld [smem:$0x3FDB];
	_ =	sdelay $0x1  }
0x99: {  	s4 =	simm.s32 $_scs_section_size  }
0x9a: {  	s5 =	simm.s32 $_size__tile_overlayer_lowered;
	s6 =	simm.s32 $_tile_overlayer_lowered  }
0x9b: {  	s7 =	simm.s32 $0x1BFF;
	s21 =	sshll.u32 s6, $0x1;
	s4 =	sadd.s32 s4, s20  }
0x9c: {  	s22 =	simm.s32 $0x0;
	s5 =	sshll.u32 s5, $0x1;
	s6 =	sadd.s32 s21, s4  }
0x9d: {  	[timem:s22], [sflag:s7] =	dma.local [hbm:s6], s5  }
0x9e: {  	_ =	swait.ge [sflag:s7], s5  }
0x9f: {  	s5 =	ssub.s32 $0x0, s5;
	[sflag:s7] =	ssyncset.done $0x0  }
0xa0: {  	[sflag:s7] =	ssyncadd.s32 s5;
	_ =	sdelay $0x1  }
0xa1: {  	s23 =	simm.s32 $0x1B8B  }
0xa2: {  	_ =	swait.ge [sflag:s23], $0x1  }
0xa3: {  	[sflag:s23] =	ssyncset.done $0x0  }
0xa4: {  	[sflag:s23] =	ssyncadd.s32 $0xFFFFFFFF  }
0xa5: {  	s5 =	sld [smem:$0x0]  }
0xa6: {  	s6 =	sand.u32 $0xFFFFFFFE, s1  }
0xa7: {  	p0 =	sne.s32 s1, s6  }
0xa8: {  	s6 =	sshll.u32 @p0 s6, $0xE  }
0xa9: {  	s6 =	sadd.s32 @p0 $0x11B8D, s6;
	s7 =	sshll.u32 @p0 s5, $0x11  }
0xaa: {  	s6 =	sor.u32 @p0 s7, s6  }
0xab: {  	[sflag:s6] =	ssyncadd.remote.s32 @p0 $0x1;
	_ =	sdelay $0x1  }
0xac: {  	s6 =	simm.s32 @p0 $0x1B8D  }
0xad: {  	_ =	swait.eq @p0 [sflag:s6], $0x1  }
0xae: {  	[sflag:s6] =	ssyncadd.s32 @p0 $0xFFFFFFFF  }
0xaf: {  	s7 =	sshll.u32 @!p0 s1, $0xE  }
0xb0: {  	s7 =	sor.u32 @!p0 $0x4000, s7;
	s6 =	simm.s32 @!p0 $0x1B8D  }
0xb1: {  	s5 =	sshll.u32 @!p0 s5, $0x11;
	s7 =	sadd.s32 @!p0 $0x11B8D, s7;
	_ =	swait.eq @!p0 [sflag:s6], $0x1  }
0xb2: {  	s5 =	sor.u32 @!p0 s5, s7;
	[sflag:s6] =	ssyncadd.s32 @!p0 $0xFFFFFFFF  }
0xb3: {  	s25 =	simm.s32 $0x1B8E;
	s24 =	sld [smem:$0x3FFE];
	[sflag:s5] =	ssyncadd.remote.s32 @!p0 $0x1  }
0xb4: {  	s26 =	simm.s32 $execute0_lowered;
	[smem:$0x3FD2] =	sst s25  }
0xb5: {  	s6 =	sshll.u32 s26, $0x1;
	_ =	strace $0x80000049;
	[dreg:$0x1] =	wrdreg $0xFFFFFFFF  }
0xb6: {  	s28 =	simm.s32 $_size_execute0_lowered;
	s4 =	sadd.s32 s4, s6;
	[dreg:$0x0] =	wrdreg $0x0  }
0xb7: {  	s6 =	sshll.u32 s28, $0x1;
	[dreg:$0x2] =	wrdreg s4  }
0xb8: {  	[dreg:$0x3] =	wrdreg s6  }
0xb9: {  	[dreg:$0x4] =	wrdreg $0xC0  }
0xba: {  	_ =	task [dreg:s22], $0x5FFFF  }
0xbb: {  	[dreg:$0x1] =	wrdreg $0xFFFFFFFF  }
0xbc: {  	[dreg:$0x0] =	wrdreg $0x60  }
0xbd: {  	[dreg:$0x2] =	wrdreg s18  }
0xbe: {  	[dreg:$0x3] =	wrdreg s24  }
0xbf: {  	[dreg:$0x4] =	wrdreg $0xC  }
0xc0: {  	_ =	task.clear_ibuf [dreg:s22], $0x5FFFF;
	_ =	strace $0x90000049  }
0xc1: {  	s29 =	simm.s32 $0xC;
	_ =	strace $0x8000004B  }
0xc2: {  	_ =	swait.ge [sflag:s29], $0x1  }
0xc3: {  	[sflag:s29] =	ssyncadd.s32 $0xFFFFFFFF  }
0xc4: {  	_ =	strace $0x9000004B  }
0xc5: {  	_ =	sfence  }
0xc6: {  	s30 =	sld [smem:$0x0];
	_ =	sdelay $0x2  }
0xc7: {  	s31 =	sshll.u32 s1, $0xD;
	s1 =	sshrl.u32 s1, $0x2  }
0xc8: {  	s4 =	sand.u32 $0x4000, s31;
	s1 =	sadd.s32 s1, s30  }
0xc9: {  	s0 =	sor.u32 s4, s0;
	s1 =	sshll.u32 s1, $0x11  }
0xca: {  	s0 =	sor.u32 s1, s0  }
0xcb: {  	s0 =	sadd.s32 $0x8F2B, s0  }
0xcc: {  	[sflag:s0] =	ssyncadd.remote.s32 $0x1  }
0xcd: {  	_ =	sfence.sel $0xFFFF  }
0xce: {  	[dreg:$0x0] =	wrdreg $0xFFFFFFFF;
	(pc) =	sbr.abs _section_cstart, $3  }
0xcf: {  	[dreg:$0x1] =	wrdreg $0xFFFFFFFF  }
0xd0: {  	_ =	task.clear_ibuf [dreg:s22], $0x2FFFF;
	_ =	strace $0x9FFFFFFF  }
0xd1: {  	(tm) =	ssettm $0x7FFFFFFF  }
tec
execute0_lowered:
.L_overlay_start_1:
0x0: {  	(tag) =	ssettag $0x1  }
0x1: {  	s1 =	rddreg [dreg:$0x0]  }
0x2: {  	s4 =	rddreg [dreg:$0x1]  }
0x3: {  	s0 =	rddreg [dreg:$0x2]  }
0x4: {  	s3 =	simm.s32 $0x0;
	s5 =	srdreg.scid;
	s2 =	stileid.u32  }
0x5: {  	s10 =	simm.s32 $0x200;
	s11 =	simm.s32 $0x1200;
	s12 =	simm.s32 $0x100  }
0x6: {  	s13 =	simm.s32 $0x2200;
	s14 =	simm.s32 $0x1;
	s15 =	simm.s32 $0x2  }
0x7: {  	s16 =	simm.s32 $0x3;
	s17 =	simm.s32 $0x0;
	[smem:$0x7FF] =	sst s3  }
0x8: {  	s6 =	sand.u32 $0x1, s5;
	s25 =	sshll.u32 s2, $0x5;
	s7 =	sshll.u32 s2, $0xA  }
0x9: {  	s29 =	sshll.u32 s2, $0x1;
	_ =	strace $0x8000004A;
	s8 =	ssub.s32 $0x2, s6  }
0xa: {  	s9 =	sadd.s32 s25, s4;
	s26 =	sadd.s32 s7, s4;
	s30 =	sshll.u32 s6, $0x9  }
0xb: {  	s31 =	sshll.u32 s6, $0x4;
	s7 =	sor.u32 s6, s29;
	s28 =	sshrl.u32 s8, $0x1  }
0xc: {  	s5 =	sadd.s32 s30, s26;
	s7 =	sor.u32 $0x60, s7;
	s4 =	ssub.s32 s8, s28  }
0xd: {  	s5 =	sadd.s32 $0x4A200, s5;
	s8 =	sadd.s32 s31, s9;
	s9 =	simm.s32 $0x80  }
0xe: {  	s4 =	smax.u32 s4, $0x1;
	s6 =	sadd.s32 $0x5A00, s8;
	s8 =	simm.s32 $0x6  }
.LBB2_1:
0xf: {  	[tilespmem:s3], [sflag:$0x6] =	stream.linear.gather [hbm4b:s6+s3], $0x80, $0x38;
	[tilespmem:$0x4200] =	vst v63  }
0x10: {  	_ =	swait.ge [sflag:s8], $0x80  }
0x11: {  	[sflag:s8] =	ssyncset.done $0x0  }
0x12: {  	[sflag:s8] =	ssyncadd.s32 $0xFFFFFF80  }
0x13: {  	[tilespmem:s10], [sflag:$0x1] =	stream.indirect.gather [hbm4b:s1+s9], $0x20, s3, s9, $0xb8;
	[tilespmem:$0x4200] =	vst v63  }
0x14: {  	s18 =	sadd.s32 $0x200, s6  }
0x15: {  	[tilespmem:s9], [sflag:$0x6] =	stream.linear.gather [hbm4b:s18+s3], $0x80, $0x38;
	[tilespmem:$0x4200] =	vst v63  }
0x16: {  	_ =	swait.ge [sflag:s8], $0x80  }
0x17: {  	[sflag:s8] =	ssyncset.done $0x0  }
0x18: {  	[sflag:s8] =	ssyncadd.s32 $0xFFFFFF80  }
0x19: {  	[tilespmem:s11], [sflag:$0x2] =	stream.indirect.gather [hbm4b:s1+s9], $0x20, s9, s9, $0xb8;
	[tilespmem:$0x4200] =	vst v63  }
0x1a: {  	s29 =	sadd.s32 $0x400, s6  }
0x1b: {  	[tilespmem:s12], [sflag:$0x6] =	stream.linear.gather [hbm4b:s29+s3], $0x80, $0x38;
	[tilespmem:$0x4200] =	vst v63  }
0x1c: {  	_ =	swait.ge [sflag:s8], $0x80  }
0x1d: {  	p0 =	sgt.u32 s7, $0x1F3;
	[sflag:s8] =	ssyncset.done $0x0  }
0x1e: {  	s19 =	simm.s32 @!p0 $0x180;
	[sflag:s8] =	ssyncadd.s32 $0xFFFFFF80  }
0x1f: {  	[tilespmem:s13], [sflag:$0x3] =	stream.indirect.gather [hbm4b:s1+s9], $0x20, s12, s9, $0xb8;
	[tilespmem:$0x4200] =	vst v63  }
0x20: {  	s20 =	sadd.s32 @!p0 $0x600, s6;
	s21 =	simm.s32 @!p0 $0x6;
	s18 =	simm.s32 @!p0 $0x0  }
0x21: {  	[tilespmem:s19], [sflag:$0x6] =	stream.linear.gather @!p0 [hbm4b:s20+s18], $0x80, $0x38;
	[tilespmem:$0x4200] =	vst v63  }
0x22: {  	_ =	swait.ge @!p0 [sflag:s21], $0x80  }
0x23: {  	[sflag:s21] =	ssyncset.done @!p0 $0x0  }
0x24: {  	s22 =	simm.s32 @!p0 $0x3200;
	s20 =	simm.s32 @!p0 $0x80;
	[sflag:s21] =	ssyncadd.s32 @!p0 $0xFFFFFF80  }
0x25: {  	[tilespmem:s22], [sflag:$0x4] =	stream.indirect.gather @!p0 [hbm4b:s1+s20], $0x20, s19, s20, $0xb8;
	[tilespmem:$0x4200] =	vst v63  }
0x26: {  	_ =	swait.ge [sflag:s14], $0x1000  }
0x27: {  	[sflag:s14] =	ssyncset.done $0x0  }
0x28: {  	s30 =	sadd.s32 $0x0, s5;
	[sflag:s14] =	ssyncadd.s32 $0xFFFFF000  }
0x29: {  	[hbm4b:s30+s3] =	stream.linear.scatter [tilespmem:s10], [sflag:$0x6], $0x1000, $0x38;
	[tilespmem:$0x4200] =	vst v63  }
0x2a: {  	_ =	swait.ge [sflag:s8], $0x1000  }
0x2b: {  	[sflag:s8] =	ssyncset.done $0x0  }
0x2c: {  	[sflag:s8] =	ssyncadd.s32 $0xFFFFF000  }
0x2d: {  	_ =	swait.ge [sflag:s15], $0x1000  }
0x2e: {  	[sflag:s15] =	ssyncset.done $0x0  }
0x2f: {  	s31 =	sadd.s32 $0x4000, s30;
	[sflag:s15] =	ssyncadd.s32 $0xFFFFF000  }
0x30: {  	[hbm4b:s31+s3] =	stream.linear.scatter [tilespmem:s11], [sflag:$0x6], $0x1000, $0x38;
	[tilespmem:$0x4200] =	vst v63  }
0x31: {  	_ =	swait.ge [sflag:s8], $0x1000  }
0x32: {  	[sflag:s8] =	ssyncset.done $0x0  }
0x33: {  	[sflag:s8] =	ssyncadd.s32 $0xFFFFF000  }
0x34: {  	_ =	swait.ge [sflag:s16], $0x1000  }
0x35: {  	[sflag:s16] =	ssyncset.done $0x0  }
0x36: {  	s19 =	sadd.s32 $0x8000, s30;
	[sflag:s16] =	ssyncadd.s32 $0xFFFFF000  }
0x37: {  	[hbm4b:s19+s3] =	stream.linear.scatter [tilespmem:s13], [sflag:$0x6], $0x1000, $0x38;
	[tilespmem:$0x4200] =	vst v63  }
0x38: {  	_ =	swait.ge [sflag:s8], $0x1000  }
0x39: {  	[sflag:s8] =	ssyncset.done $0x0  }
0x3a: {  	s19 =	simm.s32 @!p0 $0x4;
	[sflag:s8] =	ssyncadd.s32 $0xFFFFF000  }
0x3b: {  	_ =	swait.ge @!p0 [sflag:s19], $0x1000  }
0x3c: {  	s24 =	simm.s32 @!p0 $0x5;
	s20 =	sadd.s32 @!p0 $0x0, s5;
	[sflag:s19] =	ssyncset.done @!p0 $0x0  }
0x3d: {  	s20 =	sadd.s32 @!p0 $0xC000, s20;
	[sflag:s19] =	ssyncadd.s32 @!p0 $0xFFFFF000;
	s19 =	sadd.s32 $0x80, s7  }
0x3e: {  	[hbm4b:s20+s18] =	stream.linear.scatter @!p0 [tilespmem:s22], [sflag:$0x5], $0x1000, $0x38;
	[tilespmem:$0x4200] =	vst v63  }
0x3f: {  	s18 =	simm.s32 $0x10000;
	s20 =	smov.u32 s6;
	_ =	swait.ge @!p0 [sflag:s24], $0x1000  }
.LBB2_2:
0x40: {  	[sflag:s24] =	ssyncset.done @!p0 $0x0  }
0x41: {  	s20 =	sadd.s32 $0x800, s20;
	s22 =	smov.u32 s18;
	s18 =	sadd.s32 $0x10000, s18  }
0x42: {  	p1 =	sne.s32 s18, $0x40000;
	[sflag:s24] =	ssyncadd.s32 @!p0 $0xFFFFF000  }
0x43: {  	[tilespmem:s3], [sflag:$0x6] =	stream.linear.gather [hbm4b:s20+s3], $0x80, $0x38;
	[tilespmem:$0x4200] =	vst v63  }
0x44: {  	_ =	swait.ge [sflag:s8], $0x80  }
0x45: {  	[sflag:s8] =	ssyncset.done $0x0  }
0x46: {  	[sflag:s8] =	ssyncadd.s32 $0xFFFFFF80  }
0x47: {  	[tilespmem:s10], [sflag:$0x1] =	stream.indirect.gather [hbm4b:s1+s9], $0x20, s3, s9, $0xb8;
	[tilespmem:$0x4200] =	vst v63  }
0x48: {  	s21 =	sadd.s32 $0x200, s20  }
0x49: {  	[tilespmem:s9], [sflag:$0x6] =	stream.linear.gather [hbm4b:s21+s3], $0x80, $0x38;
	[tilespmem:$0x4200] =	vst v63  }
0x4a: {  	_ =	swait.ge [sflag:s8], $0x80  }
0x4b: {  	[sflag:s8] =	ssyncset.done $0x0  }
0x4c: {  	[sflag:s8] =	ssyncadd.s32 $0xFFFFFF80  }
0x4d: {  	[tilespmem:s11], [sflag:$0x2] =	stream.indirect.gather [hbm4b:s1+s9], $0x20, s9, s9, $0xb8;
	[tilespmem:$0x4200] =	vst v63  }
0x4e: {  	s21 =	sadd.s32 $0x400, s20  }
0x4f: {  	[tilespmem:s12], [sflag:$0x6] =	stream.linear.gather [hbm4b:s21+s3], $0x80, $0x38;
	[tilespmem:$0x4200] =	vst v63  }
0x50: {  	_ =	swait.ge [sflag:s8], $0x80  }
0x51: {  	p0 =	sgt.u32 s19, $0x1F3;
	[sflag:s8] =	ssyncset.done $0x0  }
0x52: {  	s24 =	simm.s32 @!p0 $0x180;
	s21 =	simm.s32 @!p0 $0x0;
	[sflag:s8] =	ssyncadd.s32 $0xFFFFFF80  }
0x53: {  	[tilespmem:s13], [sflag:$0x3] =	stream.indirect.gather [hbm4b:s1+s9], $0x20, s12, s9, $0xb8;
	[tilespmem:$0x4200] =	vst v63  }
0x54: {  	s23 =	sadd.s32 @!p0 $0x600, s20;
	s25 =	simm.s32 @!p0 $0x6;
	s26 =	sadd.s32 @!p0 s22, s5  }
0x55: {  	[tilespmem:s24], [sflag:$0x6] =	stream.linear.gather @!p0 [hbm4b:s23+s21], $0x80, $0x38;
	[tilespmem:$0x4200] =	vst v63  }
0x56: {  	s23 =	sadd.s32 @!p0 $0xC000, s26;
	_ =	swait.ge @!p0 [sflag:s25], $0x80  }
0x57: {  	s28 =	simm.s32 @!p0 $0x3200;
	s26 =	simm.s32 @!p0 $0x80;
	[sflag:s25] =	ssyncset.done @!p0 $0x0  }
0x58: {  	[sflag:s25] =	ssyncadd.s32 @!p0 $0xFFFFFF80  }
0x59: {  	[tilespmem:s28], [sflag:$0x4] =	stream.indirect.gather @!p0 [hbm4b:s1+s26], $0x20, s24, s26, $0xb8;
	[tilespmem:$0x4200] =	vst v63  }
0x5a: {  	_ =	swait.ge [sflag:s14], $0x1000  }
0x5b: {  	s22 =	sadd.s32 s22, s5;
	[sflag:s14] =	ssyncset.done $0x0  }
0x5c: {  	[sflag:s14] =	ssyncadd.s32 $0xFFFFF000  }
0x5d: {  	[hbm4b:s22+s3] =	stream.linear.scatter [tilespmem:s10], [sflag:$0x6], $0x1000, $0x38;
	[tilespmem:$0x4200] =	vst v63  }
0x5e: {  	_ =	swait.ge [sflag:s8], $0x1000  }
0x5f: {  	[sflag:s8] =	ssyncset.done $0x0  }
0x60: {  	[sflag:s8] =	ssyncadd.s32 $0xFFFFF000  }
0x61: {  	_ =	swait.ge [sflag:s15], $0x1000  }
0x62: {  	s24 =	sadd.s32 $0x4000, s22;
	[sflag:s15] =	ssyncset.done $0x0  }
0x63: {  	[sflag:s15] =	ssyncadd.s32 $0xFFFFF000  }
0x64: {  	[hbm4b:s24+s3] =	stream.linear.scatter [tilespmem:s11], [sflag:$0x6], $0x1000, $0x38;
	[tilespmem:$0x4200] =	vst v63  }
0x65: {  	_ =	swait.ge [sflag:s8], $0x1000  }
0x66: {  	[sflag:s8] =	ssyncset.done $0x0  }
0x67: {  	[sflag:s8] =	ssyncadd.s32 $0xFFFFF000  }
0x68: {  	_ =	swait.ge [sflag:s16], $0x1000  }
0x69: {  	s22 =	sadd.s32 $0x8000, s22;
	[sflag:s16] =	ssyncset.done $0x0  }
0x6a: {  	[sflag:s16] =	ssyncadd.s32 $0xFFFFF000  }
0x6b: {  	[hbm4b:s22+s3] =	stream.linear.scatter [tilespmem:s13], [sflag:$0x6], $0x1000, $0x38;
	[tilespmem:$0x4200] =	vst v63  }
0x6c: {  	_ =	swait.ge [sflag:s8], $0x1000  }
0x6d: {  	s22 =	simm.s32 @!p0 $0x4;
	[sflag:s8] =	ssyncset.done $0x0  }
0x6e: {  	[sflag:s8] =	ssyncadd.s32 $0xFFFFF000  }
.Ltmp0:
0x6f: {  	_ =	swait.ge @!p0 [sflag:s22], $0x1000;
	(pc) =	sbr.rel @p1 .LBB2_2-.Ltmp0, $4  }
0x70: {  	[sflag:s22] =	ssyncset.done @!p0 $0x0  }
0x71: {  	s24 =	simm.s32 @!p0 $0x5;
	[sflag:s22] =	ssyncadd.s32 @!p0 $0xFFFFF000  }
0x72: {  	[hbm4b:s23+s21] =	stream.linear.scatter @!p0 [tilespmem:s28], [sflag:$0x5], $0x1000, $0x38;
	[tilespmem:$0x4200] =	vst v63  }
0x73: {  	s19 =	sadd.s32 $0x80, s19;
	_ =	swait.ge @!p0 [sflag:s24], $0x1000  }
0x74: {  	s17 =	sadd.s32 $0x1, s17  }
0x75: {  	p1 =	sne.s32 s17, s4  }
.Ltmp1:
0x76: {  	_ = 	snop;
	(pc) =	sbr.rel @p1 .LBB2_1-.Ltmp1, $3  }
0x77: {  	_ =	sdelay $0x1  }
0x78: {  	[sflag:s24] =	ssyncset.done @!p0 $0x0  }
0x79: {  	[sflag:s24] =	ssyncadd.s32 @!p0 $0xFFFFF000  }
0x7a: {  	_ =	sfence.sel $0x180000  }
0x7b: {  	[bflag:$0x0] =	sbarrier.arrive $0xFFFF  }
0x7c: {  	p0 =	sne.s32 s2, $0x0;
	_ =	strace $0x9000004A  }
0x7d: {  	s0 =	sadd.s32 @!p0 $0x100000, s0;
	[bflag:$0x2] =	sbarrier.arrive $0xFFFF  }
0x7e: {  	[sflag:s0] =	ssyncadd.tile.s32 @!p0 $0x1;
	_ =	shalt  }
.Lfunc_end2:
_tile_overlayer_lowered:
.L_overlay_start_2:
0x7f: {  	(tag) =	ssettag $0x2  }
0x80: {  	s0 =	rddreg [dreg:$0x0];
	s2 =	stileid.u32  }
0x81: {  	s1 =	rddreg [dreg:$0x1];
	p0 =	sne.s32 s2, $0x0  }
0x82: {  	s3 =	rddreg [dreg:$0x2];
	[bflag:$0x3] =	sbarrier.arrive $0xFFFF;
	s2 =	simm.s32 @!p0 $0x1C05  }
0x83: {  	[timem:s3], [sflag:s2] =	dma.local @!p0 [hbm:s0], s1  }
0x84: {  	s0 =	simm.s32 @!p0 $0x5  }
0x85: {  	_ =	swait.ge @!p0 [sflag:s0], s1  }
0x86: {  	s1 =	ssub.s32 @!p0 $0x0, s1;
	[sflag:s0] =	ssyncset.done @!p0 $0x0  }
0x87: {  	[sflag:s0] =	ssyncadd.s32 @!p0 s1  }
0x88: {  	[bflag:$0x3] =	sbarrier.arrive $0xFFFF  }
0x89: {  	_ =	shalt  }

// kernel: kernel.25.cloned.1.call-start
scs
__scs_entry_jumppad:
0x0: {  	(pc) =	sbr.rel $0x88, $3  }
0x1: {  	(tag) =	ssettag $0x0;
	lr =	simm.s32 $0x1  }
0x2: {  	[smem:$0x3F99] =	sst lr;
	_ =	strace $0xD0000000  }
0x3: {  	_ = 	snop  }
0x4: {  	_ = 	snop  }
0x5: {  	_ = 	snop  }
0x6: {  	_ = 	snop  }
0x7: {  	_ = 	snop  }
__scs_overlays_trampoline_lowered:
0x8: {  	[smem:$0x3FA8] =	sst s0  }
0x9: {  	[smem:$0x3FA9] =	sst s1  }
0xa: {  	[smem:$0x3FAA] =	sst s2  }
0xb: {  	[smem:$0x3FAB] =	sst s3  }
0xc: {  	[smem:$0x3FAC] =	sst s4  }
0xd: {  	[smem:$0x3FAD] =	sst s5  }
0xe: {  	[smem:$0x3FAE] =	sst s6  }
0xf: {  	[smem:$0x3FAF] =	sst s7  }
0x10: {  	[smem:$0x3FB0] =	sst s8  }
0x11: {  	[smem:$0x3FB1] =	sst s9;
	s0 =	simm.s32 @!p0 $0x0  }
0x12: {  	s1 =	sld [smem:$0x3F97];
	s0 =	simm.s32 @p0 $0x1  }
0x13: {  	[smem:$0x3FB2] =	sst s0;
	s0 =	simm.s32 @!p1 $0x0  }
0x14: {  	s2 =	sld [smem:$0x3F96];
	s0 =	simm.s32 @p1 $0x1  }
0x15: {  	[smem:$0x3FB3] =	sst s0;
	s0 =	simm.s32 @!p2 $0x0  }
0x16: {  	s3 =	sld [smem:$0x3FDB];
	s0 =	simm.s32 @p2 $0x1  }
0x17: {  	s4 =	simm.s32 $0x1BF5;
	[smem:$0x3FB5] =	sst s0  }
0x18: {  	s0 =	sld [smem:$0x3F98];
	_ =	swait.ge [sflag:s4], $0x0  }
0x19: {  	s7 =	sld [smem:$0x3F99]  }
0x1a: {  	s8 =	sadd.s32 $0xFFFFE003, lr  }
0x1b: {  	s9 =	sadd.s32 $0xFFFFFEF7, lr;
	s5 =	simm.s32 $0xFFFFFFFF;
	p2 =	slt.u32 s8, $0xFFFFF086  }
0x1c: {  	p1 =	slt.u32 s9, $0xF7A;
	s5 =	simm.s32 @!p2 $0x0  }
0x1d: {  	s5 =	simm.s32 @p1 $0x1;
	p0 =	seq.s32 s7, s2  }
0x1e: {  	s7 =	smul.u32 @!p0 $0xF7A, s2;
	p2 =	seq.s32 @!p0 s5, $0x0  }
0x1f: {  	s9 =	smul.u32 $0xF7A, s1;
	s8 =	simm.s32 @!p0 $0x1BF5;
	p2 =	por !p2, p0  }
0x20: {  	[sflag:s8] =	ssyncset.s32 @!p0 $0xFFFFF086;
	s6 =	sadd.s32 @!p0 s3, s7;
	s7 =	simm.s32 @!p0 $0x108  }
0x21: {  	s3 =	sadd.s32 s3, s9;
	s6 =	sadd.s32 @!p0 $0x88, s6;
	s7 =	simm.s32 @p2 $0x1082  }
0x22: {  	[simem:s7], [sflag:s8] =	dma.local @!p0 [hbm:s6], $0xF7A  }
0x23: {  	s9 =	sor.u32 $0xD0000000, s2;
	s6 =	simm.s32 $0x108;
	_ =	swait.ge @!p0 [sflag:s8], $0x0  }
0x24: {  	s3 =	sadd.s32 $0x88, s3;
	s6 =	simm.s32 @!p1 $0x1082;
	[sflag:s4] =	ssyncset.s32 $0xFFFFF086  }
0x25: {  	[simem:s6], [sflag:s4] =	dma.local [hbm:s3], $0xF7A  }
0x26: {  	[smem:$0x3F99] =	sst s1;
	(tag) =	ssettag s2;
	_ =	strace s9  }
0x27: {  	s1 =	sld [smem:$0x3FA9]  }
0x28: {  	s2 =	sld [smem:$0x3FAA]  }
0x29: {  	s4 =	sld [smem:$0x3FAC]  }
0x2a: {  	p0 =	seq.s32 s5, $0x0;
	s5 =	sld [smem:$0x3FAD]  }
0x2b: {  	s6 =	sld [smem:$0x3FAE]  }
0x2c: {  	s7 =	sld [smem:$0x3FAF]  }
0x2d: {  	s3 =	simm.s32 $0x108;
	s8 =	sld [smem:$0x3FB0]  }
0x2e: {  	s3 =	simm.s32 @!p0 $0x1082;
	s9 =	sld [smem:$0x3FB1]  }
0x2f: {  	lr =	sadd.s32 s0, s3;
	s0 =	sld [smem:$0x3FA8]  }
0x30: {  	s3 =	sld [smem:$0x3FAB]  }
0x31: {  	[smem:$0x3FB4] =	sst s10  }
0x32: {  	s10 =	sld [smem:$0x3FB2];
	_ =	sdelay $0x3  }
0x33: {  	p0 =	seq.s32 s10, $0x1;
	s10 =	sld [smem:$0x3FB4];
	_ =	sdelay $0x3  }
0x34: {  	[smem:$0x3FB4] =	sst s10  }
0x35: {  	s10 =	sld [smem:$0x3FB3];
	_ =	sdelay $0x3  }
0x36: {  	p1 =	seq.s32 s10, $0x1;
	s10 =	sld [smem:$0x3FB4];
	_ =	sdelay $0x3  }
0x37: {  	[smem:$0x3FB4] =	sst s10  }
0x38: {  	s10 =	sld [smem:$0x3FB5]  }
0x39: {  	_ = 	snop;
	(pc) =	sbr.ind lr, $3  }
0x3a: {  	_ = 	snop  }
0x3b: {  	_ = 	snop  }
0x3c: {  	p2 =	seq.s32 s10, $0x1;
	s10 =	sld [smem:$0x3FB4]  }
0x3d: {  	_ =	shalt  }
0x3e: {  	_ =	shalt  }
0x3f: {  	_ =	shalt  }
0x40: {  	_ =	shalt  }
0x41: {  	_ =	shalt  }
0x42: {  	_ =	shalt  }
0x43: {  	_ =	shalt  }
0x44: {  	_ =	shalt  }
0x45: {  	_ =	shalt  }
0x46: {  	_ =	shalt  }
0x47: {  	_ =	shalt  }
0x48: {  	_ =	shalt  }
0x49: {  	_ =	shalt  }
0x4a: {  	_ =	shalt  }
0x4b: {  	_ =	shalt  }
0x4c: {  	_ =	shalt  }
0x4d: {  	_ =	shalt  }
0x4e: {  	_ =	shalt  }
0x4f: {  	_ =	shalt  }
0x50: {  	_ =	shalt  }
0x51: {  	_ =	shalt  }
0x52: {  	_ =	shalt  }
0x53: {  	_ =	shalt  }
0x54: {  	_ =	shalt  }
0x55: {  	_ =	shalt  }
0x56: {  	_ =	shalt  }
0x57: {  	_ =	shalt  }
0x58: {  	_ =	shalt  }
0x59: {  	_ =	shalt  }
0x5a: {  	_ =	shalt  }
0x5b: {  	_ =	shalt  }
0x5c: {  	_ =	shalt  }
0x5d: {  	_ =	shalt  }
0x5e: {  	_ =	shalt  }
0x5f: {  	_ =	shalt  }
0x60: {  	_ =	shalt  }
0x61: {  	_ =	shalt  }
0x62: {  	_ =	shalt  }
0x63: {  	_ =	shalt  }
0x64: {  	_ =	shalt  }
0x65: {  	_ =	shalt  }
0x66: {  	_ =	shalt  }
0x67: {  	_ =	shalt  }
0x68: {  	_ =	shalt  }
0x69: {  	_ =	shalt  }
0x6a: {  	_ =	shalt  }
0x6b: {  	_ =	shalt  }
0x6c: {  	_ =	shalt  }
0x6d: {  	_ =	shalt  }
0x6e: {  	_ =	shalt  }
0x6f: {  	_ =	shalt  }
0x70: {  	_ =	shalt  }
0x71: {  	_ =	shalt  }
0x72: {  	_ =	shalt  }
0x73: {  	_ =	shalt  }
0x74: {  	_ =	shalt  }
0x75: {  	_ =	shalt  }
0x76: {  	_ =	shalt  }
0x77: {  	_ =	shalt  }
0x78: {  	_ =	shalt  }
0x79: {  	_ =	shalt  }
0x7a: {  	_ =	shalt  }
0x7b: {  	_ =	shalt  }
0x7c: {  	_ =	shalt  }
0x7d: {  	_ =	shalt  }
0x7e: {  	_ =	shalt  }
0x7f: {  	_ =	shalt  }
0x80: {  	_ =	shalt  }
0x81: {  	_ =	shalt  }
0x82: {  	_ =	shalt  }
0x83: {  	_ =	shalt  }
0x84: {  	_ =	shalt  }
0x85: {  	_ =	shalt  }
0x86: {  	_ =	shalt  }
0x87: {  	_ =	shalt  }
.Lfunc_end0:
.L_simem_size_0:
called_computation.4_lowered:
.L_overlay_start_0:
0x88: {  	s2 =	sld [smem:$0x3FD9]  }
0x89: {  	s3 =	sld [smem:$0x3FFE];
	_ =	sdelay $0x1  }
0x8a: {  	s1 =	srdreg.scid  }
0x8b: {  	s0 =	sand.u32 $0x1, s1  }
0x8c: {  	s17 =	sshll.u32 s0, $0xA;
	s2 =	sadd.s32 s3, s2  }
0x8d: {  	s2 =	sadd.s32 s2, s17  }
0x8e: {  	[smem:$0x3FC0] =	sst s2  }
0x8f: {  	_ = 	snop  }
0x90: {  	s2 =	sld [smem:$0x3FD0];
	(tm) =	ssettm $0x1  }
0x91: {  	s18 =	sld [smem:$0x3FFB];
	_ =	sdelay $0x3  }
0x92: {  	_ =	strace s18  }
0x93: {  	s3 =	sld [smem:$0x3FFC];
	_ =	sdelay $0x3  }
0x94: {  	_ =	strace s3  }
0x95: {  	s3 =	sld [smem:$0x3FFD];
	_ =	sdelay $0x3  }
0x96: {  	_ =	strace s3  }
0x97: {  	_ =	strace $0x8FFFFFFF  }
0x98: {  	s19 =	sld [smem:$0x3FDB];
	_ =	sdelay $0x1  }
0x99: {  	s4 =	simm.s32 $_scs_section_size  }
0x9a: {  	s5 =	simm.s32 $_size__tile_overlayer_lowered;
	s6 =	simm.s32 $_tile_overlayer_lowered  }
0x9b: {  	s22 =	simm.s32 $0x1BFF;
	s21 =	sshll.u32 s6, $0x1;
	s3 =	sadd.s32 s4, s19  }
0x9c: {  	s7 =	simm.s32 $0x0;
	s20 =	sshll.u32 s5, $0x1;
	s5 =	sadd.s32 s21, s3  }
0x9d: {  	[timem:s7], [sflag:s22] =	dma.local [hbm:s5], s20  }
0x9e: {  	_ =	swait.ge [sflag:s22], s20  }
0x9f: {  	s4 =	ssub.s32 $0x0, s20;
	[sflag:s22] =	ssyncset.done $0x0  }
0xa0: {  	[sflag:s22] =	ssyncadd.s32 s4;
	_ =	sdelay $0x1  }
0xa1: {  	s23 =	simm.s32 $0x1B8B  }
0xa2: {  	_ =	swait.ge [sflag:s23], $0x1  }
0xa3: {  	[sflag:s23] =	ssyncset.done $0x0  }
0xa4: {  	s25 =	simm.s32 $0x1B8E;
	s24 =	sld [smem:$0x3FFE];
	[sflag:s23] =	ssyncadd.s32 $0xFFFFFFFF  }
0xa5: {  	s26 =	simm.s32 $execute0_lowered;
	[smem:$0x3FD2] =	sst s25  }
0xa6: {  	s5 =	sshll.u32 s26, $0x1;
	_ =	strace $0x80000046;
	[dreg:$0x1] =	wrdreg $0xFFFFFFFF  }
0xa7: {  	s28 =	simm.s32 $_size_execute0_lowered;
	s3 =	sadd.s32 s3, s5;
	[dreg:$0x0] =	wrdreg $0x0  }
0xa8: {  	s5 =	sshll.u32 s28, $0x1;
	[dreg:$0x2] =	wrdreg s3  }
0xa9: {  	[dreg:$0x3] =	wrdreg s5  }
0xaa: {  	[dreg:$0x4] =	wrdreg $0xC0  }
0xab: {  	_ =	task [dreg:s7], $0x5FFFF  }
0xac: {  	[dreg:$0x1] =	wrdreg $0xFFFFFFFF  }
0xad: {  	[dreg:$0x0] =	wrdreg $0x60  }
0xae: {  	[dreg:$0x2] =	wrdreg s2  }
0xaf: {  	[dreg:$0x3] =	wrdreg s24  }
0xb0: {  	[dreg:$0x4] =	wrdreg $0xD  }
0xb1: {  	_ =	task.clear_ibuf [dreg:s7], $0x5FFFF;
	_ =	strace $0x90000046  }
0xb2: {  	s29 =	simm.s32 $0xD;
	_ =	strace $0x80000048  }
0xb3: {  	_ =	swait.ge [sflag:s29], $0x1  }
0xb4: {  	[sflag:s29] =	ssyncadd.s32 $0xFFFFFFFF  }
0xb5: {  	_ =	strace $0x90000048  }
0xb6: {  	_ =	sfence  }
0xb7: {  	s30 =	sld [smem:$0x0];
	_ =	sdelay $0x2  }
0xb8: {  	s31 =	sshll.u32 s1, $0xD;
	s1 =	sshrl.u32 s1, $0x2  }
0xb9: {  	s3 =	sand.u32 $0x4000, s31;
	s1 =	sadd.s32 s1, s30  }
0xba: {  	s0 =	sor.u32 s3, s0;
	s1 =	sshll.u32 s1, $0x11  }
0xbb: {  	s0 =	sor.u32 s1, s0  }
0xbc: {  	s0 =	sadd.s32 $0x8F2B, s0  }
0xbd: {  	[sflag:s0] =	ssyncadd.remote.s32 $0x1  }
0xbe: {  	_ =	sfence.sel $0xFFFF  }
0xbf: {  	[dreg:$0x0] =	wrdreg $0xFFFFFFFF;
	(pc) =	sbr.abs _section_cstart, $3  }
0xc0: {  	[dreg:$0x1] =	wrdreg $0xFFFFFFFF  }
0xc1: {  	_ =	task.clear_ibuf [dreg:s7], $0x2FFFF;
	_ =	strace $0x9FFFFFFF  }
0xc2: {  	(tm) =	ssettm $0x7FFFFFFF  }
0xc3: {  	_ =	shalt  }
tec
execute0_lowered:
.L_overlay_start_1:
0x0: {  	(tag) =	ssettag $0x1  }
0x1: {  	s1 =	rddreg [dreg:$0x0]  }
0x2: {  	s4 =	rddreg [dreg:$0x1]  }
0x3: {  	s0 =	rddreg [dreg:$0x2]  }
0x4: {  	s3 =	simm.s32 $0x0;
	s5 =	srdreg.scid;
	s2 =	stileid.u32  }
0x5: {  	s10 =	simm.s32 $0x200;
	s11 =	simm.s32 $0x1200;
	s12 =	simm.s32 $0x100  }
0x6: {  	s13 =	simm.s32 $0x2200;
	s14 =	simm.s32 $0x1;
	s15 =	simm.s32 $0x2  }
0x7: {  	s16 =	simm.s32 $0x3;
	s17 =	simm.s32 $0x0;
	[smem:$0x7FF] =	sst s3  }
0x8: {  	s6 =	sand.u32 $0x1, s5;
	s25 =	sshll.u32 s2, $0x5;
	s7 =	sshll.u32 s2, $0xA  }
0x9: {  	s29 =	sshll.u32 s2, $0x1;
	_ =	strace $0x80000047;
	s8 =	ssub.s32 $0x2, s6  }
0xa: {  	s9 =	sadd.s32 s25, s4;
	s26 =	sadd.s32 s7, s4;
	s30 =	sshll.u32 s6, $0x9  }
0xb: {  	s31 =	sshll.u32 s6, $0x4;
	s7 =	sor.u32 s6, s29;
	s28 =	sshrl.u32 s8, $0x1  }
0xc: {  	s5 =	sadd.s32 s30, s26;
	s7 =	sor.u32 $0x60, s7;
	s4 =	ssub.s32 s8, s28  }
0xd: {  	s5 =	sadd.s32 $0xBA00, s5;
	s8 =	sadd.s32 s31, s9;
	s9 =	simm.s32 $0x80  }
0xe: {  	s4 =	smax.u32 s4, $0x1;
	s6 =	sadd.s32 $0x3A00, s8;
	s8 =	simm.s32 $0x6  }
.LBB2_1:
0xf: {  	[tilespmem:s3], [sflag:$0x6] =	stream.linear.gather [hbm4b:s6+s3], $0x80, $0x38;
	[tilespmem:$0x4200] =	vst v63  }
0x10: {  	_ =	swait.ge [sflag:s8], $0x80  }
0x11: {  	[sflag:s8] =	ssyncset.done $0x0  }
0x12: {  	[sflag:s8] =	ssyncadd.s32 $0xFFFFFF80  }
0x13: {  	[tilespmem:s10], [sflag:$0x1] =	stream.indirect.gather [hbm4b:s1+s9], $0x20, s3, s9, $0xb8;
	[tilespmem:$0x4200] =	vst v63  }
0x14: {  	s18 =	sadd.s32 $0x200, s6  }
0x15: {  	[tilespmem:s9], [sflag:$0x6] =	stream.linear.gather [hbm4b:s18+s3], $0x80, $0x38;
	[tilespmem:$0x4200] =	vst v63  }
0x16: {  	_ =	swait.ge [sflag:s8], $0x80  }
0x17: {  	[sflag:s8] =	ssyncset.done $0x0  }
0x18: {  	[sflag:s8] =	ssyncadd.s32 $0xFFFFFF80  }
0x19: {  	[tilespmem:s11], [sflag:$0x2] =	stream.indirect.gather [hbm4b:s1+s9], $0x20, s9, s9, $0xb8;
	[tilespmem:$0x4200] =	vst v63  }
0x1a: {  	s29 =	sadd.s32 $0x400, s6  }
0x1b: {  	[tilespmem:s12], [sflag:$0x6] =	stream.linear.gather [hbm4b:s29+s3], $0x80, $0x38;
	[tilespmem:$0x4200] =	vst v63  }
0x1c: {  	_ =	swait.ge [sflag:s8], $0x80  }
0x1d: {  	p0 =	sgt.u32 s7, $0x1F3;
	[sflag:s8] =	ssyncset.done $0x0  }
0x1e: {  	s19 =	simm.s32 @!p0 $0x180;
	[sflag:s8] =	ssyncadd.s32 $0xFFFFFF80  }
0x1f: {  	[tilespmem:s13], [sflag:$0x3] =	stream.indirect.gather [hbm4b:s1+s9], $0x20, s12, s9, $0xb8;
	[tilespmem:$0x4200] =	vst v63  }
0x20: {  	s20 =	sadd.s32 @!p0 $0x600, s6;
	s21 =	simm.s32 @!p0 $0x6;
	s18 =	simm.s32 @!p0 $0x0  }
0x21: {  	[tilespmem:s19], [sflag:$0x6] =	stream.linear.gather @!p0 [hbm4b:s20+s18], $0x80, $0x38;
	[tilespmem:$0x4200] =	vst v63  }
0x22: {  	_ =	swait.ge @!p0 [sflag:s21], $0x80  }
0x23: {  	[sflag:s21] =	ssyncset.done @!p0 $0x0  }
0x24: {  	s22 =	simm.s32 @!p0 $0x3200;
	s20 =	simm.s32 @!p0 $0x80;
	[sflag:s21] =	ssyncadd.s32 @!p0 $0xFFFFFF80  }
0x25: {  	[tilespmem:s22], [sflag:$0x4] =	stream.indirect.gather @!p0 [hbm4b:s1+s20], $0x20, s19, s20, $0xb8;
	[tilespmem:$0x4200] =	vst v63  }
0x26: {  	_ =	swait.ge [sflag:s14], $0x1000  }
0x27: {  	[sflag:s14] =	ssyncset.done $0x0  }
0x28: {  	s30 =	sadd.s32 $0x0, s5;
	[sflag:s14] =	ssyncadd.s32 $0xFFFFF000  }
0x29: {  	[hbm4b:s30+s3] =	stream.linear.scatter [tilespmem:s10], [sflag:$0x6], $0x1000, $0x38;
	[tilespmem:$0x4200] =	vst v63  }
0x2a: {  	_ =	swait.ge [sflag:s8], $0x1000  }
0x2b: {  	[sflag:s8] =	ssyncset.done $0x0  }
0x2c: {  	[sflag:s8] =	ssyncadd.s32 $0xFFFFF000  }
0x2d: {  	_ =	swait.ge [sflag:s15], $0x1000  }
0x2e: {  	[sflag:s15] =	ssyncset.done $0x0  }
0x2f: {  	s31 =	sadd.s32 $0x4000, s30;
	[sflag:s15] =	ssyncadd.s32 $0xFFFFF000  }
0x30: {  	[hbm4b:s31+s3] =	stream.linear.scatter [tilespmem:s11], [sflag:$0x6], $0x1000, $0x38;
	[tilespmem:$0x4200] =	vst v63  }
0x31: {  	_ =	swait.ge [sflag:s8], $0x1000  }
0x32: {  	[sflag:s8] =	ssyncset.done $0x0  }
0x33: {  	[sflag:s8] =	ssyncadd.s32 $0xFFFFF000  }
0x34: {  	_ =	swait.ge [sflag:s16], $0x1000  }
0x35: {  	[sflag:s16] =	ssyncset.done $0x0  }
0x36: {  	s19 =	sadd.s32 $0x8000, s30;
	[sflag:s16] =	ssyncadd.s32 $0xFFFFF000  }
0x37: {  	[hbm4b:s19+s3] =	stream.linear.scatter [tilespmem:s13], [sflag:$0x6], $0x1000, $0x38;
	[tilespmem:$0x4200] =	vst v63  }
0x38: {  	_ =	swait.ge [sflag:s8], $0x1000  }
0x39: {  	[sflag:s8] =	ssyncset.done $0x0  }
0x3a: {  	s19 =	simm.s32 @!p0 $0x4;
	[sflag:s8] =	ssyncadd.s32 $0xFFFFF000  }
0x3b: {  	_ =	swait.ge @!p0 [sflag:s19], $0x1000  }
0x3c: {  	s24 =	simm.s32 @!p0 $0x5;
	s20 =	sadd.s32 @!p0 $0x0, s5;
	[sflag:s19] =	ssyncset.done @!p0 $0x0  }
0x3d: {  	s20 =	sadd.s32 @!p0 $0xC000, s20;
	[sflag:s19] =	ssyncadd.s32 @!p0 $0xFFFFF000;
	s19 =	sadd.s32 $0x80, s7  }
0x3e: {  	[hbm4b:s20+s18] =	stream.linear.scatter @!p0 [tilespmem:s22], [sflag:$0x5], $0x1000, $0x38;
	[tilespmem:$0x4200] =	vst v63  }
0x3f: {  	s18 =	simm.s32 $0x10000;
	s20 =	smov.u32 s6;
	_ =	swait.ge @!p0 [sflag:s24], $0x1000  }
.LBB2_2:
0x40: {  	[sflag:s24] =	ssyncset.done @!p0 $0x0  }
0x41: {  	s20 =	sadd.s32 $0x800, s20;
	s22 =	smov.u32 s18;
	s18 =	sadd.s32 $0x10000, s18  }
0x42: {  	p1 =	sne.s32 s18, $0x40000;
	[sflag:s24] =	ssyncadd.s32 @!p0 $0xFFFFF000  }
0x43: {  	[tilespmem:s3], [sflag:$0x6] =	stream.linear.gather [hbm4b:s20+s3], $0x80, $0x38;
	[tilespmem:$0x4200] =	vst v63  }
0x44: {  	_ =	swait.ge [sflag:s8], $0x80  }
0x45: {  	[sflag:s8] =	ssyncset.done $0x0  }
0x46: {  	[sflag:s8] =	ssyncadd.s32 $0xFFFFFF80  }
0x47: {  	[tilespmem:s10], [sflag:$0x1] =	stream.indirect.gather [hbm4b:s1+s9], $0x20, s3, s9, $0xb8;
	[tilespmem:$0x4200] =	vst v63  }
0x48: {  	s21 =	sadd.s32 $0x200, s20  }
0x49: {  	[tilespmem:s9], [sflag:$0x6] =	stream.linear.gather [hbm4b:s21+s3], $0x80, $0x38;
	[tilespmem:$0x4200] =	vst v63  }
0x4a: {  	_ =	swait.ge [sflag:s8], $0x80  }
0x4b: {  	[sflag:s8] =	ssyncset.done $0x0  }
0x4c: {  	[sflag:s8] =	ssyncadd.s32 $0xFFFFFF80  }
0x4d: {  	[tilespmem:s11], [sflag:$0x2] =	stream.indirect.gather [hbm4b:s1+s9], $0x20, s9, s9, $0xb8;
	[tilespmem:$0x4200] =	vst v63  }
0x4e: {  	s21 =	sadd.s32 $0x400, s20  }
0x4f: {  	[tilespmem:s12], [sflag:$0x6] =	stream.linear.gather [hbm4b:s21+s3], $0x80, $0x38;
	[tilespmem:$0x4200] =	vst v63  }
0x50: {  	_ =	swait.ge [sflag:s8], $0x80  }
0x51: {  	p0 =	sgt.u32 s19, $0x1F3;
	[sflag:s8] =	ssyncset.done $0x0  }
0x52: {  	s24 =	simm.s32 @!p0 $0x180;
	s21 =	simm.s32 @!p0 $0x0;
	[sflag:s8] =	ssyncadd.s32 $0xFFFFFF80  }
0x53: {  	[tilespmem:s13], [sflag:$0x3] =	stream.indirect.gather [hbm4b:s1+s9], $0x20, s12, s9, $0xb8;
	[tilespmem:$0x4200] =	vst v63  }
0x54: {  	s23 =	sadd.s32 @!p0 $0x600, s20;
	s25 =	simm.s32 @!p0 $0x6;
	s26 =	sadd.s32 @!p0 s22, s5  }
0x55: {  	[tilespmem:s24], [sflag:$0x6] =	stream.linear.gather @!p0 [hbm4b:s23+s21], $0x80, $0x38;
	[tilespmem:$0x4200] =	vst v63  }
0x56: {  	s23 =	sadd.s32 @!p0 $0xC000, s26;
	_ =	swait.ge @!p0 [sflag:s25], $0x80  }
0x57: {  	s28 =	simm.s32 @!p0 $0x3200;
	s26 =	simm.s32 @!p0 $0x80;
	[sflag:s25] =	ssyncset.done @!p0 $0x0  }
0x58: {  	[sflag:s25] =	ssyncadd.s32 @!p0 $0xFFFFFF80  }
0x59: {  	[tilespmem:s28], [sflag:$0x4] =	stream.indirect.gather @!p0 [hbm4b:s1+s26], $0x20, s24, s26, $0xb8;
	[tilespmem:$0x4200] =	vst v63  }
0x5a: {  	_ =	swait.ge [sflag:s14], $0x1000  }
0x5b: {  	s22 =	sadd.s32 s22, s5;
	[sflag:s14] =	ssyncset.done $0x0  }
0x5c: {  	[sflag:s14] =	ssyncadd.s32 $0xFFFFF000  }
0x5d: {  	[hbm4b:s22+s3] =	stream.linear.scatter [tilespmem:s10], [sflag:$0x6], $0x1000, $0x38;
	[tilespmem:$0x4200] =	vst v63  }
0x5e: {  	_ =	swait.ge [sflag:s8], $0x1000  }
0x5f: {  	[sflag:s8] =	ssyncset.done $0x0  }
0x60: {  	[sflag:s8] =	ssyncadd.s32 $0xFFFFF000  }
0x61: {  	_ =	swait.ge [sflag:s15], $0x1000  }
0x62: {  	s24 =	sadd.s32 $0x4000, s22;
	[sflag:s15] =	ssyncset.done $0x0  }
0x63: {  	[sflag:s15] =	ssyncadd.s32 $0xFFFFF000  }
0x64: {  	[hbm4b:s24+s3] =	stream.linear.scatter [tilespmem:s11], [sflag:$0x6], $0x1000, $0x38;
	[tilespmem:$0x4200] =	vst v63  }
0x65: {  	_ =	swait.ge [sflag:s8], $0x1000  }
0x66: {  	[sflag:s8] =	ssyncset.done $0x0  }
0x67: {  	[sflag:s8] =	ssyncadd.s32 $0xFFFFF000  }
0x68: {  	_ =	swait.ge [sflag:s16], $0x1000  }
0x69: {  	s22 =	sadd.s32 $0x8000, s22;
	[sflag:s16] =	ssyncset.done $0x0  }
0x6a: {  	[sflag:s16] =	ssyncadd.s32 $0xFFFFF000  }
0x6b: {  	[hbm4b:s22+s3] =	stream.linear.scatter [tilespmem:s13], [sflag:$0x6], $0x1000, $0x38;
	[tilespmem:$0x4200] =	vst v63  }
0x6c: {  	_ =	swait.ge [sflag:s8], $0x1000  }
0x6d: {  	s22 =	simm.s32 @!p0 $0x4;
	[sflag:s8] =	ssyncset.done $0x0  }
0x6e: {  	[sflag:s8] =	ssyncadd.s32 $0xFFFFF000  }
.Ltmp0:
0x6f: {  	_ =	swait.ge @!p0 [sflag:s22], $0x1000;
	(pc) =	sbr.rel @p1 .LBB2_2-.Ltmp0, $4  }
0x70: {  	[sflag:s22] =	ssyncset.done @!p0 $0x0  }
0x71: {  	s24 =	simm.s32 @!p0 $0x5;
	[sflag:s22] =	ssyncadd.s32 @!p0 $0xFFFFF000  }
0x72: {  	[hbm4b:s23+s21] =	stream.linear.scatter @!p0 [tilespmem:s28], [sflag:$0x5], $0x1000, $0x38;
	[tilespmem:$0x4200] =	vst v63  }
0x73: {  	s19 =	sadd.s32 $0x80, s19;
	_ =	swait.ge @!p0 [sflag:s24], $0x1000  }
0x74: {  	s17 =	sadd.s32 $0x1, s17  }
0x75: {  	p1 =	sne.s32 s17, s4  }
.Ltmp1:
0x76: {  	_ = 	snop;
	(pc) =	sbr.rel @p1 .LBB2_1-.Ltmp1, $3  }
0x77: {  	_ =	sdelay $0x1  }
0x78: {  	[sflag:s24] =	ssyncset.done @!p0 $0x0  }
0x79: {  	[sflag:s24] =	ssyncadd.s32 @!p0 $0xFFFFF000  }
0x7a: {  	_ =	sfence.sel $0x180000  }
0x7b: {  	[bflag:$0x0] =	sbarrier.arrive $0xFFFF  }
0x7c: {  	p0 =	sne.s32 s2, $0x0;
	_ =	strace $0x90000047  }
0x7d: {  	s0 =	sadd.s32 @!p0 $0x100000, s0;
	[bflag:$0x2] =	sbarrier.arrive $0xFFFF  }
0x7e: {  	[sflag:s0] =	ssyncadd.tile.s32 @!p0 $0x1;
	_ =	shalt  }
.Lfunc_end2:
_tile_overlayer_lowered:
.L_overlay_start_2:
0x7f: {  	(tag) =	ssettag $0x2  }
0x80: {  	s0 =	rddreg [dreg:$0x0];
	s2 =	stileid.u32  }
0x81: {  	s1 =	rddreg [dreg:$0x1];
	p0 =	sne.s32 s2, $0x0  }
0x82: {  	s3 =	rddreg [dreg:$0x2];
	[bflag:$0x3] =	sbarrier.arrive $0xFFFF;
	s2 =	simm.s32 @!p0 $0x1C05  }
0x83: {  	[timem:s3], [sflag:s2] =	dma.local @!p0 [hbm:s0], s1  }
0x84: {  	s0 =	simm.s32 @!p0 $0x5  }
0x85: {  	_ =	swait.ge @!p0 [sflag:s0], s1  }
0x86: {  	s1 =	ssub.s32 @!p0 $0x0, s1;
	[sflag:s0] =	ssyncset.done @!p0 $0x0  }
0x87: {  	[sflag:s0] =	ssyncadd.s32 @!p0 s1  }
0x88: {  	[bflag:$0x3] =	sbarrier.arrive $0xFFFF  }
0x89: {  	_ =	shalt  }

</sc_bundles>
